<compile_context>
chip_gen: v7x
topology: tpu7x:2x2x1
jax: 0.10.2.dev20260603
libtpu: 0.0.44.dev20260713+nightly
codegen_flags: <defaults>
</compile_context>

<pallas_src>
import functools

import jax
import jax.numpy as jnp
from jax import lax
from jax.experimental import pallas as pl
from jax.experimental.pallas import tpu as pltpu
from jax.experimental.pallas import tpu_sc as plsc

N = 10000
E = 160000
D_IN = 256
D_GCN = 256
D_GRU = 128
D_GAT = 64
HALF = 128

NSUB = 16
ET = E // NSUB
CH = 80
NCHUNK = ET // CH
RB = 40
NT_BIG = 640
NT_LAST = 400
NPAD = 10240
DT = NPAD // NSUB


def _rsqrt_newton(v):
    i = lax.bitcast_convert_type(v, jnp.int32)
    i = jnp.int32(0x5F3759DF) - lax.shift_right_logical(i, 1)
    y = lax.bitcast_convert_type(i, jnp.float32)
    for _ in range(3):
        y = y * (1.5 - 0.5 * v * y * y)
    return y


NB = 4
NG = 124 // NB

CH2 = 128
NCH2 = ET // CH2
TAIL_E = ET - NCH2 * CH2
NB2 = 3
NG2 = NCH2 // NB2


def _sc_degree(col_ids, edge_weight):
    mesh = plsc.VectorSubcoreMesh(core_axis_name="c", subcore_axis_name="s")

    @functools.partial(
        pl.kernel,
        out_type=jax.ShapeDtypeStruct((NPAD,), jnp.float32),
        mesh=mesh,
        compiler_params=pltpu.CompilerParams(needs_layout_passes=False),
        scratch_types=dict(
            col2d=pltpu.VMEM((NCHUNK, CH), jnp.int32),
            ew2d=pltpu.VMEM((NCHUNK, CH), jnp.float32),
            dbuf=pltpu.VMEM((DT,), jnp.float32),
            deg_s=pltpu.VMEM_SHARED((NPAD,), jnp.float32),
            stage_sem=pltpu.SemaphoreType.DMA,
            deg_sem=pltpu.SemaphoreType.DMA,
        ),
    )
    def deg_kernel(cid_hbm, ew_hbm, out_hbm, *, col2d, ew2d, dbuf, deg_s,
                   stage_sem, deg_sem):
        core = lax.axis_index("c")
        sub = lax.axis_index("s")

        @pl.when(core == 0)
        def _():
            ebase = sub * ET
            def stage_body(i, _):
                base = ebase + i * CH
                pltpu.async_copy(cid_hbm.at[pl.ds(base, CH)], col2d.at[i],
                                 stage_sem)
                pltpu.async_copy(ew_hbm.at[pl.ds(base, CH)], ew2d.at[i],
                                 stage_sem)
                return 0
            lax.fori_loop(0, NCHUNK, stage_body, 0)
            zero16 = jnp.zeros((16,), jnp.float32)
            def z_body(j, _):
                dbuf[pl.ds(j * 16, 16)] = zero16
                return 0
            lax.fori_loop(0, DT // 16, z_body, 0)
            pltpu.sync_copy(dbuf, deg_s.at[pl.ds(sub * DT, DT)])
            def stage_drain(i, _):
                pltpu.make_async_copy(cid_hbm.at[pl.ds(ebase, CH)],
                                      col2d.at[0], stage_sem).wait()
                pltpu.make_async_copy(ew_hbm.at[pl.ds(ebase, CH)],
                                      ew2d.at[0], stage_sem).wait()
                return 0
            lax.fori_loop(0, NCHUNK, stage_drain, 0)
            plsc.subcore_barrier()

            def deg_body(i, _):
                pltpu.async_copy(ew2d.at[i], deg_s.at[col2d.at[i]], deg_sem,
                                 add=True)
                return 0
            lax.fori_loop(0, NCHUNK, deg_body, 0)
            def deg_drain(i, _):
                pltpu.make_async_copy(ew2d.at[0], deg_s.at[col2d.at[0]],
                                      deg_sem).wait()
                return 0
            lax.fori_loop(0, NCHUNK, deg_drain, 0)
            plsc.subcore_barrier()

            pltpu.sync_copy(deg_s.at[pl.ds(sub * DT, DT)], dbuf)
            def dinv_body(j, _):
                v = dbuf[pl.ds(j * 16, 16)] + 1.0
                dbuf[pl.ds(j * 16, 16)] = _rsqrt_newton(v)
                return 0
            lax.fori_loop(0, DT // 16, dinv_body, 0)
            pltpu.sync_copy(dbuf, out_hbm.at[pl.ds(sub * DT, DT)])

    return deg_kernel(col_ids, edge_weight)


def _sc_aggregate(y_flat, row_ids, col_ids, edge_weight):
    mesh = plsc.VectorSubcoreMesh(core_axis_name="c", subcore_axis_name="s")

    @functools.partial(
        pl.kernel,
        out_type=jax.ShapeDtypeStruct((2 * N, HALF), jnp.float32),
        mesh=mesh,
        compiler_params=pltpu.CompilerParams(needs_layout_passes=False),
        scratch_types=dict(
            row_b=[pltpu.VMEM((CH2,), jnp.int32) for _ in range(NB2)],
            col_b=[pltpu.VMEM((CH2,), jnp.int32) for _ in range(NB2)],
            ew_b=[pltpu.VMEM((CH2,), jnp.float32) for _ in range(NB2)],
            col_t=pltpu.VMEM((TAIL_E,), jnp.int32),
            msg=[pltpu.VMEM((CH2, HALF), jnp.float32) for _ in range(NB2)],
            isem=pltpu.SemaphoreType.DMA,
            stsem=[pltpu.SemaphoreType.DMA for _ in range(NB2)],
            gsem=[pltpu.SemaphoreType.DMA for _ in range(NB2)],
            ssem=[pltpu.SemaphoreType.DMA for _ in range(NB2)],
            acc=pltpu.VMEM_SHARED((N, HALF), jnp.float32),
        ),
    )
    def agg_kernel(y_hbm, rid_hbm, cid_hbm, ew_hbm, out_hbm, *,
                   row_b, col_b, ew_b, col_t, msg, isem, stsem, gsem,
                   ssem, acc):
        core = lax.axis_index("c")
        sub = lax.axis_index("s")
        ebase = sub * ET
        coreofs = core * N
        nbase = sub * NT_BIG
        last = sub == NSUB - 1

        @pl.when(~last)
        def _():
            pltpu.async_copy(y_hbm.at[pl.ds(coreofs + nbase, NT_BIG)],
                             acc.at[pl.ds(nbase, NT_BIG)], isem)
        @pl.when(last)
        def _():
            pltpu.async_copy(y_hbm.at[pl.ds(coreofs + nbase, NT_LAST)],
                             acc.at[pl.ds(nbase, NT_LAST)], isem)

        def fire_stage(c, j):
            base = ebase + c * CH2
            pltpu.async_copy(rid_hbm.at[pl.ds(base, CH2)], row_b[j], stsem[j])
            pltpu.async_copy(cid_hbm.at[pl.ds(base, CH2)], col_b[j], stsem[j])
            pltpu.async_copy(ew_hbm.at[pl.ds(base, CH2)], ew_b[j], stsem[j])
        def wait_stage(j):
            pltpu.make_async_copy(rid_hbm.at[pl.ds(ebase, CH2)], row_b[j],
                                  stsem[j]).wait()
            pltpu.make_async_copy(cid_hbm.at[pl.ds(ebase, CH2)], col_b[j],
                                  stsem[j]).wait()
            pltpu.make_async_copy(ew_hbm.at[pl.ds(ebase, CH2)], ew_b[j],
                                  stsem[j]).wait()
        def fire_gather(j):
            pltpu.async_copy(y_hbm.at[row_b[j]], msg[j], gsem[j])
        def wait_gather(j):
            pltpu.make_async_copy(y_hbm.at[row_b[j]], msg[j], gsem[j]).wait()
        def fire_scatter(j):
            pltpu.async_copy(msg[j], acc.at[col_b[j]], ssem[j], add=True)
        def wait_scatter(j):
            pltpu.make_async_copy(msg[j], acc.at[col_b[j]], ssem[j]).wait()
        def to_gather_ids(j):
            for q in range(CH2 // 16):
                row_b[j][pl.ds(q * 16, 16)] = (
                    row_b[j][pl.ds(q * 16, 16)] + coreofs)
        def scale_msg(j):
            @plsc.parallel_loop(0, CH2, unroll=8)
            def _(e):
                s = plsc.load_gather(ew_b[j], [jnp.full((16,), e, jnp.int32)])
                for v in range(HALF // 16):
                    msg[j][e, pl.ds(v * 16, 16)] = (
                        msg[j][e, pl.ds(v * 16, 16)] * s)

        for j in range(NB2):
            fire_stage(j, j)

        @pl.when(~last)
        def _():
            pltpu.make_async_copy(y_hbm.at[pl.ds(coreofs, NT_BIG)],
                                  acc.at[pl.ds(0, NT_BIG)], isem).wait()
        @pl.when(last)
        def _():
            pltpu.make_async_copy(y_hbm.at[pl.ds(coreofs, NT_LAST)],
                                  acc.at[pl.ds(0, NT_LAST)], isem).wait()
        plsc.subcore_barrier()

        def group(g, _):
            c0 = g * NB2
            for j in range(NB2):
                wait_stage(j)
                to_gather_ids(j)
                fire_gather(j)
            for j in range(NB2):
                wait_gather(j)
                scale_msg(j)
                fire_scatter(j)
            for j in range(NB2):
                cn = c0 + NB2 + j

                @pl.when(cn < NCH2)
                def _():
                    wait_scatter(j)
                    fire_stage(cn, j)
            return 0
        lax.fori_loop(0, NG2, group, 0)
        tbase = ebase + NCH2 * CH2
        wait_scatter(0)
        pltpu.sync_copy(rid_hbm.at[pl.ds(tbase, TAIL_E)],
                        row_b[0].at[pl.ds(0, TAIL_E)])
        pltpu.sync_copy(cid_hbm.at[pl.ds(tbase, TAIL_E)], col_t)
        pltpu.sync_copy(ew_hbm.at[pl.ds(tbase, TAIL_E)],
                        ew_b[0].at[pl.ds(0, TAIL_E)])
        row_b[0][pl.ds(0, 16)] = row_b[0][pl.ds(0, 16)] + coreofs
        pltpu.sync_copy(y_hbm.at[row_b[0].at[pl.ds(0, TAIL_E)]],
                        msg[0].at[pl.ds(0, TAIL_E)])
        def tmul_body(e, _):
            s = plsc.load_gather(ew_b[0], [jnp.full((16,), e, jnp.int32)])
            for v in range(HALF // 16):
                msg[0][e, pl.ds(v * 16, 16)] = msg[0][e, pl.ds(v * 16, 16)] * s
            return 0
        lax.fori_loop(0, TAIL_E, tmul_body, 0, unroll=8)
        pltpu.sync_copy(msg[0].at[pl.ds(0, TAIL_E)], acc.at[col_t], add=True)
        for j in range(1, NB2):
            wait_scatter(j)
        plsc.subcore_barrier()

        @pl.when(~last)
        def _():
            pltpu.sync_copy(acc.at[pl.ds(nbase, NT_BIG)],
                            out_hbm.at[pl.ds(coreofs + nbase, NT_BIG)])
        @pl.when(last)
        def _():
            pltpu.sync_copy(acc.at[pl.ds(nbase, NT_LAST)],
                            out_hbm.at[pl.ds(coreofs + nbase, NT_LAST)])

    return agg_kernel(y_flat, row_ids, col_ids, edge_weight)


BS = 1000


def _tc_matmul_kernel(x_ref, w_ref, dinv_ref, o_ref):
    res = lax.dot_general(x_ref[...], w_ref[...],
                          (((1,), (1,)), ((), ())),
                          preferred_element_type=jnp.float32)
    res = res * dinv_ref[...]
    o_ref[0] = res[:, :HALF]
    o_ref[1] = res[:, HALF:]


def _tc_head_kernel(a_ref, dinv_ref, sc0_ref, sc1_ref, sh0_ref, sh1_ref,
                    wih0a_ref, wih0b_ref, bi0_ref, bh0_ref,
                    wih1_ref, bi1_ref, bh1_ref,
                    w1_ref, b1_ref, w2_ref, b2_ref, o_ref):
    dv = dinv_ref[...]
    s0 = jnp.maximum((a_ref[0] * dv) * sc0_ref[...] + sh0_ref[...], 0.0)
    s1 = jnp.maximum((a_ref[1] * dv) * sc1_ref[...] + sh1_ref[...], 0.0)
    gi = (lax.dot_general(s0, wih0a_ref[...], (((1,), (1,)), ((), ())),
                          preferred_element_type=jnp.float32)
          + lax.dot_general(s1, wih0b_ref[...], (((1,), (1,)), ((), ())),
                            preferred_element_type=jnp.float32)
          + bi0_ref[...])
    bh0 = bh0_ref[...]
    H = D_GRU
    r = jax.nn.sigmoid(gi[:, :H] + bh0[:, :H])
    z = jax.nn.sigmoid(gi[:, H:2 * H] + bh0[:, H:2 * H])
    n_ = jnp.tanh(gi[:, 2 * H:] + r * bh0[:, 2 * H:])
    h1 = (1.0 - z) * n_
    gi2 = lax.dot_general(h1, wih1_ref[...], (((1,), (1,)), ((), ())),
                          preferred_element_type=jnp.float32) + bi1_ref[...]
    bh1 = bh1_ref[...]
    r2 = jax.nn.sigmoid(gi2[:, :H] + bh1[:, :H])
    z2 = jax.nn.sigmoid(gi2[:, H:2 * H] + bh1[:, H:2 * H])
    n2 = jnp.tanh(gi2[:, 2 * H:] + r2 * bh1[:, 2 * H:])
    h2 = (1.0 - z2) * n2
    hid = jnp.maximum(
        lax.dot_general(h2, w1_ref[...], (((1,), (1,)), ((), ())),
                        preferred_element_type=jnp.float32) + b1_ref[...], 0.0)
    o_ref[...] = (jnp.sum(hid * w2_ref[...], axis=1, keepdims=True)
                  + b2_ref[...])


def _full(shape):
    return pl.BlockSpec(shape, lambda i: tuple(0 for _ in shape))


def kernel(x, edge_index, edge_weight, W_gcn, b_gcn, bn_w, bn_b, bn_mean,
           bn_var, W_ih0, W_hh0, b_ih0, b_hh0, W_ih1, W_hh1, b_ih1, b_hh1,
           out_W1, out_b1, out_W2, out_b2):
    dinv_pad = _sc_degree(edge_index[1], edge_weight)
    dinv_col = dinv_pad[:N].reshape(N, 1)

    y2 = pl.pallas_call(
        _tc_matmul_kernel,
        grid=(N // BS,),
        in_specs=[pl.BlockSpec((BS, D_IN), lambda i: (i, 0)),
                  _full((D_GCN, D_IN)),
                  pl.BlockSpec((BS, 1), lambda i: (i, 0))],
        out_specs=pl.BlockSpec((2, BS, HALF), lambda i: (0, i, 0)),
        out_shape=jax.ShapeDtypeStruct((2, N, HALF), jnp.float32),
    )(x, W_gcn, dinv_col)
    y_flat = y2.reshape(2 * N, HALF)

    agg_flat = _sc_aggregate(y_flat, edge_index[0], edge_index[1],
                             edge_weight)
    agg = agg_flat.reshape(2, N, HALF)

    bscale = bn_w * lax.rsqrt(bn_var + 1e-5)
    bshift = (b_gcn - bn_mean) * bscale + bn_b
    score = pl.pallas_call(
        _tc_head_kernel,
        grid=(N // BS,),
        in_specs=[pl.BlockSpec((2, BS, HALF), lambda i: (0, i, 0)),
                  pl.BlockSpec((BS, 1), lambda i: (i, 0)),
                  _full((1, HALF)), _full((1, HALF)),
                  _full((1, HALF)), _full((1, HALF)),
                  _full((3 * D_GRU, HALF)), _full((3 * D_GRU, HALF)),
                  _full((1, 3 * D_GRU)), _full((1, 3 * D_GRU)),
                  _full((3 * D_GRU, D_GRU)),
                  _full((1, 3 * D_GRU)), _full((1, 3 * D_GRU)),
                  _full((D_GAT, D_GRU)), _full((1, D_GAT)),
                  _full((1, D_GAT)), _full((1, 1))],
        out_specs=pl.BlockSpec((BS, 1), lambda i: (i, 0)),
        out_shape=jax.ShapeDtypeStruct((N, 1), jnp.float32),
    )(agg, dinv_col,
      bscale[:HALF].reshape(1, HALF), bscale[HALF:].reshape(1, HALF),
      bshift[:HALF].reshape(1, HALF), bshift[HALF:].reshape(1, HALF),
      W_ih0[:, :HALF], W_ih0[:, HALF:],
      b_ih0.reshape(1, -1), b_hh0.reshape(1, -1),
      W_ih1, b_ih1.reshape(1, -1), b_hh1.reshape(1, -1),
      out_W1, out_b1.reshape(1, -1),
      out_W2, out_b2.reshape(1, -1))
    return score

# --- scband reference (transcript-rebuilt; emitter-appended) ---
"""Pipeline reference for scband-tgnnmodel-51333449121799 (READ-ONLY COPY).

The authoritative reference and input builder live on the scoring server;
editing this copy changes nothing except your own understanding.
"""

import jax, jax.numpy as jnp
import numpy as np

N = 10000
E = 160000
D_IN = 256
D_GCN = 256
D_GRU = 128
D_GAT = 64


def setup_inputs(seed: int = 0):
    key = jax.random.key(seed)
    ks = [jax.random.fold_in(key, i) for i in range(32)]
    inp = {}
    inp['x'] = jax.random.normal(ks[0], (N, D_IN), dtype=jnp.float32)
    inp['edge_index'] = jax.random.randint(ks[1], (2, E), 0, N, dtype=jnp.int32)
    inp['edge_weight'] = jax.random.uniform(ks[2], (E,), dtype=jnp.float32)
    inp['W_gcn'] = jax.random.normal(ks[3], (D_GCN, D_IN), dtype=jnp.float32) * 0.05
    inp['b_gcn'] = jax.random.normal(ks[4], (D_GCN,), dtype=jnp.float32) * 0.01
    inp['bn_w'] = 1.0 + jax.random.normal(ks[5], (D_GCN,), dtype=jnp.float32) * 0.05
    inp['bn_b'] = jax.random.normal(ks[6], (D_GCN,), dtype=jnp.float32) * 0.05
    inp['bn_mean'] = jax.random.normal(ks[7], (D_GCN,), dtype=jnp.float32) * 0.1
    inp['bn_var'] = jax.random.uniform(ks[8], (D_GCN,), dtype=jnp.float32, minval=0.5, maxval=1.5)
    inp['W_ih0'] = jax.random.normal(ks[9], (3 * D_GRU, D_GCN), dtype=jnp.float32) * 0.05
    inp['W_hh0'] = jax.random.normal(ks[10], (3 * D_GRU, D_GRU), dtype=jnp.float32) * 0.05
    inp['b_ih0'] = jax.random.normal(ks[11], (3 * D_GRU,), dtype=jnp.float32) * 0.01
    inp['b_hh0'] = jax.random.normal(ks[12], (3 * D_GRU,), dtype=jnp.float32) * 0.01
    inp['W_ih1'] = jax.random.normal(ks[13], (3 * D_GRU, D_GRU), dtype=jnp.float32) * 0.05
    inp['W_hh1'] = jax.random.normal(ks[14], (3 * D_GRU, D_GRU), dtype=jnp.float32) * 0.05
    inp['b_ih1'] = jax.random.normal(ks[15], (3 * D_GRU,), dtype=jnp.float32) * 0.01
    inp['b_hh1'] = jax.random.normal(ks[16], (3 * D_GRU,), dtype=jnp.float32) * 0.01
    inp['out_W1'] = jax.random.normal(ks[17], (D_GAT, D_GRU), dtype=jnp.float32) * 0.05
    inp['out_b1'] = jax.random.normal(ks[18], (D_GAT,), dtype=jnp.float32) * 0.01
    inp['out_W2'] = jax.random.normal(ks[19], (1, D_GAT), dtype=jnp.float32) * 0.05
    inp['out_b2'] = jax.random.normal(ks[20], (1,), dtype=jnp.float32) * 0.01
    return inp


def _gcn_conv(x, edge_index, edge_weight, W, b):
    # PyG GCNConv: x' = lin(x); symmetric norm with self-loops (loop weight 1); bias after aggregation
    n = x.shape[0]
    xw = x @ W.T
    row = edge_index[0]
    col = edge_index[1]
    loop = jnp.arange(n, dtype=row.dtype)
    row_f = jnp.concatenate([row, loop])
    col_f = jnp.concatenate([col, loop])
    ew_f = jnp.concatenate([edge_weight, jnp.ones((n,), dtype=edge_weight.dtype)])
    deg = jnp.zeros((n,), dtype=xw.dtype).at[col_f].add(ew_f)
    dinv = jnp.where(deg > 0, deg ** -0.5, 0.0)
    norm = dinv[row_f] * ew_f * dinv[col_f]
    msg = xw[row_f] * norm[:, None]
    out = jnp.zeros_like(xw).at[col_f].add(msg)
    return out + b


def _gru_cell(x, h, W_ih, W_hh, b_ih, b_hh):
    H = h.shape[1]
    gi = x @ W_ih.T + b_ih
    gh = h @ W_hh.T + b_hh
    r = jax.nn.sigmoid(gi[:, :H] + gh[:, :H])
    z = jax.nn.sigmoid(gi[:, H:2 * H] + gh[:, H:2 * H])
    n_ = jnp.tanh(gi[:, 2 * H:] + r * gh[:, 2 * H:])
    return (1.0 - z) * n_ + z * h


def reference(x, edge_index, edge_weight, W_gcn, b_gcn, bn_w, bn_b, bn_mean, bn_var, W_ih0, W_hh0, b_ih0, b_hh0, W_ih1, W_hh1, b_ih1, b_hh1, out_W1, out_b1, out_W2, out_b2):
    n = x.shape[0]
    # SpatialGCNLayer: GCNConv -> BatchNorm1d (eval) -> ReLU -> Dropout (eval = identity)
    spatial = _gcn_conv(x, edge_index, edge_weight, W_gcn, b_gcn)
    spatial = (spatial - bn_mean) / jnp.sqrt(bn_var + 1e-5) * bn_w + bn_b
    spatial = jax.nn.relu(spatial)
    # MemoryUnit: 2-layer GRU, seq_len=1, initial hidden None -> zeros (first call, no time decay path)
    h0 = jnp.zeros((n, D_GRU), dtype=spatial.dtype)
    h1 = _gru_cell(spatial, h0, W_ih0, W_hh0, b_ih0, b_hh0)
    h2 = _gru_cell(h1, jnp.zeros((n, D_GRU), dtype=spatial.dtype), W_ih1, W_hh1, b_ih1, b_hh1)
    # use_gat=False -> attention_features = temporal_features
    hid = jax.nn.relu(h2 @ out_W1.T + out_b1)
    hate_score = hid @ out_W2.T + out_b2
    return hate_score

if __name__ == "__main__":
    import jax
    _d = setup_inputs()
    print(jax.jit(kernel)(*tuple(_d.values())))

</pallas_src>

<mosaic_0001>
#map = affine_map<(d0, d1) -> (0)>
module attributes {stable_mosaic.version = 14 : i64} {
  func.func @deg_kernel(%arg0: i32, %arg1: i32, %arg2: memref<160000xi32, #tpu.memory_space<hbm>>, %arg3: memref<160000xf32, #tpu.memory_space<hbm>>, %arg4: memref<10240xf32, #tpu.memory_space<hbm>>, %arg5: memref<125x80xi32, #tpu.memory_space<vmem>>, %arg6: memref<640xf32, #tpu.memory_space<vmem>>, %arg7: memref<10240xf32, #tpu.memory_space<vmem_shared>>, %arg8: memref<!tpu.dma_semaphore, #tpu.memory_space<semaphore_mem>>, %arg9: memref<125x80xf32, #tpu.memory_space<vmem>>, %arg10: memref<!tpu.dma_semaphore, #tpu.memory_space<semaphore_mem>>) attributes {dimension_semantics = [#tpu.dimension_semantics<core_parallel>, #tpu.dimension_semantics<subcore_parallel>], iteration_bounds = array<i64: 2, 16>, scalar_prefetch = 0 : i64, scratch_operands = 6 : i64, tpu.core_type = #tpu.core_type<sc_vector_subcore>, window_params = [{transform_indices = #map}, {transform_indices = #map}, {transform_indices = #map}]} {
    %eq3A = arith.constant 0 : i32
    %eq3A_0 = arith.cmpi eq, %arg0, %eq3A : i32
    %convert_element_type3A = arith.extui %eq3A_0 : i1 to i32
    %cond3A = arith.constant 0 : i32
    %cond3A_1 = arith.cmpi ne, %convert_element_type3A, %cond3A : i32
    scf.if %cond3A_1 {
      %mul3A = arith.constant 10000 : i32
      %mul3A_2 = arith.muli %arg1, %mul3A : i32
      %scan3A = arith.constant 0 : i32
      %scan3A_3 = arith.constant 0 : i32
      %scan3A_4 = arith.constant 125 : i32
      %scan3A_5 = arith.addi %scan3A_3, %scan3A_4 : i32
      %scan3A_6 = arith.constant 1 : i32
      %scan3A_7 = scf.for %scan3A_52 = %scan3A_3 to %scan3A_5 step %scan3A_6 iter_args(%scan3A_53 = %scan3A) -> (i32)  : i32 {
        %mul3A_54 = arith.constant 80 : i32
        %mul3A_55 = arith.muli %scan3A_52, %mul3A_54 : i32
        %add3A = arith.addi %mul3A_2, %mul3A_55 : i32
        %dma_start3A = arith.constant 0 : i32
        %dma_start3A_56 = tpu.memref_slice %arg5[%scan3A_52, %dma_start3A] : memref<125x80xi32, #tpu.memory_space<vmem>> -> memref<1x80xi32, #tpu.memory_space<vmem>>
        %dma_start3A_57 = tpu.memref_squeeze %dma_start3A_56 : memref<1x80xi32, #tpu.memory_space<vmem>> -> memref<80xi32, #tpu.memory_space<vmem>>
        %dma_start3A_58 = tpu.memref_slice %arg2[%add3A] : memref<160000xi32, #tpu.memory_space<hbm>> -> memref<80xi32, #tpu.memory_space<hbm>>
        %dma_start3A_59 = arith.constant 0 : i32
        %dma_start3A_60 = tpu.memref_slice %arg5[%scan3A_52, %dma_start3A_59] : memref<125x80xi32, #tpu.memory_space<vmem>> -> memref<1x80xi32, #tpu.memory_space<vmem>>
        %dma_start3A_61 = tpu.memref_squeeze %dma_start3A_60 : memref<1x80xi32, #tpu.memory_space<vmem>> -> memref<80xi32, #tpu.memory_space<vmem>>
        %dma_start3A_62 = tpu.memref_slice %arg2[%add3A] : memref<160000xi32, #tpu.memory_space<hbm>> -> memref<80xi32, #tpu.memory_space<hbm>>
        tpu.enqueue_dma source(%dma_start3A_62 : memref<80xi32, #tpu.memory_space<hbm>>) target(%dma_start3A_61 : memref<80xi32, #tpu.memory_space<vmem>>) target_semaphore(%arg10 : memref<!tpu.dma_semaphore, #tpu.memory_space<semaphore_mem>>)
        %dma_start3A_63 = arith.constant 0 : i32
        %dma_start3A_64 = tpu.memref_slice %arg9[%scan3A_52, %dma_start3A_63] : memref<125x80xf32, #tpu.memory_space<vmem>> -> memref<1x80xf32, #tpu.memory_space<vmem>>
        %dma_start3A_65 = tpu.memref_squeeze %dma_start3A_64 : memref<1x80xf32, #tpu.memory_space<vmem>> -> memref<80xf32, #tpu.memory_space<vmem>>
        %dma_start3A_66 = tpu.memref_slice %arg3[%add3A] : memref<160000xf32, #tpu.memory_space<hbm>> -> memref<80xf32, #tpu.memory_space<hbm>>
        %dma_start3A_67 = arith.constant 0 : i32
        %dma_start3A_68 = tpu.memref_slice %arg9[%scan3A_52, %dma_start3A_67] : memref<125x80xf32, #tpu.memory_space<vmem>> -> memref<1x80xf32, #tpu.memory_space<vmem>>
        %dma_start3A_69 = tpu.memref_squeeze %dma_start3A_68 : memref<1x80xf32, #tpu.memory_space<vmem>> -> memref<80xf32, #tpu.memory_space<vmem>>
        %dma_start3A_70 = tpu.memref_slice %arg3[%add3A] : memref<160000xf32, #tpu.memory_space<hbm>> -> memref<80xf32, #tpu.memory_space<hbm>>
        tpu.enqueue_dma source(%dma_start3A_70 : memref<80xf32, #tpu.memory_space<hbm>>) target(%dma_start3A_69 : memref<80xf32, #tpu.memory_space<vmem>>) target_semaphore(%arg10 : memref<!tpu.dma_semaphore, #tpu.memory_space<semaphore_mem>>)
        %scan3A_71 = arith.constant 0 : i32
        scf.yield %scan3A_71 : i32
      }
      %scan3A_8 = arith.constant 125 : i32
      %broadcast_in_dim3A = arith.constant 0.000000e+00 : f32
      %broadcast_in_dim3A_9 = vector.broadcast %broadcast_in_dim3A : f32 to vector<16xf32>
      %scan3A_10 = arith.constant 0 : i32
      %scan3A_11 = arith.constant 0 : i32
      %scan3A_12 = arith.constant 40 : i32
      %scan3A_13 = arith.addi %scan3A_11, %scan3A_12 : i32
      %scan3A_14 = arith.constant 1 : i32
      %scan3A_15 = scf.for %scan3A_52 = %scan3A_11 to %scan3A_13 step %scan3A_14 iter_args(%scan3A_53 = %scan3A_10) -> (i32)  : i32 {
        %mul3A_54 = arith.constant 16 : i32
        %mul3A_55 = arith.muli %scan3A_52, %mul3A_54 : i32
        %swap3A = arith.index_cast %mul3A_55 : i32 to index
        %swap3A_56 = tpu.vector_load %arg6[%swap3A] {strides = array<i32>} : memref<640xf32, #tpu.memory_space<vmem>>, vector<16xf32>,
        tpu.vector_store %arg6[%swap3A], %broadcast_in_dim3A_9 {strides = array<i32>} : memref<640xf32, #tpu.memory_space<vmem>>, vector<16xf32>,
        %scan3A_57 = arith.constant 0 : i32
        scf.yield %scan3A_57 : i32
      }
      %scan3A_16 = arith.constant 40 : i32
      %mul3A_17 = arith.constant 640 : i32
      %mul3A_18 = arith.muli %arg1, %mul3A_17 : i32
      "tpu.region"() ({
        %run_scoped3A = tpu.sem_alloc : memref<!tpu.dma_semaphore, #tpu.memory_space<semaphore_mem>>
        %dma_start3A = tpu.memref_slice %arg7[%mul3A_18] : memref<10240xf32, #tpu.memory_space<vmem_shared>> -> memref<640xf32, #tpu.memory_space<vmem_shared>>
        %dma_start3A_52 = tpu.memref_slice %arg7[%mul3A_18] : memref<10240xf32, #tpu.memory_space<vmem_shared>> -> memref<640xf32, #tpu.memory_space<vmem_shared>>
        tpu.enqueue_dma source(%arg6 : memref<640xf32, #tpu.memory_space<vmem>>) target(%dma_start3A_52 : memref<640xf32, #tpu.memory_space<vmem_shared>>) target_semaphore(%run_scoped3A : memref<!tpu.dma_semaphore, #tpu.memory_space<semaphore_mem>>)
        %dma_wait3A = tpu.memref_slice %arg7[%mul3A_18] : memref<10240xf32, #tpu.memory_space<vmem_shared>> -> memref<640xf32, #tpu.memory_space<vmem_shared>>
        %dma_wait3A_53 = tpu.memref_slice %arg7[%mul3A_18] : memref<10240xf32, #tpu.memory_space<vmem_shared>> -> memref<640xf32, #tpu.memory_space<vmem_shared>>
        tpu.wait_dma2 semaphore(%run_scoped3A : memref<!tpu.dma_semaphore, #tpu.memory_space<semaphore_mem>>) src(%arg6 : memref<640xf32, #tpu.memory_space<vmem>>) dst(%dma_wait3A_53 : memref<640xf32, #tpu.memory_space<vmem_shared>>)
        tpu.yield
      }) : () -> ()
      %scan3A_19 = arith.constant 0 : i32
      %scan3A_20 = arith.constant 0 : i32
      %scan3A_21 = arith.constant 125 : i32
      %scan3A_22 = arith.addi %scan3A_20, %scan3A_21 : i32
      %scan3A_23 = arith.constant 1 : i32
      %scan3A_24 = scf.for %scan3A_52 = %scan3A_20 to %scan3A_22 step %scan3A_23 iter_args(%scan3A_53 = %scan3A_19) -> (i32)  : i32 {
        %dma_wait3A = arith.constant 0 : i32
        %dma_wait3A_54 = arith.constant 0 : i32
        %dma_wait3A_55 = tpu.memref_slice %arg5[%dma_wait3A, %dma_wait3A_54] : memref<125x80xi32, #tpu.memory_space<vmem>> -> memref<1x80xi32, #tpu.memory_space<vmem>>
        %dma_wait3A_56 = tpu.memref_squeeze %dma_wait3A_55 : memref<1x80xi32, #tpu.memory_space<vmem>> -> memref<80xi32, #tpu.memory_space<vmem>>
        %dma_wait3A_57 = tpu.memref_slice %arg2[%mul3A_2] : memref<160000xi32, #tpu.memory_space<hbm>> -> memref<80xi32, #tpu.memory_space<hbm>>
        %dma_wait3A_58 = arith.constant 0 : i32
        %dma_wait3A_59 = tpu.memref_slice %arg5[%dma_wait3A, %dma_wait3A_58] : memref<125x80xi32, #tpu.memory_space<vmem>> -> memref<1x80xi32, #tpu.memory_space<vmem>>
        %dma_wait3A_60 = tpu.memref_squeeze %dma_wait3A_59 : memref<1x80xi32, #tpu.memory_space<vmem>> -> memref<80xi32, #tpu.memory_space<vmem>>
        %dma_wait3A_61 = tpu.memref_slice %arg2[%mul3A_2] : memref<160000xi32, #tpu.memory_space<hbm>> -> memref<80xi32, #tpu.memory_space<hbm>>
        tpu.wait_dma2 semaphore(%arg10 : memref<!tpu.dma_semaphore, #tpu.memory_space<semaphore_mem>>) src(%dma_wait3A_61 : memref<80xi32, #tpu.memory_space<hbm>>) dst(%dma_wait3A_60 : memref<80xi32, #tpu.memory_space<vmem>>)
        %dma_wait3A_62 = arith.constant 0 : i32
        %dma_wait3A_63 = arith.constant 0 : i32
        %dma_wait3A_64 = tpu.memref_slice %arg9[%dma_wait3A_62, %dma_wait3A_63] : memref<125x80xf32, #tpu.memory_space<vmem>> -> memref<1x80xf32, #tpu.memory_space<vmem>>
        %dma_wait3A_65 = tpu.memref_squeeze %dma_wait3A_64 : memref<1x80xf32, #tpu.memory_space<vmem>> -> memref<80xf32, #tpu.memory_space<vmem>>
        %dma_wait3A_66 = tpu.memref_slice %arg3[%mul3A_2] : memref<160000xf32, #tpu.memory_space<hbm>> -> memref<80xf32, #tpu.memory_space<hbm>>
        %dma_wait3A_67 = arith.constant 0 : i32
        %dma_wait3A_68 = tpu.memref_slice %arg9[%dma_wait3A_62, %dma_wait3A_67] : memref<125x80xf32, #tpu.memory_space<vmem>> -> memref<1x80xf32, #tpu.memory_space<vmem>>
        %dma_wait3A_69 = tpu.memref_squeeze %dma_wait3A_68 : memref<1x80xf32, #tpu.memory_space<vmem>> -> memref<80xf32, #tpu.memory_space<vmem>>
        %dma_wait3A_70 = tpu.memref_slice %arg3[%mul3A_2] : memref<160000xf32, #tpu.memory_space<hbm>> -> memref<80xf32, #tpu.memory_space<hbm>>
        tpu.wait_dma2 semaphore(%arg10 : memref<!tpu.dma_semaphore, #tpu.memory_space<semaphore_mem>>) src(%dma_wait3A_70 : memref<80xf32, #tpu.memory_space<hbm>>) dst(%dma_wait3A_69 : memref<80xf32, #tpu.memory_space<vmem>>)
        %scan3A_71 = arith.constant 0 : i32
        scf.yield %scan3A_71 : i32
      }
      %scan3A_25 = arith.constant 125 : i32
      %barrier3A = arith.constant 0 : index
      tpu.barrier barrier_id(%barrier3A)
      %scan3A_26 = arith.constant 0 : i32
      %scan3A_27 = arith.constant 0 : i32
      %scan3A_28 = arith.constant 125 : i32
      %scan3A_29 = arith.addi %scan3A_27, %scan3A_28 : i32
      %scan3A_30 = arith.constant 1 : i32
      %scan3A_31 = scf.for %scan3A_52 = %scan3A_27 to %scan3A_29 step %scan3A_30 iter_args(%scan3A_53 = %scan3A_26) -> (i32)  : i32 {
        %dma_start3A = arith.constant 0 : i32
        %dma_start3A_54 = tpu.memref_slice %arg9[%scan3A_52, %dma_start3A] : memref<125x80xf32, #tpu.memory_space<vmem>> -> memref<1x80xf32, #tpu.memory_space<vmem>>
        %dma_start3A_55 = tpu.memref_squeeze %dma_start3A_54 : memref<1x80xf32, #tpu.memory_space<vmem>> -> memref<80xf32, #tpu.memory_space<vmem>>
        %dma_start3A_56 = arith.constant 0 : i32
        %dma_start3A_57 = tpu.memref_slice %arg5[%scan3A_52, %dma_start3A_56] : memref<125x80xi32, #tpu.memory_space<vmem>> -> memref<1x80xi32, #tpu.memory_space<vmem>>
        %dma_start3A_58 = tpu.memref_squeeze %dma_start3A_57 : memref<1x80xi32, #tpu.memory_space<vmem>> -> memref<80xi32, #tpu.memory_space<vmem>>
        %dma_start3A_59 = arith.constant 0 : i32
        %dma_start3A_60 = tpu.memref_slice %arg7[%dma_start3A_59] : memref<10240xf32, #tpu.memory_space<vmem_shared>> -> memref<10240xf32, #tpu.memory_space<vmem_shared>>
        tpu.enqueue_indirect_dma source(%dma_start3A_55 : memref<80xf32, #tpu.memory_space<vmem>>) target(%dma_start3A_60 : memref<10240xf32, #tpu.memory_space<vmem_shared>>) offsets(%dma_start3A_58 : memref<80xi32, #tpu.memory_space<vmem>>) semaphore(%arg8 : memref<!tpu.dma_semaphore, #tpu.memory_space<semaphore_mem>>) {add = true}
        %scan3A_61 = arith.constant 0 : i32
        scf.yield %scan3A_61 : i32
      }
      %scan3A_32 = arith.constant 125 : i32
      %scan3A_33 = arith.constant 0 : i32
      %scan3A_34 = arith.constant 0 : i32
      %scan3A_35 = arith.constant 125 : i32
      %scan3A_36 = arith.addi %scan3A_34, %scan3A_35 : i32
      %scan3A_37 = arith.constant 1 : i32
      %scan3A_38 = scf.for %scan3A_52 = %scan3A_34 to %scan3A_36 step %scan3A_37 iter_args(%scan3A_53 = %scan3A_33) -> (i32)  : i32 {
        %dma_wait3A = arith.constant 0 : i32
        %dma_wait3A_54 = arith.constant 0 : i32
        %dma_wait3A_55 = arith.constant 0 : i32
        %dma_wait3A_56 = tpu.memref_slice %arg9[%dma_wait3A, %dma_wait3A_55] : memref<125x80xf32, #tpu.memory_space<vmem>> -> memref<1x80xf32, #tpu.memory_space<vmem>>
        %dma_wait3A_57 = tpu.memref_squeeze %dma_wait3A_56 : memref<1x80xf32, #tpu.memory_space<vmem>> -> memref<80xf32, #tpu.memory_space<vmem>>
        %dma_wait3A_58 = arith.constant 0 : i32
        %dma_wait3A_59 = tpu.memref_slice %arg5[%dma_wait3A_54, %dma_wait3A_58] : memref<125x80xi32, #tpu.memory_space<vmem>> -> memref<1x80xi32, #tpu.memory_space<vmem>>
        %dma_wait3A_60 = tpu.memref_squeeze %dma_wait3A_59 : memref<1x80xi32, #tpu.memory_space<vmem>> -> memref<80xi32, #tpu.memory_space<vmem>>
        %dma_wait3A_61 = arith.constant 0 : i32
        %dma_wait3A_62 = tpu.memref_slice %arg7[%dma_wait3A_61] : memref<10240xf32, #tpu.memory_space<vmem_shared>> -> memref<10240xf32, #tpu.memory_space<vmem_shared>>
        tpu.wait_indirect_dma semaphore(%arg8 : memref<!tpu.dma_semaphore, #tpu.memory_space<semaphore_mem>>) src(%dma_wait3A_57 : memref<80xf32, #tpu.memory_space<vmem>>) dst(%dma_wait3A_62 : memref<10240xf32, #tpu.memory_space<vmem_shared>>)
        %scan3A_63 = arith.constant 0 : i32
        scf.yield %scan3A_63 : i32
      }
      %scan3A_39 = arith.constant 125 : i32
      %barrier3A_40 = arith.constant 0 : index
      tpu.barrier barrier_id(%barrier3A_40)
      %mul3A_41 = arith.constant 640 : i32
      %mul3A_42 = arith.muli %arg1, %mul3A_41 : i32
      "tpu.region"() ({
        %run_scoped3A = tpu.sem_alloc : memref<!tpu.dma_semaphore, #tpu.memory_space<semaphore_mem>>
        %dma_start3A = tpu.memref_slice %arg7[%mul3A_42] : memref<10240xf32, #tpu.memory_space<vmem_shared>> -> memref<640xf32, #tpu.memory_space<vmem_shared>>
        %dma_start3A_52 = tpu.memref_slice %arg7[%mul3A_42] : memref<10240xf32, #tpu.memory_space<vmem_shared>> -> memref<640xf32, #tpu.memory_space<vmem_shared>>
        tpu.enqueue_dma source(%dma_start3A_52 : memref<640xf32, #tpu.memory_space<vmem_shared>>) target(%arg6 : memref<640xf32, #tpu.memory_space<vmem>>) target_semaphore(%run_scoped3A : memref<!tpu.dma_semaphore, #tpu.memory_space<semaphore_mem>>)
        %dma_wait3A = tpu.memref_slice %arg7[%mul3A_42] : memref<10240xf32, #tpu.memory_space<vmem_shared>> -> memref<640xf32, #tpu.memory_space<vmem_shared>>
        %dma_wait3A_53 = tpu.memref_slice %arg7[%mul3A_42] : memref<10240xf32, #tpu.memory_space<vmem_shared>> -> memref<640xf32, #tpu.memory_space<vmem_shared>>
        tpu.wait_dma2 semaphore(%run_scoped3A : memref<!tpu.dma_semaphore, #tpu.memory_space<semaphore_mem>>) src(%dma_wait3A_53 : memref<640xf32, #tpu.memory_space<vmem_shared>>) dst(%arg6 : memref<640xf32, #tpu.memory_space<vmem>>)
        tpu.yield
      }) : () -> ()
      %scan3A_43 = arith.constant 0 : i32
      %scan3A_44 = arith.constant 0 : i32
      %scan3A_45 = arith.constant 40 : i32
      %scan3A_46 = arith.addi %scan3A_44, %scan3A_45 : i32
      %scan3A_47 = arith.constant 1 : i32
      %scan3A_48 = scf.for %scan3A_52 = %scan3A_44 to %scan3A_46 step %scan3A_47 iter_args(%scan3A_53 = %scan3A_43) -> (i32)  : i32 {
        %mul3A_54 = arith.constant 16 : i32
        %mul3A_55 = arith.muli %scan3A_52, %mul3A_54 : i32
        %get3A = arith.index_cast %mul3A_55 : i32 to index
        %get3A_56 = tpu.vector_load %arg6[%get3A] {strides = array<i32>} : memref<640xf32, #tpu.memory_space<vmem>>, vector<16xf32>,
        %add3A = arith.constant 1.000000e+00 : f32
        %add3A_57 = vector.broadcast %add3A : f32 to vector<16xf32>
        %add3A_58 = arith.addf %get3A_56, %add3A_57 : vector<16xf32>
        %bitcast_convert_type3A = tpu.bitcast %add3A_58 : vector<16xf32> -> vector<16xi32>
        %shift_right_logical3A = arith.constant 1 : i32
        %shift_right_logical3A_59 = vector.broadcast %shift_right_logical3A : i32 to vector<16xi32>
        %shift_right_logical3A_60 = arith.shrui %bitcast_convert_type3A, %shift_right_logical3A_59 : vector<16xi32>
        %sub3A = arith.constant 1597463007 : i32
        %sub3A_61 = vector.broadcast %sub3A : i32 to vector<16xi32>
        %sub3A_62 = arith.subi %sub3A_61, %shift_right_logical3A_60 : vector<16xi32>
        %bitcast_convert_type3A_63 = tpu.bitcast %sub3A_62 : vector<16xi32> -> vector<16xf32>
        %mul3A_64 = arith.constant 5.000000e-01 : f32
        %mul3A_65 = vector.broadcast %mul3A_64 : f32 to vector<16xf32>
        %mul3A_66 = arith.mulf %mul3A_65, %add3A_58 : vector<16xf32>
        %mul3A_67 = arith.mulf %mul3A_66, %bitcast_convert_type3A_63 : vector<16xf32>
        %mul3A_68 = arith.mulf %mul3A_67, %bitcast_convert_type3A_63 : vector<16xf32>
        %sub3A_69 = arith.constant 1.500000e+00 : f32
        %sub3A_70 = vector.broadcast %sub3A_69 : f32 to vector<16xf32>
        %sub3A_71 = arith.subf %sub3A_70, %mul3A_68 : vector<16xf32>
        %mul3A_72 = arith.mulf %bitcast_convert_type3A_63, %sub3A_71 : vector<16xf32>
        %mul3A_73 = arith.constant 5.000000e-01 : f32
        %mul3A_74 = vector.broadcast %mul3A_73 : f32 to vector<16xf32>
        %mul3A_75 = arith.mulf %mul3A_74, %add3A_58 : vector<16xf32>
        %mul3A_76 = arith.mulf %mul3A_75, %mul3A_72 : vector<16xf32>
        %mul3A_77 = arith.mulf %mul3A_76, %mul3A_72 : vector<16xf32>
        %sub3A_78 = arith.constant 1.500000e+00 : f32
        %sub3A_79 = vector.broadcast %sub3A_78 : f32 to vector<16xf32>
        %sub3A_80 = arith.subf %sub3A_79, %mul3A_77 : vector<16xf32>
        %mul3A_81 = arith.mulf %mul3A_72, %sub3A_80 : vector<16xf32>
        %mul3A_82 = arith.constant 5.000000e-01 : f32
        %mul3A_83 = vector.broadcast %mul3A_82 : f32 to vector<16xf32>
        %mul3A_84 = arith.mulf %mul3A_83, %add3A_58 : vector<16xf32>
        %mul3A_85 = arith.mulf %mul3A_84, %mul3A_81 : vector<16xf32>
        %mul3A_86 = arith.mulf %mul3A_85, %mul3A_81 : vector<16xf32>
        %sub3A_87 = arith.constant 1.500000e+00 : f32
        %sub3A_88 = vector.broadcast %sub3A_87 : f32 to vector<16xf32>
        %sub3A_89 = arith.subf %sub3A_88, %mul3A_86 : vector<16xf32>
        %mul3A_90 = arith.mulf %mul3A_81, %sub3A_89 : vector<16xf32>
        %mul3A_91 = arith.constant 16 : i32
        %mul3A_92 = arith.muli %scan3A_52, %mul3A_91 : i32
        %swap3A = arith.index_cast %mul3A_92 : i32 to index
        %swap3A_93 = tpu.vector_load %arg6[%swap3A] {strides = array<i32>} : memref<640xf32, #tpu.memory_space<vmem>>, vector<16xf32>,
        tpu.vector_store %arg6[%swap3A], %mul3A_90 {strides = array<i32>} : memref<640xf32, #tpu.memory_space<vmem>>, vector<16xf32>,
        %scan3A_94 = arith.constant 0 : i32
        scf.yield %scan3A_94 : i32
      }
      %scan3A_49 = arith.constant 40 : i32
      %mul3A_50 = arith.constant 640 : i32
      %mul3A_51 = arith.muli %arg1, %mul3A_50 : i32
      "tpu.region"() ({
        %run_scoped3A = tpu.sem_alloc : memref<!tpu.dma_semaphore, #tpu.memory_space<semaphore_mem>>
        %dma_start3A = tpu.memref_slice %arg4[%mul3A_51] : memref<10240xf32, #tpu.memory_space<hbm>> -> memref<640xf32, #tpu.memory_space<hbm>>
        %dma_start3A_52 = tpu.memref_slice %arg4[%mul3A_51] : memref<10240xf32, #tpu.memory_space<hbm>> -> memref<640xf32, #tpu.memory_space<hbm>>
        tpu.enqueue_dma source(%arg6 : memref<640xf32, #tpu.memory_space<vmem>>) target(%dma_start3A_52 : memref<640xf32, #tpu.memory_space<hbm>>) target_semaphore(%run_scoped3A : memref<!tpu.dma_semaphore, #tpu.memory_space<semaphore_mem>>)
        %dma_wait3A = tpu.memref_slice %arg4[%mul3A_51] : memref<10240xf32, #tpu.memory_space<hbm>> -> memref<640xf32, #tpu.memory_space<hbm>>
        %dma_wait3A_53 = tpu.memref_slice %arg4[%mul3A_51] : memref<10240xf32, #tpu.memory_space<hbm>> -> memref<640xf32, #tpu.memory_space<hbm>>
        tpu.wait_dma2 semaphore(%run_scoped3A : memref<!tpu.dma_semaphore, #tpu.memory_space<semaphore_mem>>) src(%arg6 : memref<640xf32, #tpu.memory_space<vmem>>) dst(%dma_wait3A_53 : memref<640xf32, #tpu.memory_space<hbm>>)
        tpu.yield
      }) : () -> ()
    } else {
    }
    return
  }
}

#map = affine_map<(d0, d1) -> (0, 0)>
#map1 = affine_map<(d0, d1) -> (0)>
module attributes {stable_mosaic.version = 14 : i64} {
  func.func @agg_kernel(%arg0: i32, %arg1: i32, %arg2: memref<20000x128xf32, #tpu.memory_space<hbm>>, %arg3: memref<160000xi32, #tpu.memory_space<hbm>>, %arg4: memref<160000xi32, #tpu.memory_space<hbm>>, %arg5: memref<160000xf32, #tpu.memory_space<hbm>>, %arg6: memref<20000x128xf32, #tpu.memory_space<hbm>>, %arg7: memref<10000x128xf32, #tpu.memory_space<vmem_shared>>, %arg8: memref<128xi32, #tpu.memory_space<vmem>>, %arg9: memref<128xi32, #tpu.memory_space<vmem>>, %arg10: memref<128xi32, #tpu.memory_space<vmem>>, %arg11: memref<16xi32, #tpu.memory_space<vmem>>, %arg12: memref<128xf32, #tpu.memory_space<vmem>>, %arg13: memref<128xf32, #tpu.memory_space<vmem>>, %arg14: memref<128xf32, #tpu.memory_space<vmem>>, %arg15: memref<!tpu.dma_semaphore, #tpu.memory_space<semaphore_mem>>, %arg16: memref<!tpu.dma_semaphore, #tpu.memory_space<semaphore_mem>>, %arg17: memref<!tpu.dma_semaphore, #tpu.memory_space<semaphore_mem>>, %arg18: memref<!tpu.dma_semaphore, #tpu.memory_space<semaphore_mem>>, %arg19: memref<128x128xf32, #tpu.memory_space<vmem>>, %arg20: memref<128x128xf32, #tpu.memory_space<vmem>>, %arg21: memref<128x128xf32, #tpu.memory_space<vmem>>, %arg22: memref<128xi32, #tpu.memory_space<vmem>>, %arg23: memref<128xi32, #tpu.memory_space<vmem>>, %arg24: memref<128xi32, #tpu.memory_space<vmem>>, %arg25: memref<!tpu.dma_semaphore, #tpu.memory_space<semaphore_mem>>, %arg26: memref<!tpu.dma_semaphore, #tpu.memory_space<semaphore_mem>>, %arg27: memref<!tpu.dma_semaphore, #tpu.memory_space<semaphore_mem>>, %arg28: memref<!tpu.dma_semaphore, #tpu.memory_space<semaphore_mem>>, %arg29: memref<!tpu.dma_semaphore, #tpu.memory_space<semaphore_mem>>, %arg30: memref<!tpu.dma_semaphore, #tpu.memory_space<semaphore_mem>>) attributes {dimension_semantics = [#tpu.dimension_semantics<core_parallel>, #tpu.dimension_semantics<subcore_parallel>], iteration_bounds = array<i64: 2, 16>, scalar_prefetch = 0 : i64, scratch_operands = 24 : i64, tpu.core_type = #tpu.core_type<sc_vector_subcore>, window_params = [{transform_indices = #map}, {transform_indices = #map1}, {transform_indices = #map1}, {transform_indices = #map1}, {transform_indices = #map}]} {
    %mul3A = arith.constant 10000 : i32
    %mul3A_0 = arith.muli %arg1, %mul3A : i32
    %mul3A_1 = arith.constant 10000 : i32
    %mul3A_2 = arith.muli %arg0, %mul3A_1 : i32
    %mul3A_3 = arith.constant 640 : i32
    %mul3A_4 = arith.muli %arg1, %mul3A_3 : i32
    %eq3A = arith.constant 15 : i32
    %eq3A_5 = arith.cmpi eq, %arg1, %eq3A : i32
    %not3A = arith.constant true
    %not3A_6 = arith.xori %eq3A_5, %not3A : i1
    %convert_element_type3A = arith.extui %not3A_6 : i1 to i32
    %cond3A = arith.constant 0 : i32
    %cond3A_7 = arith.cmpi ne, %convert_element_type3A, %cond3A : i32
    scf.if %cond3A_7 {
      %add3A_77 = arith.addi %mul3A_2, %mul3A_4 : i32
      %dma_start3A_78 = arith.constant 0 : i32
      %dma_start3A_79 = tpu.memref_slice %arg7[%mul3A_4, %dma_start3A_78] : memref<10000x128xf32, #tpu.memory_space<vmem_shared>> -> memref<640x128xf32, #tpu.memory_space<vmem_shared>>
      %dma_start3A_80 = arith.constant 0 : i32
      %dma_start3A_81 = tpu.memref_slice %arg2[%add3A_77, %dma_start3A_80] : memref<20000x128xf32, #tpu.memory_space<hbm>> -> memref<640x128xf32, #tpu.memory_space<hbm>>
      tpu.enqueue_dma source(%dma_start3A_81 : memref<640x128xf32, #tpu.memory_space<hbm>>) target(%dma_start3A_79 : memref<640x128xf32, #tpu.memory_space<vmem_shared>>) target_semaphore(%arg18 : memref<!tpu.dma_semaphore, #tpu.memory_space<semaphore_mem>>)
    } else {
    }
    %convert_element_type3A_8 = arith.extui %eq3A_5 : i1 to i32
    %cond3A_9 = arith.constant 0 : i32
    %cond3A_10 = arith.cmpi ne, %convert_element_type3A_8, %cond3A_9 : i32
    scf.if %cond3A_10 {
      %add3A_77 = arith.addi %mul3A_2, %mul3A_4 : i32
      %dma_start3A_78 = arith.constant 0 : i32
      %dma_start3A_79 = tpu.memref_slice %arg7[%mul3A_4, %dma_start3A_78] : memref<10000x128xf32, #tpu.memory_space<vmem_shared>> -> memref<400x128xf32, #tpu.memory_space<vmem_shared>>
      %dma_start3A_80 = arith.constant 0 : i32
      %dma_start3A_81 = tpu.memref_slice %arg2[%add3A_77, %dma_start3A_80] : memref<20000x128xf32, #tpu.memory_space<hbm>> -> memref<400x128xf32, #tpu.memory_space<hbm>>
      tpu.enqueue_dma source(%dma_start3A_81 : memref<400x128xf32, #tpu.memory_space<hbm>>) target(%dma_start3A_79 : memref<400x128xf32, #tpu.memory_space<vmem_shared>>) target_semaphore(%arg18 : memref<!tpu.dma_semaphore, #tpu.memory_space<semaphore_mem>>)
    } else {
    }
    %add3A = arith.constant 0 : i32
    %add3A_11 = arith.addi %mul3A_0, %add3A : i32
    %dma_start3A = tpu.memref_slice %arg3[%add3A_11] : memref<160000xi32, #tpu.memory_space<hbm>> -> memref<128xi32, #tpu.memory_space<hbm>>
    %dma_start3A_12 = tpu.memref_slice %arg3[%add3A_11] : memref<160000xi32, #tpu.memory_space<hbm>> -> memref<128xi32, #tpu.memory_space<hbm>>
    tpu.enqueue_dma source(%dma_start3A_12 : memref<128xi32, #tpu.memory_space<hbm>>) target(%arg22 : memref<128xi32, #tpu.memory_space<vmem>>) target_semaphore(%arg28 : memref<!tpu.dma_semaphore, #tpu.memory_space<semaphore_mem>>)
    %dma_start3A_13 = tpu.memref_slice %arg4[%add3A_11] : memref<160000xi32, #tpu.memory_space<hbm>> -> memref<128xi32, #tpu.memory_space<hbm>>
    %dma_start3A_14 = tpu.memref_slice %arg4[%add3A_11] : memref<160000xi32, #tpu.memory_space<hbm>> -> memref<128xi32, #tpu.memory_space<hbm>>
    tpu.enqueue_dma source(%dma_start3A_14 : memref<128xi32, #tpu.memory_space<hbm>>) target(%arg8 : memref<128xi32, #tpu.memory_space<vmem>>) target_semaphore(%arg28 : memref<!tpu.dma_semaphore, #tpu.memory_space<semaphore_mem>>)
    %dma_start3A_15 = tpu.memref_slice %arg5[%add3A_11] : memref<160000xf32, #tpu.memory_space<hbm>> -> memref<128xf32, #tpu.memory_space<hbm>>
    %dma_start3A_16 = tpu.memref_slice %arg5[%add3A_11] : memref<160000xf32, #tpu.memory_space<hbm>> -> memref<128xf32, #tpu.memory_space<hbm>>
    tpu.enqueue_dma source(%dma_start3A_16 : memref<128xf32, #tpu.memory_space<hbm>>) target(%arg12 : memref<128xf32, #tpu.memory_space<vmem>>) target_semaphore(%arg28 : memref<!tpu.dma_semaphore, #tpu.memory_space<semaphore_mem>>)
    %add3A_17 = arith.constant 128 : i32
    %add3A_18 = arith.addi %mul3A_0, %add3A_17 : i32
    %dma_start3A_19 = tpu.memref_slice %arg3[%add3A_18] : memref<160000xi32, #tpu.memory_space<hbm>> -> memref<128xi32, #tpu.memory_space<hbm>>
    %dma_start3A_20 = tpu.memref_slice %arg3[%add3A_18] : memref<160000xi32, #tpu.memory_space<hbm>> -> memref<128xi32, #tpu.memory_space<hbm>>
    tpu.enqueue_dma source(%dma_start3A_20 : memref<128xi32, #tpu.memory_space<hbm>>) target(%arg23 : memref<128xi32, #tpu.memory_space<vmem>>) target_semaphore(%arg29 : memref<!tpu.dma_semaphore, #tpu.memory_space<semaphore_mem>>)
    %dma_start3A_21 = tpu.memref_slice %arg4[%add3A_18] : memref<160000xi32, #tpu.memory_space<hbm>> -> memref<128xi32, #tpu.memory_space<hbm>>
    %dma_start3A_22 = tpu.memref_slice %arg4[%add3A_18] : memref<160000xi32, #tpu.memory_space<hbm>> -> memref<128xi32, #tpu.memory_space<hbm>>
    tpu.enqueue_dma source(%dma_start3A_22 : memref<128xi32, #tpu.memory_space<hbm>>) target(%arg9 : memref<128xi32, #tpu.memory_space<vmem>>) target_semaphore(%arg29 : memref<!tpu.dma_semaphore, #tpu.memory_space<semaphore_mem>>)
    %dma_start3A_23 = tpu.memref_slice %arg5[%add3A_18] : memref<160000xf32, #tpu.memory_space<hbm>> -> memref<128xf32, #tpu.memory_space<hbm>>
    %dma_start3A_24 = tpu.memref_slice %arg5[%add3A_18] : memref<160000xf32, #tpu.memory_space<hbm>> -> memref<128xf32, #tpu.memory_space<hbm>>
    tpu.enqueue_dma source(%dma_start3A_24 : memref<128xf32, #tpu.memory_space<hbm>>) target(%arg13 : memref<128xf32, #tpu.memory_space<vmem>>) target_semaphore(%arg29 : memref<!tpu.dma_semaphore, #tpu.memory_space<semaphore_mem>>)
    %add3A_25 = arith.constant 256 : i32
    %add3A_26 = arith.addi %mul3A_0, %add3A_25 : i32
    %dma_start3A_27 = tpu.memref_slice %arg3[%add3A_26] : memref<160000xi32, #tpu.memory_space<hbm>> -> memref<128xi32, #tpu.memory_space<hbm>>
    %dma_start3A_28 = tpu.memref_slice %arg3[%add3A_26] : memref<160000xi32, #tpu.memory_space<hbm>> -> memref<128xi32, #tpu.memory_space<hbm>>
    tpu.enqueue_dma source(%dma_start3A_28 : memref<128xi32, #tpu.memory_space<hbm>>) target(%arg24 : memref<128xi32, #tpu.memory_space<vmem>>) target_semaphore(%arg30 : memref<!tpu.dma_semaphore, #tpu.memory_space<semaphore_mem>>)
    %dma_start3A_29 = tpu.memref_slice %arg4[%add3A_26] : memref<160000xi32, #tpu.memory_space<hbm>> -> memref<128xi32, #tpu.memory_space<hbm>>
    %dma_start3A_30 = tpu.memref_slice %arg4[%add3A_26] : memref<160000xi32, #tpu.memory_space<hbm>> -> memref<128xi32, #tpu.memory_space<hbm>>
    tpu.enqueue_dma source(%dma_start3A_30 : memref<128xi32, #tpu.memory_space<hbm>>) target(%arg10 : memref<128xi32, #tpu.memory_space<vmem>>) target_semaphore(%arg30 : memref<!tpu.dma_semaphore, #tpu.memory_space<semaphore_mem>>)
    %dma_start3A_31 = tpu.memref_slice %arg5[%add3A_26] : memref<160000xf32, #tpu.memory_space<hbm>> -> memref<128xf32, #tpu.memory_space<hbm>>
    %dma_start3A_32 = tpu.memref_slice %arg5[%add3A_26] : memref<160000xf32, #tpu.memory_space<hbm>> -> memref<128xf32, #tpu.memory_space<hbm>>
    tpu.enqueue_dma source(%dma_start3A_32 : memref<128xf32, #tpu.memory_space<hbm>>) target(%arg14 : memref<128xf32, #tpu.memory_space<vmem>>) target_semaphore(%arg30 : memref<!tpu.dma_semaphore, #tpu.memory_space<semaphore_mem>>)
    %not3A_33 = arith.constant true
    %not3A_34 = arith.xori %eq3A_5, %not3A_33 : i1
    %convert_element_type3A_35 = arith.extui %not3A_34 : i1 to i32
    %cond3A_36 = arith.constant 0 : i32
    %cond3A_37 = arith.cmpi ne, %convert_element_type3A_35, %cond3A_36 : i32
    scf.if %cond3A_37 {
      %dma_wait3A_77 = arith.constant 0 : i32
      %dma_wait3A_78 = arith.constant 0 : i32
      %dma_wait3A_79 = tpu.memref_slice %arg7[%dma_wait3A_77, %dma_wait3A_78] : memref<10000x128xf32, #tpu.memory_space<vmem_shared>> -> memref<640x128xf32, #tpu.memory_space<vmem_shared>>
      %dma_wait3A_80 = arith.constant 0 : i32
      %dma_wait3A_81 = tpu.memref_slice %arg2[%mul3A_2, %dma_wait3A_80] : memref<20000x128xf32, #tpu.memory_space<hbm>> -> memref<640x128xf32, #tpu.memory_space<hbm>>
      tpu.wait_dma2 semaphore(%arg18 : memref<!tpu.dma_semaphore, #tpu.memory_space<semaphore_mem>>) src(%dma_wait3A_81 : memref<640x128xf32, #tpu.memory_space<hbm>>) dst(%dma_wait3A_79 : memref<640x128xf32, #tpu.memory_space<vmem_shared>>)
    } else {
    }
    %convert_element_type3A_38 = arith.extui %eq3A_5 : i1 to i32
    %cond3A_39 = arith.constant 0 : i32
    %cond3A_40 = arith.cmpi ne, %convert_element_type3A_38, %cond3A_39 : i32
    scf.if %cond3A_40 {
      %dma_wait3A_77 = arith.constant 0 : i32
      %dma_wait3A_78 = arith.constant 0 : i32
      %dma_wait3A_79 = tpu.memref_slice %arg7[%dma_wait3A_77, %dma_wait3A_78] : memref<10000x128xf32, #tpu.memory_space<vmem_shared>> -> memref<400x128xf32, #tpu.memory_space<vmem_shared>>
      %dma_wait3A_80 = arith.constant 0 : i32
      %dma_wait3A_81 = tpu.memref_slice %arg2[%mul3A_2, %dma_wait3A_80] : memref<20000x128xf32, #tpu.memory_space<hbm>> -> memref<400x128xf32, #tpu.memory_space<hbm>>
      tpu.wait_dma2 semaphore(%arg18 : memref<!tpu.dma_semaphore, #tpu.memory_space<semaphore_mem>>) src(%dma_wait3A_81 : memref<400x128xf32, #tpu.memory_space<hbm>>) dst(%dma_wait3A_79 : memref<400x128xf32, #tpu.memory_space<vmem_shared>>)
    } else {
    }
    %barrier3A = arith.constant 0 : index
    tpu.barrier barrier_id(%barrier3A)
    %scan3A = arith.constant 0 : i32
    %scan3A_41 = arith.constant 0 : i32
    %scan3A_42 = arith.constant 26 : i32
    %scan3A_43 = arith.addi %scan3A_41, %scan3A_42 : i32
    %scan3A_44 = arith.constant 1 : i32
    %scan3A_45 = scf.for %scan3A_77 = %scan3A_41 to %scan3A_43 step %scan3A_44 iter_args(%scan3A_78 = %scan3A) -> (i32)  : i32 {
      %mul3A_79 = arith.constant 3 : i32
      %mul3A_80 = arith.muli %scan3A_77, %mul3A_79 : i32
      %dma_wait3A_81 = tpu.memref_slice %arg3[%mul3A_0] : memref<160000xi32, #tpu.memory_space<hbm>> -> memref<128xi32, #tpu.memory_space<hbm>>
      %dma_wait3A_82 = tpu.memref_slice %arg3[%mul3A_0] : memref<160000xi32, #tpu.memory_space<hbm>> -> memref<128xi32, #tpu.memory_space<hbm>>
      tpu.wait_dma2 semaphore(%arg28 : memref<!tpu.dma_semaphore, #tpu.memory_space<semaphore_mem>>) src(%dma_wait3A_82 : memref<128xi32, #tpu.memory_space<hbm>>) dst(%arg22 : memref<128xi32, #tpu.memory_space<vmem>>)
      %dma_wait3A_83 = tpu.memref_slice %arg4[%mul3A_0] : memref<160000xi32, #tpu.memory_space<hbm>> -> memref<128xi32, #tpu.memory_space<hbm>>
      %dma_wait3A_84 = tpu.memref_slice %arg4[%mul3A_0] : memref<160000xi32, #tpu.memory_space<hbm>> -> memref<128xi32, #tpu.memory_space<hbm>>
      tpu.wait_dma2 semaphore(%arg28 : memref<!tpu.dma_semaphore, #tpu.memory_space<semaphore_mem>>) src(%dma_wait3A_84 : memref<128xi32, #tpu.memory_space<hbm>>) dst(%arg8 : memref<128xi32, #tpu.memory_space<vmem>>)
      %dma_wait3A_85 = tpu.memref_slice %arg5[%mul3A_0] : memref<160000xf32, #tpu.memory_space<hbm>> -> memref<128xf32, #tpu.memory_space<hbm>>
      %dma_wait3A_86 = tpu.memref_slice %arg5[%mul3A_0] : memref<160000xf32, #tpu.memory_space<hbm>> -> memref<128xf32, #tpu.memory_space<hbm>>
      tpu.wait_dma2 semaphore(%arg28 : memref<!tpu.dma_semaphore, #tpu.memory_space<semaphore_mem>>) src(%dma_wait3A_86 : memref<128xf32, #tpu.memory_space<hbm>>) dst(%arg12 : memref<128xf32, #tpu.memory_space<vmem>>)
      %get3A_87 = arith.constant 0 : index
      %get3A_88 = tpu.vector_load %arg22[%get3A_87] {strides = array<i32>} : memref<128xi32, #tpu.memory_space<vmem>>, vector<16xi32>,
      %add3A_89 = vector.broadcast %mul3A_2 : i32 to vector<16xi32>
      %add3A_90 = arith.addi %get3A_88, %add3A_89 : vector<16xi32>
      %swap3A_91 = arith.constant 0 : index
      %swap3A_92 = tpu.vector_load %arg22[%swap3A_91] {strides = array<i32>} : memref<128xi32, #tpu.memory_space<vmem>>, vector<16xi32>,
      tpu.vector_store %arg22[%swap3A_91], %add3A_90 {strides = array<i32>} : memref<128xi32, #tpu.memory_space<vmem>>, vector<16xi32>,
      %get3A_93 = arith.constant 16 : index
      %get3A_94 = tpu.vector_load %arg22[%get3A_93] {strides = array<i32>} : memref<128xi32, #tpu.memory_space<vmem>>, vector<16xi32>,
      %add3A_95 = vector.broadcast %mul3A_2 : i32 to vector<16xi32>
      %add3A_96 = arith.addi %get3A_94, %add3A_95 : vector<16xi32>
      %swap3A_97 = arith.constant 16 : index
      %swap3A_98 = tpu.vector_load %arg22[%swap3A_97] {strides = array<i32>} : memref<128xi32, #tpu.memory_space<vmem>>, vector<16xi32>,
      tpu.vector_store %arg22[%swap3A_97], %add3A_96 {strides = array<i32>} : memref<128xi32, #tpu.memory_space<vmem>>, vector<16xi32>,
      %get3A_99 = arith.constant 32 : index
      %get3A_100 = tpu.vector_load %arg22[%get3A_99] {strides = array<i32>} : memref<128xi32, #tpu.memory_space<vmem>>, vector<16xi32>,
      %add3A_101 = vector.broadcast %mul3A_2 : i32 to vector<16xi32>
      %add3A_102 = arith.addi %get3A_100, %add3A_101 : vector<16xi32>
      %swap3A_103 = arith.constant 32 : index
      %swap3A_104 = tpu.vector_load %arg22[%swap3A_103] {strides = array<i32>} : memref<128xi32, #tpu.memory_space<vmem>>, vector<16xi32>,
      tpu.vector_store %arg22[%swap3A_103], %add3A_102 {strides = array<i32>} : memref<128xi32, #tpu.memory_space<vmem>>, vector<16xi32>,
      %get3A_105 = arith.constant 48 : index
      %get3A_106 = tpu.vector_load %arg22[%get3A_105] {strides = array<i32>} : memref<128xi32, #tpu.memory_space<vmem>>, vector<16xi32>,
      %add3A_107 = vector.broadcast %mul3A_2 : i32 to vector<16xi32>
      %add3A_108 = arith.addi %get3A_106, %add3A_107 : vector<16xi32>
      %swap3A_109 = arith.constant 48 : index
      %swap3A_110 = tpu.vector_load %arg22[%swap3A_109] {strides = array<i32>} : memref<128xi32, #tpu.memory_space<vmem>>, vector<16xi32>,
      tpu.vector_store %arg22[%swap3A_109], %add3A_108 {strides = array<i32>} : memref<128xi32, #tpu.memory_space<vmem>>, vector<16xi32>,
      %get3A_111 = arith.constant 64 : index
      %get3A_112 = tpu.vector_load %arg22[%get3A_111] {strides = array<i32>} : memref<128xi32, #tpu.memory_space<vmem>>, vector<16xi32>,
      %add3A_113 = vector.broadcast %mul3A_2 : i32 to vector<16xi32>
      %add3A_114 = arith.addi %get3A_112, %add3A_113 : vector<16xi32>
      %swap3A_115 = arith.constant 64 : index
      %swap3A_116 = tpu.vector_load %arg22[%swap3A_115] {strides = array<i32>} : memref<128xi32, #tpu.memory_space<vmem>>, vector<16xi32>,
      tpu.vector_store %arg22[%swap3A_115], %add3A_114 {strides = array<i32>} : memref<128xi32, #tpu.memory_space<vmem>>, vector<16xi32>,
      %get3A_117 = arith.constant 80 : index
      %get3A_118 = tpu.vector_load %arg22[%get3A_117] {strides = array<i32>} : memref<128xi32, #tpu.memory_space<vmem>>, vector<16xi32>,
      %add3A_119 = vector.broadcast %mul3A_2 : i32 to vector<16xi32>
      %add3A_120 = arith.addi %get3A_118, %add3A_119 : vector<16xi32>
      %swap3A_121 = arith.constant 80 : index
      %swap3A_122 = tpu.vector_load %arg22[%swap3A_121] {strides = array<i32>} : memref<128xi32, #tpu.memory_space<vmem>>, vector<16xi32>,
      tpu.vector_store %arg22[%swap3A_121], %add3A_120 {strides = array<i32>} : memref<128xi32, #tpu.memory_space<vmem>>, vector<16xi32>,
      %get3A_123 = arith.constant 96 : index
      %get3A_124 = tpu.vector_load %arg22[%get3A_123] {strides = array<i32>} : memref<128xi32, #tpu.memory_space<vmem>>, vector<16xi32>,
      %add3A_125 = vector.broadcast %mul3A_2 : i32 to vector<16xi32>
      %add3A_126 = arith.addi %get3A_124, %add3A_125 : vector<16xi32>
      %swap3A_127 = arith.constant 96 : index
      %swap3A_128 = tpu.vector_load %arg22[%swap3A_127] {strides = array<i32>} : memref<128xi32, #tpu.memory_space<vmem>>, vector<16xi32>,
      tpu.vector_store %arg22[%swap3A_127], %add3A_126 {strides = array<i32>} : memref<128xi32, #tpu.memory_space<vmem>>, vector<16xi32>,
      %get3A_129 = arith.constant 112 : index
      %get3A_130 = tpu.vector_load %arg22[%get3A_129] {strides = array<i32>} : memref<128xi32, #tpu.memory_space<vmem>>, vector<16xi32>,
      %add3A_131 = vector.broadcast %mul3A_2 : i32 to vector<16xi32>
      %add3A_132 = arith.addi %get3A_130, %add3A_131 : vector<16xi32>
      %swap3A_133 = arith.constant 112 : index
      %swap3A_134 = tpu.vector_load %arg22[%swap3A_133] {strides = array<i32>} : memref<128xi32, #tpu.memory_space<vmem>>, vector<16xi32>,
      tpu.vector_store %arg22[%swap3A_133], %add3A_132 {strides = array<i32>} : memref<128xi32, #tpu.memory_space<vmem>>, vector<16xi32>,
      %dma_start3A_135 = arith.constant 0 : i32
      %dma_start3A_136 = arith.constant 0 : i32
      %dma_start3A_137 = tpu.memref_slice %arg2[%dma_start3A_135, %dma_start3A_136] : memref<20000x128xf32, #tpu.memory_space<hbm>> -> memref<20000x128xf32, #tpu.memory_space<hbm>>
      tpu.enqueue_indirect_dma source(%dma_start3A_137 : memref<20000x128xf32, #tpu.memory_space<hbm>>) target(%arg19 : memref<128x128xf32, #tpu.memory_space<vmem>>) offsets(%arg22 : memref<128xi32, #tpu.memory_space<vmem>>) semaphore(%arg15 : memref<!tpu.dma_semaphore, #tpu.memory_space<semaphore_mem>>)
      %dma_wait3A_138 = tpu.memref_slice %arg3[%mul3A_0] : memref<160000xi32, #tpu.memory_space<hbm>> -> memref<128xi32, #tpu.memory_space<hbm>>
      %dma_wait3A_139 = tpu.memref_slice %arg3[%mul3A_0] : memref<160000xi32, #tpu.memory_space<hbm>> -> memref<128xi32, #tpu.memory_space<hbm>>
      tpu.wait_dma2 semaphore(%arg29 : memref<!tpu.dma_semaphore, #tpu.memory_space<semaphore_mem>>) src(%dma_wait3A_139 : memref<128xi32, #tpu.memory_space<hbm>>) dst(%arg23 : memref<128xi32, #tpu.memory_space<vmem>>)
      %dma_wait3A_140 = tpu.memref_slice %arg4[%mul3A_0] : memref<160000xi32, #tpu.memory_space<hbm>> -> memref<128xi32, #tpu.memory_space<hbm>>
      %dma_wait3A_141 = tpu.memref_slice %arg4[%mul3A_0] : memref<160000xi32, #tpu.memory_space<hbm>> -> memref<128xi32, #tpu.memory_space<hbm>>
      tpu.wait_dma2 semaphore(%arg29 : memref<!tpu.dma_semaphore, #tpu.memory_space<semaphore_mem>>) src(%dma_wait3A_141 : memref<128xi32, #tpu.memory_space<hbm>>) dst(%arg9 : memref<128xi32, #tpu.memory_space<vmem>>)
      %dma_wait3A_142 = tpu.memref_slice %arg5[%mul3A_0] : memref<160000xf32, #tpu.memory_space<hbm>> -> memref<128xf32, #tpu.memory_space<hbm>>
      %dma_wait3A_143 = tpu.memref_slice %arg5[%mul3A_0] : memref<160000xf32, #tpu.memory_space<hbm>> -> memref<128xf32, #tpu.memory_space<hbm>>
      tpu.wait_dma2 semaphore(%arg29 : memref<!tpu.dma_semaphore, #tpu.memory_space<semaphore_mem>>) src(%dma_wait3A_143 : memref<128xf32, #tpu.memory_space<hbm>>) dst(%arg13 : memref<128xf32, #tpu.memory_space<vmem>>)
      %get3A_144 = arith.constant 0 : index
      %get3A_145 = tpu.vector_load %arg23[%get3A_144] {strides = array<i32>} : memref<128xi32, #tpu.memory_space<vmem>>, vector<16xi32>,
      %add3A_146 = vector.broadcast %mul3A_2 : i32 to vector<16xi32>
      %add3A_147 = arith.addi %get3A_145, %add3A_146 : vector<16xi32>
      %swap3A_148 = arith.constant 0 : index
      %swap3A_149 = tpu.vector_load %arg23[%swap3A_148] {strides = array<i32>} : memref<128xi32, #tpu.memory_space<vmem>>, vector<16xi32>,
      tpu.vector_store %arg23[%swap3A_148], %add3A_147 {strides = array<i32>} : memref<128xi32, #tpu.memory_space<vmem>>, vector<16xi32>,
      %get3A_150 = arith.constant 16 : index
      %get3A_151 = tpu.vector_load %arg23[%get3A_150] {strides = array<i32>} : memref<128xi32, #tpu.memory_space<vmem>>, vector<16xi32>,
      %add3A_152 = vector.broadcast %mul3A_2 : i32 to vector<16xi32>
      %add3A_153 = arith.addi %get3A_151, %add3A_152 : vector<16xi32>
      %swap3A_154 = arith.constant 16 : index
      %swap3A_155 = tpu.vector_load %arg23[%swap3A_154] {strides = array<i32>} : memref<128xi32, #tpu.memory_space<vmem>>, vector<16xi32>,
      tpu.vector_store %arg23[%swap3A_154], %add3A_153 {strides = array<i32>} : memref<128xi32, #tpu.memory_space<vmem>>, vector<16xi32>,
      %get3A_156 = arith.constant 32 : index
      %get3A_157 = tpu.vector_load %arg23[%get3A_156] {strides = array<i32>} : memref<128xi32, #tpu.memory_space<vmem>>, vector<16xi32>,
      %add3A_158 = vector.broadcast %mul3A_2 : i32 to vector<16xi32>
      %add3A_159 = arith.addi %get3A_157, %add3A_158 : vector<16xi32>
      %swap3A_160 = arith.constant 32 : index
      %swap3A_161 = tpu.vector_load %arg23[%swap3A_160] {strides = array<i32>} : memref<128xi32, #tpu.memory_space<vmem>>, vector<16xi32>,
      tpu.vector_store %arg23[%swap3A_160], %add3A_159 {strides = array<i32>} : memref<128xi32, #tpu.memory_space<vmem>>, vector<16xi32>,
      %get3A_162 = arith.constant 48 : index
      %get3A_163 = tpu.vector_load %arg23[%get3A_162] {strides = array<i32>} : memref<128xi32, #tpu.memory_space<vmem>>, vector<16xi32>,
      %add3A_164 = vector.broadcast %mul3A_2 : i32 to vector<16xi32>
      %add3A_165 = arith.addi %get3A_163, %add3A_164 : vector<16xi32>
      %swap3A_166 = arith.constant 48 : index
      %swap3A_167 = tpu.vector_load %arg23[%swap3A_166] {strides = array<i32>} : memref<128xi32, #tpu.memory_space<vmem>>, vector<16xi32>,
      tpu.vector_store %arg23[%swap3A_166], %add3A_165 {strides = array<i32>} : memref<128xi32, #tpu.memory_space<vmem>>, vector<16xi32>,
      %get3A_168 = arith.constant 64 : index
      %get3A_169 = tpu.vector_load %arg23[%get3A_168] {strides = array<i32>} : memref<128xi32, #tpu.memory_space<vmem>>, vector<16xi32>,
      %add3A_170 = vector.broadcast %mul3A_2 : i32 to vector<16xi32>
      %add3A_171 = arith.addi %get3A_169, %add3A_170 : vector<16xi32>
      %swap3A_172 = arith.constant 64 : index
      %swap3A_173 = tpu.vector_load %arg23[%swap3A_172] {strides = array<i32>} : memref<128xi32, #tpu.memory_space<vmem>>, vector<16xi32>,
      tpu.vector_store %arg23[%swap3A_172], %add3A_171 {strides = array<i32>} : memref<128xi32, #tpu.memory_space<vmem>>, vector<16xi32>,
      %get3A_174 = arith.constant 80 : index
      %get3A_175 = tpu.vector_load %arg23[%get3A_174] {strides = array<i32>} : memref<128xi32, #tpu.memory_space<vmem>>, vector<16xi32>,
      %add3A_176 = vector.broadcast %mul3A_2 : i32 to vector<16xi32>
      %add3A_177 = arith.addi %get3A_175, %add3A_176 : vector<16xi32>
      %swap3A_178 = arith.constant 80 : index
      %swap3A_179 = tpu.vector_load %arg23[%swap3A_178] {strides = array<i32>} : memref<128xi32, #tpu.memory_space<vmem>>, vector<16xi32>,
      tpu.vector_store %arg23[%swap3A_178], %add3A_177 {strides = array<i32>} : memref<128xi32, #tpu.memory_space<vmem>>, vector<16xi32>,
      %get3A_180 = arith.constant 96 : index
      %get3A_181 = tpu.vector_load %arg23[%get3A_180] {strides = array<i32>} : memref<128xi32, #tpu.memory_space<vmem>>, vector<16xi32>,
      %add3A_182 = vector.broadcast %mul3A_2 : i32 to vector<16xi32>
      %add3A_183 = arith.addi %get3A_181, %add3A_182 : vector<16xi32>
      %swap3A_184 = arith.constant 96 : index
      %swap3A_185 = tpu.vector_load %arg23[%swap3A_184] {strides = array<i32>} : memref<128xi32, #tpu.memory_space<vmem>>, vector<16xi32>,
      tpu.vector_store %arg23[%swap3A_184], %add3A_183 {strides = array<i32>} : memref<128xi32, #tpu.memory_space<vmem>>, vector<16xi32>,
      %get3A_186 = arith.constant 112 : index
      %get3A_187 = tpu.vector_load %arg23[%get3A_186] {strides = array<i32>} : memref<128xi32, #tpu.memory_space<vmem>>, vector<16xi32>,
      %add3A_188 = vector.broadcast %mul3A_2 : i32 to vector<16xi32>
      %add3A_189 = arith.addi %get3A_187, %add3A_188 : vector<16xi32>
      %swap3A_190 = arith.constant 112 : index
      %swap3A_191 = tpu.vector_load %arg23[%swap3A_190] {strides = array<i32>} : memref<128xi32, #tpu.memory_space<vmem>>, vector<16xi32>,
      tpu.vector_store %arg23[%swap3A_190], %add3A_189 {strides = array<i32>} : memref<128xi32, #tpu.memory_space<vmem>>, vector<16xi32>,
      %dma_start3A_192 = arith.constant 0 : i32
      %dma_start3A_193 = arith.constant 0 : i32
      %dma_start3A_194 = tpu.memref_slice %arg2[%dma_start3A_192, %dma_start3A_193] : memref<20000x128xf32, #tpu.memory_space<hbm>> -> memref<20000x128xf32, #tpu.memory_space<hbm>>
      tpu.enqueue_indirect_dma source(%dma_start3A_194 : memref<20000x128xf32, #tpu.memory_space<hbm>>) target(%arg20 : memref<128x128xf32, #tpu.memory_space<vmem>>) offsets(%arg23 : memref<128xi32, #tpu.memory_space<vmem>>) semaphore(%arg16 : memref<!tpu.dma_semaphore, #tpu.memory_space<semaphore_mem>>)
      %dma_wait3A_195 = tpu.memref_slice %arg3[%mul3A_0] : memref<160000xi32, #tpu.memory_space<hbm>> -> memref<128xi32, #tpu.memory_space<hbm>>
      %dma_wait3A_196 = tpu.memref_slice %arg3[%mul3A_0] : memref<160000xi32, #tpu.memory_space<hbm>> -> memref<128xi32, #tpu.memory_space<hbm>>
      tpu.wait_dma2 semaphore(%arg30 : memref<!tpu.dma_semaphore, #tpu.memory_space<semaphore_mem>>) src(%dma_wait3A_196 : memref<128xi32, #tpu.memory_space<hbm>>) dst(%arg24 : memref<128xi32, #tpu.memory_space<vmem>>)
      %dma_wait3A_197 = tpu.memref_slice %arg4[%mul3A_0] : memref<160000xi32, #tpu.memory_space<hbm>> -> memref<128xi32, #tpu.memory_space<hbm>>
      %dma_wait3A_198 = tpu.memref_slice %arg4[%mul3A_0] : memref<160000xi32, #tpu.memory_space<hbm>> -> memref<128xi32, #tpu.memory_space<hbm>>
      tpu.wait_dma2 semaphore(%arg30 : memref<!tpu.dma_semaphore, #tpu.memory_space<semaphore_mem>>) src(%dma_wait3A_198 : memref<128xi32, #tpu.memory_space<hbm>>) dst(%arg10 : memref<128xi32, #tpu.memory_space<vmem>>)
      %dma_wait3A_199 = tpu.memref_slice %arg5[%mul3A_0] : memref<160000xf32, #tpu.memory_space<hbm>> -> memref<128xf32, #tpu.memory_space<hbm>>
      %dma_wait3A_200 = tpu.memref_slice %arg5[%mul3A_0] : memref<160000xf32, #tpu.memory_space<hbm>> -> memref<128xf32, #tpu.memory_space<hbm>>
      tpu.wait_dma2 semaphore(%arg30 : memref<!tpu.dma_semaphore, #tpu.memory_space<semaphore_mem>>) src(%dma_wait3A_200 : memref<128xf32, #tpu.memory_space<hbm>>) dst(%arg14 : memref<128xf32, #tpu.memory_space<vmem>>)
      %get3A_201 = arith.constant 0 : index
      %get3A_202 = tpu.vector_load %arg24[%get3A_201] {strides = array<i32>} : memref<128xi32, #tpu.memory_space<vmem>>, vector<16xi32>,
      %add3A_203 = vector.broadcast %mul3A_2 : i32 to vector<16xi32>
      %add3A_204 = arith.addi %get3A_202, %add3A_203 : vector<16xi32>
      %swap3A_205 = arith.constant 0 : index
      %swap3A_206 = tpu.vector_load %arg24[%swap3A_205] {strides = array<i32>} : memref<128xi32, #tpu.memory_space<vmem>>, vector<16xi32>,
      tpu.vector_store %arg24[%swap3A_205], %add3A_204 {strides = array<i32>} : memref<128xi32, #tpu.memory_space<vmem>>, vector<16xi32>,
      %get3A_207 = arith.constant 16 : index
      %get3A_208 = tpu.vector_load %arg24[%get3A_207] {strides = array<i32>} : memref<128xi32, #tpu.memory_space<vmem>>, vector<16xi32>,
      %add3A_209 = vector.broadcast %mul3A_2 : i32 to vector<16xi32>
      %add3A_210 = arith.addi %get3A_208, %add3A_209 : vector<16xi32>
      %swap3A_211 = arith.constant 16 : index
      %swap3A_212 = tpu.vector_load %arg24[%swap3A_211] {strides = array<i32>} : memref<128xi32, #tpu.memory_space<vmem>>, vector<16xi32>,
      tpu.vector_store %arg24[%swap3A_211], %add3A_210 {strides = array<i32>} : memref<128xi32, #tpu.memory_space<vmem>>, vector<16xi32>,
      %get3A_213 = arith.constant 32 : index
      %get3A_214 = tpu.vector_load %arg24[%get3A_213] {strides = array<i32>} : memref<128xi32, #tpu.memory_space<vmem>>, vector<16xi32>,
      %add3A_215 = vector.broadcast %mul3A_2 : i32 to vector<16xi32>
      %add3A_216 = arith.addi %get3A_214, %add3A_215 : vector<16xi32>
      %swap3A_217 = arith.constant 32 : index
      %swap3A_218 = tpu.vector_load %arg24[%swap3A_217] {strides = array<i32>} : memref<128xi32, #tpu.memory_space<vmem>>, vector<16xi32>,
      tpu.vector_store %arg24[%swap3A_217], %add3A_216 {strides = array<i32>} : memref<128xi32, #tpu.memory_space<vmem>>, vector<16xi32>,
      %get3A_219 = arith.constant 48 : index
      %get3A_220 = tpu.vector_load %arg24[%get3A_219] {strides = array<i32>} : memref<128xi32, #tpu.memory_space<vmem>>, vector<16xi32>,
      %add3A_221 = vector.broadcast %mul3A_2 : i32 to vector<16xi32>
      %add3A_222 = arith.addi %get3A_220, %add3A_221 : vector<16xi32>
      %swap3A_223 = arith.constant 48 : index
      %swap3A_224 = tpu.vector_load %arg24[%swap3A_223] {strides = array<i32>} : memref<128xi32, #tpu.memory_space<vmem>>, vector<16xi32>,
      tpu.vector_store %arg24[%swap3A_223], %add3A_222 {strides = array<i32>} : memref<128xi32, #tpu.memory_space<vmem>>, vector<16xi32>,
      %get3A_225 = arith.constant 64 : index
      %get3A_226 = tpu.vector_load %arg24[%get3A_225] {strides = array<i32>} : memref<128xi32, #tpu.memory_space<vmem>>, vector<16xi32>,
      %add3A_227 = vector.broadcast %mul3A_2 : i32 to vector<16xi32>
      %add3A_228 = arith.addi %get3A_226, %add3A_227 : vector<16xi32>
      %swap3A_229 = arith.constant 64 : index
      %swap3A_230 = tpu.vector_load %arg24[%swap3A_229] {strides = array<i32>} : memref<128xi32, #tpu.memory_space<vmem>>, vector<16xi32>,
      tpu.vector_store %arg24[%swap3A_229], %add3A_228 {strides = array<i32>} : memref<128xi32, #tpu.memory_space<vmem>>, vector<16xi32>,
      %get3A_231 = arith.constant 80 : index
      %get3A_232 = tpu.vector_load %arg24[%get3A_231] {strides = array<i32>} : memref<128xi32, #tpu.memory_space<vmem>>, vector<16xi32>,
      %add3A_233 = vector.broadcast %mul3A_2 : i32 to vector<16xi32>
      %add3A_234 = arith.addi %get3A_232, %add3A_233 : vector<16xi32>
      %swap3A_235 = arith.constant 80 : index
      %swap3A_236 = tpu.vector_load %arg24[%swap3A_235] {strides = array<i32>} : memref<128xi32, #tpu.memory_space<vmem>>, vector<16xi32>,
      tpu.vector_store %arg24[%swap3A_235], %add3A_234 {strides = array<i32>} : memref<128xi32, #tpu.memory_space<vmem>>, vector<16xi32>,
      %get3A_237 = arith.constant 96 : index
      %get3A_238 = tpu.vector_load %arg24[%get3A_237] {strides = array<i32>} : memref<128xi32, #tpu.memory_space<vmem>>, vector<16xi32>,
      %add3A_239 = vector.broadcast %mul3A_2 : i32 to vector<16xi32>
      %add3A_240 = arith.addi %get3A_238, %add3A_239 : vector<16xi32>
      %swap3A_241 = arith.constant 96 : index
      %swap3A_242 = tpu.vector_load %arg24[%swap3A_241] {strides = array<i32>} : memref<128xi32, #tpu.memory_space<vmem>>, vector<16xi32>,
      tpu.vector_store %arg24[%swap3A_241], %add3A_240 {strides = array<i32>} : memref<128xi32, #tpu.memory_space<vmem>>, vector<16xi32>,
      %get3A_243 = arith.constant 112 : index
      %get3A_244 = tpu.vector_load %arg24[%get3A_243] {strides = array<i32>} : memref<128xi32, #tpu.memory_space<vmem>>, vector<16xi32>,
      %add3A_245 = vector.broadcast %mul3A_2 : i32 to vector<16xi32>
      %add3A_246 = arith.addi %get3A_244, %add3A_245 : vector<16xi32>
      %swap3A_247 = arith.constant 112 : index
      %swap3A_248 = tpu.vector_load %arg24[%swap3A_247] {strides = array<i32>} : memref<128xi32, #tpu.memory_space<vmem>>, vector<16xi32>,
      tpu.vector_store %arg24[%swap3A_247], %add3A_246 {strides = array<i32>} : memref<128xi32, #tpu.memory_space<vmem>>, vector<16xi32>,
      %dma_start3A_249 = arith.constant 0 : i32
      %dma_start3A_250 = arith.constant 0 : i32
      %dma_start3A_251 = tpu.memref_slice %arg2[%dma_start3A_249, %dma_start3A_250] : memref<20000x128xf32, #tpu.memory_space<hbm>> -> memref<20000x128xf32, #tpu.memory_space<hbm>>
      tpu.enqueue_indirect_dma source(%dma_start3A_251 : memref<20000x128xf32, #tpu.memory_space<hbm>>) target(%arg21 : memref<128x128xf32, #tpu.memory_space<vmem>>) offsets(%arg24 : memref<128xi32, #tpu.memory_space<vmem>>) semaphore(%arg17 : memref<!tpu.dma_semaphore, #tpu.memory_space<semaphore_mem>>)
      %dma_wait3A_252 = arith.constant 0 : i32
      %dma_wait3A_253 = arith.constant 0 : i32
      %dma_wait3A_254 = tpu.memref_slice %arg2[%dma_wait3A_252, %dma_wait3A_253] : memref<20000x128xf32, #tpu.memory_space<hbm>> -> memref<20000x128xf32, #tpu.memory_space<hbm>>
      tpu.wait_indirect_dma semaphore(%arg15 : memref<!tpu.dma_semaphore, #tpu.memory_space<semaphore_mem>>) src(%dma_wait3A_254 : memref<20000x128xf32, #tpu.memory_space<hbm>>) dst(%arg19 : memref<128x128xf32, #tpu.memory_space<vmem>>)
      %parallel_loop3A = arith.constant 0 : i32
      %parallel_loop3A_255 = arith.constant 128 : i32
      %parallel_loop3A_256 = arith.constant 1 : i32
      scf.for %parallel_loop3A_305 = %parallel_loop3A to %parallel_loop3A_255 step %parallel_loop3A_256  : i32 {
        %parallel_loop3A_306 = vector.broadcast %parallel_loop3A_305 : i32 to vector<16xi32>
        %parallel_loop3A_307 = tpu.vector_load_idx %arg12[%parallel_loop3A_306] : memref<128xf32, #tpu.memory_space<vmem>>[vector<16xi32>], vector<16xf32>,
        %parallel_loop3A_308 = arith.index_cast %parallel_loop3A_305 : i32 to index
        %parallel_loop3A_309 = arith.constant 0 : index
        %parallel_loop3A_310 = tpu.vector_load %arg19[%parallel_loop3A_308, %parallel_loop3A_309] {strides = array<i32>} : memref<128x128xf32, #tpu.memory_space<vmem>>, vector<16xf32>,
        %parallel_loop3A_311 = arith.mulf %parallel_loop3A_310, %parallel_loop3A_307 : vector<16xf32>
        %parallel_loop3A_312 = arith.index_cast %parallel_loop3A_305 : i32 to index
        %parallel_loop3A_313 = arith.constant 0 : index
        %parallel_loop3A_314 = tpu.vector_load %arg19[%parallel_loop3A_312, %parallel_loop3A_313] {strides = array<i32>} : memref<128x128xf32, #tpu.memory_space<vmem>>, vector<16xf32>,
        tpu.vector_store %arg19[%parallel_loop3A_312, %parallel_loop3A_313], %parallel_loop3A_311 {strides = array<i32>} : memref<128x128xf32, #tpu.memory_space<vmem>>, vector<16xf32>,
        %parallel_loop3A_315 = arith.index_cast %parallel_loop3A_305 : i32 to index
        %parallel_loop3A_316 = arith.constant 16 : index
        %parallel_loop3A_317 = tpu.vector_load %arg19[%parallel_loop3A_315, %parallel_loop3A_316] {strides = array<i32>} : memref<128x128xf32, #tpu.memory_space<vmem>>, vector<16xf32>,
        %parallel_loop3A_318 = arith.mulf %parallel_loop3A_317, %parallel_loop3A_307 : vector<16xf32>
        %parallel_loop3A_319 = arith.index_cast %parallel_loop3A_305 : i32 to index
        %parallel_loop3A_320 = arith.constant 16 : index
        %parallel_loop3A_321 = tpu.vector_load %arg19[%parallel_loop3A_319, %parallel_loop3A_320] {strides = array<i32>} : memref<128x128xf32, #tpu.memory_space<vmem>>, vector<16xf32>,
        tpu.vector_store %arg19[%parallel_loop3A_319, %parallel_loop3A_320], %parallel_loop3A_318 {strides = array<i32>} : memref<128x128xf32, #tpu.memory_space<vmem>>, vector<16xf32>,
        %parallel_loop3A_322 = arith.index_cast %parallel_loop3A_305 : i32 to index
        %parallel_loop3A_323 = arith.constant 32 : index
        %parallel_loop3A_324 = tpu.vector_load %arg19[%parallel_loop3A_322, %parallel_loop3A_323] {strides = array<i32>} : memref<128x128xf32, #tpu.memory_space<vmem>>, vector<16xf32>,
        %parallel_loop3A_325 = arith.mulf %parallel_loop3A_324, %parallel_loop3A_307 : vector<16xf32>
        %parallel_loop3A_326 = arith.index_cast %parallel_loop3A_305 : i32 to index
        %parallel_loop3A_327 = arith.constant 32 : index
        %parallel_loop3A_328 = tpu.vector_load %arg19[%parallel_loop3A_326, %parallel_loop3A_327] {strides = array<i32>} : memref<128x128xf32, #tpu.memory_space<vmem>>, vector<16xf32>,
        tpu.vector_store %arg19[%parallel_loop3A_326, %parallel_loop3A_327], %parallel_loop3A_325 {strides = array<i32>} : memref<128x128xf32, #tpu.memory_space<vmem>>, vector<16xf32>,
        %parallel_loop3A_329 = arith.index_cast %parallel_loop3A_305 : i32 to index
        %parallel_loop3A_330 = arith.constant 48 : index
        %parallel_loop3A_331 = tpu.vector_load %arg19[%parallel_loop3A_329, %parallel_loop3A_330] {strides = array<i32>} : memref<128x128xf32, #tpu.memory_space<vmem>>, vector<16xf32>,
        %parallel_loop3A_332 = arith.mulf %parallel_loop3A_331, %parallel_loop3A_307 : vector<16xf32>
        %parallel_loop3A_333 = arith.index_cast %parallel_loop3A_305 : i32 to index
        %parallel_loop3A_334 = arith.constant 48 : index
        %parallel_loop3A_335 = tpu.vector_load %arg19[%parallel_loop3A_333, %parallel_loop3A_334] {strides = array<i32>} : memref<128x128xf32, #tpu.memory_space<vmem>>, vector<16xf32>,
        tpu.vector_store %arg19[%parallel_loop3A_333, %parallel_loop3A_334], %parallel_loop3A_332 {strides = array<i32>} : memref<128x128xf32, #tpu.memory_space<vmem>>, vector<16xf32>,
        %parallel_loop3A_336 = arith.index_cast %parallel_loop3A_305 : i32 to index
        %parallel_loop3A_337 = arith.constant 64 : index
        %parallel_loop3A_338 = tpu.vector_load %arg19[%parallel_loop3A_336, %parallel_loop3A_337] {strides = array<i32>} : memref<128x128xf32, #tpu.memory_space<vmem>>, vector<16xf32>,
        %parallel_loop3A_339 = arith.mulf %parallel_loop3A_338, %parallel_loop3A_307 : vector<16xf32>
        %parallel_loop3A_340 = arith.index_cast %parallel_loop3A_305 : i32 to index
        %parallel_loop3A_341 = arith.constant 64 : index
        %parallel_loop3A_342 = tpu.vector_load %arg19[%parallel_loop3A_340, %parallel_loop3A_341] {strides = array<i32>} : memref<128x128xf32, #tpu.memory_space<vmem>>, vector<16xf32>,
        tpu.vector_store %arg19[%parallel_loop3A_340, %parallel_loop3A_341], %parallel_loop3A_339 {strides = array<i32>} : memref<128x128xf32, #tpu.memory_space<vmem>>, vector<16xf32>,
        %parallel_loop3A_343 = arith.index_cast %parallel_loop3A_305 : i32 to index
        %parallel_loop3A_344 = arith.constant 80 : index
        %parallel_loop3A_345 = tpu.vector_load %arg19[%parallel_loop3A_343, %parallel_loop3A_344] {strides = array<i32>} : memref<128x128xf32, #tpu.memory_space<vmem>>, vector<16xf32>,
        %parallel_loop3A_346 = arith.mulf %parallel_loop3A_345, %parallel_loop3A_307 : vector<16xf32>
        %parallel_loop3A_347 = arith.index_cast %parallel_loop3A_305 : i32 to index
        %parallel_loop3A_348 = arith.constant 80 : index
        %parallel_loop3A_349 = tpu.vector_load %arg19[%parallel_loop3A_347, %parallel_loop3A_348] {strides = array<i32>} : memref<128x128xf32, #tpu.memory_space<vmem>>, vector<16xf32>,
        tpu.vector_store %arg19[%parallel_loop3A_347, %parallel_loop3A_348], %parallel_loop3A_346 {strides = array<i32>} : memref<128x128xf32, #tpu.memory_space<vmem>>, vector<16xf32>,
        %parallel_loop3A_350 = arith.index_cast %parallel_loop3A_305 : i32 to index
        %parallel_loop3A_351 = arith.constant 96 : index
        %parallel_loop3A_352 = tpu.vector_load %arg19[%parallel_loop3A_350, %parallel_loop3A_351] {strides = array<i32>} : memref<128x128xf32, #tpu.memory_space<vmem>>, vector<16xf32>,
        %parallel_loop3A_353 = arith.mulf %parallel_loop3A_352, %parallel_loop3A_307 : vector<16xf32>
        %parallel_loop3A_354 = arith.index_cast %parallel_loop3A_305 : i32 to index
        %parallel_loop3A_355 = arith.constant 96 : index
        %parallel_loop3A_356 = tpu.vector_load %arg19[%parallel_loop3A_354, %parallel_loop3A_355] {strides = array<i32>} : memref<128x128xf32, #tpu.memory_space<vmem>>, vector<16xf32>,
        tpu.vector_store %arg19[%parallel_loop3A_354, %parallel_loop3A_355], %parallel_loop3A_353 {strides = array<i32>} : memref<128x128xf32, #tpu.memory_space<vmem>>, vector<16xf32>,
        %parallel_loop3A_357 = arith.index_cast %parallel_loop3A_305 : i32 to index
        %parallel_loop3A_358 = arith.constant 112 : index
        %parallel_loop3A_359 = tpu.vector_load %arg19[%parallel_loop3A_357, %parallel_loop3A_358] {strides = array<i32>} : memref<128x128xf32, #tpu.memory_space<vmem>>, vector<16xf32>,
        %parallel_loop3A_360 = arith.mulf %parallel_loop3A_359, %parallel_loop3A_307 : vector<16xf32>
        %parallel_loop3A_361 = arith.index_cast %parallel_loop3A_305 : i32 to index
        %parallel_loop3A_362 = arith.constant 112 : index
        %parallel_loop3A_363 = tpu.vector_load %arg19[%parallel_loop3A_361, %parallel_loop3A_362] {strides = array<i32>} : memref<128x128xf32, #tpu.memory_space<vmem>>, vector<16xf32>,
        tpu.vector_store %arg19[%parallel_loop3A_361, %parallel_loop3A_362], %parallel_loop3A_360 {strides = array<i32>} : memref<128x128xf32, #tpu.memory_space<vmem>>, vector<16xf32>,
      } {sc.loop_unroll_factor = 8 : i64, sc.parallel_access}
      %dma_start3A_257 = arith.constant 0 : i32
      %dma_start3A_258 = arith.constant 0 : i32
      %dma_start3A_259 = tpu.memref_slice %arg7[%dma_start3A_257, %dma_start3A_258] : memref<10000x128xf32, #tpu.memory_space<vmem_shared>> -> memref<10000x128xf32, #tpu.memory_space<vmem_shared>>
      tpu.enqueue_indirect_dma source(%arg19 : memref<128x128xf32, #tpu.memory_space<vmem>>) target(%dma_start3A_259 : memref<10000x128xf32, #tpu.memory_space<vmem_shared>>) offsets(%arg8 : memref<128xi32, #tpu.memory_space<vmem>>) semaphore(%arg25 : memref<!tpu.dma_semaphore, #tpu.memory_space<semaphore_mem>>) {add = true}
      %dma_wait3A_260 = arith.constant 0 : i32
      %dma_wait3A_261 = arith.constant 0 : i32
      %dma_wait3A_262 = tpu.memref_slice %arg2[%dma_wait3A_260, %dma_wait3A_261] : memref<20000x128xf32, #tpu.memory_space<hbm>> -> memref<20000x128xf32, #tpu.memory_space<hbm>>
      tpu.wait_indirect_dma semaphore(%arg16 : memref<!tpu.dma_semaphore, #tpu.memory_space<semaphore_mem>>) src(%dma_wait3A_262 : memref<20000x128xf32, #tpu.memory_space<hbm>>) dst(%arg20 : memref<128x128xf32, #tpu.memory_space<vmem>>)
      %parallel_loop3A_263 = arith.constant 0 : i32
      %parallel_loop3A_264 = arith.constant 128 : i32
      %parallel_loop3A_265 = arith.constant 1 : i32
      scf.for %parallel_loop3A_305 = %parallel_loop3A_263 to %parallel_loop3A_264 step %parallel_loop3A_265  : i32 {
        %parallel_loop3A_306 = vector.broadcast %parallel_loop3A_305 : i32 to vector<16xi32>
        %parallel_loop3A_307 = tpu.vector_load_idx %arg13[%parallel_loop3A_306] : memref<128xf32, #tpu.memory_space<vmem>>[vector<16xi32>], vector<16xf32>,
        %parallel_loop3A_308 = arith.index_cast %parallel_loop3A_305 : i32 to index
        %parallel_loop3A_309 = arith.constant 0 : index
        %parallel_loop3A_310 = tpu.vector_load %arg20[%parallel_loop3A_308, %parallel_loop3A_309] {strides = array<i32>} : memref<128x128xf32, #tpu.memory_space<vmem>>, vector<16xf32>,
        %parallel_loop3A_311 = arith.mulf %parallel_loop3A_310, %parallel_loop3A_307 : vector<16xf32>
        %parallel_loop3A_312 = arith.index_cast %parallel_loop3A_305 : i32 to index
        %parallel_loop3A_313 = arith.constant 0 : index
        %parallel_loop3A_314 = tpu.vector_load %arg20[%parallel_loop3A_312, %parallel_loop3A_313] {strides = array<i32>} : memref<128x128xf32, #tpu.memory_space<vmem>>, vector<16xf32>,
        tpu.vector_store %arg20[%parallel_loop3A_312, %parallel_loop3A_313], %parallel_loop3A_311 {strides = array<i32>} : memref<128x128xf32, #tpu.memory_space<vmem>>, vector<16xf32>,
        %parallel_loop3A_315 = arith.index_cast %parallel_loop3A_305 : i32 to index
        %parallel_loop3A_316 = arith.constant 16 : index
        %parallel_loop3A_317 = tpu.vector_load %arg20[%parallel_loop3A_315, %parallel_loop3A_316] {strides = array<i32>} : memref<128x128xf32, #tpu.memory_space<vmem>>, vector<16xf32>,
        %parallel_loop3A_318 = arith.mulf %parallel_loop3A_317, %parallel_loop3A_307 : vector<16xf32>
        %parallel_loop3A_319 = arith.index_cast %parallel_loop3A_305 : i32 to index
        %parallel_loop3A_320 = arith.constant 16 : index
        %parallel_loop3A_321 = tpu.vector_load %arg20[%parallel_loop3A_319, %parallel_loop3A_320] {strides = array<i32>} : memref<128x128xf32, #tpu.memory_space<vmem>>, vector<16xf32>,
        tpu.vector_store %arg20[%parallel_loop3A_319, %parallel_loop3A_320], %parallel_loop3A_318 {strides = array<i32>} : memref<128x128xf32, #tpu.memory_space<vmem>>, vector<16xf32>,
        %parallel_loop3A_322 = arith.index_cast %parallel_loop3A_305 : i32 to index
        %parallel_loop3A_323 = arith.constant 32 : index
        %parallel_loop3A_324 = tpu.vector_load %arg20[%parallel_loop3A_322, %parallel_loop3A_323] {strides = array<i32>} : memref<128x128xf32, #tpu.memory_space<vmem>>, vector<16xf32>,
        %parallel_loop3A_325 = arith.mulf %parallel_loop3A_324, %parallel_loop3A_307 : vector<16xf32>
        %parallel_loop3A_326 = arith.index_cast %parallel_loop3A_305 : i32 to index
        %parallel_loop3A_327 = arith.constant 32 : index
        %parallel_loop3A_328 = tpu.vector_load %arg20[%parallel_loop3A_326, %parallel_loop3A_327] {strides = array<i32>} : memref<128x128xf32, #tpu.memory_space<vmem>>, vector<16xf32>,
        tpu.vector_store %arg20[%parallel_loop3A_326, %parallel_loop3A_327], %parallel_loop3A_325 {strides = array<i32>} : memref<128x128xf32, #tpu.memory_space<vmem>>, vector<16xf32>,
        %parallel_loop3A_329 = arith.index_cast %parallel_loop3A_305 : i32 to index
        %parallel_loop3A_330 = arith.constant 48 : index
        %parallel_loop3A_331 = tpu.vector_load %arg20[%parallel_loop3A_329, %parallel_loop3A_330] {strides = array<i32>} : memref<128x128xf32, #tpu.memory_space<vmem>>, vector<16xf32>,
        %parallel_loop3A_332 = arith.mulf %parallel_loop3A_331, %parallel_loop3A_307 : vector<16xf32>
        %parallel_loop3A_333 = arith.index_cast %parallel_loop3A_305 : i32 to index
        %parallel_loop3A_334 = arith.constant 48 : index
        %parallel_loop3A_335 = tpu.vector_load %arg20[%parallel_loop3A_333, %parallel_loop3A_334] {strides = array<i32>} : memref<128x128xf32, #tpu.memory_space<vmem>>, vector<16xf32>,
        tpu.vector_store %arg20[%parallel_loop3A_333, %parallel_loop3A_334], %parallel_loop3A_332 {strides = array<i32>} : memref<128x128xf32, #tpu.memory_space<vmem>>, vector<16xf32>,
        %parallel_loop3A_336 = arith.index_cast %parallel_loop3A_305 : i32 to index
        %parallel_loop3A_337 = arith.constant 64 : index
        %parallel_loop3A_338 = tpu.vector_load %arg20[%parallel_loop3A_336, %parallel_loop3A_337] {strides = array<i32>} : memref<128x128xf32, #tpu.memory_space<vmem>>, vector<16xf32>,
        %parallel_loop3A_339 = arith.mulf %parallel_loop3A_338, %parallel_loop3A_307 : vector<16xf32>
        %parallel_loop3A_340 = arith.index_cast %parallel_loop3A_305 : i32 to index
        %parallel_loop3A_341 = arith.constant 64 : index
        %parallel_loop3A_342 = tpu.vector_load %arg20[%parallel_loop3A_340, %parallel_loop3A_341] {strides = array<i32>} : memref<128x128xf32, #tpu.memory_space<vmem>>, vector<16xf32>,
        tpu.vector_store %arg20[%parallel_loop3A_340, %parallel_loop3A_341], %parallel_loop3A_339 {strides = array<i32>} : memref<128x128xf32, #tpu.memory_space<vmem>>, vector<16xf32>,
        %parallel_loop3A_343 = arith.index_cast %parallel_loop3A_305 : i32 to index
        %parallel_loop3A_344 = arith.constant 80 : index
        %parallel_loop3A_345 = tpu.vector_load %arg20[%parallel_loop3A_343, %parallel_loop3A_344] {strides = array<i32>} : memref<128x128xf32, #tpu.memory_space<vmem>>, vector<16xf32>,
        %parallel_loop3A_346 = arith.mulf %parallel_loop3A_345, %parallel_loop3A_307 : vector<16xf32>
        %parallel_loop3A_347 = arith.index_cast %parallel_loop3A_305 : i32 to index
        %parallel_loop3A_348 = arith.constant 80 : index
        %parallel_loop3A_349 = tpu.vector_load %arg20[%parallel_loop3A_347, %parallel_loop3A_348] {strides = array<i32>} : memref<128x128xf32, #tpu.memory_space<vmem>>, vector<16xf32>,
        tpu.vector_store %arg20[%parallel_loop3A_347, %parallel_loop3A_348], %parallel_loop3A_346 {strides = array<i32>} : memref<128x128xf32, #tpu.memory_space<vmem>>, vector<16xf32>,
        %parallel_loop3A_350 = arith.index_cast %parallel_loop3A_305 : i32 to index
        %parallel_loop3A_351 = arith.constant 96 : index
        %parallel_loop3A_352 = tpu.vector_load %arg20[%parallel_loop3A_350, %parallel_loop3A_351] {strides = array<i32>} : memref<128x128xf32, #tpu.memory_space<vmem>>, vector<16xf32>,
        %parallel_loop3A_353 = arith.mulf %parallel_loop3A_352, %parallel_loop3A_307 : vector<16xf32>
        %parallel_loop3A_354 = arith.index_cast %parallel_loop3A_305 : i32 to index
        %parallel_loop3A_355 = arith.constant 96 : index
        %parallel_loop3A_356 = tpu.vector_load %arg20[%parallel_loop3A_354, %parallel_loop3A_355] {strides = array<i32>} : memref<128x128xf32, #tpu.memory_space<vmem>>, vector<16xf32>,
        tpu.vector_store %arg20[%parallel_loop3A_354, %parallel_loop3A_355], %parallel_loop3A_353 {strides = array<i32>} : memref<128x128xf32, #tpu.memory_space<vmem>>, vector<16xf32>,
        %parallel_loop3A_357 = arith.index_cast %parallel_loop3A_305 : i32 to index
        %parallel_loop3A_358 = arith.constant 112 : index
        %parallel_loop3A_359 = tpu.vector_load %arg20[%parallel_loop3A_357, %parallel_loop3A_358] {strides = array<i32>} : memref<128x128xf32, #tpu.memory_space<vmem>>, vector<16xf32>,
        %parallel_loop3A_360 = arith.mulf %parallel_loop3A_359, %parallel_loop3A_307 : vector<16xf32>
        %parallel_loop3A_361 = arith.index_cast %parallel_loop3A_305 : i32 to index
        %parallel_loop3A_362 = arith.constant 112 : index
        %parallel_loop3A_363 = tpu.vector_load %arg20[%parallel_loop3A_361, %parallel_loop3A_362] {strides = array<i32>} : memref<128x128xf32, #tpu.memory_space<vmem>>, vector<16xf32>,
        tpu.vector_store %arg20[%parallel_loop3A_361, %parallel_loop3A_362], %parallel_loop3A_360 {strides = array<i32>} : memref<128x128xf32, #tpu.memory_space<vmem>>, vector<16xf32>,
      } {sc.loop_unroll_factor = 8 : i64, sc.parallel_access}
      %dma_start3A_266 = arith.constant 0 : i32
      %dma_start3A_267 = arith.constant 0 : i32
      %dma_start3A_268 = tpu.memref_slice %arg7[%dma_start3A_266, %dma_start3A_267] : memref<10000x128xf32, #tpu.memory_space<vmem_shared>> -> memref<10000x128xf32, #tpu.memory_space<vmem_shared>>
      tpu.enqueue_indirect_dma source(%arg20 : memref<128x128xf32, #tpu.memory_space<vmem>>) target(%dma_start3A_268 : memref<10000x128xf32, #tpu.memory_space<vmem_shared>>) offsets(%arg9 : memref<128xi32, #tpu.memory_space<vmem>>) semaphore(%arg26 : memref<!tpu.dma_semaphore, #tpu.memory_space<semaphore_mem>>) {add = true}
      %dma_wait3A_269 = arith.constant 0 : i32
      %dma_wait3A_270 = arith.constant 0 : i32
      %dma_wait3A_271 = tpu.memref_slice %arg2[%dma_wait3A_269, %dma_wait3A_270] : memref<20000x128xf32, #tpu.memory_space<hbm>> -> memref<20000x128xf32, #tpu.memory_space<hbm>>
      tpu.wait_indirect_dma semaphore(%arg17 : memref<!tpu.dma_semaphore, #tpu.memory_space<semaphore_mem>>) src(%dma_wait3A_271 : memref<20000x128xf32, #tpu.memory_space<hbm>>) dst(%arg21 : memref<128x128xf32, #tpu.memory_space<vmem>>)
      %parallel_loop3A_272 = arith.constant 0 : i32
      %parallel_loop3A_273 = arith.constant 128 : i32
      %parallel_loop3A_274 = arith.constant 1 : i32
      scf.for %parallel_loop3A_305 = %parallel_loop3A_272 to %parallel_loop3A_273 step %parallel_loop3A_274  : i32 {
        %parallel_loop3A_306 = vector.broadcast %parallel_loop3A_305 : i32 to vector<16xi32>
        %parallel_loop3A_307 = tpu.vector_load_idx %arg14[%parallel_loop3A_306] : memref<128xf32, #tpu.memory_space<vmem>>[vector<16xi32>], vector<16xf32>,
        %parallel_loop3A_308 = arith.index_cast %parallel_loop3A_305 : i32 to index
        %parallel_loop3A_309 = arith.constant 0 : index
        %parallel_loop3A_310 = tpu.vector_load %arg21[%parallel_loop3A_308, %parallel_loop3A_309] {strides = array<i32>} : memref<128x128xf32, #tpu.memory_space<vmem>>, vector<16xf32>,
        %parallel_loop3A_311 = arith.mulf %parallel_loop3A_310, %parallel_loop3A_307 : vector<16xf32>
        %parallel_loop3A_312 = arith.index_cast %parallel_loop3A_305 : i32 to index
        %parallel_loop3A_313 = arith.constant 0 : index
        %parallel_loop3A_314 = tpu.vector_load %arg21[%parallel_loop3A_312, %parallel_loop3A_313] {strides = array<i32>} : memref<128x128xf32, #tpu.memory_space<vmem>>, vector<16xf32>,
        tpu.vector_store %arg21[%parallel_loop3A_312, %parallel_loop3A_313], %parallel_loop3A_311 {strides = array<i32>} : memref<128x128xf32, #tpu.memory_space<vmem>>, vector<16xf32>,
        %parallel_loop3A_315 = arith.index_cast %parallel_loop3A_305 : i32 to index
        %parallel_loop3A_316 = arith.constant 16 : index
        %parallel_loop3A_317 = tpu.vector_load %arg21[%parallel_loop3A_315, %parallel_loop3A_316] {strides = array<i32>} : memref<128x128xf32, #tpu.memory_space<vmem>>, vector<16xf32>,
        %parallel_loop3A_318 = arith.mulf %parallel_loop3A_317, %parallel_loop3A_307 : vector<16xf32>
        %parallel_loop3A_319 = arith.index_cast %parallel_loop3A_305 : i32 to index
        %parallel_loop3A_320 = arith.constant 16 : index
        %parallel_loop3A_321 = tpu.vector_load %arg21[%parallel_loop3A_319, %parallel_loop3A_320] {strides = array<i32>} : memref<128x128xf32, #tpu.memory_space<vmem>>, vector<16xf32>,
        tpu.vector_store %arg21[%parallel_loop3A_319, %parallel_loop3A_320], %parallel_loop3A_318 {strides = array<i32>} : memref<128x128xf32, #tpu.memory_space<vmem>>, vector<16xf32>,
        %parallel_loop3A_322 = arith.index_cast %parallel_loop3A_305 : i32 to index
        %parallel_loop3A_323 = arith.constant 32 : index
        %parallel_loop3A_324 = tpu.vector_load %arg21[%parallel_loop3A_322, %parallel_loop3A_323] {strides = array<i32>} : memref<128x128xf32, #tpu.memory_space<vmem>>, vector<16xf32>,
        %parallel_loop3A_325 = arith.mulf %parallel_loop3A_324, %parallel_loop3A_307 : vector<16xf32>
        %parallel_loop3A_326 = arith.index_cast %parallel_loop3A_305 : i32 to index
        %parallel_loop3A_327 = arith.constant 32 : index
        %parallel_loop3A_328 = tpu.vector_load %arg21[%parallel_loop3A_326, %parallel_loop3A_327] {strides = array<i32>} : memref<128x128xf32, #tpu.memory_space<vmem>>, vector<16xf32>,
        tpu.vector_store %arg21[%parallel_loop3A_326, %parallel_loop3A_327], %parallel_loop3A_325 {strides = array<i32>} : memref<128x128xf32, #tpu.memory_space<vmem>>, vector<16xf32>,
        %parallel_loop3A_329 = arith.index_cast %parallel_loop3A_305 : i32 to index
        %parallel_loop3A_330 = arith.constant 48 : index
        %parallel_loop3A_331 = tpu.vector_load %arg21[%parallel_loop3A_329, %parallel_loop3A_330] {strides = array<i32>} : memref<128x128xf32, #tpu.memory_space<vmem>>, vector<16xf32>,
        %parallel_loop3A_332 = arith.mulf %parallel_loop3A_331, %parallel_loop3A_307 : vector<16xf32>
        %parallel_loop3A_333 = arith.index_cast %parallel_loop3A_305 : i32 to index
        %parallel_loop3A_334 = arith.constant 48 : index
        %parallel_loop3A_335 = tpu.vector_load %arg21[%parallel_loop3A_333, %parallel_loop3A_334] {strides = array<i32>} : memref<128x128xf32, #tpu.memory_space<vmem>>, vector<16xf32>,
        tpu.vector_store %arg21[%parallel_loop3A_333, %parallel_loop3A_334], %parallel_loop3A_332 {strides = array<i32>} : memref<128x128xf32, #tpu.memory_space<vmem>>, vector<16xf32>,
        %parallel_loop3A_336 = arith.index_cast %parallel_loop3A_305 : i32 to index
        %parallel_loop3A_337 = arith.constant 64 : index
        %parallel_loop3A_338 = tpu.vector_load %arg21[%parallel_loop3A_336, %parallel_loop3A_337] {strides = array<i32>} : memref<128x128xf32, #tpu.memory_space<vmem>>, vector<16xf32>,
        %parallel_loop3A_339 = arith.mulf %parallel_loop3A_338, %parallel_loop3A_307 : vector<16xf32>
        %parallel_loop3A_340 = arith.index_cast %parallel_loop3A_305 : i32 to index
        %parallel_loop3A_341 = arith.constant 64 : index
        %parallel_loop3A_342 = tpu.vector_load %arg21[%parallel_loop3A_340, %parallel_loop3A_341] {strides = array<i32>} : memref<128x128xf32, #tpu.memory_space<vmem>>, vector<16xf32>,
        tpu.vector_store %arg21[%parallel_loop3A_340, %parallel_loop3A_341], %parallel_loop3A_339 {strides = array<i32>} : memref<128x128xf32, #tpu.memory_space<vmem>>, vector<16xf32>,
        %parallel_loop3A_343 = arith.index_cast %parallel_loop3A_305 : i32 to index
        %parallel_loop3A_344 = arith.constant 80 : index
        %parallel_loop3A_345 = tpu.vector_load %arg21[%parallel_loop3A_343, %parallel_loop3A_344] {strides = array<i32>} : memref<128x128xf32, #tpu.memory_space<vmem>>, vector<16xf32>,
        %parallel_loop3A_346 = arith.mulf %parallel_loop3A_345, %parallel_loop3A_307 : vector<16xf32>
        %parallel_loop3A_347 = arith.index_cast %parallel_loop3A_305 : i32 to index
        %parallel_loop3A_348 = arith.constant 80 : index
        %parallel_loop3A_349 = tpu.vector_load %arg21[%parallel_loop3A_347, %parallel_loop3A_348] {strides = array<i32>} : memref<128x128xf32, #tpu.memory_space<vmem>>, vector<16xf32>,
        tpu.vector_store %arg21[%parallel_loop3A_347, %parallel_loop3A_348], %parallel_loop3A_346 {strides = array<i32>} : memref<128x128xf32, #tpu.memory_space<vmem>>, vector<16xf32>,
        %parallel_loop3A_350 = arith.index_cast %parallel_loop3A_305 : i32 to index
        %parallel_loop3A_351 = arith.constant 96 : index
        %parallel_loop3A_352 = tpu.vector_load %arg21[%parallel_loop3A_350, %parallel_loop3A_351] {strides = array<i32>} : memref<128x128xf32, #tpu.memory_space<vmem>>, vector<16xf32>,
        %parallel_loop3A_353 = arith.mulf %parallel_loop3A_352, %parallel_loop3A_307 : vector<16xf32>
        %parallel_loop3A_354 = arith.index_cast %parallel_loop3A_305 : i32 to index
        %parallel_loop3A_355 = arith.constant 96 : index
        %parallel_loop3A_356 = tpu.vector_load %arg21[%parallel_loop3A_354, %parallel_loop3A_355] {strides = array<i32>} : memref<128x128xf32, #tpu.memory_space<vmem>>, vector<16xf32>,
        tpu.vector_store %arg21[%parallel_loop3A_354, %parallel_loop3A_355], %parallel_loop3A_353 {strides = array<i32>} : memref<128x128xf32, #tpu.memory_space<vmem>>, vector<16xf32>,
        %parallel_loop3A_357 = arith.index_cast %parallel_loop3A_305 : i32 to index
        %parallel_loop3A_358 = arith.constant 112 : index
        %parallel_loop3A_359 = tpu.vector_load %arg21[%parallel_loop3A_357, %parallel_loop3A_358] {strides = array<i32>} : memref<128x128xf32, #tpu.memory_space<vmem>>, vector<16xf32>,
        %parallel_loop3A_360 = arith.mulf %parallel_loop3A_359, %parallel_loop3A_307 : vector<16xf32>
        %parallel_loop3A_361 = arith.index_cast %parallel_loop3A_305 : i32 to index
        %parallel_loop3A_362 = arith.constant 112 : index
        %parallel_loop3A_363 = tpu.vector_load %arg21[%parallel_loop3A_361, %parallel_loop3A_362] {strides = array<i32>} : memref<128x128xf32, #tpu.memory_space<vmem>>, vector<16xf32>,
        tpu.vector_store %arg21[%parallel_loop3A_361, %parallel_loop3A_362], %parallel_loop3A_360 {strides = array<i32>} : memref<128x128xf32, #tpu.memory_space<vmem>>, vector<16xf32>,
      } {sc.loop_unroll_factor = 8 : i64, sc.parallel_access}
      %dma_start3A_275 = arith.constant 0 : i32
      %dma_start3A_276 = arith.constant 0 : i32
      %dma_start3A_277 = tpu.memref_slice %arg7[%dma_start3A_275, %dma_start3A_276] : memref<10000x128xf32, #tpu.memory_space<vmem_shared>> -> memref<10000x128xf32, #tpu.memory_space<vmem_shared>>
      tpu.enqueue_indirect_dma source(%arg21 : memref<128x128xf32, #tpu.memory_space<vmem>>) target(%dma_start3A_277 : memref<10000x128xf32, #tpu.memory_space<vmem_shared>>) offsets(%arg10 : memref<128xi32, #tpu.memory_space<vmem>>) semaphore(%arg27 : memref<!tpu.dma_semaphore, #tpu.memory_space<semaphore_mem>>) {add = true}
      %add3A_278 = arith.constant 3 : i32
      %add3A_279 = arith.addi %mul3A_80, %add3A_278 : i32
      %add3A_280 = arith.constant 0 : i32
      %add3A_281 = arith.addi %add3A_279, %add3A_280 : i32
      %lt3A = arith.constant 78 : i32
      %lt3A_282 = arith.cmpi slt, %add3A_281, %lt3A : i32
      %convert_element_type3A_283 = arith.extui %lt3A_282 : i1 to i32
      %cond3A_284 = arith.constant 0 : i32
      %cond3A_285 = arith.cmpi ne, %convert_element_type3A_283, %cond3A_284 : i32
      scf.if %cond3A_285 {
        %dma_wait3A_305 = arith.constant 0 : i32
        %dma_wait3A_306 = arith.constant 0 : i32
        %dma_wait3A_307 = tpu.memref_slice %arg7[%dma_wait3A_305, %dma_wait3A_306] : memref<10000x128xf32, #tpu.memory_space<vmem_shared>> -> memref<10000x128xf32, #tpu.memory_space<vmem_shared>>
        tpu.wait_indirect_dma semaphore(%arg25 : memref<!tpu.dma_semaphore, #tpu.memory_space<semaphore_mem>>) src(%arg19 : memref<128x128xf32, #tpu.memory_space<vmem>>) dst(%dma_wait3A_307 : memref<10000x128xf32, #tpu.memory_space<vmem_shared>>)
        %mul3A_308 = arith.constant 128 : i32
        %mul3A_309 = arith.muli %add3A_281, %mul3A_308 : i32
        %add3A_310 = arith.addi %mul3A_0, %mul3A_309 : i32
        %dma_start3A_311 = tpu.memref_slice %arg3[%add3A_310] : memref<160000xi32, #tpu.memory_space<hbm>> -> memref<128xi32, #tpu.memory_space<hbm>>
        %dma_start3A_312 = tpu.memref_slice %arg3[%add3A_310] : memref<160000xi32, #tpu.memory_space<hbm>> -> memref<128xi32, #tpu.memory_space<hbm>>
        tpu.enqueue_dma source(%dma_start3A_312 : memref<128xi32, #tpu.memory_space<hbm>>) target(%arg22 : memref<128xi32, #tpu.memory_space<vmem>>) target_semaphore(%arg28 : memref<!tpu.dma_semaphore, #tpu.memory_space<semaphore_mem>>)
        %dma_start3A_313 = tpu.memref_slice %arg4[%add3A_310] : memref<160000xi32, #tpu.memory_space<hbm>> -> memref<128xi32, #tpu.memory_space<hbm>>
        %dma_start3A_314 = tpu.memref_slice %arg4[%add3A_310] : memref<160000xi32, #tpu.memory_space<hbm>> -> memref<128xi32, #tpu.memory_space<hbm>>
        tpu.enqueue_dma source(%dma_start3A_314 : memref<128xi32, #tpu.memory_space<hbm>>) target(%arg8 : memref<128xi32, #tpu.memory_space<vmem>>) target_semaphore(%arg28 : memref<!tpu.dma_semaphore, #tpu.memory_space<semaphore_mem>>)
        %dma_start3A_315 = tpu.memref_slice %arg5[%add3A_310] : memref<160000xf32, #tpu.memory_space<hbm>> -> memref<128xf32, #tpu.memory_space<hbm>>
        %dma_start3A_316 = tpu.memref_slice %arg5[%add3A_310] : memref<160000xf32, #tpu.memory_space<hbm>> -> memref<128xf32, #tpu.memory_space<hbm>>
        tpu.enqueue_dma source(%dma_start3A_316 : memref<128xf32, #tpu.memory_space<hbm>>) target(%arg12 : memref<128xf32, #tpu.memory_space<vmem>>) target_semaphore(%arg28 : memref<!tpu.dma_semaphore, #tpu.memory_space<semaphore_mem>>)
      } else {
      }
      %add3A_286 = arith.constant 3 : i32
      %add3A_287 = arith.addi %mul3A_80, %add3A_286 : i32
      %add3A_288 = arith.constant 1 : i32
      %add3A_289 = arith.addi %add3A_287, %add3A_288 : i32
      %lt3A_290 = arith.constant 78 : i32
      %lt3A_291 = arith.cmpi slt, %add3A_289, %lt3A_290 : i32
      %convert_element_type3A_292 = arith.extui %lt3A_291 : i1 to i32
      %cond3A_293 = arith.constant 0 : i32
      %cond3A_294 = arith.cmpi ne, %convert_element_type3A_292, %cond3A_293 : i32
      scf.if %cond3A_294 {
        %dma_wait3A_305 = arith.constant 0 : i32
        %dma_wait3A_306 = arith.constant 0 : i32
        %dma_wait3A_307 = tpu.memref_slice %arg7[%dma_wait3A_305, %dma_wait3A_306] : memref<10000x128xf32, #tpu.memory_space<vmem_shared>> -> memref<10000x128xf32, #tpu.memory_space<vmem_shared>>
        tpu.wait_indirect_dma semaphore(%arg26 : memref<!tpu.dma_semaphore, #tpu.memory_space<semaphore_mem>>) src(%arg20 : memref<128x128xf32, #tpu.memory_space<vmem>>) dst(%dma_wait3A_307 : memref<10000x128xf32, #tpu.memory_space<vmem_shared>>)
        %mul3A_308 = arith.constant 128 : i32
        %mul3A_309 = arith.muli %add3A_289, %mul3A_308 : i32
        %add3A_310 = arith.addi %mul3A_0, %mul3A_309 : i32
        %dma_start3A_311 = tpu.memref_slice %arg3[%add3A_310] : memref<160000xi32, #tpu.memory_space<hbm>> -> memref<128xi32, #tpu.memory_space<hbm>>
        %dma_start3A_312 = tpu.memref_slice %arg3[%add3A_310] : memref<160000xi32, #tpu.memory_space<hbm>> -> memref<128xi32, #tpu.memory_space<hbm>>
        tpu.enqueue_dma source(%dma_start3A_312 : memref<128xi32, #tpu.memory_space<hbm>>) target(%arg23 : memref<128xi32, #tpu.memory_space<vmem>>) target_semaphore(%arg29 : memref<!tpu.dma_semaphore, #tpu.memory_space<semaphore_mem>>)
        %dma_start3A_313 = tpu.memref_slice %arg4[%add3A_310] : memref<160000xi32, #tpu.memory_space<hbm>> -> memref<128xi32, #tpu.memory_space<hbm>>
        %dma_start3A_314 = tpu.memref_slice %arg4[%add3A_310] : memref<160000xi32, #tpu.memory_space<hbm>> -> memref<128xi32, #tpu.memory_space<hbm>>
        tpu.enqueue_dma source(%dma_start3A_314 : memref<128xi32, #tpu.memory_space<hbm>>) target(%arg9 : memref<128xi32, #tpu.memory_space<vmem>>) target_semaphore(%arg29 : memref<!tpu.dma_semaphore, #tpu.memory_space<semaphore_mem>>)
        %dma_start3A_315 = tpu.memref_slice %arg5[%add3A_310] : memref<160000xf32, #tpu.memory_space<hbm>> -> memref<128xf32, #tpu.memory_space<hbm>>
        %dma_start3A_316 = tpu.memref_slice %arg5[%add3A_310] : memref<160000xf32, #tpu.memory_space<hbm>> -> memref<128xf32, #tpu.memory_space<hbm>>
        tpu.enqueue_dma source(%dma_start3A_316 : memref<128xf32, #tpu.memory_space<hbm>>) target(%arg13 : memref<128xf32, #tpu.memory_space<vmem>>) target_semaphore(%arg29 : memref<!tpu.dma_semaphore, #tpu.memory_space<semaphore_mem>>)
      } else {
      }
      %add3A_295 = arith.constant 3 : i32
      %add3A_296 = arith.addi %mul3A_80, %add3A_295 : i32
      %add3A_297 = arith.constant 2 : i32
      %add3A_298 = arith.addi %add3A_296, %add3A_297 : i32
      %lt3A_299 = arith.constant 78 : i32
      %lt3A_300 = arith.cmpi slt, %add3A_298, %lt3A_299 : i32
      %convert_element_type3A_301 = arith.extui %lt3A_300 : i1 to i32
      %cond3A_302 = arith.constant 0 : i32
      %cond3A_303 = arith.cmpi ne, %convert_element_type3A_301, %cond3A_302 : i32
      scf.if %cond3A_303 {
        %dma_wait3A_305 = arith.constant 0 : i32
        %dma_wait3A_306 = arith.constant 0 : i32
        %dma_wait3A_307 = tpu.memref_slice %arg7[%dma_wait3A_305, %dma_wait3A_306] : memref<10000x128xf32, #tpu.memory_space<vmem_shared>> -> memref<10000x128xf32, #tpu.memory_space<vmem_shared>>
        tpu.wait_indirect_dma semaphore(%arg27 : memref<!tpu.dma_semaphore, #tpu.memory_space<semaphore_mem>>) src(%arg21 : memref<128x128xf32, #tpu.memory_space<vmem>>) dst(%dma_wait3A_307 : memref<10000x128xf32, #tpu.memory_space<vmem_shared>>)
        %mul3A_308 = arith.constant 128 : i32
        %mul3A_309 = arith.muli %add3A_298, %mul3A_308 : i32
        %add3A_310 = arith.addi %mul3A_0, %mul3A_309 : i32
        %dma_start3A_311 = tpu.memref_slice %arg3[%add3A_310] : memref<160000xi32, #tpu.memory_space<hbm>> -> memref<128xi32, #tpu.memory_space<hbm>>
        %dma_start3A_312 = tpu.memref_slice %arg3[%add3A_310] : memref<160000xi32, #tpu.memory_space<hbm>> -> memref<128xi32, #tpu.memory_space<hbm>>
        tpu.enqueue_dma source(%dma_start3A_312 : memref<128xi32, #tpu.memory_space<hbm>>) target(%arg24 : memref<128xi32, #tpu.memory_space<vmem>>) target_semaphore(%arg30 : memref<!tpu.dma_semaphore, #tpu.memory_space<semaphore_mem>>)
        %dma_start3A_313 = tpu.memref_slice %arg4[%add3A_310] : memref<160000xi32, #tpu.memory_space<hbm>> -> memref<128xi32, #tpu.memory_space<hbm>>
        %dma_start3A_314 = tpu.memref_slice %arg4[%add3A_310] : memref<160000xi32, #tpu.memory_space<hbm>> -> memref<128xi32, #tpu.memory_space<hbm>>
        tpu.enqueue_dma source(%dma_start3A_314 : memref<128xi32, #tpu.memory_space<hbm>>) target(%arg10 : memref<128xi32, #tpu.memory_space<vmem>>) target_semaphore(%arg30 : memref<!tpu.dma_semaphore, #tpu.memory_space<semaphore_mem>>)
        %dma_start3A_315 = tpu.memref_slice %arg5[%add3A_310] : memref<160000xf32, #tpu.memory_space<hbm>> -> memref<128xf32, #tpu.memory_space<hbm>>
        %dma_start3A_316 = tpu.memref_slice %arg5[%add3A_310] : memref<160000xf32, #tpu.memory_space<hbm>> -> memref<128xf32, #tpu.memory_space<hbm>>
        tpu.enqueue_dma source(%dma_start3A_316 : memref<128xf32, #tpu.memory_space<hbm>>) target(%arg14 : memref<128xf32, #tpu.memory_space<vmem>>) target_semaphore(%arg30 : memref<!tpu.dma_semaphore, #tpu.memory_space<semaphore_mem>>)
      } else {
      }
      %scan3A_304 = arith.constant 0 : i32
      scf.yield %scan3A_304 : i32
    }
    %scan3A_46 = arith.constant 26 : i32
    %add3A_47 = arith.constant 9984 : i32
    %add3A_48 = arith.addi %mul3A_0, %add3A_47 : i32
    %dma_wait3A = arith.constant 0 : i32
    %dma_wait3A_49 = arith.constant 0 : i32
    %dma_wait3A_50 = tpu.memref_slice %arg7[%dma_wait3A, %dma_wait3A_49] : memref<10000x128xf32, #tpu.memory_space<vmem_shared>> -> memref<10000x128xf32, #tpu.memory_space<vmem_shared>>
    tpu.wait_indirect_dma semaphore(%arg25 : memref<!tpu.dma_semaphore, #tpu.memory_space<semaphore_mem>>) src(%arg19 : memref<128x128xf32, #tpu.memory_space<vmem>>) dst(%dma_wait3A_50 : memref<10000x128xf32, #tpu.memory_space<vmem_shared>>)
    "tpu.region"() ({
      %run_scoped3A = tpu.sem_alloc : memref<!tpu.dma_semaphore, #tpu.memory_space<semaphore_mem>>
      %dma_start3A_77 = arith.constant 0 : i32
      %dma_start3A_78 = tpu.memref_slice %arg22[%dma_start3A_77] : memref<128xi32, #tpu.memory_space<vmem>> -> memref<16xi32, #tpu.memory_space<vmem>>
      %dma_start3A_79 = tpu.memref_slice %arg3[%add3A_48] : memref<160000xi32, #tpu.memory_space<hbm>> -> memref<16xi32, #tpu.memory_space<hbm>>
      %dma_start3A_80 = arith.constant 0 : i32
      %dma_start3A_81 = tpu.memref_slice %arg22[%dma_start3A_80] : memref<128xi32, #tpu.memory_space<vmem>> -> memref<16xi32, #tpu.memory_space<vmem>>
      %dma_start3A_82 = tpu.memref_slice %arg3[%add3A_48] : memref<160000xi32, #tpu.memory_space<hbm>> -> memref<16xi32, #tpu.memory_space<hbm>>
      tpu.enqueue_dma source(%dma_start3A_82 : memref<16xi32, #tpu.memory_space<hbm>>) target(%dma_start3A_81 : memref<16xi32, #tpu.memory_space<vmem>>) target_semaphore(%run_scoped3A : memref<!tpu.dma_semaphore, #tpu.memory_space<semaphore_mem>>)
      %dma_wait3A_83 = arith.constant 0 : i32
      %dma_wait3A_84 = tpu.memref_slice %arg22[%dma_wait3A_83] : memref<128xi32, #tpu.memory_space<vmem>> -> memref<16xi32, #tpu.memory_space<vmem>>
      %dma_wait3A_85 = tpu.memref_slice %arg3[%add3A_48] : memref<160000xi32, #tpu.memory_space<hbm>> -> memref<16xi32, #tpu.memory_space<hbm>>
      %dma_wait3A_86 = arith.constant 0 : i32
      %dma_wait3A_87 = tpu.memref_slice %arg22[%dma_wait3A_86] : memref<128xi32, #tpu.memory_space<vmem>> -> memref<16xi32, #tpu.memory_space<vmem>>
      %dma_wait3A_88 = tpu.memref_slice %arg3[%add3A_48] : memref<160000xi32, #tpu.memory_space<hbm>> -> memref<16xi32, #tpu.memory_space<hbm>>
      tpu.wait_dma2 semaphore(%run_scoped3A : memref<!tpu.dma_semaphore, #tpu.memory_space<semaphore_mem>>) src(%dma_wait3A_88 : memref<16xi32, #tpu.memory_space<hbm>>) dst(%dma_wait3A_87 : memref<16xi32, #tpu.memory_space<vmem>>)
      tpu.yield
    }) : () -> ()
    "tpu.region"() ({
      %run_scoped3A = tpu.sem_alloc : memref<!tpu.dma_semaphore, #tpu.memory_space<semaphore_mem>>
      %dma_start3A_77 = tpu.memref_slice %arg4[%add3A_48] : memref<160000xi32, #tpu.memory_space<hbm>> -> memref<16xi32, #tpu.memory_space<hbm>>
      %dma_start3A_78 = tpu.memref_slice %arg4[%add3A_48] : memref<160000xi32, #tpu.memory_space<hbm>> -> memref<16xi32, #tpu.memory_space<hbm>>
      tpu.enqueue_dma source(%dma_start3A_78 : memref<16xi32, #tpu.memory_space<hbm>>) target(%arg11 : memref<16xi32, #tpu.memory_space<vmem>>) target_semaphore(%run_scoped3A : memref<!tpu.dma_semaphore, #tpu.memory_space<semaphore_mem>>)
      %dma_wait3A_79 = tpu.memref_slice %arg4[%add3A_48] : memref<160000xi32, #tpu.memory_space<hbm>> -> memref<16xi32, #tpu.memory_space<hbm>>
      %dma_wait3A_80 = tpu.memref_slice %arg4[%add3A_48] : memref<160000xi32, #tpu.memory_space<hbm>> -> memref<16xi32, #tpu.memory_space<hbm>>
      tpu.wait_dma2 semaphore(%run_scoped3A : memref<!tpu.dma_semaphore, #tpu.memory_space<semaphore_mem>>) src(%dma_wait3A_80 : memref<16xi32, #tpu.memory_space<hbm>>) dst(%arg11 : memref<16xi32, #tpu.memory_space<vmem>>)
      tpu.yield
    }) : () -> ()
    "tpu.region"() ({
      %run_scoped3A = tpu.sem_alloc : memref<!tpu.dma_semaphore, #tpu.memory_space<semaphore_mem>>
      %dma_start3A_77 = arith.constant 0 : i32
      %dma_start3A_78 = tpu.memref_slice %arg12[%dma_start3A_77] : memref<128xf32, #tpu.memory_space<vmem>> -> memref<16xf32, #tpu.memory_space<vmem>>
      %dma_start3A_79 = tpu.memref_slice %arg5[%add3A_48] : memref<160000xf32, #tpu.memory_space<hbm>> -> memref<16xf32, #tpu.memory_space<hbm>>
      %dma_start3A_80 = arith.constant 0 : i32
      %dma_start3A_81 = tpu.memref_slice %arg12[%dma_start3A_80] : memref<128xf32, #tpu.memory_space<vmem>> -> memref<16xf32, #tpu.memory_space<vmem>>
      %dma_start3A_82 = tpu.memref_slice %arg5[%add3A_48] : memref<160000xf32, #tpu.memory_space<hbm>> -> memref<16xf32, #tpu.memory_space<hbm>>
      tpu.enqueue_dma source(%dma_start3A_82 : memref<16xf32, #tpu.memory_space<hbm>>) target(%dma_start3A_81 : memref<16xf32, #tpu.memory_space<vmem>>) target_semaphore(%run_scoped3A : memref<!tpu.dma_semaphore, #tpu.memory_space<semaphore_mem>>)
      %dma_wait3A_83 = arith.constant 0 : i32
      %dma_wait3A_84 = tpu.memref_slice %arg12[%dma_wait3A_83] : memref<128xf32, #tpu.memory_space<vmem>> -> memref<16xf32, #tpu.memory_space<vmem>>
      %dma_wait3A_85 = tpu.memref_slice %arg5[%add3A_48] : memref<160000xf32, #tpu.memory_space<hbm>> -> memref<16xf32, #tpu.memory_space<hbm>>
      %dma_wait3A_86 = arith.constant 0 : i32
      %dma_wait3A_87 = tpu.memref_slice %arg12[%dma_wait3A_86] : memref<128xf32, #tpu.memory_space<vmem>> -> memref<16xf32, #tpu.memory_space<vmem>>
      %dma_wait3A_88 = tpu.memref_slice %arg5[%add3A_48] : memref<160000xf32, #tpu.memory_space<hbm>> -> memref<16xf32, #tpu.memory_space<hbm>>
      tpu.wait_dma2 semaphore(%run_scoped3A : memref<!tpu.dma_semaphore, #tpu.memory_space<semaphore_mem>>) src(%dma_wait3A_88 : memref<16xf32, #tpu.memory_space<hbm>>) dst(%dma_wait3A_87 : memref<16xf32, #tpu.memory_space<vmem>>)
      tpu.yield
    }) : () -> ()
    %get3A = arith.constant 0 : index
    %get3A_51 = tpu.vector_load %arg22[%get3A] {strides = array<i32>} : memref<128xi32, #tpu.memory_space<vmem>>, vector<16xi32>,
    %add3A_52 = vector.broadcast %mul3A_2 : i32 to vector<16xi32>
    %add3A_53 = arith.addi %get3A_51, %add3A_52 : vector<16xi32>
    %swap3A = arith.constant 0 : index
    %swap3A_54 = tpu.vector_load %arg22[%swap3A] {strides = array<i32>} : memref<128xi32, #tpu.memory_space<vmem>>, vector<16xi32>,
    tpu.vector_store %arg22[%swap3A], %add3A_53 {strides = array<i32>} : memref<128xi32, #tpu.memory_space<vmem>>, vector<16xi32>,
    "tpu.region"() ({
      %run_scoped3A = tpu.sem_alloc : memref<!tpu.dma_semaphore, #tpu.memory_space<semaphore_mem>>
      %dma_start3A_77 = arith.constant 0 : i32
      %dma_start3A_78 = arith.constant 0 : i32
      %dma_start3A_79 = tpu.memref_slice %arg19[%dma_start3A_77, %dma_start3A_78] : memref<128x128xf32, #tpu.memory_space<vmem>> -> memref<16x128xf32, #tpu.memory_space<vmem>>
      %dma_start3A_80 = arith.constant 0 : i32
      %dma_start3A_81 = tpu.memref_slice %arg22[%dma_start3A_80] : memref<128xi32, #tpu.memory_space<vmem>> -> memref<16xi32, #tpu.memory_space<vmem>>
      %dma_start3A_82 = arith.constant 0 : i32
      %dma_start3A_83 = arith.constant 0 : i32
      %dma_start3A_84 = tpu.memref_slice %arg2[%dma_start3A_82, %dma_start3A_83] : memref<20000x128xf32, #tpu.memory_space<hbm>> -> memref<20000x128xf32, #tpu.memory_space<hbm>>
      tpu.enqueue_indirect_dma source(%dma_start3A_84 : memref<20000x128xf32, #tpu.memory_space<hbm>>) target(%dma_start3A_79 : memref<16x128xf32, #tpu.memory_space<vmem>>) offsets(%dma_start3A_81 : memref<16xi32, #tpu.memory_space<vmem>>) semaphore(%run_scoped3A : memref<!tpu.dma_semaphore, #tpu.memory_space<semaphore_mem>>)
      %dma_wait3A_85 = arith.constant 0 : i32
      %dma_wait3A_86 = arith.constant 0 : i32
      %dma_wait3A_87 = tpu.memref_slice %arg19[%dma_wait3A_85, %dma_wait3A_86] : memref<128x128xf32, #tpu.memory_space<vmem>> -> memref<16x128xf32, #tpu.memory_space<vmem>>
      %dma_wait3A_88 = arith.constant 0 : i32
      %dma_wait3A_89 = tpu.memref_slice %arg22[%dma_wait3A_88] : memref<128xi32, #tpu.memory_space<vmem>> -> memref<16xi32, #tpu.memory_space<vmem>>
      %dma_wait3A_90 = arith.constant 0 : i32
      %dma_wait3A_91 = arith.constant 0 : i32
      %dma_wait3A_92 = tpu.memref_slice %arg2[%dma_wait3A_90, %dma_wait3A_91] : memref<20000x128xf32, #tpu.memory_space<hbm>> -> memref<20000x128xf32, #tpu.memory_space<hbm>>
      tpu.wait_indirect_dma semaphore(%run_scoped3A : memref<!tpu.dma_semaphore, #tpu.memory_space<semaphore_mem>>) src(%dma_wait3A_92 : memref<20000x128xf32, #tpu.memory_space<hbm>>) dst(%dma_wait3A_87 : memref<16x128xf32, #tpu.memory_space<vmem>>)
      tpu.yield
    }) : () -> ()
    %scan3A_55 = arith.constant 0 : i32
    %scan3A_56 = arith.constant 0 : i32
    %scan3A_57 = arith.constant 16 : i32
    %scan3A_58 = arith.addi %scan3A_56, %scan3A_57 : i32
    %scan3A_59 = arith.constant 8 : i32
    %scan3A_60 = scf.for %scan3A_77 = %scan3A_56 to %scan3A_58 step %scan3A_59 iter_args(%scan3A_78 = %scan3A_55) -> (i32)  : i32 {
      %broadcast_in_dim3A = vector.broadcast %scan3A_77 : i32 to vector<16xi32>
      %gather3A = tpu.vector_load_idx %arg12[%broadcast_in_dim3A] : memref<128xf32, #tpu.memory_space<vmem>>[vector<16xi32>], vector<16xf32>,
      %get3A_79 = arith.index_cast %scan3A_77 : i32 to index
      %get3A_80 = arith.constant 0 : index
      %get3A_81 = tpu.vector_load %arg19[%get3A_79, %get3A_80] {strides = array<i32>} : memref<128x128xf32, #tpu.memory_space<vmem>>, vector<16xf32>,
      %mul3A_82 = arith.mulf %get3A_81, %gather3A : vector<16xf32>
      %swap3A_83 = arith.index_cast %scan3A_77 : i32 to index
      %swap3A_84 = arith.constant 0 : index
      %swap3A_85 = tpu.vector_load %arg19[%swap3A_83, %swap3A_84] {strides = array<i32>} : memref<128x128xf32, #tpu.memory_space<vmem>>, vector<16xf32>,
      tpu.vector_store %arg19[%swap3A_83, %swap3A_84], %mul3A_82 {strides = array<i32>} : memref<128x128xf32, #tpu.memory_space<vmem>>, vector<16xf32>,
      %get3A_86 = arith.index_cast %scan3A_77 : i32 to index
      %get3A_87 = arith.constant 16 : index
      %get3A_88 = tpu.vector_load %arg19[%get3A_86, %get3A_87] {strides = array<i32>} : memref<128x128xf32, #tpu.memory_space<vmem>>, vector<16xf32>,
      %mul3A_89 = arith.mulf %get3A_88, %gather3A : vector<16xf32>
      %swap3A_90 = arith.index_cast %scan3A_77 : i32 to index
      %swap3A_91 = arith.constant 16 : index
      %swap3A_92 = tpu.vector_load %arg19[%swap3A_90, %swap3A_91] {strides = array<i32>} : memref<128x128xf32, #tpu.memory_space<vmem>>, vector<16xf32>,
      tpu.vector_store %arg19[%swap3A_90, %swap3A_91], %mul3A_89 {strides = array<i32>} : memref<128x128xf32, #tpu.memory_space<vmem>>, vector<16xf32>,
      %get3A_93 = arith.index_cast %scan3A_77 : i32 to index
      %get3A_94 = arith.constant 32 : index
      %get3A_95 = tpu.vector_load %arg19[%get3A_93, %get3A_94] {strides = array<i32>} : memref<128x128xf32, #tpu.memory_space<vmem>>, vector<16xf32>,
      %mul3A_96 = arith.mulf %get3A_95, %gather3A : vector<16xf32>
      %swap3A_97 = arith.index_cast %scan3A_77 : i32 to index
      %swap3A_98 = arith.constant 32 : index
      %swap3A_99 = tpu.vector_load %arg19[%swap3A_97, %swap3A_98] {strides = array<i32>} : memref<128x128xf32, #tpu.memory_space<vmem>>, vector<16xf32>,
      tpu.vector_store %arg19[%swap3A_97, %swap3A_98], %mul3A_96 {strides = array<i32>} : memref<128x128xf32, #tpu.memory_space<vmem>>, vector<16xf32>,
      %get3A_100 = arith.index_cast %scan3A_77 : i32 to index
      %get3A_101 = arith.constant 48 : index
      %get3A_102 = tpu.vector_load %arg19[%get3A_100, %get3A_101] {strides = array<i32>} : memref<128x128xf32, #tpu.memory_space<vmem>>, vector<16xf32>,
      %mul3A_103 = arith.mulf %get3A_102, %gather3A : vector<16xf32>
      %swap3A_104 = arith.index_cast %scan3A_77 : i32 to index
      %swap3A_105 = arith.constant 48 : index
      %swap3A_106 = tpu.vector_load %arg19[%swap3A_104, %swap3A_105] {strides = array<i32>} : memref<128x128xf32, #tpu.memory_space<vmem>>, vector<16xf32>,
      tpu.vector_store %arg19[%swap3A_104, %swap3A_105], %mul3A_103 {strides = array<i32>} : memref<128x128xf32, #tpu.memory_space<vmem>>, vector<16xf32>,
      %get3A_107 = arith.index_cast %scan3A_77 : i32 to index
      %get3A_108 = arith.constant 64 : index
      %get3A_109 = tpu.vector_load %arg19[%get3A_107, %get3A_108] {strides = array<i32>} : memref<128x128xf32, #tpu.memory_space<vmem>>, vector<16xf32>,
      %mul3A_110 = arith.mulf %get3A_109, %gather3A : vector<16xf32>
      %swap3A_111 = arith.index_cast %scan3A_77 : i32 to index
      %swap3A_112 = arith.constant 64 : index
      %swap3A_113 = tpu.vector_load %arg19[%swap3A_111, %swap3A_112] {strides = array<i32>} : memref<128x128xf32, #tpu.memory_space<vmem>>, vector<16xf32>,
      tpu.vector_store %arg19[%swap3A_111, %swap3A_112], %mul3A_110 {strides = array<i32>} : memref<128x128xf32, #tpu.memory_space<vmem>>, vector<16xf32>,
      %get3A_114 = arith.index_cast %scan3A_77 : i32 to index
      %get3A_115 = arith.constant 80 : index
      %get3A_116 = tpu.vector_load %arg19[%get3A_114, %get3A_115] {strides = array<i32>} : memref<128x128xf32, #tpu.memory_space<vmem>>, vector<16xf32>,
      %mul3A_117 = arith.mulf %get3A_116, %gather3A : vector<16xf32>
      %swap3A_118 = arith.index_cast %scan3A_77 : i32 to index
      %swap3A_119 = arith.constant 80 : index
      %swap3A_120 = tpu.vector_load %arg19[%swap3A_118, %swap3A_119] {strides = array<i32>} : memref<128x128xf32, #tpu.memory_space<vmem>>, vector<16xf32>,
      tpu.vector_store %arg19[%swap3A_118, %swap3A_119], %mul3A_117 {strides = array<i32>} : memref<128x128xf32, #tpu.memory_space<vmem>>, vector<16xf32>,
      %get3A_121 = arith.index_cast %scan3A_77 : i32 to index
      %get3A_122 = arith.constant 96 : index
      %get3A_123 = tpu.vector_load %arg19[%get3A_121, %get3A_122] {strides = array<i32>} : memref<128x128xf32, #tpu.memory_space<vmem>>, vector<16xf32>,
      %mul3A_124 = arith.mulf %get3A_123, %gather3A : vector<16xf32>
      %swap3A_125 = arith.index_cast %scan3A_77 : i32 to index
      %swap3A_126 = arith.constant 96 : index
      %swap3A_127 = tpu.vector_load %arg19[%swap3A_125, %swap3A_126] {strides = array<i32>} : memref<128x128xf32, #tpu.memory_space<vmem>>, vector<16xf32>,
      tpu.vector_store %arg19[%swap3A_125, %swap3A_126], %mul3A_124 {strides = array<i32>} : memref<128x128xf32, #tpu.memory_space<vmem>>, vector<16xf32>,
      %get3A_128 = arith.index_cast %scan3A_77 : i32 to index
      %get3A_129 = arith.constant 112 : index
      %get3A_130 = tpu.vector_load %arg19[%get3A_128, %get3A_129] {strides = array<i32>} : memref<128x128xf32, #tpu.memory_space<vmem>>, vector<16xf32>,
      %mul3A_131 = arith.mulf %get3A_130, %gather3A : vector<16xf32>
      %swap3A_132 = arith.index_cast %scan3A_77 : i32 to index
      %swap3A_133 = arith.constant 112 : index
      %swap3A_134 = tpu.vector_load %arg19[%swap3A_132, %swap3A_133] {strides = array<i32>} : memref<128x128xf32, #tpu.memory_space<vmem>>, vector<16xf32>,
      tpu.vector_store %arg19[%swap3A_132, %swap3A_133], %mul3A_131 {strides = array<i32>} : memref<128x128xf32, #tpu.memory_space<vmem>>, vector<16xf32>,
      %scan3A_135 = arith.constant 0 : i32
      %scan3A_136 = arith.constant 1 : i32
      %scan3A_137 = arith.addi %scan3A_77, %scan3A_136 : i32
      %broadcast_in_dim3A_138 = vector.broadcast %scan3A_137 : i32 to vector<16xi32>
      %gather3A_139 = tpu.vector_load_idx %arg12[%broadcast_in_dim3A_138] : memref<128xf32, #tpu.memory_space<vmem>>[vector<16xi32>], vector<16xf32>,
      %get3A_140 = arith.index_cast %scan3A_137 : i32 to index
      %get3A_141 = arith.constant 0 : index
      %get3A_142 = tpu.vector_load %arg19[%get3A_140, %get3A_141] {strides = array<i32>} : memref<128x128xf32, #tpu.memory_space<vmem>>, vector<16xf32>,
      %mul3A_143 = arith.mulf %get3A_142, %gather3A_139 : vector<16xf32>
      %swap3A_144 = arith.index_cast %scan3A_137 : i32 to index
      %swap3A_145 = arith.constant 0 : index
      %swap3A_146 = tpu.vector_load %arg19[%swap3A_144, %swap3A_145] {strides = array<i32>} : memref<128x128xf32, #tpu.memory_space<vmem>>, vector<16xf32>,
      tpu.vector_store %arg19[%swap3A_144, %swap3A_145], %mul3A_143 {strides = array<i32>} : memref<128x128xf32, #tpu.memory_space<vmem>>, vector<16xf32>,
      %get3A_147 = arith.index_cast %scan3A_137 : i32 to index
      %get3A_148 = arith.constant 16 : index
      %get3A_149 = tpu.vector_load %arg19[%get3A_147, %get3A_148] {strides = array<i32>} : memref<128x128xf32, #tpu.memory_space<vmem>>, vector<16xf32>,
      %mul3A_150 = arith.mulf %get3A_149, %gather3A_139 : vector<16xf32>
      %swap3A_151 = arith.index_cast %scan3A_137 : i32 to index
      %swap3A_152 = arith.constant 16 : index
      %swap3A_153 = tpu.vector_load %arg19[%swap3A_151, %swap3A_152] {strides = array<i32>} : memref<128x128xf32, #tpu.memory_space<vmem>>, vector<16xf32>,
      tpu.vector_store %arg19[%swap3A_151, %swap3A_152], %mul3A_150 {strides = array<i32>} : memref<128x128xf32, #tpu.memory_space<vmem>>, vector<16xf32>,
      %get3A_154 = arith.index_cast %scan3A_137 : i32 to index
      %get3A_155 = arith.constant 32 : index
      %get3A_156 = tpu.vector_load %arg19[%get3A_154, %get3A_155] {strides = array<i32>} : memref<128x128xf32, #tpu.memory_space<vmem>>, vector<16xf32>,
      %mul3A_157 = arith.mulf %get3A_156, %gather3A_139 : vector<16xf32>
      %swap3A_158 = arith.index_cast %scan3A_137 : i32 to index
      %swap3A_159 = arith.constant 32 : index
      %swap3A_160 = tpu.vector_load %arg19[%swap3A_158, %swap3A_159] {strides = array<i32>} : memref<128x128xf32, #tpu.memory_space<vmem>>, vector<16xf32>,
      tpu.vector_store %arg19[%swap3A_158, %swap3A_159], %mul3A_157 {strides = array<i32>} : memref<128x128xf32, #tpu.memory_space<vmem>>, vector<16xf32>,
      %get3A_161 = arith.index_cast %scan3A_137 : i32 to index
      %get3A_162 = arith.constant 48 : index
      %get3A_163 = tpu.vector_load %arg19[%get3A_161, %get3A_162] {strides = array<i32>} : memref<128x128xf32, #tpu.memory_space<vmem>>, vector<16xf32>,
      %mul3A_164 = arith.mulf %get3A_163, %gather3A_139 : vector<16xf32>
      %swap3A_165 = arith.index_cast %scan3A_137 : i32 to index
      %swap3A_166 = arith.constant 48 : index
      %swap3A_167 = tpu.vector_load %arg19[%swap3A_165, %swap3A_166] {strides = array<i32>} : memref<128x128xf32, #tpu.memory_space<vmem>>, vector<16xf32>,
      tpu.vector_store %arg19[%swap3A_165, %swap3A_166], %mul3A_164 {strides = array<i32>} : memref<128x128xf32, #tpu.memory_space<vmem>>, vector<16xf32>,
      %get3A_168 = arith.index_cast %scan3A_137 : i32 to index
      %get3A_169 = arith.constant 64 : index
      %get3A_170 = tpu.vector_load %arg19[%get3A_168, %get3A_169] {strides = array<i32>} : memref<128x128xf32, #tpu.memory_space<vmem>>, vector<16xf32>,
      %mul3A_171 = arith.mulf %get3A_170, %gather3A_139 : vector<16xf32>
      %swap3A_172 = arith.index_cast %scan3A_137 : i32 to index
      %swap3A_173 = arith.constant 64 : index
      %swap3A_174 = tpu.vector_load %arg19[%swap3A_172, %swap3A_173] {strides = array<i32>} : memref<128x128xf32, #tpu.memory_space<vmem>>, vector<16xf32>,
      tpu.vector_store %arg19[%swap3A_172, %swap3A_173], %mul3A_171 {strides = array<i32>} : memref<128x128xf32, #tpu.memory_space<vmem>>, vector<16xf32>,
      %get3A_175 = arith.index_cast %scan3A_137 : i32 to index
      %get3A_176 = arith.constant 80 : index
      %get3A_177 = tpu.vector_load %arg19[%get3A_175, %get3A_176] {strides = array<i32>} : memref<128x128xf32, #tpu.memory_space<vmem>>, vector<16xf32>,
      %mul3A_178 = arith.mulf %get3A_177, %gather3A_139 : vector<16xf32>
      %swap3A_179 = arith.index_cast %scan3A_137 : i32 to index
      %swap3A_180 = arith.constant 80 : index
      %swap3A_181 = tpu.vector_load %arg19[%swap3A_179, %swap3A_180] {strides = array<i32>} : memref<128x128xf32, #tpu.memory_space<vmem>>, vector<16xf32>,
      tpu.vector_store %arg19[%swap3A_179, %swap3A_180], %mul3A_178 {strides = array<i32>} : memref<128x128xf32, #tpu.memory_space<vmem>>, vector<16xf32>,
      %get3A_182 = arith.index_cast %scan3A_137 : i32 to index
      %get3A_183 = arith.constant 96 : index
      %get3A_184 = tpu.vector_load %arg19[%get3A_182, %get3A_183] {strides = array<i32>} : memref<128x128xf32, #tpu.memory_space<vmem>>, vector<16xf32>,
      %mul3A_185 = arith.mulf %get3A_184, %gather3A_139 : vector<16xf32>
      %swap3A_186 = arith.index_cast %scan3A_137 : i32 to index
      %swap3A_187 = arith.constant 96 : index
      %swap3A_188 = tpu.vector_load %arg19[%swap3A_186, %swap3A_187] {strides = array<i32>} : memref<128x128xf32, #tpu.memory_space<vmem>>, vector<16xf32>,
      tpu.vector_store %arg19[%swap3A_186, %swap3A_187], %mul3A_185 {strides = array<i32>} : memref<128x128xf32, #tpu.memory_space<vmem>>, vector<16xf32>,
      %get3A_189 = arith.index_cast %scan3A_137 : i32 to index
      %get3A_190 = arith.constant 112 : index
      %get3A_191 = tpu.vector_load %arg19[%get3A_189, %get3A_190] {strides = array<i32>} : memref<128x128xf32, #tpu.memory_space<vmem>>, vector<16xf32>,
      %mul3A_192 = arith.mulf %get3A_191, %gather3A_139 : vector<16xf32>
      %swap3A_193 = arith.index_cast %scan3A_137 : i32 to index
      %swap3A_194 = arith.constant 112 : index
      %swap3A_195 = tpu.vector_load %arg19[%swap3A_193, %swap3A_194] {strides = array<i32>} : memref<128x128xf32, #tpu.memory_space<vmem>>, vector<16xf32>,
      tpu.vector_store %arg19[%swap3A_193, %swap3A_194], %mul3A_192 {strides = array<i32>} : memref<128x128xf32, #tpu.memory_space<vmem>>, vector<16xf32>,
      %scan3A_196 = arith.constant 0 : i32
      %scan3A_197 = arith.constant 2 : i32
      %scan3A_198 = arith.addi %scan3A_77, %scan3A_197 : i32
      %broadcast_in_dim3A_199 = vector.broadcast %scan3A_198 : i32 to vector<16xi32>
      %gather3A_200 = tpu.vector_load_idx %arg12[%broadcast_in_dim3A_199] : memref<128xf32, #tpu.memory_space<vmem>>[vector<16xi32>], vector<16xf32>,
      %get3A_201 = arith.index_cast %scan3A_198 : i32 to index
      %get3A_202 = arith.constant 0 : index
      %get3A_203 = tpu.vector_load %arg19[%get3A_201, %get3A_202] {strides = array<i32>} : memref<128x128xf32, #tpu.memory_space<vmem>>, vector<16xf32>,
      %mul3A_204 = arith.mulf %get3A_203, %gather3A_200 : vector<16xf32>
      %swap3A_205 = arith.index_cast %scan3A_198 : i32 to index
      %swap3A_206 = arith.constant 0 : index
      %swap3A_207 = tpu.vector_load %arg19[%swap3A_205, %swap3A_206] {strides = array<i32>} : memref<128x128xf32, #tpu.memory_space<vmem>>, vector<16xf32>,
      tpu.vector_store %arg19[%swap3A_205, %swap3A_206], %mul3A_204 {strides = array<i32>} : memref<128x128xf32, #tpu.memory_space<vmem>>, vector<16xf32>,
      %get3A_208 = arith.index_cast %scan3A_198 : i32 to index
      %get3A_209 = arith.constant 16 : index
      %get3A_210 = tpu.vector_load %arg19[%get3A_208, %get3A_209] {strides = array<i32>} : memref<128x128xf32, #tpu.memory_space<vmem>>, vector<16xf32>,
      %mul3A_211 = arith.mulf %get3A_210, %gather3A_200 : vector<16xf32>
      %swap3A_212 = arith.index_cast %scan3A_198 : i32 to index
      %swap3A_213 = arith.constant 16 : index
      %swap3A_214 = tpu.vector_load %arg19[%swap3A_212, %swap3A_213] {strides = array<i32>} : memref<128x128xf32, #tpu.memory_space<vmem>>, vector<16xf32>,
      tpu.vector_store %arg19[%swap3A_212, %swap3A_213], %mul3A_211 {strides = array<i32>} : memref<128x128xf32, #tpu.memory_space<vmem>>, vector<16xf32>,
      %get3A_215 = arith.index_cast %scan3A_198 : i32 to index
      %get3A_216 = arith.constant 32 : index
      %get3A_217 = tpu.vector_load %arg19[%get3A_215, %get3A_216] {strides = array<i32>} : memref<128x128xf32, #tpu.memory_space<vmem>>, vector<16xf32>,
      %mul3A_218 = arith.mulf %get3A_217, %gather3A_200 : vector<16xf32>
      %swap3A_219 = arith.index_cast %scan3A_198 : i32 to index
      %swap3A_220 = arith.constant 32 : index
      %swap3A_221 = tpu.vector_load %arg19[%swap3A_219, %swap3A_220] {strides = array<i32>} : memref<128x128xf32, #tpu.memory_space<vmem>>, vector<16xf32>,
      tpu.vector_store %arg19[%swap3A_219, %swap3A_220], %mul3A_218 {strides = array<i32>} : memref<128x128xf32, #tpu.memory_space<vmem>>, vector<16xf32>,
      %get3A_222 = arith.index_cast %scan3A_198 : i32 to index
      %get3A_223 = arith.constant 48 : index
      %get3A_224 = tpu.vector_load %arg19[%get3A_222, %get3A_223] {strides = array<i32>} : memref<128x128xf32, #tpu.memory_space<vmem>>, vector<16xf32>,
      %mul3A_225 = arith.mulf %get3A_224, %gather3A_200 : vector<16xf32>
      %swap3A_226 = arith.index_cast %scan3A_198 : i32 to index
      %swap3A_227 = arith.constant 48 : index
      %swap3A_228 = tpu.vector_load %arg19[%swap3A_226, %swap3A_227] {strides = array<i32>} : memref<128x128xf32, #tpu.memory_space<vmem>>, vector<16xf32>,
      tpu.vector_store %arg19[%swap3A_226, %swap3A_227], %mul3A_225 {strides = array<i32>} : memref<128x128xf32, #tpu.memory_space<vmem>>, vector<16xf32>,
      %get3A_229 = arith.index_cast %scan3A_198 : i32 to index
      %get3A_230 = arith.constant 64 : index
      %get3A_231 = tpu.vector_load %arg19[%get3A_229, %get3A_230] {strides = array<i32>} : memref<128x128xf32, #tpu.memory_space<vmem>>, vector<16xf32>,
      %mul3A_232 = arith.mulf %get3A_231, %gather3A_200 : vector<16xf32>
      %swap3A_233 = arith.index_cast %scan3A_198 : i32 to index
      %swap3A_234 = arith.constant 64 : index
      %swap3A_235 = tpu.vector_load %arg19[%swap3A_233, %swap3A_234] {strides = array<i32>} : memref<128x128xf32, #tpu.memory_space<vmem>>, vector<16xf32>,
      tpu.vector_store %arg19[%swap3A_233, %swap3A_234], %mul3A_232 {strides = array<i32>} : memref<128x128xf32, #tpu.memory_space<vmem>>, vector<16xf32>,
      %get3A_236 = arith.index_cast %scan3A_198 : i32 to index
      %get3A_237 = arith.constant 80 : index
      %get3A_238 = tpu.vector_load %arg19[%get3A_236, %get3A_237] {strides = array<i32>} : memref<128x128xf32, #tpu.memory_space<vmem>>, vector<16xf32>,
      %mul3A_239 = arith.mulf %get3A_238, %gather3A_200 : vector<16xf32>
      %swap3A_240 = arith.index_cast %scan3A_198 : i32 to index
      %swap3A_241 = arith.constant 80 : index
      %swap3A_242 = tpu.vector_load %arg19[%swap3A_240, %swap3A_241] {strides = array<i32>} : memref<128x128xf32, #tpu.memory_space<vmem>>, vector<16xf32>,
      tpu.vector_store %arg19[%swap3A_240, %swap3A_241], %mul3A_239 {strides = array<i32>} : memref<128x128xf32, #tpu.memory_space<vmem>>, vector<16xf32>,
      %get3A_243 = arith.index_cast %scan3A_198 : i32 to index
      %get3A_244 = arith.constant 96 : index
      %get3A_245 = tpu.vector_load %arg19[%get3A_243, %get3A_244] {strides = array<i32>} : memref<128x128xf32, #tpu.memory_space<vmem>>, vector<16xf32>,
      %mul3A_246 = arith.mulf %get3A_245, %gather3A_200 : vector<16xf32>
      %swap3A_247 = arith.index_cast %scan3A_198 : i32 to index
      %swap3A_248 = arith.constant 96 : index
      %swap3A_249 = tpu.vector_load %arg19[%swap3A_247, %swap3A_248] {strides = array<i32>} : memref<128x128xf32, #tpu.memory_space<vmem>>, vector<16xf32>,
      tpu.vector_store %arg19[%swap3A_247, %swap3A_248], %mul3A_246 {strides = array<i32>} : memref<128x128xf32, #tpu.memory_space<vmem>>, vector<16xf32>,
      %get3A_250 = arith.index_cast %scan3A_198 : i32 to index
      %get3A_251 = arith.constant 112 : index
      %get3A_252 = tpu.vector_load %arg19[%get3A_250, %get3A_251] {strides = array<i32>} : memref<128x128xf32, #tpu.memory_space<vmem>>, vector<16xf32>,
      %mul3A_253 = arith.mulf %get3A_252, %gather3A_200 : vector<16xf32>
      %swap3A_254 = arith.index_cast %scan3A_198 : i32 to index
      %swap3A_255 = arith.constant 112 : index
      %swap3A_256 = tpu.vector_load %arg19[%swap3A_254, %swap3A_255] {strides = array<i32>} : memref<128x128xf32, #tpu.memory_space<vmem>>, vector<16xf32>,
      tpu.vector_store %arg19[%swap3A_254, %swap3A_255], %mul3A_253 {strides = array<i32>} : memref<128x128xf32, #tpu.memory_space<vmem>>, vector<16xf32>,
      %scan3A_257 = arith.constant 0 : i32
      %scan3A_258 = arith.constant 3 : i32
      %scan3A_259 = arith.addi %scan3A_77, %scan3A_258 : i32
      %broadcast_in_dim3A_260 = vector.broadcast %scan3A_259 : i32 to vector<16xi32>
      %gather3A_261 = tpu.vector_load_idx %arg12[%broadcast_in_dim3A_260] : memref<128xf32, #tpu.memory_space<vmem>>[vector<16xi32>], vector<16xf32>,
      %get3A_262 = arith.index_cast %scan3A_259 : i32 to index
      %get3A_263 = arith.constant 0 : index
      %get3A_264 = tpu.vector_load %arg19[%get3A_262, %get3A_263] {strides = array<i32>} : memref<128x128xf32, #tpu.memory_space<vmem>>, vector<16xf32>,
      %mul3A_265 = arith.mulf %get3A_264, %gather3A_261 : vector<16xf32>
      %swap3A_266 = arith.index_cast %scan3A_259 : i32 to index
      %swap3A_267 = arith.constant 0 : index
      %swap3A_268 = tpu.vector_load %arg19[%swap3A_266, %swap3A_267] {strides = array<i32>} : memref<128x128xf32, #tpu.memory_space<vmem>>, vector<16xf32>,
      tpu.vector_store %arg19[%swap3A_266, %swap3A_267], %mul3A_265 {strides = array<i32>} : memref<128x128xf32, #tpu.memory_space<vmem>>, vector<16xf32>,
      %get3A_269 = arith.index_cast %scan3A_259 : i32 to index
      %get3A_270 = arith.constant 16 : index
      %get3A_271 = tpu.vector_load %arg19[%get3A_269, %get3A_270] {strides = array<i32>} : memref<128x128xf32, #tpu.memory_space<vmem>>, vector<16xf32>,
      %mul3A_272 = arith.mulf %get3A_271, %gather3A_261 : vector<16xf32>
      %swap3A_273 = arith.index_cast %scan3A_259 : i32 to index
      %swap3A_274 = arith.constant 16 : index
      %swap3A_275 = tpu.vector_load %arg19[%swap3A_273, %swap3A_274] {strides = array<i32>} : memref<128x128xf32, #tpu.memory_space<vmem>>, vector<16xf32>,
      tpu.vector_store %arg19[%swap3A_273, %swap3A_274], %mul3A_272 {strides = array<i32>} : memref<128x128xf32, #tpu.memory_space<vmem>>, vector<16xf32>,
      %get3A_276 = arith.index_cast %scan3A_259 : i32 to index
      %get3A_277 = arith.constant 32 : index
      %get3A_278 = tpu.vector_load %arg19[%get3A_276, %get3A_277] {strides = array<i32>} : memref<128x128xf32, #tpu.memory_space<vmem>>, vector<16xf32>,
      %mul3A_279 = arith.mulf %get3A_278, %gather3A_261 : vector<16xf32>
      %swap3A_280 = arith.index_cast %scan3A_259 : i32 to index
      %swap3A_281 = arith.constant 32 : index
      %swap3A_282 = tpu.vector_load %arg19[%swap3A_280, %swap3A_281] {strides = array<i32>} : memref<128x128xf32, #tpu.memory_space<vmem>>, vector<16xf32>,
      tpu.vector_store %arg19[%swap3A_280, %swap3A_281], %mul3A_279 {strides = array<i32>} : memref<128x128xf32, #tpu.memory_space<vmem>>, vector<16xf32>,
      %get3A_283 = arith.index_cast %scan3A_259 : i32 to index
      %get3A_284 = arith.constant 48 : index
      %get3A_285 = tpu.vector_load %arg19[%get3A_283, %get3A_284] {strides = array<i32>} : memref<128x128xf32, #tpu.memory_space<vmem>>, vector<16xf32>,
      %mul3A_286 = arith.mulf %get3A_285, %gather3A_261 : vector<16xf32>
      %swap3A_287 = arith.index_cast %scan3A_259 : i32 to index
      %swap3A_288 = arith.constant 48 : index
      %swap3A_289 = tpu.vector_load %arg19[%swap3A_287, %swap3A_288] {strides = array<i32>} : memref<128x128xf32, #tpu.memory_space<vmem>>, vector<16xf32>,
      tpu.vector_store %arg19[%swap3A_287, %swap3A_288], %mul3A_286 {strides = array<i32>} : memref<128x128xf32, #tpu.memory_space<vmem>>, vector<16xf32>,
      %get3A_290 = arith.index_cast %scan3A_259 : i32 to index
      %get3A_291 = arith.constant 64 : index
      %get3A_292 = tpu.vector_load %arg19[%get3A_290, %get3A_291] {strides = array<i32>} : memref<128x128xf32, #tpu.memory_space<vmem>>, vector<16xf32>,
      %mul3A_293 = arith.mulf %get3A_292, %gather3A_261 : vector<16xf32>
      %swap3A_294 = arith.index_cast %scan3A_259 : i32 to index
      %swap3A_295 = arith.constant 64 : index
      %swap3A_296 = tpu.vector_load %arg19[%swap3A_294, %swap3A_295] {strides = array<i32>} : memref<128x128xf32, #tpu.memory_space<vmem>>, vector<16xf32>,
      tpu.vector_store %arg19[%swap3A_294, %swap3A_295], %mul3A_293 {strides = array<i32>} : memref<128x128xf32, #tpu.memory_space<vmem>>, vector<16xf32>,
      %get3A_297 = arith.index_cast %scan3A_259 : i32 to index
      %get3A_298 = arith.constant 80 : index
      %get3A_299 = tpu.vector_load %arg19[%get3A_297, %get3A_298] {strides = array<i32>} : memref<128x128xf32, #tpu.memory_space<vmem>>, vector<16xf32>,
      %mul3A_300 = arith.mulf %get3A_299, %gather3A_261 : vector<16xf32>
      %swap3A_301 = arith.index_cast %scan3A_259 : i32 to index
      %swap3A_302 = arith.constant 80 : index
      %swap3A_303 = tpu.vector_load %arg19[%swap3A_301, %swap3A_302] {strides = array<i32>} : memref<128x128xf32, #tpu.memory_space<vmem>>, vector<16xf32>,
      tpu.vector_store %arg19[%swap3A_301, %swap3A_302], %mul3A_300 {strides = array<i32>} : memref<128x128xf32, #tpu.memory_space<vmem>>, vector<16xf32>,
      %get3A_304 = arith.index_cast %scan3A_259 : i32 to index
      %get3A_305 = arith.constant 96 : index
      %get3A_306 = tpu.vector_load %arg19[%get3A_304, %get3A_305] {strides = array<i32>} : memref<128x128xf32, #tpu.memory_space<vmem>>, vector<16xf32>,
      %mul3A_307 = arith.mulf %get3A_306, %gather3A_261 : vector<16xf32>
      %swap3A_308 = arith.index_cast %scan3A_259 : i32 to index
      %swap3A_309 = arith.constant 96 : index
      %swap3A_310 = tpu.vector_load %arg19[%swap3A_308, %swap3A_309] {strides = array<i32>} : memref<128x128xf32, #tpu.memory_space<vmem>>, vector<16xf32>,
      tpu.vector_store %arg19[%swap3A_308, %swap3A_309], %mul3A_307 {strides = array<i32>} : memref<128x128xf32, #tpu.memory_space<vmem>>, vector<16xf32>,
      %get3A_311 = arith.index_cast %scan3A_259 : i32 to index
      %get3A_312 = arith.constant 112 : index
      %get3A_313 = tpu.vector_load %arg19[%get3A_311, %get3A_312] {strides = array<i32>} : memref<128x128xf32, #tpu.memory_space<vmem>>, vector<16xf32>,
      %mul3A_314 = arith.mulf %get3A_313, %gather3A_261 : vector<16xf32>
      %swap3A_315 = arith.index_cast %scan3A_259 : i32 to index
      %swap3A_316 = arith.constant 112 : index
      %swap3A_317 = tpu.vector_load %arg19[%swap3A_315, %swap3A_316] {strides = array<i32>} : memref<128x128xf32, #tpu.memory_space<vmem>>, vector<16xf32>,
      tpu.vector_store %arg19[%swap3A_315, %swap3A_316], %mul3A_314 {strides = array<i32>} : memref<128x128xf32, #tpu.memory_space<vmem>>, vector<16xf32>,
      %scan3A_318 = arith.constant 0 : i32
      %scan3A_319 = arith.constant 4 : i32
      %scan3A_320 = arith.addi %scan3A_77, %scan3A_319 : i32
      %broadcast_in_dim3A_321 = vector.broadcast %scan3A_320 : i32 to vector<16xi32>
      %gather3A_322 = tpu.vector_load_idx %arg12[%broadcast_in_dim3A_321] : memref<128xf32, #tpu.memory_space<vmem>>[vector<16xi32>], vector<16xf32>,
      %get3A_323 = arith.index_cast %scan3A_320 : i32 to index
      %get3A_324 = arith.constant 0 : index
      %get3A_325 = tpu.vector_load %arg19[%get3A_323, %get3A_324] {strides = array<i32>} : memref<128x128xf32, #tpu.memory_space<vmem>>, vector<16xf32>,
      %mul3A_326 = arith.mulf %get3A_325, %gather3A_322 : vector<16xf32>
      %swap3A_327 = arith.index_cast %scan3A_320 : i32 to index
      %swap3A_328 = arith.constant 0 : index
      %swap3A_329 = tpu.vector_load %arg19[%swap3A_327, %swap3A_328] {strides = array<i32>} : memref<128x128xf32, #tpu.memory_space<vmem>>, vector<16xf32>,
      tpu.vector_store %arg19[%swap3A_327, %swap3A_328], %mul3A_326 {strides = array<i32>} : memref<128x128xf32, #tpu.memory_space<vmem>>, vector<16xf32>,
      %get3A_330 = arith.index_cast %scan3A_320 : i32 to index
      %get3A_331 = arith.constant 16 : index
      %get3A_332 = tpu.vector_load %arg19[%get3A_330, %get3A_331] {strides = array<i32>} : memref<128x128xf32, #tpu.memory_space<vmem>>, vector<16xf32>,
      %mul3A_333 = arith.mulf %get3A_332, %gather3A_322 : vector<16xf32>
      %swap3A_334 = arith.index_cast %scan3A_320 : i32 to index
      %swap3A_335 = arith.constant 16 : index
      %swap3A_336 = tpu.vector_load %arg19[%swap3A_334, %swap3A_335] {strides = array<i32>} : memref<128x128xf32, #tpu.memory_space<vmem>>, vector<16xf32>,
      tpu.vector_store %arg19[%swap3A_334, %swap3A_335], %mul3A_333 {strides = array<i32>} : memref<128x128xf32, #tpu.memory_space<vmem>>, vector<16xf32>,
      %get3A_337 = arith.index_cast %scan3A_320 : i32 to index
      %get3A_338 = arith.constant 32 : index
      %get3A_339 = tpu.vector_load %arg19[%get3A_337, %get3A_338] {strides = array<i32>} : memref<128x128xf32, #tpu.memory_space<vmem>>, vector<16xf32>,
      %mul3A_340 = arith.mulf %get3A_339, %gather3A_322 : vector<16xf32>
      %swap3A_341 = arith.index_cast %scan3A_320 : i32 to index
      %swap3A_342 = arith.constant 32 : index
      %swap3A_343 = tpu.vector_load %arg19[%swap3A_341, %swap3A_342] {strides = array<i32>} : memref<128x128xf32, #tpu.memory_space<vmem>>, vector<16xf32>,
      tpu.vector_store %arg19[%swap3A_341, %swap3A_342], %mul3A_340 {strides = array<i32>} : memref<128x128xf32, #tpu.memory_space<vmem>>, vector<16xf32>,
      %get3A_344 = arith.index_cast %scan3A_320 : i32 to index
      %get3A_345 = arith.constant 48 : index
      %get3A_346 = tpu.vector_load %arg19[%get3A_344, %get3A_345] {strides = array<i32>} : memref<128x128xf32, #tpu.memory_space<vmem>>, vector<16xf32>,
      %mul3A_347 = arith.mulf %get3A_346, %gather3A_322 : vector<16xf32>
      %swap3A_348 = arith.index_cast %scan3A_320 : i32 to index
      %swap3A_349 = arith.constant 48 : index
      %swap3A_350 = tpu.vector_load %arg19[%swap3A_348, %swap3A_349] {strides = array<i32>} : memref<128x128xf32, #tpu.memory_space<vmem>>, vector<16xf32>,
      tpu.vector_store %arg19[%swap3A_348, %swap3A_349], %mul3A_347 {strides = array<i32>} : memref<128x128xf32, #tpu.memory_space<vmem>>, vector<16xf32>,
      %get3A_351 = arith.index_cast %scan3A_320 : i32 to index
      %get3A_352 = arith.constant 64 : index
      %get3A_353 = tpu.vector_load %arg19[%get3A_351, %get3A_352] {strides = array<i32>} : memref<128x128xf32, #tpu.memory_space<vmem>>, vector<16xf32>,
      %mul3A_354 = arith.mulf %get3A_353, %gather3A_322 : vector<16xf32>
      %swap3A_355 = arith.index_cast %scan3A_320 : i32 to index
      %swap3A_356 = arith.constant 64 : index
      %swap3A_357 = tpu.vector_load %arg19[%swap3A_355, %swap3A_356] {strides = array<i32>} : memref<128x128xf32, #tpu.memory_space<vmem>>, vector<16xf32>,
      tpu.vector_store %arg19[%swap3A_355, %swap3A_356], %mul3A_354 {strides = array<i32>} : memref<128x128xf32, #tpu.memory_space<vmem>>, vector<16xf32>,
      %get3A_358 = arith.index_cast %scan3A_320 : i32 to index
      %get3A_359 = arith.constant 80 : index
      %get3A_360 = tpu.vector_load %arg19[%get3A_358, %get3A_359] {strides = array<i32>} : memref<128x128xf32, #tpu.memory_space<vmem>>, vector<16xf32>,
      %mul3A_361 = arith.mulf %get3A_360, %gather3A_322 : vector<16xf32>
      %swap3A_362 = arith.index_cast %scan3A_320 : i32 to index
      %swap3A_363 = arith.constant 80 : index
      %swap3A_364 = tpu.vector_load %arg19[%swap3A_362, %swap3A_363] {strides = array<i32>} : memref<128x128xf32, #tpu.memory_space<vmem>>, vector<16xf32>,
      tpu.vector_store %arg19[%swap3A_362, %swap3A_363], %mul3A_361 {strides = array<i32>} : memref<128x128xf32, #tpu.memory_space<vmem>>, vector<16xf32>,
      %get3A_365 = arith.index_cast %scan3A_320 : i32 to index
      %get3A_366 = arith.constant 96 : index
      %get3A_367 = tpu.vector_load %arg19[%get3A_365, %get3A_366] {strides = array<i32>} : memref<128x128xf32, #tpu.memory_space<vmem>>, vector<16xf32>,
      %mul3A_368 = arith.mulf %get3A_367, %gather3A_322 : vector<16xf32>
      %swap3A_369 = arith.index_cast %scan3A_320 : i32 to index
      %swap3A_370 = arith.constant 96 : index
      %swap3A_371 = tpu.vector_load %arg19[%swap3A_369, %swap3A_370] {strides = array<i32>} : memref<128x128xf32, #tpu.memory_space<vmem>>, vector<16xf32>,
      tpu.vector_store %arg19[%swap3A_369, %swap3A_370], %mul3A_368 {strides = array<i32>} : memref<128x128xf32, #tpu.memory_space<vmem>>, vector<16xf32>,
      %get3A_372 = arith.index_cast %scan3A_320 : i32 to index
      %get3A_373 = arith.constant 112 : index
      %get3A_374 = tpu.vector_load %arg19[%get3A_372, %get3A_373] {strides = array<i32>} : memref<128x128xf32, #tpu.memory_space<vmem>>, vector<16xf32>,
      %mul3A_375 = arith.mulf %get3A_374, %gather3A_322 : vector<16xf32>
      %swap3A_376 = arith.index_cast %scan3A_320 : i32 to index
      %swap3A_377 = arith.constant 112 : index
      %swap3A_378 = tpu.vector_load %arg19[%swap3A_376, %swap3A_377] {strides = array<i32>} : memref<128x128xf32, #tpu.memory_space<vmem>>, vector<16xf32>,
      tpu.vector_store %arg19[%swap3A_376, %swap3A_377], %mul3A_375 {strides = array<i32>} : memref<128x128xf32, #tpu.memory_space<vmem>>, vector<16xf32>,
      %scan3A_379 = arith.constant 0 : i32
      %scan3A_380 = arith.constant 5 : i32
      %scan3A_381 = arith.addi %scan3A_77, %scan3A_380 : i32
      %broadcast_in_dim3A_382 = vector.broadcast %scan3A_381 : i32 to vector<16xi32>
      %gather3A_383 = tpu.vector_load_idx %arg12[%broadcast_in_dim3A_382] : memref<128xf32, #tpu.memory_space<vmem>>[vector<16xi32>], vector<16xf32>,
      %get3A_384 = arith.index_cast %scan3A_381 : i32 to index
      %get3A_385 = arith.constant 0 : index
      %get3A_386 = tpu.vector_load %arg19[%get3A_384, %get3A_385] {strides = array<i32>} : memref<128x128xf32, #tpu.memory_space<vmem>>, vector<16xf32>,
      %mul3A_387 = arith.mulf %get3A_386, %gather3A_383 : vector<16xf32>
      %swap3A_388 = arith.index_cast %scan3A_381 : i32 to index
      %swap3A_389 = arith.constant 0 : index
      %swap3A_390 = tpu.vector_load %arg19[%swap3A_388, %swap3A_389] {strides = array<i32>} : memref<128x128xf32, #tpu.memory_space<vmem>>, vector<16xf32>,
      tpu.vector_store %arg19[%swap3A_388, %swap3A_389], %mul3A_387 {strides = array<i32>} : memref<128x128xf32, #tpu.memory_space<vmem>>, vector<16xf32>,
      %get3A_391 = arith.index_cast %scan3A_381 : i32 to index
      %get3A_392 = arith.constant 16 : index
      %get3A_393 = tpu.vector_load %arg19[%get3A_391, %get3A_392] {strides = array<i32>} : memref<128x128xf32, #tpu.memory_space<vmem>>, vector<16xf32>,
      %mul3A_394 = arith.mulf %get3A_393, %gather3A_383 : vector<16xf32>
      %swap3A_395 = arith.index_cast %scan3A_381 : i32 to index
      %swap3A_396 = arith.constant 16 : index
      %swap3A_397 = tpu.vector_load %arg19[%swap3A_395, %swap3A_396] {strides = array<i32>} : memref<128x128xf32, #tpu.memory_space<vmem>>, vector<16xf32>,
      tpu.vector_store %arg19[%swap3A_395, %swap3A_396], %mul3A_394 {strides = array<i32>} : memref<128x128xf32, #tpu.memory_space<vmem>>, vector<16xf32>,
      %get3A_398 = arith.index_cast %scan3A_381 : i32 to index
      %get3A_399 = arith.constant 32 : index
      %get3A_400 = tpu.vector_load %arg19[%get3A_398, %get3A_399] {strides = array<i32>} : memref<128x128xf32, #tpu.memory_space<vmem>>, vector<16xf32>,
      %mul3A_401 = arith.mulf %get3A_400, %gather3A_383 : vector<16xf32>
      %swap3A_402 = arith.index_cast %scan3A_381 : i32 to index
      %swap3A_403 = arith.constant 32 : index
      %swap3A_404 = tpu.vector_load %arg19[%swap3A_402, %swap3A_403] {strides = array<i32>} : memref<128x128xf32, #tpu.memory_space<vmem>>, vector<16xf32>,
      tpu.vector_store %arg19[%swap3A_402, %swap3A_403], %mul3A_401 {strides = array<i32>} : memref<128x128xf32, #tpu.memory_space<vmem>>, vector<16xf32>,
      %get3A_405 = arith.index_cast %scan3A_381 : i32 to index
      %get3A_406 = arith.constant 48 : index
      %get3A_407 = tpu.vector_load %arg19[%get3A_405, %get3A_406] {strides = array<i32>} : memref<128x128xf32, #tpu.memory_space<vmem>>, vector<16xf32>,
      %mul3A_408 = arith.mulf %get3A_407, %gather3A_383 : vector<16xf32>
      %swap3A_409 = arith.index_cast %scan3A_381 : i32 to index
      %swap3A_410 = arith.constant 48 : index
      %swap3A_411 = tpu.vector_load %arg19[%swap3A_409, %swap3A_410] {strides = array<i32>} : memref<128x128xf32, #tpu.memory_space<vmem>>, vector<16xf32>,
      tpu.vector_store %arg19[%swap3A_409, %swap3A_410], %mul3A_408 {strides = array<i32>} : memref<128x128xf32, #tpu.memory_space<vmem>>, vector<16xf32>,
      %get3A_412 = arith.index_cast %scan3A_381 : i32 to index
      %get3A_413 = arith.constant 64 : index
      %get3A_414 = tpu.vector_load %arg19[%get3A_412, %get3A_413] {strides = array<i32>} : memref<128x128xf32, #tpu.memory_space<vmem>>, vector<16xf32>,
      %mul3A_415 = arith.mulf %get3A_414, %gather3A_383 : vector<16xf32>
      %swap3A_416 = arith.index_cast %scan3A_381 : i32 to index
      %swap3A_417 = arith.constant 64 : index
      %swap3A_418 = tpu.vector_load %arg19[%swap3A_416, %swap3A_417] {strides = array<i32>} : memref<128x128xf32, #tpu.memory_space<vmem>>, vector<16xf32>,
      tpu.vector_store %arg19[%swap3A_416, %swap3A_417], %mul3A_415 {strides = array<i32>} : memref<128x128xf32, #tpu.memory_space<vmem>>, vector<16xf32>,
      %get3A_419 = arith.index_cast %scan3A_381 : i32 to index
      %get3A_420 = arith.constant 80 : index
      %get3A_421 = tpu.vector_load %arg19[%get3A_419, %get3A_420] {strides = array<i32>} : memref<128x128xf32, #tpu.memory_space<vmem>>, vector<16xf32>,
      %mul3A_422 = arith.mulf %get3A_421, %gather3A_383 : vector<16xf32>
      %swap3A_423 = arith.index_cast %scan3A_381 : i32 to index
      %swap3A_424 = arith.constant 80 : index
      %swap3A_425 = tpu.vector_load %arg19[%swap3A_423, %swap3A_424] {strides = array<i32>} : memref<128x128xf32, #tpu.memory_space<vmem>>, vector<16xf32>,
      tpu.vector_store %arg19[%swap3A_423, %swap3A_424], %mul3A_422 {strides = array<i32>} : memref<128x128xf32, #tpu.memory_space<vmem>>, vector<16xf32>,
      %get3A_426 = arith.index_cast %scan3A_381 : i32 to index
      %get3A_427 = arith.constant 96 : index
      %get3A_428 = tpu.vector_load %arg19[%get3A_426, %get3A_427] {strides = array<i32>} : memref<128x128xf32, #tpu.memory_space<vmem>>, vector<16xf32>,
      %mul3A_429 = arith.mulf %get3A_428, %gather3A_383 : vector<16xf32>
      %swap3A_430 = arith.index_cast %scan3A_381 : i32 to index
      %swap3A_431 = arith.constant 96 : index
      %swap3A_432 = tpu.vector_load %arg19[%swap3A_430, %swap3A_431] {strides = array<i32>} : memref<128x128xf32, #tpu.memory_space<vmem>>, vector<16xf32>,
      tpu.vector_store %arg19[%swap3A_430, %swap3A_431], %mul3A_429 {strides = array<i32>} : memref<128x128xf32, #tpu.memory_space<vmem>>, vector<16xf32>,
      %get3A_433 = arith.index_cast %scan3A_381 : i32 to index
      %get3A_434 = arith.constant 112 : index
      %get3A_435 = tpu.vector_load %arg19[%get3A_433, %get3A_434] {strides = array<i32>} : memref<128x128xf32, #tpu.memory_space<vmem>>, vector<16xf32>,
      %mul3A_436 = arith.mulf %get3A_435, %gather3A_383 : vector<16xf32>
      %swap3A_437 = arith.index_cast %scan3A_381 : i32 to index
      %swap3A_438 = arith.constant 112 : index
      %swap3A_439 = tpu.vector_load %arg19[%swap3A_437, %swap3A_438] {strides = array<i32>} : memref<128x128xf32, #tpu.memory_space<vmem>>, vector<16xf32>,
      tpu.vector_store %arg19[%swap3A_437, %swap3A_438], %mul3A_436 {strides = array<i32>} : memref<128x128xf32, #tpu.memory_space<vmem>>, vector<16xf32>,
      %scan3A_440 = arith.constant 0 : i32
      %scan3A_441 = arith.constant 6 : i32
      %scan3A_442 = arith.addi %scan3A_77, %scan3A_441 : i32
      %broadcast_in_dim3A_443 = vector.broadcast %scan3A_442 : i32 to vector<16xi32>
      %gather3A_444 = tpu.vector_load_idx %arg12[%broadcast_in_dim3A_443] : memref<128xf32, #tpu.memory_space<vmem>>[vector<16xi32>], vector<16xf32>,
      %get3A_445 = arith.index_cast %scan3A_442 : i32 to index
      %get3A_446 = arith.constant 0 : index
      %get3A_447 = tpu.vector_load %arg19[%get3A_445, %get3A_446] {strides = array<i32>} : memref<128x128xf32, #tpu.memory_space<vmem>>, vector<16xf32>,
      %mul3A_448 = arith.mulf %get3A_447, %gather3A_444 : vector<16xf32>
      %swap3A_449 = arith.index_cast %scan3A_442 : i32 to index
      %swap3A_450 = arith.constant 0 : index
      %swap3A_451 = tpu.vector_load %arg19[%swap3A_449, %swap3A_450] {strides = array<i32>} : memref<128x128xf32, #tpu.memory_space<vmem>>, vector<16xf32>,
      tpu.vector_store %arg19[%swap3A_449, %swap3A_450], %mul3A_448 {strides = array<i32>} : memref<128x128xf32, #tpu.memory_space<vmem>>, vector<16xf32>,
      %get3A_452 = arith.index_cast %scan3A_442 : i32 to index
      %get3A_453 = arith.constant 16 : index
      %get3A_454 = tpu.vector_load %arg19[%get3A_452, %get3A_453] {strides = array<i32>} : memref<128x128xf32, #tpu.memory_space<vmem>>, vector<16xf32>,
      %mul3A_455 = arith.mulf %get3A_454, %gather3A_444 : vector<16xf32>
      %swap3A_456 = arith.index_cast %scan3A_442 : i32 to index
      %swap3A_457 = arith.constant 16 : index
      %swap3A_458 = tpu.vector_load %arg19[%swap3A_456, %swap3A_457] {strides = array<i32>} : memref<128x128xf32, #tpu.memory_space<vmem>>, vector<16xf32>,
      tpu.vector_store %arg19[%swap3A_456, %swap3A_457], %mul3A_455 {strides = array<i32>} : memref<128x128xf32, #tpu.memory_space<vmem>>, vector<16xf32>,
      %get3A_459 = arith.index_cast %scan3A_442 : i32 to index
      %get3A_460 = arith.constant 32 : index
      %get3A_461 = tpu.vector_load %arg19[%get3A_459, %get3A_460] {strides = array<i32>} : memref<128x128xf32, #tpu.memory_space<vmem>>, vector<16xf32>,
      %mul3A_462 = arith.mulf %get3A_461, %gather3A_444 : vector<16xf32>
      %swap3A_463 = arith.index_cast %scan3A_442 : i32 to index
      %swap3A_464 = arith.constant 32 : index
      %swap3A_465 = tpu.vector_load %arg19[%swap3A_463, %swap3A_464] {strides = array<i32>} : memref<128x128xf32, #tpu.memory_space<vmem>>, vector<16xf32>,
      tpu.vector_store %arg19[%swap3A_463, %swap3A_464], %mul3A_462 {strides = array<i32>} : memref<128x128xf32, #tpu.memory_space<vmem>>, vector<16xf32>,
      %get3A_466 = arith.index_cast %scan3A_442 : i32 to index
      %get3A_467 = arith.constant 48 : index
      %get3A_468 = tpu.vector_load %arg19[%get3A_466, %get3A_467] {strides = array<i32>} : memref<128x128xf32, #tpu.memory_space<vmem>>, vector<16xf32>,
      %mul3A_469 = arith.mulf %get3A_468, %gather3A_444 : vector<16xf32>
      %swap3A_470 = arith.index_cast %scan3A_442 : i32 to index
      %swap3A_471 = arith.constant 48 : index
      %swap3A_472 = tpu.vector_load %arg19[%swap3A_470, %swap3A_471] {strides = array<i32>} : memref<128x128xf32, #tpu.memory_space<vmem>>, vector<16xf32>,
      tpu.vector_store %arg19[%swap3A_470, %swap3A_471], %mul3A_469 {strides = array<i32>} : memref<128x128xf32, #tpu.memory_space<vmem>>, vector<16xf32>,
      %get3A_473 = arith.index_cast %scan3A_442 : i32 to index
      %get3A_474 = arith.constant 64 : index
      %get3A_475 = tpu.vector_load %arg19[%get3A_473, %get3A_474] {strides = array<i32>} : memref<128x128xf32, #tpu.memory_space<vmem>>, vector<16xf32>,
      %mul3A_476 = arith.mulf %get3A_475, %gather3A_444 : vector<16xf32>
      %swap3A_477 = arith.index_cast %scan3A_442 : i32 to index
      %swap3A_478 = arith.constant 64 : index
      %swap3A_479 = tpu.vector_load %arg19[%swap3A_477, %swap3A_478] {strides = array<i32>} : memref<128x128xf32, #tpu.memory_space<vmem>>, vector<16xf32>,
      tpu.vector_store %arg19[%swap3A_477, %swap3A_478], %mul3A_476 {strides = array<i32>} : memref<128x128xf32, #tpu.memory_space<vmem>>, vector<16xf32>,
      %get3A_480 = arith.index_cast %scan3A_442 : i32 to index
      %get3A_481 = arith.constant 80 : index
      %get3A_482 = tpu.vector_load %arg19[%get3A_480, %get3A_481] {strides = array<i32>} : memref<128x128xf32, #tpu.memory_space<vmem>>, vector<16xf32>,
      %mul3A_483 = arith.mulf %get3A_482, %gather3A_444 : vector<16xf32>
      %swap3A_484 = arith.index_cast %scan3A_442 : i32 to index
      %swap3A_485 = arith.constant 80 : index
      %swap3A_486 = tpu.vector_load %arg19[%swap3A_484, %swap3A_485] {strides = array<i32>} : memref<128x128xf32, #tpu.memory_space<vmem>>, vector<16xf32>,
      tpu.vector_store %arg19[%swap3A_484, %swap3A_485], %mul3A_483 {strides = array<i32>} : memref<128x128xf32, #tpu.memory_space<vmem>>, vector<16xf32>,
      %get3A_487 = arith.index_cast %scan3A_442 : i32 to index
      %get3A_488 = arith.constant 96 : index
      %get3A_489 = tpu.vector_load %arg19[%get3A_487, %get3A_488] {strides = array<i32>} : memref<128x128xf32, #tpu.memory_space<vmem>>, vector<16xf32>,
      %mul3A_490 = arith.mulf %get3A_489, %gather3A_444 : vector<16xf32>
      %swap3A_491 = arith.index_cast %scan3A_442 : i32 to index
      %swap3A_492 = arith.constant 96 : index
      %swap3A_493 = tpu.vector_load %arg19[%swap3A_491, %swap3A_492] {strides = array<i32>} : memref<128x128xf32, #tpu.memory_space<vmem>>, vector<16xf32>,
      tpu.vector_store %arg19[%swap3A_491, %swap3A_492], %mul3A_490 {strides = array<i32>} : memref<128x128xf32, #tpu.memory_space<vmem>>, vector<16xf32>,
      %get3A_494 = arith.index_cast %scan3A_442 : i32 to index
      %get3A_495 = arith.constant 112 : index
      %get3A_496 = tpu.vector_load %arg19[%get3A_494, %get3A_495] {strides = array<i32>} : memref<128x128xf32, #tpu.memory_space<vmem>>, vector<16xf32>,
      %mul3A_497 = arith.mulf %get3A_496, %gather3A_444 : vector<16xf32>
      %swap3A_498 = arith.index_cast %scan3A_442 : i32 to index
      %swap3A_499 = arith.constant 112 : index
      %swap3A_500 = tpu.vector_load %arg19[%swap3A_498, %swap3A_499] {strides = array<i32>} : memref<128x128xf32, #tpu.memory_space<vmem>>, vector<16xf32>,
      tpu.vector_store %arg19[%swap3A_498, %swap3A_499], %mul3A_497 {strides = array<i32>} : memref<128x128xf32, #tpu.memory_space<vmem>>, vector<16xf32>,
      %scan3A_501 = arith.constant 0 : i32
      %scan3A_502 = arith.constant 7 : i32
      %scan3A_503 = arith.addi %scan3A_77, %scan3A_502 : i32
      %broadcast_in_dim3A_504 = vector.broadcast %scan3A_503 : i32 to vector<16xi32>
      %gather3A_505 = tpu.vector_load_idx %arg12[%broadcast_in_dim3A_504] : memref<128xf32, #tpu.memory_space<vmem>>[vector<16xi32>], vector<16xf32>,
      %get3A_506 = arith.index_cast %scan3A_503 : i32 to index
      %get3A_507 = arith.constant 0 : index
      %get3A_508 = tpu.vector_load %arg19[%get3A_506, %get3A_507] {strides = array<i32>} : memref<128x128xf32, #tpu.memory_space<vmem>>, vector<16xf32>,
      %mul3A_509 = arith.mulf %get3A_508, %gather3A_505 : vector<16xf32>
      %swap3A_510 = arith.index_cast %scan3A_503 : i32 to index
      %swap3A_511 = arith.constant 0 : index
      %swap3A_512 = tpu.vector_load %arg19[%swap3A_510, %swap3A_511] {strides = array<i32>} : memref<128x128xf32, #tpu.memory_space<vmem>>, vector<16xf32>,
      tpu.vector_store %arg19[%swap3A_510, %swap3A_511], %mul3A_509 {strides = array<i32>} : memref<128x128xf32, #tpu.memory_space<vmem>>, vector<16xf32>,
      %get3A_513 = arith.index_cast %scan3A_503 : i32 to index
      %get3A_514 = arith.constant 16 : index
      %get3A_515 = tpu.vector_load %arg19[%get3A_513, %get3A_514] {strides = array<i32>} : memref<128x128xf32, #tpu.memory_space<vmem>>, vector<16xf32>,
      %mul3A_516 = arith.mulf %get3A_515, %gather3A_505 : vector<16xf32>
      %swap3A_517 = arith.index_cast %scan3A_503 : i32 to index
      %swap3A_518 = arith.constant 16 : index
      %swap3A_519 = tpu.vector_load %arg19[%swap3A_517, %swap3A_518] {strides = array<i32>} : memref<128x128xf32, #tpu.memory_space<vmem>>, vector<16xf32>,
      tpu.vector_store %arg19[%swap3A_517, %swap3A_518], %mul3A_516 {strides = array<i32>} : memref<128x128xf32, #tpu.memory_space<vmem>>, vector<16xf32>,
      %get3A_520 = arith.index_cast %scan3A_503 : i32 to index
      %get3A_521 = arith.constant 32 : index
      %get3A_522 = tpu.vector_load %arg19[%get3A_520, %get3A_521] {strides = array<i32>} : memref<128x128xf32, #tpu.memory_space<vmem>>, vector<16xf32>,
      %mul3A_523 = arith.mulf %get3A_522, %gather3A_505 : vector<16xf32>
      %swap3A_524 = arith.index_cast %scan3A_503 : i32 to index
      %swap3A_525 = arith.constant 32 : index
      %swap3A_526 = tpu.vector_load %arg19[%swap3A_524, %swap3A_525] {strides = array<i32>} : memref<128x128xf32, #tpu.memory_space<vmem>>, vector<16xf32>,
      tpu.vector_store %arg19[%swap3A_524, %swap3A_525], %mul3A_523 {strides = array<i32>} : memref<128x128xf32, #tpu.memory_space<vmem>>, vector<16xf32>,
      %get3A_527 = arith.index_cast %scan3A_503 : i32 to index
      %get3A_528 = arith.constant 48 : index
      %get3A_529 = tpu.vector_load %arg19[%get3A_527, %get3A_528] {strides = array<i32>} : memref<128x128xf32, #tpu.memory_space<vmem>>, vector<16xf32>,
      %mul3A_530 = arith.mulf %get3A_529, %gather3A_505 : vector<16xf32>
      %swap3A_531 = arith.index_cast %scan3A_503 : i32 to index
      %swap3A_532 = arith.constant 48 : index
      %swap3A_533 = tpu.vector_load %arg19[%swap3A_531, %swap3A_532] {strides = array<i32>} : memref<128x128xf32, #tpu.memory_space<vmem>>, vector<16xf32>,
      tpu.vector_store %arg19[%swap3A_531, %swap3A_532], %mul3A_530 {strides = array<i32>} : memref<128x128xf32, #tpu.memory_space<vmem>>, vector<16xf32>,
      %get3A_534 = arith.index_cast %scan3A_503 : i32 to index
      %get3A_535 = arith.constant 64 : index
      %get3A_536 = tpu.vector_load %arg19[%get3A_534, %get3A_535] {strides = array<i32>} : memref<128x128xf32, #tpu.memory_space<vmem>>, vector<16xf32>,
      %mul3A_537 = arith.mulf %get3A_536, %gather3A_505 : vector<16xf32>
      %swap3A_538 = arith.index_cast %scan3A_503 : i32 to index
      %swap3A_539 = arith.constant 64 : index
      %swap3A_540 = tpu.vector_load %arg19[%swap3A_538, %swap3A_539] {strides = array<i32>} : memref<128x128xf32, #tpu.memory_space<vmem>>, vector<16xf32>,
      tpu.vector_store %arg19[%swap3A_538, %swap3A_539], %mul3A_537 {strides = array<i32>} : memref<128x128xf32, #tpu.memory_space<vmem>>, vector<16xf32>,
      %get3A_541 = arith.index_cast %scan3A_503 : i32 to index
      %get3A_542 = arith.constant 80 : index
      %get3A_543 = tpu.vector_load %arg19[%get3A_541, %get3A_542] {strides = array<i32>} : memref<128x128xf32, #tpu.memory_space<vmem>>, vector<16xf32>,
      %mul3A_544 = arith.mulf %get3A_543, %gather3A_505 : vector<16xf32>
      %swap3A_545 = arith.index_cast %scan3A_503 : i32 to index
      %swap3A_546 = arith.constant 80 : index
      %swap3A_547 = tpu.vector_load %arg19[%swap3A_545, %swap3A_546] {strides = array<i32>} : memref<128x128xf32, #tpu.memory_space<vmem>>, vector<16xf32>,
      tpu.vector_store %arg19[%swap3A_545, %swap3A_546], %mul3A_544 {strides = array<i32>} : memref<128x128xf32, #tpu.memory_space<vmem>>, vector<16xf32>,
      %get3A_548 = arith.index_cast %scan3A_503 : i32 to index
      %get3A_549 = arith.constant 96 : index
      %get3A_550 = tpu.vector_load %arg19[%get3A_548, %get3A_549] {strides = array<i32>} : memref<128x128xf32, #tpu.memory_space<vmem>>, vector<16xf32>,
      %mul3A_551 = arith.mulf %get3A_550, %gather3A_505 : vector<16xf32>
      %swap3A_552 = arith.index_cast %scan3A_503 : i32 to index
      %swap3A_553 = arith.constant 96 : index
      %swap3A_554 = tpu.vector_load %arg19[%swap3A_552, %swap3A_553] {strides = array<i32>} : memref<128x128xf32, #tpu.memory_space<vmem>>, vector<16xf32>,
      tpu.vector_store %arg19[%swap3A_552, %swap3A_553], %mul3A_551 {strides = array<i32>} : memref<128x128xf32, #tpu.memory_space<vmem>>, vector<16xf32>,
      %get3A_555 = arith.index_cast %scan3A_503 : i32 to index
      %get3A_556 = arith.constant 112 : index
      %get3A_557 = tpu.vector_load %arg19[%get3A_555, %get3A_556] {strides = array<i32>} : memref<128x128xf32, #tpu.memory_space<vmem>>, vector<16xf32>,
      %mul3A_558 = arith.mulf %get3A_557, %gather3A_505 : vector<16xf32>
      %swap3A_559 = arith.index_cast %scan3A_503 : i32 to index
      %swap3A_560 = arith.constant 112 : index
      %swap3A_561 = tpu.vector_load %arg19[%swap3A_559, %swap3A_560] {strides = array<i32>} : memref<128x128xf32, #tpu.memory_space<vmem>>, vector<16xf32>,
      tpu.vector_store %arg19[%swap3A_559, %swap3A_560], %mul3A_558 {strides = array<i32>} : memref<128x128xf32, #tpu.memory_space<vmem>>, vector<16xf32>,
      %scan3A_562 = arith.constant 0 : i32
      scf.yield %scan3A_562 : i32
    }
    %scan3A_61 = arith.constant 16 : i32
    "tpu.region"() ({
      %run_scoped3A = tpu.sem_alloc : memref<!tpu.dma_semaphore, #tpu.memory_space<semaphore_mem>>
      %dma_start3A_77 = arith.constant 0 : i32
      %dma_start3A_78 = arith.constant 0 : i32
      %dma_start3A_79 = tpu.memref_slice %arg19[%dma_start3A_77, %dma_start3A_78] : memref<128x128xf32, #tpu.memory_space<vmem>> -> memref<16x128xf32, #tpu.memory_space<vmem>>
      %dma_start3A_80 = arith.constant 0 : i32
      %dma_start3A_81 = arith.constant 0 : i32
      %dma_start3A_82 = tpu.memref_slice %arg7[%dma_start3A_80, %dma_start3A_81] : memref<10000x128xf32, #tpu.memory_space<vmem_shared>> -> memref<10000x128xf32, #tpu.memory_space<vmem_shared>>
      tpu.enqueue_indirect_dma source(%dma_start3A_79 : memref<16x128xf32, #tpu.memory_space<vmem>>) target(%dma_start3A_82 : memref<10000x128xf32, #tpu.memory_space<vmem_shared>>) offsets(%arg11 : memref<16xi32, #tpu.memory_space<vmem>>) semaphore(%run_scoped3A : memref<!tpu.dma_semaphore, #tpu.memory_space<semaphore_mem>>) {add = true}
      %dma_wait3A_83 = arith.constant 0 : i32
      %dma_wait3A_84 = arith.constant 0 : i32
      %dma_wait3A_85 = tpu.memref_slice %arg19[%dma_wait3A_83, %dma_wait3A_84] : memref<128x128xf32, #tpu.memory_space<vmem>> -> memref<16x128xf32, #tpu.memory_space<vmem>>
      %dma_wait3A_86 = arith.constant 0 : i32
      %dma_wait3A_87 = arith.constant 0 : i32
      %dma_wait3A_88 = tpu.memref_slice %arg7[%dma_wait3A_86, %dma_wait3A_87] : memref<10000x128xf32, #tpu.memory_space<vmem_shared>> -> memref<10000x128xf32, #tpu.memory_space<vmem_shared>>
      tpu.wait_indirect_dma semaphore(%run_scoped3A : memref<!tpu.dma_semaphore, #tpu.memory_space<semaphore_mem>>) src(%dma_wait3A_85 : memref<16x128xf32, #tpu.memory_space<vmem>>) dst(%dma_wait3A_88 : memref<10000x128xf32, #tpu.memory_space<vmem_shared>>)
      tpu.yield
    }) : () -> ()
    %dma_wait3A_62 = arith.constant 0 : i32
    %dma_wait3A_63 = arith.constant 0 : i32
    %dma_wait3A_64 = tpu.memref_slice %arg7[%dma_wait3A_62, %dma_wait3A_63] : memref<10000x128xf32, #tpu.memory_space<vmem_shared>> -> memref<10000x128xf32, #tpu.memory_space<vmem_shared>>
    tpu.wait_indirect_dma semaphore(%arg26 : memref<!tpu.dma_semaphore, #tpu.memory_space<semaphore_mem>>) src(%arg20 : memref<128x128xf32, #tpu.memory_space<vmem>>) dst(%dma_wait3A_64 : memref<10000x128xf32, #tpu.memory_space<vmem_shared>>)
    %dma_wait3A_65 = arith.constant 0 : i32
    %dma_wait3A_66 = arith.constant 0 : i32
    %dma_wait3A_67 = tpu.memref_slice %arg7[%dma_wait3A_65, %dma_wait3A_66] : memref<10000x128xf32, #tpu.memory_space<vmem_shared>> -> memref<10000x128xf32, #tpu.memory_space<vmem_shared>>
    tpu.wait_indirect_dma semaphore(%arg27 : memref<!tpu.dma_semaphore, #tpu.memory_space<semaphore_mem>>) src(%arg21 : memref<128x128xf32, #tpu.memory_space<vmem>>) dst(%dma_wait3A_67 : memref<10000x128xf32, #tpu.memory_space<vmem_shared>>)
    %barrier3A_68 = arith.constant 0 : index
    tpu.barrier barrier_id(%barrier3A_68)
    %not3A_69 = arith.constant true
    %not3A_70 = arith.xori %eq3A_5, %not3A_69 : i1
    %convert_element_type3A_71 = arith.extui %not3A_70 : i1 to i32
    %cond3A_72 = arith.constant 0 : i32
    %cond3A_73 = arith.cmpi ne, %convert_element_type3A_71, %cond3A_72 : i32
    scf.if %cond3A_73 {
      %add3A_77 = arith.addi %mul3A_2, %mul3A_4 : i32
      "tpu.region"() ({
        %run_scoped3A = tpu.sem_alloc : memref<!tpu.dma_semaphore, #tpu.memory_space<semaphore_mem>>
        %dma_start3A_78 = arith.constant 0 : i32
        %dma_start3A_79 = tpu.memref_slice %arg6[%add3A_77, %dma_start3A_78] : memref<20000x128xf32, #tpu.memory_space<hbm>> -> memref<640x128xf32, #tpu.memory_space<hbm>>
        %dma_start3A_80 = arith.constant 0 : i32
        %dma_start3A_81 = tpu.memref_slice %arg7[%mul3A_4, %dma_start3A_80] : memref<10000x128xf32, #tpu.memory_space<vmem_shared>> -> memref<640x128xf32, #tpu.memory_space<vmem_shared>>
        tpu.enqueue_dma source(%dma_start3A_81 : memref<640x128xf32, #tpu.memory_space<vmem_shared>>) target(%dma_start3A_79 : memref<640x128xf32, #tpu.memory_space<hbm>>) target_semaphore(%run_scoped3A : memref<!tpu.dma_semaphore, #tpu.memory_space<semaphore_mem>>)
        %dma_wait3A_82 = arith.constant 0 : i32
        %dma_wait3A_83 = tpu.memref_slice %arg6[%add3A_77, %dma_wait3A_82] : memref<20000x128xf32, #tpu.memory_space<hbm>> -> memref<640x128xf32, #tpu.memory_space<hbm>>
        %dma_wait3A_84 = arith.constant 0 : i32
        %dma_wait3A_85 = tpu.memref_slice %arg7[%mul3A_4, %dma_wait3A_84] : memref<10000x128xf32, #tpu.memory_space<vmem_shared>> -> memref<640x128xf32, #tpu.memory_space<vmem_shared>>
        tpu.wait_dma2 semaphore(%run_scoped3A : memref<!tpu.dma_semaphore, #tpu.memory_space<semaphore_mem>>) src(%dma_wait3A_85 : memref<640x128xf32, #tpu.memory_space<vmem_shared>>) dst(%dma_wait3A_83 : memref<640x128xf32, #tpu.memory_space<hbm>>)
        tpu.yield
      }) : () -> ()
    } else {
    }
    %convert_element_type3A_74 = arith.extui %eq3A_5 : i1 to i32
    %cond3A_75 = arith.constant 0 : i32
    %cond3A_76 = arith.cmpi ne, %convert_element_type3A_74, %cond3A_75 : i32
    scf.if %cond3A_76 {
      %add3A_77 = arith.addi %mul3A_2, %mul3A_4 : i32
      "tpu.region"() ({
        %run_scoped3A = tpu.sem_alloc : memref<!tpu.dma_semaphore, #tpu.memory_space<semaphore_mem>>
        %dma_start3A_78 = arith.constant 0 : i32
        %dma_start3A_79 = tpu.memref_slice %arg6[%add3A_77, %dma_start3A_78] : memref<20000x128xf32, #tpu.memory_space<hbm>> -> memref<400x128xf32, #tpu.memory_space<hbm>>
        %dma_start3A_80 = arith.constant 0 : i32
        %dma_start3A_81 = tpu.memref_slice %arg7[%mul3A_4, %dma_start3A_80] : memref<10000x128xf32, #tpu.memory_space<vmem_shared>> -> memref<400x128xf32, #tpu.memory_space<vmem_shared>>
        tpu.enqueue_dma source(%dma_start3A_81 : memref<400x128xf32, #tpu.memory_space<vmem_shared>>) target(%dma_start3A_79 : memref<400x128xf32, #tpu.memory_space<hbm>>) target_semaphore(%run_scoped3A : memref<!tpu.dma_semaphore, #tpu.memory_space<semaphore_mem>>)
        %dma_wait3A_82 = arith.constant 0 : i32
        %dma_wait3A_83 = tpu.memref_slice %arg6[%add3A_77, %dma_wait3A_82] : memref<20000x128xf32, #tpu.memory_space<hbm>> -> memref<400x128xf32, #tpu.memory_space<hbm>>
        %dma_wait3A_84 = arith.constant 0 : i32
        %dma_wait3A_85 = tpu.memref_slice %arg7[%mul3A_4, %dma_wait3A_84] : memref<10000x128xf32, #tpu.memory_space<vmem_shared>> -> memref<400x128xf32, #tpu.memory_space<vmem_shared>>
        tpu.wait_dma2 semaphore(%run_scoped3A : memref<!tpu.dma_semaphore, #tpu.memory_space<semaphore_mem>>) src(%dma_wait3A_85 : memref<400x128xf32, #tpu.memory_space<vmem_shared>>) dst(%dma_wait3A_83 : memref<400x128xf32, #tpu.memory_space<hbm>>)
        tpu.yield
      }) : () -> ()
    } else {
    }
    return
  }
}

module attributes {stable_mosaic.version = 14 : i64} {
  func.func @_tc_matmul_kernel(%arg0: i32, %arg1: memref<1000x256xf32, #tpu.memory_space<vmem>>, %arg2: memref<256x256xf32, #tpu.memory_space<vmem>>, %arg3: memref<1000x1xf32, #tpu.memory_space<vmem>>, %arg4: memref<2x1000x128xf32, #tpu.memory_space<vmem>>) attributes {dimension_semantics = [#tpu.dimension_semantics<arbitrary>], iteration_bounds = array<i64: 10>, scalar_prefetch = 0 : i64, scratch_operands = 0 : i64, tpu.core_type = #tpu.core_type<tc>, window_params = [{transform_indices = @transform_0, window_bounds = array<i64: 1000, 256>}, {pipeline_mode = #tpu.pipeline_mode<synchronous>, transform_indices = @transform_1, window_bounds = array<i64: 256, 256>}, {transform_indices = @transform_2, window_bounds = array<i64: 1000, 1>}, {transform_indices = @transform_3, window_bounds = array<i64: 2, 1000, 128>}]} {
    %get3A = arith.constant 0 : index
    %get3A_0 = arith.constant 0 : index
    %get3A_1 = vector.load %arg1[%get3A, %get3A_0] : memref<1000x256xf32, #tpu.memory_space<vmem>>, vector<1000x256xf32>
    %get3A_2 = arith.constant 0 : index
    %get3A_3 = arith.constant 0 : index
    %get3A_4 = vector.load %arg2[%get3A_2, %get3A_3] : memref<256x256xf32, #tpu.memory_space<vmem>>, vector<256x256xf32>
    %dot_general3A = arith.constant dense<0.000000e+00> : vector<1000x256xf32>
    %dot_general3A_5 = tpu.matmul %get3A_1, %get3A_4, %dot_general3A {dimension_numbers = #tpu.dot_dimension_numbers<[1], [1], [0], [0], [0, 0, 1, 0], [], []>, transpose_lhs_hint = false} : vector<1000x256xf32>, vector<256x256xf32>, vector<1000x256xf32> -> vector<1000x256xf32>
    %get3A_6 = arith.constant 0 : index
    %get3A_7 = arith.constant 0 : index
    %get3A_8 = vector.load %arg3[%get3A_6, %get3A_7] : memref<1000x1xf32, #tpu.memory_space<vmem>>, vector<1000x1xf32>
    %mul3A = vector.broadcast %get3A_8 : vector<1000x1xf32> to vector<1000x256xf32>
    %mul3A_9 = arith.mulf %dot_general3A_5, %mul3A : vector<1000x256xf32>
    %slice3A = vector.extract_strided_slice %mul3A_9 {offsets = [0, 0], sizes = [1000, 128], strides = [1, 1]} : vector<1000x256xf32> to vector<1000x128xf32>
    %swap3A = arith.constant 0 : index
    %swap3A_10 = arith.constant 0 : index
    %swap3A_11 = arith.constant 0 : index
    %swap3A_12 = vector.load %arg4[%swap3A, %swap3A_10, %swap3A_11] : memref<2x1000x128xf32, #tpu.memory_space<vmem>>, vector<1x1000x128xf32>
    %swap3A_13 = vector.shape_cast %swap3A_12 : vector<1x1000x128xf32> to vector<1000x128xf32>
    %swap3A_14 = vector.shape_cast %slice3A : vector<1000x128xf32> to vector<1x1000x128xf32>
    tpu.vector_store %arg4[%swap3A, %swap3A_10, %swap3A_11], %swap3A_14 {strides = array<i32>} : memref<2x1000x128xf32, #tpu.memory_space<vmem>>, vector<1x1000x128xf32>,
    %slice3A_15 = vector.extract_strided_slice %mul3A_9 {offsets = [0, 128], sizes = [1000, 128], strides = [1, 1]} : vector<1000x256xf32> to vector<1000x128xf32>
    %swap3A_16 = arith.constant 1 : index
    %swap3A_17 = arith.constant 0 : index
    %swap3A_18 = arith.constant 0 : index
    %swap3A_19 = vector.load %arg4[%swap3A_16, %swap3A_17, %swap3A_18] : memref<2x1000x128xf32, #tpu.memory_space<vmem>>, vector<1x1000x128xf32>
    %swap3A_20 = vector.shape_cast %swap3A_19 : vector<1x1000x128xf32> to vector<1000x128xf32>
    %swap3A_21 = vector.shape_cast %slice3A_15 : vector<1000x128xf32> to vector<1x1000x128xf32>
    tpu.vector_store %arg4[%swap3A_16, %swap3A_17, %swap3A_18], %swap3A_21 {strides = array<i32>} : memref<2x1000x128xf32, #tpu.memory_space<vmem>>, vector<1x1000x128xf32>,
    return
  }
  func.func @transform_0(%arg0: i32) -> (i32, i32) {
    %c0_i32 = arith.constant 0 : i32
    %c0_i32_0 = arith.constant 0 : i32
    return %arg0, %c0_i32 : i32, i32
  }
  func.func @transform_1(%arg0: i32) -> (i32, i32) {
    %c0_i32 = arith.constant 0 : i32
    %c0_i32_0 = arith.constant 0 : i32
    %c0_i32_1 = arith.constant 0 : i32
    return %c0_i32, %c0_i32_0 : i32, i32
  }
  func.func @transform_2(%arg0: i32) -> (i32, i32) {
    %c0_i32 = arith.constant 0 : i32
    %c0_i32_0 = arith.constant 0 : i32
    return %arg0, %c0_i32 : i32, i32
  }
  func.func @transform_3(%arg0: i32) -> (i32, i32, i32) {
    %c0_i32 = arith.constant 0 : i32
    %c0_i32_0 = arith.constant 0 : i32
    %c0_i32_1 = arith.constant 0 : i32
    return %c0_i32, %arg0, %c0_i32_0 : i32, i32, i32
  }
}

module attributes {stable_mosaic.version = 14 : i64} {
  func.func @_tc_head_kernel(%arg0: i32, %arg1: memref<2x1000x128xf32, #tpu.memory_space<vmem>>, %arg2: memref<1000x1xf32, #tpu.memory_space<vmem>>, %arg3: memref<1x128xf32, #tpu.memory_space<vmem>>, %arg4: memref<1x128xf32, #tpu.memory_space<vmem>>, %arg5: memref<1x128xf32, #tpu.memory_space<vmem>>, %arg6: memref<1x128xf32, #tpu.memory_space<vmem>>, %arg7: memref<384x128xf32, #tpu.memory_space<vmem>>, %arg8: memref<384x128xf32, #tpu.memory_space<vmem>>, %arg9: memref<1x384xf32, #tpu.memory_space<vmem>>, %arg10: memref<1x384xf32, #tpu.memory_space<vmem>>, %arg11: memref<384x128xf32, #tpu.memory_space<vmem>>, %arg12: memref<1x384xf32, #tpu.memory_space<vmem>>, %arg13: memref<1x384xf32, #tpu.memory_space<vmem>>, %arg14: memref<64x128xf32, #tpu.memory_space<vmem>>, %arg15: memref<1x64xf32, #tpu.memory_space<vmem>>, %arg16: memref<1x64xf32, #tpu.memory_space<vmem>>, %arg17: memref<1x1xf32, #tpu.memory_space<vmem>>, %arg18: memref<1000x1xf32, #tpu.memory_space<vmem>>) attributes {dimension_semantics = [#tpu.dimension_semantics<arbitrary>], iteration_bounds = array<i64: 10>, scalar_prefetch = 0 : i64, scratch_operands = 0 : i64, tpu.core_type = #tpu.core_type<tc>, window_params = [{transform_indices = @transform_0, window_bounds = array<i64: 2, 1000, 128>}, {transform_indices = @transform_1, window_bounds = array<i64: 1000, 1>}, {pipeline_mode = #tpu.pipeline_mode<synchronous>, transform_indices = @transform_2, window_bounds = array<i64: 1, 128>}, {pipeline_mode = #tpu.pipeline_mode<synchronous>, transform_indices = @transform_3, window_bounds = array<i64: 1, 128>}, {pipeline_mode = #tpu.pipeline_mode<synchronous>, transform_indices = @transform_4, window_bounds = array<i64: 1, 128>}, {pipeline_mode = #tpu.pipeline_mode<synchronous>, transform_indices = @transform_5, window_bounds = array<i64: 1, 128>}, {pipeline_mode = #tpu.pipeline_mode<synchronous>, transform_indices = @transform_6, window_bounds = array<i64: 384, 128>}, {pipeline_mode = #tpu.pipeline_mode<synchronous>, transform_indices = @transform_7, window_bounds = array<i64: 384, 128>}, {pipeline_mode = #tpu.pipeline_mode<synchronous>, transform_indices = @transform_8, window_bounds = array<i64: 1, 384>}, {pipeline_mode = #tpu.pipeline_mode<synchronous>, transform_indices = @transform_9, window_bounds = array<i64: 1, 384>}, {pipeline_mode = #tpu.pipeline_mode<synchronous>, transform_indices = @transform_10, window_bounds = array<i64: 384, 128>}, {pipeline_mode = #tpu.pipeline_mode<synchronous>, transform_indices = @transform_11, window_bounds = array<i64: 1, 384>}, {pipeline_mode = #tpu.pipeline_mode<synchronous>, transform_indices = @transform_12, window_bounds = array<i64: 1, 384>}, {pipeline_mode = #tpu.pipeline_mode<synchronous>, transform_indices = @transform_13, window_bounds = array<i64: 64, 128>}, {pipeline_mode = #tpu.pipeline_mode<synchronous>, transform_indices = @transform_14, window_bounds = array<i64: 1, 64>}, {pipeline_mode = #tpu.pipeline_mode<synchronous>, transform_indices = @transform_15, window_bounds = array<i64: 1, 64>}, {pipeline_mode = #tpu.pipeline_mode<synchronous>, transform_indices = @transform_16, window_bounds = array<i64: 1, 1>}, {transform_indices = @transform_17, window_bounds = array<i64: 1000, 1>}]} {
    %get3A = arith.constant 0 : index
    %get3A_0 = arith.constant 0 : index
    %get3A_1 = vector.load %arg2[%get3A, %get3A_0] : memref<1000x1xf32, #tpu.memory_space<vmem>>, vector<1000x1xf32>
    %get3A_2 = arith.constant 0 : index
    %get3A_3 = arith.constant 0 : index
    %get3A_4 = arith.constant 0 : index
    %get3A_5 = vector.load %arg1[%get3A_2, %get3A_3, %get3A_4] : memref<2x1000x128xf32, #tpu.memory_space<vmem>>, vector<1x1000x128xf32>
    %get3A_6 = vector.shape_cast %get3A_5 : vector<1x1000x128xf32> to vector<1000x128xf32>
    %mul3A = vector.broadcast %get3A_1 : vector<1000x1xf32> to vector<1000x128xf32>
    %mul3A_7 = arith.mulf %get3A_6, %mul3A : vector<1000x128xf32>
    %get3A_8 = arith.constant 0 : index
    %get3A_9 = arith.constant 0 : index
    %get3A_10 = vector.load %arg3[%get3A_8, %get3A_9] : memref<1x128xf32, #tpu.memory_space<vmem>>, vector<1x128xf32>
    %mul3A_11 = vector.broadcast %get3A_10 : vector<1x128xf32> to vector<1000x128xf32>
    %mul3A_12 = arith.mulf %mul3A_7, %mul3A_11 : vector<1000x128xf32>
    %get3A_13 = arith.constant 0 : index
    %get3A_14 = arith.constant 0 : index
    %get3A_15 = vector.load %arg5[%get3A_13, %get3A_14] : memref<1x128xf32, #tpu.memory_space<vmem>>, vector<1x128xf32>
    %add3A = vector.broadcast %get3A_15 : vector<1x128xf32> to vector<1000x128xf32>
    %add3A_16 = arith.addf %mul3A_12, %add3A : vector<1000x128xf32>
    %max3A = arith.constant 0.000000e+00 : f32
    %max3A_17 = vector.broadcast %max3A : f32 to vector<1000x128xf32>
    %max3A_18 = arith.maximumf %add3A_16, %max3A_17 : vector<1000x128xf32>
    %get3A_19 = arith.constant 1 : index
    %get3A_20 = arith.constant 0 : index
    %get3A_21 = arith.constant 0 : index
    %get3A_22 = vector.load %arg1[%get3A_19, %get3A_20, %get3A_21] : memref<2x1000x128xf32, #tpu.memory_space<vmem>>, vector<1x1000x128xf32>
    %get3A_23 = vector.shape_cast %get3A_22 : vector<1x1000x128xf32> to vector<1000x128xf32>
    %mul3A_24 = vector.broadcast %get3A_1 : vector<1000x1xf32> to vector<1000x128xf32>
    %mul3A_25 = arith.mulf %get3A_23, %mul3A_24 : vector<1000x128xf32>
    %get3A_26 = arith.constant 0 : index
    %get3A_27 = arith.constant 0 : index
    %get3A_28 = vector.load %arg4[%get3A_26, %get3A_27] : memref<1x128xf32, #tpu.memory_space<vmem>>, vector<1x128xf32>
    %mul3A_29 = vector.broadcast %get3A_28 : vector<1x128xf32> to vector<1000x128xf32>
    %mul3A_30 = arith.mulf %mul3A_25, %mul3A_29 : vector<1000x128xf32>
    %get3A_31 = arith.constant 0 : index
    %get3A_32 = arith.constant 0 : index
    %get3A_33 = vector.load %arg6[%get3A_31, %get3A_32] : memref<1x128xf32, #tpu.memory_space<vmem>>, vector<1x128xf32>
    %add3A_34 = vector.broadcast %get3A_33 : vector<1x128xf32> to vector<1000x128xf32>
    %add3A_35 = arith.addf %mul3A_30, %add3A_34 : vector<1000x128xf32>
    %max3A_36 = arith.constant 0.000000e+00 : f32
    %max3A_37 = vector.broadcast %max3A_36 : f32 to vector<1000x128xf32>
    %max3A_38 = arith.maximumf %add3A_35, %max3A_37 : vector<1000x128xf32>
    %get3A_39 = arith.constant 0 : index
    %get3A_40 = arith.constant 0 : index
    %get3A_41 = vector.load %arg7[%get3A_39, %get3A_40] : memref<384x128xf32, #tpu.memory_space<vmem>>, vector<384x128xf32>
    %dot_general3A = arith.constant dense<0.000000e+00> : vector<1000x384xf32>
    %dot_general3A_42 = tpu.matmul %max3A_18, %get3A_41, %dot_general3A {dimension_numbers = #tpu.dot_dimension_numbers<[1], [1], [0], [0], [0, 0, 1, 0], [], []>, transpose_lhs_hint = false} : vector<1000x128xf32>, vector<384x128xf32>, vector<1000x384xf32> -> vector<1000x384xf32>
    %get3A_43 = arith.constant 0 : index
    %get3A_44 = arith.constant 0 : index
    %get3A_45 = vector.load %arg8[%get3A_43, %get3A_44] : memref<384x128xf32, #tpu.memory_space<vmem>>, vector<384x128xf32>
    %dot_general3A_46 = arith.constant dense<0.000000e+00> : vector<1000x384xf32>
    %dot_general3A_47 = tpu.matmul %max3A_38, %get3A_45, %dot_general3A_46 {dimension_numbers = #tpu.dot_dimension_numbers<[1], [1], [0], [0], [0, 0, 1, 0], [], []>, transpose_lhs_hint = false} : vector<1000x128xf32>, vector<384x128xf32>, vector<1000x384xf32> -> vector<1000x384xf32>
    %add3A_48 = arith.addf %dot_general3A_42, %dot_general3A_47 : vector<1000x384xf32>
    %get3A_49 = arith.constant 0 : index
    %get3A_50 = arith.constant 0 : index
    %get3A_51 = vector.load %arg9[%get3A_49, %get3A_50] : memref<1x384xf32, #tpu.memory_space<vmem>>, vector<1x384xf32>
    %add3A_52 = vector.broadcast %get3A_51 : vector<1x384xf32> to vector<1000x384xf32>
    %add3A_53 = arith.addf %add3A_48, %add3A_52 : vector<1000x384xf32>
    %get3A_54 = arith.constant 0 : index
    %get3A_55 = arith.constant 0 : index
    %get3A_56 = vector.load %arg10[%get3A_54, %get3A_55] : memref<1x384xf32, #tpu.memory_space<vmem>>, vector<1x384xf32>
    %slice3A = vector.extract_strided_slice %add3A_53 {offsets = [0, 0], sizes = [1000, 128], strides = [1, 1]} : vector<1000x384xf32> to vector<1000x128xf32>
    %slice3A_57 = vector.extract_strided_slice %get3A_56 {offsets = [0, 0], sizes = [1, 128], strides = [1, 1]} : vector<1x384xf32> to vector<1x128xf32>
    %add3A_58 = vector.broadcast %slice3A_57 : vector<1x128xf32> to vector<1000x128xf32>
    %add3A_59 = arith.addf %slice3A, %add3A_58 : vector<1000x128xf32>
    %logistic3A = arith.negf %add3A_59 : vector<1000x128xf32>
    %logistic3A_60 = math.exp %logistic3A : vector<1000x128xf32>
    %logistic3A_61 = arith.constant 1.000000e+00 : f32
    %logistic3A_62 = vector.broadcast %logistic3A_61 : f32 to vector<1000x128xf32>
    %logistic3A_63 = arith.addf %logistic3A_62, %logistic3A_60 : vector<1000x128xf32>
    %logistic3A_64 = arith.divf %logistic3A_62, %logistic3A_63 : vector<1000x128xf32>
    %slice3A_65 = vector.extract_strided_slice %add3A_53 {offsets = [0, 128], sizes = [1000, 128], strides = [1, 1]} : vector<1000x384xf32> to vector<1000x128xf32>
    %slice3A_66 = vector.extract_strided_slice %get3A_56 {offsets = [0, 128], sizes = [1, 128], strides = [1, 1]} : vector<1x384xf32> to vector<1x128xf32>
    %add3A_67 = vector.broadcast %slice3A_66 : vector<1x128xf32> to vector<1000x128xf32>
    %add3A_68 = arith.addf %slice3A_65, %add3A_67 : vector<1000x128xf32>
    %logistic3A_69 = arith.negf %add3A_68 : vector<1000x128xf32>
    %logistic3A_70 = math.exp %logistic3A_69 : vector<1000x128xf32>
    %logistic3A_71 = arith.constant 1.000000e+00 : f32
    %logistic3A_72 = vector.broadcast %logistic3A_71 : f32 to vector<1000x128xf32>
    %logistic3A_73 = arith.addf %logistic3A_72, %logistic3A_70 : vector<1000x128xf32>
    %logistic3A_74 = arith.divf %logistic3A_72, %logistic3A_73 : vector<1000x128xf32>
    %slice3A_75 = vector.extract_strided_slice %add3A_53 {offsets = [0, 256], sizes = [1000, 128], strides = [1, 1]} : vector<1000x384xf32> to vector<1000x128xf32>
    %slice3A_76 = vector.extract_strided_slice %get3A_56 {offsets = [0, 256], sizes = [1, 128], strides = [1, 1]} : vector<1x384xf32> to vector<1x128xf32>
    %mul3A_77 = vector.broadcast %slice3A_76 : vector<1x128xf32> to vector<1000x128xf32>
    %mul3A_78 = arith.mulf %logistic3A_64, %mul3A_77 : vector<1000x128xf32>
    %add3A_79 = arith.addf %slice3A_75, %mul3A_78 : vector<1000x128xf32>
    %tanh3A = math.tanh %add3A_79 : vector<1000x128xf32>
    %sub3A = arith.constant 1.000000e+00 : f32
    %sub3A_80 = vector.broadcast %sub3A : f32 to vector<1000x128xf32>
    %sub3A_81 = arith.subf %sub3A_80, %logistic3A_74 : vector<1000x128xf32>
    %mul3A_82 = arith.mulf %sub3A_81, %tanh3A : vector<1000x128xf32>
    %get3A_83 = arith.constant 0 : index
    %get3A_84 = arith.constant 0 : index
    %get3A_85 = vector.load %arg11[%get3A_83, %get3A_84] : memref<384x128xf32, #tpu.memory_space<vmem>>, vector<384x128xf32>
    %dot_general3A_86 = arith.constant dense<0.000000e+00> : vector<1000x384xf32>
    %dot_general3A_87 = tpu.matmul %mul3A_82, %get3A_85, %dot_general3A_86 {dimension_numbers = #tpu.dot_dimension_numbers<[1], [1], [0], [0], [0, 0, 1, 0], [], []>, transpose_lhs_hint = false} : vector<1000x128xf32>, vector<384x128xf32>, vector<1000x384xf32> -> vector<1000x384xf32>
    %get3A_88 = arith.constant 0 : index
    %get3A_89 = arith.constant 0 : index
    %get3A_90 = vector.load %arg12[%get3A_88, %get3A_89] : memref<1x384xf32, #tpu.memory_space<vmem>>, vector<1x384xf32>
    %add3A_91 = vector.broadcast %get3A_90 : vector<1x384xf32> to vector<1000x384xf32>
    %add3A_92 = arith.addf %dot_general3A_87, %add3A_91 : vector<1000x384xf32>
    %get3A_93 = arith.constant 0 : index
    %get3A_94 = arith.constant 0 : index
    %get3A_95 = vector.load %arg13[%get3A_93, %get3A_94] : memref<1x384xf32, #tpu.memory_space<vmem>>, vector<1x384xf32>
    %slice3A_96 = vector.extract_strided_slice %add3A_92 {offsets = [0, 0], sizes = [1000, 128], strides = [1, 1]} : vector<1000x384xf32> to vector<1000x128xf32>
    %slice3A_97 = vector.extract_strided_slice %get3A_95 {offsets = [0, 0], sizes = [1, 128], strides = [1, 1]} : vector<1x384xf32> to vector<1x128xf32>
    %add3A_98 = vector.broadcast %slice3A_97 : vector<1x128xf32> to vector<1000x128xf32>
    %add3A_99 = arith.addf %slice3A_96, %add3A_98 : vector<1000x128xf32>
    %logistic3A_100 = arith.negf %add3A_99 : vector<1000x128xf32>
    %logistic3A_101 = math.exp %logistic3A_100 : vector<1000x128xf32>
    %logistic3A_102 = arith.constant 1.000000e+00 : f32
    %logistic3A_103 = vector.broadcast %logistic3A_102 : f32 to vector<1000x128xf32>
    %logistic3A_104 = arith.addf %logistic3A_103, %logistic3A_101 : vector<1000x128xf32>
    %logistic3A_105 = arith.divf %logistic3A_103, %logistic3A_104 : vector<1000x128xf32>
    %slice3A_106 = vector.extract_strided_slice %add3A_92 {offsets = [0, 128], sizes = [1000, 128], strides = [1, 1]} : vector<1000x384xf32> to vector<1000x128xf32>
    %slice3A_107 = vector.extract_strided_slice %get3A_95 {offsets = [0, 128], sizes = [1, 128], strides = [1, 1]} : vector<1x384xf32> to vector<1x128xf32>
    %add3A_108 = vector.broadcast %slice3A_107 : vector<1x128xf32> to vector<1000x128xf32>
    %add3A_109 = arith.addf %slice3A_106, %add3A_108 : vector<1000x128xf32>
    %logistic3A_110 = arith.negf %add3A_109 : vector<1000x128xf32>
    %logistic3A_111 = math.exp %logistic3A_110 : vector<1000x128xf32>
    %logistic3A_112 = arith.constant 1.000000e+00 : f32
    %logistic3A_113 = vector.broadcast %logistic3A_112 : f32 to vector<1000x128xf32>
    %logistic3A_114 = arith.addf %logistic3A_113, %logistic3A_111 : vector<1000x128xf32>
    %logistic3A_115 = arith.divf %logistic3A_113, %logistic3A_114 : vector<1000x128xf32>
    %slice3A_116 = vector.extract_strided_slice %add3A_92 {offsets = [0, 256], sizes = [1000, 128], strides = [1, 1]} : vector<1000x384xf32> to vector<1000x128xf32>
    %slice3A_117 = vector.extract_strided_slice %get3A_95 {offsets = [0, 256], sizes = [1, 128], strides = [1, 1]} : vector<1x384xf32> to vector<1x128xf32>
    %mul3A_118 = vector.broadcast %slice3A_117 : vector<1x128xf32> to vector<1000x128xf32>
    %mul3A_119 = arith.mulf %logistic3A_105, %mul3A_118 : vector<1000x128xf32>
    %add3A_120 = arith.addf %slice3A_116, %mul3A_119 : vector<1000x128xf32>
    %tanh3A_121 = math.tanh %add3A_120 : vector<1000x128xf32>
    %sub3A_122 = arith.constant 1.000000e+00 : f32
    %sub3A_123 = vector.broadcast %sub3A_122 : f32 to vector<1000x128xf32>
    %sub3A_124 = arith.subf %sub3A_123, %logistic3A_115 : vector<1000x128xf32>
    %mul3A_125 = arith.mulf %sub3A_124, %tanh3A_121 : vector<1000x128xf32>
    %get3A_126 = arith.constant 0 : index
    %get3A_127 = arith.constant 0 : index
    %get3A_128 = vector.load %arg14[%get3A_126, %get3A_127] : memref<64x128xf32, #tpu.memory_space<vmem>>, vector<64x128xf32>
    %dot_general3A_129 = arith.constant dense<0.000000e+00> : vector<1000x64xf32>
    %dot_general3A_130 = tpu.matmul %mul3A_125, %get3A_128, %dot_general3A_129 {dimension_numbers = #tpu.dot_dimension_numbers<[1], [1], [0], [0], [0, 0, 1, 0], [], []>, transpose_lhs_hint = false} : vector<1000x128xf32>, vector<64x128xf32>, vector<1000x64xf32> -> vector<1000x64xf32>
    %get3A_131 = arith.constant 0 : index
    %get3A_132 = arith.constant 0 : index
    %get3A_133 = vector.load %arg15[%get3A_131, %get3A_132] : memref<1x64xf32, #tpu.memory_space<vmem>>, vector<1x64xf32>
    %add3A_134 = vector.broadcast %get3A_133 : vector<1x64xf32> to vector<1000x64xf32>
    %add3A_135 = arith.addf %dot_general3A_130, %add3A_134 : vector<1000x64xf32>
    %max3A_136 = arith.constant 0.000000e+00 : f32
    %max3A_137 = vector.broadcast %max3A_136 : f32 to vector<1000x64xf32>
    %max3A_138 = arith.maximumf %add3A_135, %max3A_137 : vector<1000x64xf32>
    %get3A_139 = arith.constant 0 : index
    %get3A_140 = arith.constant 0 : index
    %get3A_141 = vector.load %arg16[%get3A_139, %get3A_140] : memref<1x64xf32, #tpu.memory_space<vmem>>, vector<1x64xf32>
    %mul3A_142 = vector.broadcast %get3A_141 : vector<1x64xf32> to vector<1000x64xf32>
    %mul3A_143 = arith.mulf %max3A_138, %mul3A_142 : vector<1000x64xf32>
    %reduce_sum3A = arith.constant dense<0.000000e+00> : vector<1000xf32>
    %reduce_sum3A_144 = vector.multi_reduction <add>, %mul3A_143, %reduce_sum3A [1] : vector<1000x64xf32> to vector<1000xf32>
    %broadcast_in_dim3A = vector.shape_cast %reduce_sum3A_144 : vector<1000xf32> to vector<1000x1xf32>
    %get3A_145 = arith.constant 0 : index
    %get3A_146 = arith.constant 0 : index
    %get3A_147 = vector.load %arg17[%get3A_145, %get3A_146] : memref<1x1xf32, #tpu.memory_space<vmem>>, vector<1x1xf32>
    %add3A_148 = vector.broadcast %get3A_147 : vector<1x1xf32> to vector<1000x1xf32>
    %add3A_149 = arith.addf %broadcast_in_dim3A, %add3A_148 : vector<1000x1xf32>
    %swap3A = arith.constant 0 : index
    %swap3A_150 = arith.constant 0 : index
    %swap3A_151 = vector.load %arg18[%swap3A, %swap3A_150] : memref<1000x1xf32, #tpu.memory_space<vmem>>, vector<1000x1xf32>
    tpu.vector_store %arg18[%swap3A, %swap3A_150], %add3A_149 {strides = array<i32>} : memref<1000x1xf32, #tpu.memory_space<vmem>>, vector<1000x1xf32>,
    return
  }
  func.func @transform_0(%arg0: i32) -> (i32, i32, i32) {
    %c0_i32 = arith.constant 0 : i32
    %c0_i32_0 = arith.constant 0 : i32
    %c0_i32_1 = arith.constant 0 : i32
    return %c0_i32, %arg0, %c0_i32_0 : i32, i32, i32
  }
  func.func @transform_1(%arg0: i32) -> (i32, i32) {
    %c0_i32 = arith.constant 0 : i32
    %c0_i32_0 = arith.constant 0 : i32
    return %arg0, %c0_i32 : i32, i32
  }
  func.func @transform_2(%arg0: i32) -> (i32, i32) {
    %c0_i32 = arith.constant 0 : i32
    %c0_i32_0 = arith.constant 0 : i32
    %c0_i32_1 = arith.constant 0 : i32
    return %c0_i32, %c0_i32_0 : i32, i32
  }
  func.func @transform_3(%arg0: i32) -> (i32, i32) {
    %c0_i32 = arith.constant 0 : i32
    %c0_i32_0 = arith.constant 0 : i32
    %c0_i32_1 = arith.constant 0 : i32
    return %c0_i32, %c0_i32_0 : i32, i32
  }
  func.func @transform_4(%arg0: i32) -> (i32, i32) {
    %c0_i32 = arith.constant 0 : i32
    %c0_i32_0 = arith.constant 0 : i32
    %c0_i32_1 = arith.constant 0 : i32
    return %c0_i32, %c0_i32_0 : i32, i32
  }
  func.func @transform_5(%arg0: i32) -> (i32, i32) {
    %c0_i32 = arith.constant 0 : i32
    %c0_i32_0 = arith.constant 0 : i32
    %c0_i32_1 = arith.constant 0 : i32
    return %c0_i32, %c0_i32_0 : i32, i32
  }
  func.func @transform_6(%arg0: i32) -> (i32, i32) {
    %c0_i32 = arith.constant 0 : i32
    %c0_i32_0 = arith.constant 0 : i32
    %c0_i32_1 = arith.constant 0 : i32
    return %c0_i32, %c0_i32_0 : i32, i32
  }
  func.func @transform_7(%arg0: i32) -> (i32, i32) {
    %c0_i32 = arith.constant 0 : i32
    %c0_i32_0 = arith.constant 0 : i32
    %c0_i32_1 = arith.constant 0 : i32
    return %c0_i32, %c0_i32_0 : i32, i32
  }
  func.func @transform_8(%arg0: i32) -> (i32, i32) {
    %c0_i32 = arith.constant 0 : i32
    %c0_i32_0 = arith.constant 0 : i32
    %c0_i32_1 = arith.constant 0 : i32
    return %c0_i32, %c0_i32_0 : i32, i32
  }
  func.func @transform_9(%arg0: i32) -> (i32, i32) {
    %c0_i32 = arith.constant 0 : i32
    %c0_i32_0 = arith.constant 0 : i32
    %c0_i32_1 = arith.constant 0 : i32
    return %c0_i32, %c0_i32_0 : i32, i32
  }
  func.func @transform_10(%arg0: i32) -> (i32, i32) {
    %c0_i32 = arith.constant 0 : i32
    %c0_i32_0 = arith.constant 0 : i32
    %c0_i32_1 = arith.constant 0 : i32
    return %c0_i32, %c0_i32_0 : i32, i32
  }
  func.func @transform_11(%arg0: i32) -> (i32, i32) {
    %c0_i32 = arith.constant 0 : i32
    %c0_i32_0 = arith.constant 0 : i32
    %c0_i32_1 = arith.constant 0 : i32
    return %c0_i32, %c0_i32_0 : i32, i32
  }
  func.func @transform_12(%arg0: i32) -> (i32, i32) {
    %c0_i32 = arith.constant 0 : i32
    %c0_i32_0 = arith.constant 0 : i32
    %c0_i32_1 = arith.constant 0 : i32
    return %c0_i32, %c0_i32_0 : i32, i32
  }
  func.func @transform_13(%arg0: i32) -> (i32, i32) {
    %c0_i32 = arith.constant 0 : i32
    %c0_i32_0 = arith.constant 0 : i32
    %c0_i32_1 = arith.constant 0 : i32
    return %c0_i32, %c0_i32_0 : i32, i32
  }
  func.func @transform_14(%arg0: i32) -> (i32, i32) {
    %c0_i32 = arith.constant 0 : i32
    %c0_i32_0 = arith.constant 0 : i32
    %c0_i32_1 = arith.constant 0 : i32
    return %c0_i32, %c0_i32_0 : i32, i32
  }
  func.func @transform_15(%arg0: i32) -> (i32, i32) {
    %c0_i32 = arith.constant 0 : i32
    %c0_i32_0 = arith.constant 0 : i32
    %c0_i32_1 = arith.constant 0 : i32
    return %c0_i32, %c0_i32_0 : i32, i32
  }
  func.func @transform_16(%arg0: i32) -> (i32, i32) {
    %c0_i32 = arith.constant 0 : i32
    %c0_i32_0 = arith.constant 0 : i32
    %c0_i32_1 = arith.constant 0 : i32
    return %c0_i32, %c0_i32_0 : i32, i32
  }
  func.func @transform_17(%arg0: i32) -> (i32, i32) {
    %c0_i32 = arith.constant 0 : i32
    %c0_i32_0 = arith.constant 0 : i32
    return %arg0, %c0_i32 : i32, i32
  }
}

</mosaic_0001>

<sc_bundles>
// kernel: kernel.6.cloned.1.call-start
scs
__scs_entry_jumppad:
0x0: {  	(pc) =	sbr.rel $0x88, $3  }
0x1: {  	(tag) =	ssettag $0x0;
	lr =	simm.s32 $0x1  }
0x2: {  	[smem:$0x3F8E] =	sst lr;
	_ =	strace $0xD0000000  }
0x3: {  	_ = 	snop  }
0x4: {  	_ = 	snop  }
0x5: {  	_ = 	snop  }
0x6: {  	_ = 	snop  }
0x7: {  	_ = 	snop  }
__scs_overlays_trampoline_lowered:
0x8: {  	[smem:$0x3F9D] =	sst s0  }
0x9: {  	[smem:$0x3F9E] =	sst s1  }
0xa: {  	[smem:$0x3F9F] =	sst s2  }
0xb: {  	[smem:$0x3FA0] =	sst s3  }
0xc: {  	[smem:$0x3FA1] =	sst s4  }
0xd: {  	[smem:$0x3FA2] =	sst s5  }
0xe: {  	[smem:$0x3FA3] =	sst s6  }
0xf: {  	[smem:$0x3FA4] =	sst s7  }
0x10: {  	[smem:$0x3FA5] =	sst s8  }
0x11: {  	[smem:$0x3FA6] =	sst s9;
	s0 =	simm.s32 @!p0 $0x0  }
0x12: {  	s1 =	sld [smem:$0x3F8C];
	s0 =	simm.s32 @p0 $0x1  }
0x13: {  	[smem:$0x3FA7] =	sst s0;
	s0 =	simm.s32 @!p1 $0x0  }
0x14: {  	s2 =	sld [smem:$0x3F8B];
	s0 =	simm.s32 @p1 $0x1  }
0x15: {  	[smem:$0x3FA8] =	sst s0;
	s0 =	simm.s32 @!p2 $0x0  }
0x16: {  	s3 =	sld [smem:$0x3FDB];
	s0 =	simm.s32 @p2 $0x1  }
0x17: {  	s4 =	simm.s32 $0x1BF5;
	[smem:$0x3FAA] =	sst s0  }
0x18: {  	s0 =	sld [smem:$0x3F8D];
	_ =	swait.ge [sflag:s4], $0x0  }
0x19: {  	s7 =	sld [smem:$0x3F8E]  }
0x1a: {  	s8 =	sadd.s32 $0xFFFFE003, lr  }
0x1b: {  	s9 =	sadd.s32 $0xFFFFFEF7, lr;
	s5 =	simm.s32 $0xFFFFFFFF;
	p2 =	slt.u32 s8, $0xFFFFF086  }
0x1c: {  	p1 =	slt.u32 s9, $0xF7A;
	s5 =	simm.s32 @!p2 $0x0  }
0x1d: {  	s5 =	simm.s32 @p1 $0x1;
	p0 =	seq.s32 s7, s2  }
0x1e: {  	s7 =	smul.u32 @!p0 $0xF7A, s2;
	p2 =	seq.s32 @!p0 s5, $0x0  }
0x1f: {  	s9 =	smul.u32 $0xF7A, s1;
	s8 =	simm.s32 @!p0 $0x1BF5;
	p2 =	por !p2, p0  }
0x20: {  	[sflag:s8] =	ssyncset.s32 @!p0 $0xFFFFF086;
	s6 =	sadd.s32 @!p0 s3, s7;
	s7 =	simm.s32 @!p0 $0x108  }
0x21: {  	s3 =	sadd.s32 s3, s9;
	s6 =	sadd.s32 @!p0 $0x88, s6;
	s7 =	simm.s32 @p2 $0x1082  }
0x22: {  	[simem:s7], [sflag:s8] =	dma.local @!p0 [hbm:s6], $0xF7A  }
0x23: {  	s9 =	sor.u32 $0xD0000000, s2;
	s6 =	simm.s32 $0x108;
	_ =	swait.ge @!p0 [sflag:s8], $0x0  }
0x24: {  	s3 =	sadd.s32 $0x88, s3;
	s6 =	simm.s32 @!p1 $0x1082;
	[sflag:s4] =	ssyncset.s32 $0xFFFFF086  }
0x25: {  	[simem:s6], [sflag:s4] =	dma.local [hbm:s3], $0xF7A  }
0x26: {  	[smem:$0x3F8E] =	sst s1;
	(tag) =	ssettag s2;
	_ =	strace s9  }
0x27: {  	s1 =	sld [smem:$0x3F9E]  }
0x28: {  	s2 =	sld [smem:$0x3F9F]  }
0x29: {  	s4 =	sld [smem:$0x3FA1]  }
0x2a: {  	p0 =	seq.s32 s5, $0x0;
	s5 =	sld [smem:$0x3FA2]  }
0x2b: {  	s6 =	sld [smem:$0x3FA3]  }
0x2c: {  	s7 =	sld [smem:$0x3FA4]  }
0x2d: {  	s3 =	simm.s32 $0x108;
	s8 =	sld [smem:$0x3FA5]  }
0x2e: {  	s3 =	simm.s32 @!p0 $0x1082;
	s9 =	sld [smem:$0x3FA6]  }
0x2f: {  	lr =	sadd.s32 s0, s3;
	s0 =	sld [smem:$0x3F9D]  }
0x30: {  	s3 =	sld [smem:$0x3FA0]  }
0x31: {  	[smem:$0x3FA9] =	sst s10  }
0x32: {  	s10 =	sld [smem:$0x3FA7];
	_ =	sdelay $0x3  }
0x33: {  	p0 =	seq.s32 s10, $0x1;
	s10 =	sld [smem:$0x3FA9];
	_ =	sdelay $0x3  }
0x34: {  	[smem:$0x3FA9] =	sst s10  }
0x35: {  	s10 =	sld [smem:$0x3FA8];
	_ =	sdelay $0x3  }
0x36: {  	p1 =	seq.s32 s10, $0x1;
	s10 =	sld [smem:$0x3FA9];
	_ =	sdelay $0x3  }
0x37: {  	[smem:$0x3FA9] =	sst s10  }
0x38: {  	s10 =	sld [smem:$0x3FAA]  }
0x39: {  	_ = 	snop;
	(pc) =	sbr.ind lr, $3  }
0x3a: {  	_ = 	snop  }
0x3b: {  	_ = 	snop  }
0x3c: {  	p2 =	seq.s32 s10, $0x1;
	s10 =	sld [smem:$0x3FA9]  }
0x3d: {  	_ =	shalt  }
0x3e: {  	_ =	shalt  }
0x3f: {  	_ =	shalt  }
0x40: {  	_ =	shalt  }
0x41: {  	_ =	shalt  }
0x42: {  	_ =	shalt  }
0x43: {  	_ =	shalt  }
0x44: {  	_ =	shalt  }
0x45: {  	_ =	shalt  }
0x46: {  	_ =	shalt  }
0x47: {  	_ =	shalt  }
0x48: {  	_ =	shalt  }
0x49: {  	_ =	shalt  }
0x4a: {  	_ =	shalt  }
0x4b: {  	_ =	shalt  }
0x4c: {  	_ =	shalt  }
0x4d: {  	_ =	shalt  }
0x4e: {  	_ =	shalt  }
0x4f: {  	_ =	shalt  }
0x50: {  	_ =	shalt  }
0x51: {  	_ =	shalt  }
0x52: {  	_ =	shalt  }
0x53: {  	_ =	shalt  }
0x54: {  	_ =	shalt  }
0x55: {  	_ =	shalt  }
0x56: {  	_ =	shalt  }
0x57: {  	_ =	shalt  }
0x58: {  	_ =	shalt  }
0x59: {  	_ =	shalt  }
0x5a: {  	_ =	shalt  }
0x5b: {  	_ =	shalt  }
0x5c: {  	_ =	shalt  }
0x5d: {  	_ =	shalt  }
0x5e: {  	_ =	shalt  }
0x5f: {  	_ =	shalt  }
0x60: {  	_ =	shalt  }
0x61: {  	_ =	shalt  }
0x62: {  	_ =	shalt  }
0x63: {  	_ =	shalt  }
0x64: {  	_ =	shalt  }
0x65: {  	_ =	shalt  }
0x66: {  	_ =	shalt  }
0x67: {  	_ =	shalt  }
0x68: {  	_ =	shalt  }
0x69: {  	_ =	shalt  }
0x6a: {  	_ =	shalt  }
0x6b: {  	_ =	shalt  }
0x6c: {  	_ =	shalt  }
0x6d: {  	_ =	shalt  }
0x6e: {  	_ =	shalt  }
0x6f: {  	_ =	shalt  }
0x70: {  	_ =	shalt  }
0x71: {  	_ =	shalt  }
0x72: {  	_ =	shalt  }
0x73: {  	_ =	shalt  }
0x74: {  	_ =	shalt  }
0x75: {  	_ =	shalt  }
0x76: {  	_ =	shalt  }
0x77: {  	_ =	shalt  }
0x78: {  	_ =	shalt  }
0x79: {  	_ =	shalt  }
0x7a: {  	_ =	shalt  }
0x7b: {  	_ =	shalt  }
0x7c: {  	_ =	shalt  }
0x7d: {  	_ =	shalt  }
0x7e: {  	_ =	shalt  }
0x7f: {  	_ =	shalt  }
0x80: {  	_ =	shalt  }
0x81: {  	_ =	shalt  }
0x82: {  	_ =	shalt  }
0x83: {  	_ =	shalt  }
0x84: {  	_ =	shalt  }
0x85: {  	_ =	shalt  }
0x86: {  	_ =	shalt  }
0x87: {  	_ =	shalt  }
.Lfunc_end0:
.L_simem_size_0:
called_computation_lowered:
.L_overlay_start_0:
0x88: {  	s2 =	sld [smem:$0x3FD9]  }
0x89: {  	s3 =	sld [smem:$0x3FFE];
	_ =	sdelay $0x1  }
0x8a: {  	s1 =	srdreg.scid  }
0x8b: {  	s0 =	sand.u32 $0x1, s1  }
0x8c: {  	s17 =	sshll.u32 s0, $0xA;
	s2 =	sadd.s32 s3, s2  }
0x8d: {  	s2 =	sadd.s32 s2, s17  }
0x8e: {  	[smem:$0x3FB5] =	sst s2  }
0x8f: {  	_ = 	snop  }
0x90: {  	s2 =	sld [smem:$0x3FC7];
	(tm) =	ssettm $0x1  }
0x91: {  	s18 =	sld [smem:$0x3FFB];
	_ =	sdelay $0x3  }
0x92: {  	_ =	strace s18  }
0x93: {  	s3 =	sld [smem:$0x3FFC];
	_ =	sdelay $0x3  }
0x94: {  	_ =	strace s3  }
0x95: {  	s3 =	sld [smem:$0x3FFD];
	_ =	sdelay $0x3  }
0x96: {  	_ =	strace s3  }
0x97: {  	_ =	strace $0x8FFFFFFF  }
0x98: {  	s19 =	sld [smem:$0x3FDB];
	_ =	sdelay $0x1  }
0x99: {  	s4 =	simm.s32 $_scs_section_size  }
0x9a: {  	s5 =	simm.s32 $_size__tile_overlayer_lowered;
	s6 =	simm.s32 $_tile_overlayer_lowered  }
0x9b: {  	s22 =	simm.s32 $0x1BFF;
	s21 =	sshll.u32 s6, $0x1;
	s3 =	sadd.s32 s4, s19  }
0x9c: {  	s7 =	simm.s32 $0x0;
	s20 =	sshll.u32 s5, $0x1;
	s5 =	sadd.s32 s21, s3  }
0x9d: {  	[timem:s7], [sflag:s22] =	dma.local [hbm:s5], s20  }
0x9e: {  	_ =	swait.ge [sflag:s22], s20  }
0x9f: {  	s4 =	ssub.s32 $0x0, s20;
	[sflag:s22] =	ssyncset.done $0x0  }
0xa0: {  	[sflag:s22] =	ssyncadd.s32 s4;
	_ =	sdelay $0x1  }
0xa1: {  	s23 =	simm.s32 $0x1B8B  }
0xa2: {  	_ =	swait.ge [sflag:s23], $0x1  }
0xa3: {  	[sflag:s23] =	ssyncset.done $0x0  }
0xa4: {  	s25 =	simm.s32 $0x1B8E;
	s24 =	sld [smem:$0x3FFE];
	[sflag:s23] =	ssyncadd.s32 $0xFFFFFFFF  }
0xa5: {  	s26 =	simm.s32 $execute0_lowered;
	[smem:$0x3FD2] =	sst s25  }
0xa6: {  	s5 =	sshll.u32 s26, $0x1;
	_ =	strace $0x80000046;
	[dreg:$0x1] =	wrdreg $0xFFFFFFFF  }
0xa7: {  	s28 =	simm.s32 $_size_execute0_lowered;
	s3 =	sadd.s32 s3, s5;
	[dreg:$0x0] =	wrdreg $0x0  }
0xa8: {  	s5 =	sshll.u32 s28, $0x1;
	[dreg:$0x2] =	wrdreg s3  }
0xa9: {  	[dreg:$0x3] =	wrdreg s5  }
0xaa: {  	[dreg:$0x4] =	wrdreg $0xC0  }
0xab: {  	_ =	task [dreg:s7], $0x5FFFF  }
0xac: {  	[dreg:$0x1] =	wrdreg $0xFFFFFFFF  }
0xad: {  	[dreg:$0x0] =	wrdreg $0x60  }
0xae: {  	[dreg:$0x2] =	wrdreg s24  }
0xaf: {  	[dreg:$0x3] =	wrdreg s2  }
0xb0: {  	[dreg:$0x4] =	wrdreg $0x42800  }
0xb1: {  	[dreg:$0x5] =	wrdreg $0x9  }
0xb2: {  	_ =	task.clear_ibuf [dreg:s7], $0x6FFFF;
	_ =	strace $0x90000046  }
0xb3: {  	s29 =	simm.s32 $0x9;
	_ =	strace $0x80000048  }
0xb4: {  	_ =	swait.ge [sflag:s29], $0x1  }
0xb5: {  	[sflag:s29] =	ssyncadd.s32 $0xFFFFFFFF  }
0xb6: {  	_ =	strace $0x90000048  }
0xb7: {  	_ =	sfence  }
0xb8: {  	s30 =	sld [smem:$0x0];
	_ =	sdelay $0x2  }
0xb9: {  	s31 =	sshll.u32 s1, $0xD;
	s1 =	sshrl.u32 s1, $0x2  }
0xba: {  	s3 =	sand.u32 $0x4000, s31;
	s1 =	sadd.s32 s1, s30  }
0xbb: {  	s0 =	sor.u32 s3, s0;
	s1 =	sshll.u32 s1, $0x11  }
0xbc: {  	s0 =	sor.u32 s1, s0  }
0xbd: {  	s0 =	sadd.s32 $0x8F2B, s0  }
0xbe: {  	[sflag:s0] =	ssyncadd.remote.s32 $0x1  }
0xbf: {  	_ =	sfence.sel $0xFFFF  }
0xc0: {  	[dreg:$0x0] =	wrdreg $0xFFFFFFFF;
	(pc) =	sbr.abs _section_cstart, $3  }
0xc1: {  	[dreg:$0x1] =	wrdreg $0xFFFFFFFF  }
0xc2: {  	_ =	task.clear_ibuf [dreg:s7], $0x2FFFF;
	_ =	strace $0x9FFFFFFF  }
0xc3: {  	(tm) =	ssettm $0x7FFFFFFF  }
tec
execute0_lowered:
.L_overlay_start_1:
0x0: {  	(tag) =	ssettag $0x1  }
0x1: {  	s1 =	srdreg.scid  }
0x2: {  	s1 =	sand.u32 $0x1, s1  }
0x3: {  	p0 =	seq.s32 s1, $0x1  }
.Ltmp0:
0x4: {  	s2 =	rddreg [dreg:$0x0];
	(pc) =	sbr.rel @p0 .LBB2_12-.Ltmp0, $4  }
0x5: {  	s4 =	rddreg [dreg:$0x1]  }
0x6: {  	s3 =	rddreg [dreg:$0x2];
	s5 =	simm.s32 $0x0  }
0x7: {  	[smem:$0x7FF] =	sst s5  }
0x8: {  	s0 =	rddreg [dreg:$0x3];
	_ =	strace $0x80000047;
	s1 =	stileid.u32  }
0x9: {  	s7 =	smul.u32 $0x4E2, s1  }
0xa: {  	s6 =	sadd.s32 $0x7800, s2;
	s9 =	smul.u32 $0x280, s1  }
0xb: {  	s8 =	simm.s32 $0x4500;
	s6 =	sadd.s32 s7, s6  }
0xc: {  	s7 =	sadd.s32 s7, s4;
	s30 =	sshrl.u32 s9, $0x3;
	s29 =	sadd.s32 $0x0, s6  }
0xd: {  	[tilespmem:s5], [sflag:$0x2] =	stream.linear.gather [hbm4b:s29+s5], $0x50, $0x38;
	[tilespmem:$0x8500] =	vst v63  }
0xe: {  	s4 =	sadd.s32 s9, s3;
	s10 =	sadd.s32 $0x0, s7;
	s31 =	sadd.s32 s30, s2  }
0xf: {  	[tilespmem:s8], [sflag:$0x2] =	stream.linear.gather [hbm4b:s10+s5], $0x50, $0x38;
	[tilespmem:$0x8500] =	vst v63  }
0x10: {  	s9 =	simm.s32 $0xA;
	s2 =	sadd.s32 $0xC800, s31;
	s10 =	simm.s32 $0x80  }
.LBB2_2:
0x11: {  	s11 =	sadd.s32 s9, s6  }
0x12: {  	p0 =	sne.s32 s9, $0x4D8;
	s12 =	smov.u32 s9;
	s9 =	sadd.s32 $0xA, s9  }
0x13: {  	[tilespmem:s10], [sflag:$0x2] =	stream.linear.gather [hbm4b:s11+s5], $0x50, $0x38;
	[tilespmem:$0x8500] =	vst v63  }
.Ltmp1:
0x14: {  	_ = 	snop;
	(pc) =	sbr.rel @p0 .LBB2_2-.Ltmp1, $4  }
0x15: {  	s8 =	sadd.s32 $0x80, s8;
	s11 =	sadd.s32 s12, s7  }
0x16: {  	[tilespmem:s8], [sflag:$0x2] =	stream.linear.gather [hbm4b:s11+s5], $0x50, $0x38;
	[tilespmem:$0x8500] =	vst v63  }
0x17: {  	_ = 	snop  }
0x18: {  	s10 =	sadd.s32 $0x80, s10  }
0x19: {  	v0 =	vimm.f32 $0.0e+00  }
0x1a: {  	[tilespmem:$0x4000] =	vst v0  }
0x1b: {  	[tilespmem:$0x4010] =	vst v0  }
0x1c: {  	[tilespmem:$0x4020] =	vst v0  }
0x1d: {  	[tilespmem:$0x4030] =	vst v0  }
0x1e: {  	[tilespmem:$0x4040] =	vst v0  }
0x1f: {  	[tilespmem:$0x4050] =	vst v0  }
0x20: {  	[tilespmem:$0x4060] =	vst v0  }
0x21: {  	[tilespmem:$0x4070] =	vst v0  }
0x22: {  	[tilespmem:$0x4080] =	vst v0  }
0x23: {  	[tilespmem:$0x4090] =	vst v0  }
0x24: {  	[tilespmem:$0x40A0] =	vst v0  }
0x25: {  	[tilespmem:$0x40B0] =	vst v0  }
0x26: {  	[tilespmem:$0x40C0] =	vst v0  }
0x27: {  	[tilespmem:$0x40D0] =	vst v0  }
0x28: {  	[tilespmem:$0x40E0] =	vst v0  }
0x29: {  	[tilespmem:$0x40F0] =	vst v0  }
0x2a: {  	[tilespmem:$0x4100] =	vst v0  }
0x2b: {  	[tilespmem:$0x4110] =	vst v0  }
0x2c: {  	[tilespmem:$0x4120] =	vst v0  }
0x2d: {  	[tilespmem:$0x4130] =	vst v0  }
0x2e: {  	[tilespmem:$0x4140] =	vst v0  }
0x2f: {  	[tilespmem:$0x4150] =	vst v0  }
0x30: {  	[tilespmem:$0x4160] =	vst v0  }
0x31: {  	[tilespmem:$0x4170] =	vst v0  }
0x32: {  	[tilespmem:$0x4180] =	vst v0  }
0x33: {  	[tilespmem:$0x4190] =	vst v0  }
0x34: {  	[tilespmem:$0x41A0] =	vst v0  }
0x35: {  	[tilespmem:$0x41B0] =	vst v0  }
0x36: {  	[tilespmem:$0x41C0] =	vst v0  }
0x37: {  	[tilespmem:$0x41D0] =	vst v0  }
0x38: {  	[tilespmem:$0x41E0] =	vst v0  }
0x39: {  	[tilespmem:$0x41F0] =	vst v0  }
0x3a: {  	[tilespmem:$0x4200] =	vst v0  }
0x3b: {  	[tilespmem:$0x4210] =	vst v0  }
0x3c: {  	[tilespmem:$0x4220] =	vst v0  }
0x3d: {  	[tilespmem:$0x4230] =	vst v0  }
0x3e: {  	[tilespmem:$0x4240] =	vst v0  }
0x3f: {  	[tilespmem:$0x4250] =	vst v0  }
0x40: {  	[tilespmem:$0x4260] =	vst v0  }
0x41: {  	s5 =	simm.s32 $0x4000;
	s31 =	simm.s32 $0x3;
	[tilespmem:$0x4270] =	vst v0  }
0x42: {  	[spmem:s4] =	stream.linear.scatter [tilespmem:s5], [sflag:$0x3], $0x280, $0x38;
	[tilespmem:$0x8500] =	vst v63  }
0x43: {  	_ =	swait.ge [sflag:s31], $0x280  }
0x44: {  	[sflag:s31] =	ssyncset.done $0x0  }
0x45: {  	s5 =	simm.s32 $0x2;
	[sflag:s31] =	ssyncadd.s32 $0xFFFFFD80  }
0x46: {  	_ =	swait.ge [sflag:s5], $0x50  }
0x47: {  	[sflag:s5] =	ssyncset.done $0x0  }
0x48: {  	[sflag:s5] =	ssyncadd.s32 $0xFFFFFFB0  }
0x49: {  	_ =	swait.ge [sflag:s5], $0x50  }
0x4a: {  	s6 =	simm.s32 $0x7C;
	[sflag:s5] =	ssyncset.done $0x0  }
.LBB2_4:
0x4b: {  	p0 =	sne.s32 s6, $0x1;
	s6 =	sadd.s32 $0xFFFFFFFF, s6;
	[sflag:s5] =	ssyncadd.s32 $0xFFFFFFB0  }
.Ltmp2:
0x4c: {  	_ =	swait.ge [sflag:s5], $0x50;
	(pc) =	sbr.rel @p0 .LBB2_4-.Ltmp2, $4  }
0x4d: {  	[sflag:s5] =	ssyncset.done $0x0  }
0x4e: {  	[sflag:s5] =	ssyncadd.s32 $0xFFFFFFB0  }
0x4f: {  	_ =	swait.ge [sflag:s5], $0x50  }
0x50: {  	[sflag:s5] =	ssyncset.done $0x0  }
0x51: {  	[sflag:s5] =	ssyncadd.s32 $0xFFFFFFB0  }
0x52: {  	s5 =	simm.s32 $0x0;
	s6 =	simm.s32 $0x50;
	[bflag:$0x0] =	sbarrier.arrive $0xFFFF  }
.LBB2_6:
0x53: {  	p0 =	sne.s32 s5, $0xF800  }
.Ltmp3:
0x54: {  	_ = 	snop;
	(pc) =	sbr.rel @p0 .LBB2_6-.Ltmp3, $4  }
0x55: {  	_ = 	snop  }
0x56: {  	s7 =	sshra.s32 s5, $0x2  }
0x57: {  	s5 =	sadd.s32 $0x200, s5;
	s8 =	sadd.s32 $0x4500, s7  }
0x58: {  	[spmem:s3] =	stream.indirect.scatter.add.f32 [tilespmem:s8], [sflag:$0x1], $0x1, s7, s6, $0xb8;
	[tilespmem:$0x8500] =	vst v63  }
0x59: {  	s3 =	simm.s32 $0x1  }
0x5a: {  	_ =	swait.ge [sflag:s3], $0x50  }
0x5b: {  	s5 =	simm.s32 $0x7C;
	[sflag:s3] =	ssyncset.done $0x0  }
.LBB2_8:
0x5c: {  	p0 =	sne.s32 s5, $0x1;
	s5 =	sadd.s32 $0xFFFFFFFF, s5;
	[sflag:s3] =	ssyncadd.s32 $0xFFFFFFB0  }
.Ltmp4:
0x5d: {  	(pc) =	sbr.rel @p0 .LBB2_8-.Ltmp4, $3  }
0x5e: {  	_ =	sdelay $0x1  }
0x5f: {  	_ =	swait.ge [sflag:s3], $0x50  }
0x60: {  	[sflag:s3] =	ssyncset.done $0x0  }
0x61: {  	[sflag:s3] =	ssyncadd.s32 $0xFFFFFFB0  }
0x62: {  	s30 =	simm.s32 $0x4000;
	s31 =	simm.s32 $0x3;
	[bflag:$0x0] =	sbarrier.arrive $0xFFFF  }
0x63: {  	[tilespmem:s30], [sflag:$0x3] =	stream.linear.gather [spmem:s4], $0x280, $0x38;
	[tilespmem:$0x8500] =	vst v63  }
0x64: {  	_ =	swait.ge [sflag:s31], $0x280  }
0x65: {  	[sflag:s31] =	ssyncset.done $0x0  }
0x66: {  	s3 =	simm.s32 $0x0;
	s4 =	simm.s32 $0x40;
	[sflag:s31] =	ssyncadd.s32 $0xFFFFFD80  }
.LBB2_10:
0x67: {  	p0 =	sne.s32 s4, $0x9C0;
	v0 =	vld [tilespmem:s3+$0x4000];
	_ =	sdelay $0x4  }
0x68: {  	v0 =	vadd.f32 $1.000000000e+00, v0;
	_ =	sdelay $0x1  }
0x69: {  	v1 =	vshrl.u32 v0, $0x1;
	v0 =	vmul.f32 $5.000000000e-01, v0  }
0x6a: {  	v1 =	vsub.s32 $0x5F3759DF, v1  }
0x6b: {  	v2 =	vmul.f32 v1, v0;
	_ =	sdelay $0x1  }
0x6c: {  	v2 =	vmul.f32 v1, v2;
	_ =	sdelay $0x1  }
0x6d: {  	v2 =	vsub.f32 $1.500000000e+00, v2;
	_ =	sdelay $0x1  }
0x6e: {  	v1 =	vmul.f32 v1, v2;
	_ =	sdelay $0x1  }
0x6f: {  	v2 =	vmul.f32 v1, v0;
	_ =	sdelay $0x1  }
0x70: {  	v2 =	vmul.f32 v2, v1;
	_ =	sdelay $0x1  }
0x71: {  	v2 =	vsub.f32 $1.500000000e+00, v2;
	_ =	sdelay $0x1  }
0x72: {  	v1 =	vmul.f32 v2, v1;
	_ =	sdelay $0x1  }
0x73: {  	v0 =	vmul.f32 v1, v0;
	_ =	sdelay $0x1  }
0x74: {  	v0 =	vmul.f32 v0, v1;
	_ =	sdelay $0x1  }
.Ltmp5:
0x75: {  	v0 =	vsub.f32 $1.500000000e+00, v0;
	(pc) =	sbr.rel @p0 .LBB2_10-.Ltmp5, $3  }
0x76: {  	_ = 	snop  }
0x77: {  	v0 =	vmul.f32 v0, v1;
	_ =	sdelay $0x1  }
0x78: {  	[tilespmem:s3+$0x4000] =	vst v0;
	s3 =	sshra.s32 s4, $0x2;
	s4 =	sadd.s32 $0x40, s4  }
0x79: {  	v0 =	vld [tilespmem:s3+$0x4000];
	_ =	sdelay $0x4  }
0x7a: {  	v0 =	vadd.f32 $1.000000000e+00, v0;
	_ =	sdelay $0x1  }
0x7b: {  	v1 =	vshrl.u32 v0, $0x1;
	v0 =	vmul.f32 $5.000000000e-01, v0  }
0x7c: {  	v1 =	vsub.s32 $0x5F3759DF, v1  }
0x7d: {  	v2 =	vmul.f32 v1, v0;
	_ =	sdelay $0x1  }
0x7e: {  	v2 =	vmul.f32 v1, v2;
	_ =	sdelay $0x1  }
0x7f: {  	v2 =	vsub.f32 $1.500000000e+00, v2;
	_ =	sdelay $0x1  }
0x80: {  	v1 =	vmul.f32 v1, v2;
	_ =	sdelay $0x1  }
0x81: {  	v2 =	vmul.f32 v1, v0;
	_ =	sdelay $0x1  }
0x82: {  	v2 =	vmul.f32 v2, v1;
	_ =	sdelay $0x1  }
0x83: {  	v2 =	vsub.f32 $1.500000000e+00, v2;
	_ =	sdelay $0x1  }
0x84: {  	v1 =	vmul.f32 v2, v1;
	_ =	sdelay $0x1  }
0x85: {  	v0 =	vmul.f32 v1, v0;
	_ =	sdelay $0x1  }
0x86: {  	v0 =	vmul.f32 v0, v1;
	_ =	sdelay $0x1  }
0x87: {  	v0 =	vsub.f32 $1.500000000e+00, v0;
	_ =	sdelay $0x1  }
0x88: {  	v0 =	vmul.f32 v0, v1;
	_ =	sdelay $0x1  }
0x89: {  	s30 =	simm.s32 $0x0;
	s4 =	simm.s32 $0x4000;
	s31 =	simm.s32 $0x3;
	[tilespmem:s3+$0x4000] =	vst v0  }
0x8a: {  	[hbm4b:s2+s30] =	stream.linear.scatter [tilespmem:s4], [sflag:$0x3], $0x280, $0x38;
	[tilespmem:$0x8500] =	vst v63  }
0x8b: {  	_ =	swait.ge [sflag:s31], $0x280  }
0x8c: {  	[sflag:s31] =	ssyncset.done $0x0  }
0x8d: {  	[sflag:s31] =	ssyncadd.s32 $0xFFFFFD80  }
.LBB2_12:
0x8e: {  	_ =	sfence.sel $0x180000  }
0x8f: {  	[bflag:$0x0] =	sbarrier.arrive $0xFFFF  }
0x90: {  	p0 =	sne.s32 s1, $0x0;
	_ =	strace $0x90000047  }
0x91: {  	s0 =	sadd.s32 @!p0 $0x100000, s0;
	[bflag:$0x2] =	sbarrier.arrive $0xFFFF  }
0x92: {  	[sflag:s0] =	ssyncadd.tile.s32 @!p0 $0x1;
	_ =	shalt  }
.Lfunc_end2:
_tile_overlayer_lowered:
.L_overlay_start_2:
0x93: {  	(tag) =	ssettag $0x2  }
0x94: {  	s0 =	rddreg [dreg:$0x0];
	s2 =	stileid.u32  }
0x95: {  	s1 =	rddreg [dreg:$0x1];
	p0 =	sne.s32 s2, $0x0  }
0x96: {  	s3 =	rddreg [dreg:$0x2];
	[bflag:$0x3] =	sbarrier.arrive $0xFFFF;
	s2 =	simm.s32 @!p0 $0x1C03  }
0x97: {  	[timem:s3], [sflag:s2] =	dma.local @!p0 [hbm:s0], s1  }
0x98: {  	s0 =	simm.s32 @!p0 $0x3  }
0x99: {  	_ =	swait.ge @!p0 [sflag:s0], s1  }
0x9a: {  	s1 =	ssub.s32 @!p0 $0x0, s1;
	[sflag:s0] =	ssyncset.done @!p0 $0x0  }
0x9b: {  	[sflag:s0] =	ssyncadd.s32 @!p0 s1  }
0x9c: {  	[bflag:$0x3] =	sbarrier.arrive $0xFFFF  }
0x9d: {  	_ =	shalt  }

// kernel: kernel.9.cloned.1.call-start
scs
__scs_entry_jumppad:
0x0: {  	(pc) =	sbr.rel $0x88, $3  }
0x1: {  	(tag) =	ssettag $0x0;
	lr =	simm.s32 $0x1  }
0x2: {  	[smem:$0x3F8E] =	sst lr;
	_ =	strace $0xD0000000  }
0x3: {  	_ = 	snop  }
0x4: {  	_ = 	snop  }
0x5: {  	_ = 	snop  }
0x6: {  	_ = 	snop  }
0x7: {  	_ = 	snop  }
__scs_overlays_trampoline_lowered:
0x8: {  	[smem:$0x3F9D] =	sst s0  }
0x9: {  	[smem:$0x3F9E] =	sst s1  }
0xa: {  	[smem:$0x3F9F] =	sst s2  }
0xb: {  	[smem:$0x3FA0] =	sst s3  }
0xc: {  	[smem:$0x3FA1] =	sst s4  }
0xd: {  	[smem:$0x3FA2] =	sst s5  }
0xe: {  	[smem:$0x3FA3] =	sst s6  }
0xf: {  	[smem:$0x3FA4] =	sst s7  }
0x10: {  	[smem:$0x3FA5] =	sst s8  }
0x11: {  	[smem:$0x3FA6] =	sst s9;
	s0 =	simm.s32 @!p0 $0x0  }
0x12: {  	s1 =	sld [smem:$0x3F8C];
	s0 =	simm.s32 @p0 $0x1  }
0x13: {  	[smem:$0x3FA7] =	sst s0;
	s0 =	simm.s32 @!p1 $0x0  }
0x14: {  	s2 =	sld [smem:$0x3F8B];
	s0 =	simm.s32 @p1 $0x1  }
0x15: {  	[smem:$0x3FA8] =	sst s0;
	s0 =	simm.s32 @!p2 $0x0  }
0x16: {  	s3 =	sld [smem:$0x3FDB];
	s0 =	simm.s32 @p2 $0x1  }
0x17: {  	s4 =	simm.s32 $0x1BF5;
	[smem:$0x3FAA] =	sst s0  }
0x18: {  	s0 =	sld [smem:$0x3F8D];
	_ =	swait.ge [sflag:s4], $0x0  }
0x19: {  	s7 =	sld [smem:$0x3F8E]  }
0x1a: {  	s8 =	sadd.s32 $0xFFFFE003, lr  }
0x1b: {  	s9 =	sadd.s32 $0xFFFFFEF7, lr;
	s5 =	simm.s32 $0xFFFFFFFF;
	p2 =	slt.u32 s8, $0xFFFFF086  }
0x1c: {  	p1 =	slt.u32 s9, $0xF7A;
	s5 =	simm.s32 @!p2 $0x0  }
0x1d: {  	s5 =	simm.s32 @p1 $0x1;
	p0 =	seq.s32 s7, s2  }
0x1e: {  	s7 =	smul.u32 @!p0 $0xF7A, s2;
	p2 =	seq.s32 @!p0 s5, $0x0  }
0x1f: {  	s9 =	smul.u32 $0xF7A, s1;
	s8 =	simm.s32 @!p0 $0x1BF5;
	p2 =	por !p2, p0  }
0x20: {  	[sflag:s8] =	ssyncset.s32 @!p0 $0xFFFFF086;
	s6 =	sadd.s32 @!p0 s3, s7;
	s7 =	simm.s32 @!p0 $0x108  }
0x21: {  	s3 =	sadd.s32 s3, s9;
	s6 =	sadd.s32 @!p0 $0x88, s6;
	s7 =	simm.s32 @p2 $0x1082  }
0x22: {  	[simem:s7], [sflag:s8] =	dma.local @!p0 [hbm:s6], $0xF7A  }
0x23: {  	s9 =	sor.u32 $0xD0000000, s2;
	s6 =	simm.s32 $0x108;
	_ =	swait.ge @!p0 [sflag:s8], $0x0  }
0x24: {  	s3 =	sadd.s32 $0x88, s3;
	s6 =	simm.s32 @!p1 $0x1082;
	[sflag:s4] =	ssyncset.s32 $0xFFFFF086  }
0x25: {  	[simem:s6], [sflag:s4] =	dma.local [hbm:s3], $0xF7A  }
0x26: {  	[smem:$0x3F8E] =	sst s1;
	(tag) =	ssettag s2;
	_ =	strace s9  }
0x27: {  	s1 =	sld [smem:$0x3F9E]  }
0x28: {  	s2 =	sld [smem:$0x3F9F]  }
0x29: {  	s4 =	sld [smem:$0x3FA1]  }
0x2a: {  	p0 =	seq.s32 s5, $0x0;
	s5 =	sld [smem:$0x3FA2]  }
0x2b: {  	s6 =	sld [smem:$0x3FA3]  }
0x2c: {  	s7 =	sld [smem:$0x3FA4]  }
0x2d: {  	s3 =	simm.s32 $0x108;
	s8 =	sld [smem:$0x3FA5]  }
0x2e: {  	s3 =	simm.s32 @!p0 $0x1082;
	s9 =	sld [smem:$0x3FA6]  }
0x2f: {  	lr =	sadd.s32 s0, s3;
	s0 =	sld [smem:$0x3F9D]  }
0x30: {  	s3 =	sld [smem:$0x3FA0]  }
0x31: {  	[smem:$0x3FA9] =	sst s10  }
0x32: {  	s10 =	sld [smem:$0x3FA7];
	_ =	sdelay $0x3  }
0x33: {  	p0 =	seq.s32 s10, $0x1;
	s10 =	sld [smem:$0x3FA9];
	_ =	sdelay $0x3  }
0x34: {  	[smem:$0x3FA9] =	sst s10  }
0x35: {  	s10 =	sld [smem:$0x3FA8];
	_ =	sdelay $0x3  }
0x36: {  	p1 =	seq.s32 s10, $0x1;
	s10 =	sld [smem:$0x3FA9];
	_ =	sdelay $0x3  }
0x37: {  	[smem:$0x3FA9] =	sst s10  }
0x38: {  	s10 =	sld [smem:$0x3FAA]  }
0x39: {  	_ = 	snop;
	(pc) =	sbr.ind lr, $3  }
0x3a: {  	_ = 	snop  }
0x3b: {  	_ = 	snop  }
0x3c: {  	p2 =	seq.s32 s10, $0x1;
	s10 =	sld [smem:$0x3FA9]  }
0x3d: {  	_ =	shalt  }
0x3e: {  	_ =	shalt  }
0x3f: {  	_ =	shalt  }
0x40: {  	_ =	shalt  }
0x41: {  	_ =	shalt  }
0x42: {  	_ =	shalt  }
0x43: {  	_ =	shalt  }
0x44: {  	_ =	shalt  }
0x45: {  	_ =	shalt  }
0x46: {  	_ =	shalt  }
0x47: {  	_ =	shalt  }
0x48: {  	_ =	shalt  }
0x49: {  	_ =	shalt  }
0x4a: {  	_ =	shalt  }
0x4b: {  	_ =	shalt  }
0x4c: {  	_ =	shalt  }
0x4d: {  	_ =	shalt  }
0x4e: {  	_ =	shalt  }
0x4f: {  	_ =	shalt  }
0x50: {  	_ =	shalt  }
0x51: {  	_ =	shalt  }
0x52: {  	_ =	shalt  }
0x53: {  	_ =	shalt  }
0x54: {  	_ =	shalt  }
0x55: {  	_ =	shalt  }
0x56: {  	_ =	shalt  }
0x57: {  	_ =	shalt  }
0x58: {  	_ =	shalt  }
0x59: {  	_ =	shalt  }
0x5a: {  	_ =	shalt  }
0x5b: {  	_ =	shalt  }
0x5c: {  	_ =	shalt  }
0x5d: {  	_ =	shalt  }
0x5e: {  	_ =	shalt  }
0x5f: {  	_ =	shalt  }
0x60: {  	_ =	shalt  }
0x61: {  	_ =	shalt  }
0x62: {  	_ =	shalt  }
0x63: {  	_ =	shalt  }
0x64: {  	_ =	shalt  }
0x65: {  	_ =	shalt  }
0x66: {  	_ =	shalt  }
0x67: {  	_ =	shalt  }
0x68: {  	_ =	shalt  }
0x69: {  	_ =	shalt  }
0x6a: {  	_ =	shalt  }
0x6b: {  	_ =	shalt  }
0x6c: {  	_ =	shalt  }
0x6d: {  	_ =	shalt  }
0x6e: {  	_ =	shalt  }
0x6f: {  	_ =	shalt  }
0x70: {  	_ =	shalt  }
0x71: {  	_ =	shalt  }
0x72: {  	_ =	shalt  }
0x73: {  	_ =	shalt  }
0x74: {  	_ =	shalt  }
0x75: {  	_ =	shalt  }
0x76: {  	_ =	shalt  }
0x77: {  	_ =	shalt  }
0x78: {  	_ =	shalt  }
0x79: {  	_ =	shalt  }
0x7a: {  	_ =	shalt  }
0x7b: {  	_ =	shalt  }
0x7c: {  	_ =	shalt  }
0x7d: {  	_ =	shalt  }
0x7e: {  	_ =	shalt  }
0x7f: {  	_ =	shalt  }
0x80: {  	_ =	shalt  }
0x81: {  	_ =	shalt  }
0x82: {  	_ =	shalt  }
0x83: {  	_ =	shalt  }
0x84: {  	_ =	shalt  }
0x85: {  	_ =	shalt  }
0x86: {  	_ =	shalt  }
0x87: {  	_ =	shalt  }
.Lfunc_end0:
.L_simem_size_0:
called_computation.1_lowered:
.L_overlay_start_0:
0x88: {  	s2 =	sld [smem:$0x3FD9]  }
0x89: {  	s3 =	sld [smem:$0x3FFE];
	_ =	sdelay $0x1  }
0x8a: {  	s1 =	srdreg.scid  }
0x8b: {  	s0 =	sand.u32 $0x1, s1  }
0x8c: {  	s17 =	sshll.u32 s0, $0xA;
	s2 =	sadd.s32 s3, s2  }
0x8d: {  	s2 =	sadd.s32 s2, s17  }
0x8e: {  	[smem:$0x3FB5] =	sst s2  }
0x8f: {  	_ = 	snop  }
0x90: {  	s2 =	sld [smem:$0x3FC7];
	(tm) =	ssettm $0x1  }
0x91: {  	s18 =	sld [smem:$0x3FFB];
	_ =	sdelay $0x3  }
0x92: {  	_ =	strace s18  }
0x93: {  	s3 =	sld [smem:$0x3FFC];
	_ =	sdelay $0x3  }
0x94: {  	_ =	strace s3  }
0x95: {  	s3 =	sld [smem:$0x3FFD];
	_ =	sdelay $0x3  }
0x96: {  	_ =	strace s3  }
0x97: {  	_ =	strace $0x8FFFFFFF  }
0x98: {  	s19 =	sld [smem:$0x3FDB];
	_ =	sdelay $0x1  }
0x99: {  	s4 =	simm.s32 $_scs_section_size  }
0x9a: {  	s5 =	simm.s32 $_size__tile_overlayer_lowered;
	s6 =	simm.s32 $_tile_overlayer_lowered  }
0x9b: {  	s22 =	simm.s32 $0x1BFF;
	s21 =	sshll.u32 s6, $0x1;
	s3 =	sadd.s32 s4, s19  }
0x9c: {  	s7 =	simm.s32 $0x0;
	s20 =	sshll.u32 s5, $0x1;
	s5 =	sadd.s32 s21, s3  }
0x9d: {  	[timem:s7], [sflag:s22] =	dma.local [hbm:s5], s20  }
0x9e: {  	_ =	swait.ge [sflag:s22], s20  }
0x9f: {  	s4 =	ssub.s32 $0x0, s20;
	[sflag:s22] =	ssyncset.done $0x0  }
0xa0: {  	[sflag:s22] =	ssyncadd.s32 s4;
	_ =	sdelay $0x1  }
0xa1: {  	s23 =	simm.s32 $0x1B8B  }
0xa2: {  	_ =	swait.ge [sflag:s23], $0x1  }
0xa3: {  	[sflag:s23] =	ssyncset.done $0x0  }
0xa4: {  	s25 =	simm.s32 $0x1B8E;
	s24 =	sld [smem:$0x3FFE];
	[sflag:s23] =	ssyncadd.s32 $0xFFFFFFFF  }
0xa5: {  	s26 =	simm.s32 $execute0_lowered;
	[smem:$0x3FD2] =	sst s25  }
0xa6: {  	s5 =	sshll.u32 s26, $0x1;
	_ =	strace $0x80000049;
	[dreg:$0x1] =	wrdreg $0xFFFFFFFF  }
0xa7: {  	s28 =	simm.s32 $_size_execute0_lowered;
	s3 =	sadd.s32 s3, s5;
	[dreg:$0x0] =	wrdreg $0x0  }
0xa8: {  	s5 =	sshll.u32 s28, $0x1;
	[dreg:$0x2] =	wrdreg s3  }
0xa9: {  	[dreg:$0x3] =	wrdreg s5  }
0xaa: {  	[dreg:$0x4] =	wrdreg $0xC0  }
0xab: {  	_ =	task [dreg:s7], $0x5FFFF  }
0xac: {  	[dreg:$0x1] =	wrdreg $0xFFFFFFFF  }
0xad: {  	[dreg:$0x0] =	wrdreg $0x60  }
0xae: {  	[dreg:$0x2] =	wrdreg s24  }
0xaf: {  	[dreg:$0x3] =	wrdreg s2  }
0xb0: {  	[dreg:$0x4] =	wrdreg $0x0  }
0xb1: {  	[dreg:$0x5] =	wrdreg $0x9  }
0xb2: {  	_ =	task.clear_ibuf [dreg:s7], $0x6FFFF;
	_ =	strace $0x90000049  }
0xb3: {  	s29 =	simm.s32 $0x9;
	_ =	strace $0x8000004B  }
0xb4: {  	_ =	swait.ge [sflag:s29], $0x1  }
0xb5: {  	[sflag:s29] =	ssyncadd.s32 $0xFFFFFFFF  }
0xb6: {  	_ =	strace $0x9000004B  }
0xb7: {  	_ =	sfence  }
0xb8: {  	s30 =	sld [smem:$0x0];
	_ =	sdelay $0x2  }
0xb9: {  	s31 =	sshll.u32 s1, $0xD;
	s1 =	sshrl.u32 s1, $0x2  }
0xba: {  	s3 =	sand.u32 $0x4000, s31;
	s1 =	sadd.s32 s1, s30  }
0xbb: {  	s0 =	sor.u32 s3, s0;
	s1 =	sshll.u32 s1, $0x11  }
0xbc: {  	s0 =	sor.u32 s1, s0  }
0xbd: {  	s0 =	sadd.s32 $0x8F2B, s0  }
0xbe: {  	[sflag:s0] =	ssyncadd.remote.s32 $0x1  }
0xbf: {  	_ =	sfence.sel $0xFFFF  }
0xc0: {  	[dreg:$0x0] =	wrdreg $0xFFFFFFFF;
	(pc) =	sbr.abs _section_cstart, $3  }
0xc1: {  	[dreg:$0x1] =	wrdreg $0xFFFFFFFF  }
0xc2: {  	_ =	task.clear_ibuf [dreg:s7], $0x2FFFF;
	_ =	strace $0x9FFFFFFF  }
0xc3: {  	(tm) =	ssettm $0x7FFFFFFF  }
tec
execute0_lowered:
.L_overlay_start_1:
0x0: {  	(tag) =	ssettag $0x1  }
0x1: {  	s0 =	rddreg [dreg:$0x0]  }
0x2: {  	s1 =	rddreg [dreg:$0x1]  }
0x3: {  	s2 =	rddreg [dreg:$0x2];
	s3 =	simm.s32 $0x0;
	s4 =	srdreg.scid  }
0x4: {  	s14 =	stileid.u32;
	[smem:$0x7FF] =	sst s3  }
0x5: {  	s4 =	sand.u32 $0x1, s4;
	s5 =	sadd.s32 $0xC800, s0;
	s8 =	smul.u32 $0x280, s14  }
0x6: {  	s6 =	sadd.s32 $0x2800, s0;
	s7 =	sadd.s32 $0x7800, s0;
	s10 =	smul.u32 $0x50000, s14  }
0x7: {  	s0 =	sadd.s32 $0x5AA00, s0;
	s22 =	smul.u32 $0x2710, s4;
	s9 =	ssub.s32 $0x2, s4  }
0x8: {  	_ =	strace $0x8000004A;
	s4 =	smul.u32 $0x138800, s4;
	s11 =	sshrl.u32 s9, $0x1  }
0x9: {  	s10 =	sshrl.u32 s10, $0x2;
	s9 =	ssub.s32 s9, s11;
	s8 =	sadd.s32 s8, s22  }
0xa: {  	s10 =	sadd.s32 s10, s2;
	s4 =	sshrl.u32 s4, $0x3;
	s8 =	sshll.u32 s8, $0x4  }
0xb: {  	[dreg:$0x4] =	wrdreg s10;
	s4 =	sadd.s32 $0x25800, s4;
	s12 =	sadd.s32 s5, s8  }
0xc: {  	s11 =	smul.u32 $0x2710, s14;
	s19 =	sadd.s32 s5, s4;
	[dreg:$0x5] =	wrdreg s12  }
0xd: {  	s8 =	sadd.s32 s0, s8;
	[dreg:$0x6] =	wrdreg s19  }
0xe: {  	s18 =	sshrl.u32 s11, $0x3;
	s0 =	sadd.s32 s0, s4;
	[dreg:$0xe] =	wrdreg s8  }
0xf: {  	s20 =	sadd.s32 s6, s18;
	[dreg:$0xf] =	wrdreg s0  }
0x10: {  	s21 =	sadd.s32 s7, s18;
	[dreg:$0x7] =	wrdreg s20  }
0x11: {  	s23 =	sadd.s32 s1, s18;
	[dreg:$0x8] =	wrdreg s21  }
0x12: {  	s24 =	sadd.s32 $0x10, s18;
	s19 =	sadd.s32 $0x180, s11;
	[dreg:$0x9] =	wrdreg s23  }
0x13: {  	s31 =	simm.s32 $0x1FC00;
	s13 =	sadd.s32 s6, s24;
	[dreg:$0x12] =	wrdreg s19  }
0x14: {  	s28 =	simm.s32 $0x5;
	s25 =	sadd.s32 s7, s24;
	[dreg:$0xa] =	wrdreg s13  }
0x15: {  	s26 =	sadd.s32 $0x20, s18;
	s12 =	sadd.s32 s1, s24;
	[dreg:$0xb] =	wrdreg s25  }
0x16: {  	s30 =	simm.s32 $0x6;
	s15 =	sadd.s32 s6, s26;
	[dreg:$0xc] =	wrdreg s12  }
0x17: {  	s29 =	simm.s32 $0x7;
	s16 =	sadd.s32 s7, s26;
	[dreg:$0xd] =	wrdreg s15  }
0x18: {  	p0 =	seq.s32 s14, $0xF;
	s17 =	sadd.s32 s1, s26;
	[dreg:$0x10] =	wrdreg s16  }
0x19: {  	s14 =	simm.s32 $0x8;
	s20 =	sadd.s32 $0x200, s11;
	[dreg:$0x11] =	wrdreg s17  }
0x1a: {  	s18 =	sadd.s32 $0x4E0, s18;
	s21 =	sadd.s32 $0x280, s11;
	[dreg:$0x13] =	wrdreg s20  }
0x1b: {  	s10 =	simm.s32 $0x13B00;
	s23 =	sadd.s32 s6, s18;
	[dreg:$0x14] =	wrdreg s21  }
0x1c: {  	s4 =	simm.s32 $0x13A80;
	s24 =	sadd.s32 s7, s18;
	[dreg:$0x15] =	wrdreg s23  }
0x1d: {  	s0 =	sadd.s32 s1, s18;
	s26 =	sadd.s32 $0x12C000, s2;
	[dreg:$0x16] =	wrdreg s24  }
0x1e: {  	s11 =	simm.s32 $0x1FD00;
	s18 =	simm.s32 $0x17C00;
	[dreg:$0x17] =	wrdreg s0  }
0x1f: {  	s19 =	simm.s32 $0xA;
	s25 =	smax.u32 s9, $0x1;
	[dreg:$0x19] =	wrdreg s26  }
0x20: {  	s23 =	simm.s32 $0x1FC80;
	s12 =	simm.s32 $0x13980;
	s13 =	simm.s32 $0x13B80  }
0x21: {  	s15 =	simm.s32 $0x80;
	s16 =	simm.s32 $0x13C00;
	s17 =	simm.s32 $0x9  }
0x22: {  	s20 =	simm.s32 $0x1BC00;
	s21 =	simm.s32 $0x1;
	s26 =	simm.s32 $0x3  }
0x23: {  	v0 =	vmov s22;
	s9 =	simm.s32 $0x0;
	[dreg:$0x18] =	wrdreg s25;
	s25 =	simm.s32 $0x2  }
.LBB2_1:
0x24: {  	[dreg:$0x1a] =	wrdreg s9  }
0x25: {  	s0 =	rddreg [dreg:$0x19]  }
0x26: {  	s8 =	rddreg [dreg:$0x6];
	s9 =	sshrl.u32 @p0 s0, $0x3  }
0x27: {  	s0 =	simm.s32 @p0 $0x1FC4;
	[dreg:$0x1d] =	wrdreg s9  }
0x28: {  	[spmem:s9], [sflag:s0] =	dma.local @p0 [hbm:s8], $0x1900  }
0x29: {  	s0 =	stileid.u32  }
0x2a: {  	s0 =	sshll.u32 @!p0 s0, $0x6;
	s8 =	rddreg [dreg:$0x4]  }
0x2b: {  	[dreg:$0x1b] =	wrdreg s0  }
0x2c: {  	s9 =	sshrl.u32 @!p0 s8, $0x3;
	s8 =	rddreg [dreg:$0x5]  }
0x2d: {  	s0 =	sor.u32 @!p0 $0x1C04, s0;
	[dreg:$0x1c] =	wrdreg s9  }
0x2e: {  	[spmem:s9], [sflag:s0] =	dma.local @!p0 [hbm:s8], $0x2800  }
0x2f: {  	s0 =	rddreg [dreg:$0x7]  }
0x30: {  	[tilespmem:s31], [sflag:$0x8] =	stream.linear.gather [hbm4b:s0+s3], $0x80, $0x38;
	[tilespmem:$0x1FD80] =	vst v63  }
0x31: {  	s24 =	simm.s32 $0x13880;
	s22 =	rddreg [dreg:$0x8]  }
0x32: {  	[tilespmem:s24], [sflag:$0x8] =	stream.linear.gather [hbm4b:s22+s3], $0x80, $0x38;
	[tilespmem:$0x1FD80] =	vst v63  }
0x33: {  	s8 =	rddreg [dreg:$0x9]  }
0x34: {  	[tilespmem:s4], [sflag:$0x8] =	stream.linear.gather [hbm4b:s8+s3], $0x80, $0x38;
	[tilespmem:$0x1FD80] =	vst v63  }
0x35: {  	s9 =	rddreg [dreg:$0xa]  }
0x36: {  	[tilespmem:s23], [sflag:$0x9] =	stream.linear.gather [hbm4b:s9+s3], $0x80, $0x38;
	[tilespmem:$0x1FD80] =	vst v63  }
0x37: {  	s22 =	rddreg [dreg:$0xb];
	s24 =	simm.s32 $0x13900  }
0x38: {  	[tilespmem:s24], [sflag:$0x9] =	stream.linear.gather [hbm4b:s22+s3], $0x80, $0x38;
	[tilespmem:$0x1FD80] =	vst v63  }
0x39: {  	s8 =	rddreg [dreg:$0xc]  }
0x3a: {  	[tilespmem:s10], [sflag:$0x9] =	stream.linear.gather [hbm4b:s8+s3], $0x80, $0x38;
	[tilespmem:$0x1FD80] =	vst v63  }
0x3b: {  	s9 =	rddreg [dreg:$0xd]  }
0x3c: {  	[tilespmem:s11], [sflag:$0xA] =	stream.linear.gather [hbm4b:s9+s3], $0x80, $0x38;
	[tilespmem:$0x1FD80] =	vst v63  }
0x3d: {  	s22 =	rddreg [dreg:$0x10]  }
0x3e: {  	[tilespmem:s12], [sflag:$0xA] =	stream.linear.gather [hbm4b:s22+s3], $0x80, $0x38;
	[tilespmem:$0x1FD80] =	vst v63  }
0x3f: {  	s0 =	simm.s32 @p0 $0x4;
	s24 =	rddreg [dreg:$0x11]  }
0x40: {  	[tilespmem:s13], [sflag:$0xA] =	stream.linear.gather [hbm4b:s24+s3], $0x80, $0x38;
	[tilespmem:$0x1FD80] =	vst v63  }
0x41: {  	_ =	swait.ge @p0 [sflag:s0], $0x1900  }
0x42: {  	[sflag:s0] =	ssyncset.done @p0 $0x0  }
0x43: {  	[sflag:s0] =	ssyncadd.s32 @p0 $0xFFFFE700;
	s0 =	simm.s32 @!p0 $0x4  }
0x44: {  	_ =	swait.ge @!p0 [sflag:s0], $0x2800  }
0x45: {  	[sflag:s0] =	ssyncset.done @!p0 $0x0  }
0x46: {  	[sflag:s0] =	ssyncadd.s32 @!p0 $0xFFFFD800  }
0x47: {  	s22 =	simm.s32 $0x0;
	[bflag:$0x0] =	sbarrier.arrive $0xFFFF  }
.LBB2_2:
0x48: {  	_ =	swait.ge [sflag:s14], $0x80  }
0x49: {  	[sflag:s14] =	ssyncset.done $0x0  }
0x4a: {  	[sflag:s14] =	ssyncadd.s32 $0xFFFFFF80  }
0x4b: {  	_ =	swait.ge [sflag:s14], $0x80  }
0x4c: {  	[sflag:s14] =	ssyncset.done $0x0  }
0x4d: {  	[sflag:s14] =	ssyncadd.s32 $0xFFFFFF80  }
0x4e: {  	_ =	swait.ge [sflag:s14], $0x80  }
0x4f: {  	[sflag:s14] =	ssyncset.done $0x0  }
0x50: {  	[sflag:s14] =	ssyncadd.s32 $0xFFFFFF80  }
0x51: {  	v1 =	vld [tilespmem:$0x1FC00]  }
0x52: {  	v2 =	vld [tilespmem:$0x1FC10]  }
0x53: {  	v3 =	vld [tilespmem:$0x1FC20]  }
0x54: {  	v4 =	vld [tilespmem:$0x1FC30]  }
0x55: {  	v5 =	vld [tilespmem:$0x1FC40]  }
0x56: {  	v6 =	vld [tilespmem:$0x1FC50];
	v1 =	vadd.s32 v0, v1  }
0x57: {  	[tilespmem:$0x1FC00] =	vst v1;
	v1 =	vadd.s32 v0, v2;
	v2 =	vld [tilespmem:$0x1FC60]  }
0x58: {  	[tilespmem:$0x1FC10] =	vst v1;
	v1 =	vadd.s32 v0, v3;
	v3 =	vld [tilespmem:$0x1FC70]  }
0x59: {  	[tilespmem:$0x1FC20] =	vst v1;
	v1 =	vadd.s32 v0, v4  }
0x5a: {  	[tilespmem:$0x1FC30] =	vst v1;
	v1 =	vadd.s32 v0, v5  }
0x5b: {  	[tilespmem:$0x1FC40] =	vst v1;
	v1 =	vadd.s32 v0, v6  }
0x5c: {  	[tilespmem:$0x1FC50] =	vst v1;
	v1 =	vadd.s32 v0, v2  }
0x5d: {  	[tilespmem:$0x1FC60] =	vst v1;
	v1 =	vadd.s32 v0, v3  }
0x5e: {  	[tilespmem:$0x1FC70] =	vst v1  }
0x5f: {  	[tilespmem:s16], [sflag:$0x1] =	stream.indirect.gather [hbm4b:s5+s15], $0x80, s31, s15, $0xb8;
	[tilespmem:$0x1FD80] =	vst v63  }
0x60: {  	_ =	swait.ge [sflag:s17], $0x80  }
0x61: {  	[sflag:s17] =	ssyncset.done $0x0  }
0x62: {  	[sflag:s17] =	ssyncadd.s32 $0xFFFFFF80  }
0x63: {  	_ =	swait.ge [sflag:s17], $0x80  }
0x64: {  	[sflag:s17] =	ssyncset.done $0x0  }
0x65: {  	[sflag:s17] =	ssyncadd.s32 $0xFFFFFF80  }
0x66: {  	_ =	swait.ge [sflag:s17], $0x80  }
0x67: {  	[sflag:s17] =	ssyncset.done $0x0  }
0x68: {  	[sflag:s17] =	ssyncadd.s32 $0xFFFFFF80  }
0x69: {  	v1 =	vld [tilespmem:$0x1FC80]  }
0x6a: {  	v2 =	vld [tilespmem:$0x1FC90]  }
0x6b: {  	v3 =	vld [tilespmem:$0x1FCA0]  }
0x6c: {  	v4 =	vld [tilespmem:$0x1FCB0]  }
0x6d: {  	v5 =	vld [tilespmem:$0x1FCC0]  }
0x6e: {  	v6 =	vld [tilespmem:$0x1FCD0];
	v1 =	vadd.s32 v0, v1  }
0x6f: {  	[tilespmem:$0x1FC80] =	vst v1;
	v1 =	vadd.s32 v0, v2;
	v2 =	vld [tilespmem:$0x1FCE0]  }
0x70: {  	[tilespmem:$0x1FC90] =	vst v1;
	v1 =	vadd.s32 v0, v3;
	v3 =	vld [tilespmem:$0x1FCF0]  }
0x71: {  	[tilespmem:$0x1FCA0] =	vst v1;
	v1 =	vadd.s32 v0, v4  }
0x72: {  	[tilespmem:$0x1FCB0] =	vst v1;
	v1 =	vadd.s32 v0, v5  }
0x73: {  	[tilespmem:$0x1FCC0] =	vst v1;
	v1 =	vadd.s32 v0, v6  }
0x74: {  	[tilespmem:$0x1FCD0] =	vst v1;
	v1 =	vadd.s32 v0, v2  }
0x75: {  	[tilespmem:$0x1FCE0] =	vst v1;
	v1 =	vadd.s32 v0, v3  }
0x76: {  	[tilespmem:$0x1FCF0] =	vst v1  }
0x77: {  	[tilespmem:s18], [sflag:$0x2] =	stream.indirect.gather [hbm4b:s5+s15], $0x80, s23, s15, $0xb8;
	[tilespmem:$0x1FD80] =	vst v63  }
0x78: {  	_ =	swait.ge [sflag:s19], $0x80  }
0x79: {  	[sflag:s19] =	ssyncset.done $0x0  }
0x7a: {  	[sflag:s19] =	ssyncadd.s32 $0xFFFFFF80  }
0x7b: {  	_ =	swait.ge [sflag:s19], $0x80  }
0x7c: {  	[sflag:s19] =	ssyncset.done $0x0  }
0x7d: {  	[sflag:s19] =	ssyncadd.s32 $0xFFFFFF80  }
0x7e: {  	_ =	swait.ge [sflag:s19], $0x80  }
0x7f: {  	[sflag:s19] =	ssyncset.done $0x0  }
0x80: {  	[sflag:s19] =	ssyncadd.s32 $0xFFFFFF80  }
0x81: {  	v1 =	vld [tilespmem:$0x1FD00]  }
0x82: {  	v2 =	vld [tilespmem:$0x1FD10]  }
0x83: {  	v3 =	vld [tilespmem:$0x1FD20]  }
0x84: {  	v4 =	vld [tilespmem:$0x1FD30]  }
0x85: {  	v5 =	vld [tilespmem:$0x1FD40]  }
0x86: {  	v6 =	vld [tilespmem:$0x1FD50];
	v1 =	vadd.s32 v0, v1  }
0x87: {  	[tilespmem:$0x1FD00] =	vst v1;
	v1 =	vadd.s32 v0, v2;
	v2 =	vld [tilespmem:$0x1FD60]  }
0x88: {  	[tilespmem:$0x1FD10] =	vst v1;
	v1 =	vadd.s32 v0, v3;
	v3 =	vld [tilespmem:$0x1FD70]  }
0x89: {  	[tilespmem:$0x1FD20] =	vst v1;
	v1 =	vadd.s32 v0, v4  }
0x8a: {  	s0 =	simm.s32 $0x0;
	[tilespmem:$0x1FD30] =	vst v1;
	v1 =	vadd.s32 v0, v5  }
0x8b: {  	v4 =	vmov s0;
	[tilespmem:$0x1FD40] =	vst v1;
	v1 =	vadd.s32 v0, v6  }
0x8c: {  	[tilespmem:$0x1FD50] =	vst v1;
	v1 =	vadd.s32 v0, v2;
	v2 =	vand.u32 $0xFFFFFFF8, v4  }
0x8d: {  	[tilespmem:$0x1FD60] =	vst v1;
	v1 =	vadd.s32 v0, v3;
	v2 =	vbroadcast v2, $0x0  }
0x8e: {  	[tilespmem:$0x1FD70] =	vst v1  }
0x8f: {  	[tilespmem:s20], [sflag:$0x3] =	stream.indirect.gather [hbm4b:s5+s15], $0x80, s11, s15, $0xb8;
	[tilespmem:$0x1FD80] =	vst v63  }
0x90: {  	s24 =	simm.s32 $0x6;
	_ =	swait.ge [sflag:s21], $0x4000  }
0x91: {  	v4 =	vmov s24;
	[sflag:s21] =	ssyncset.done $0x0  }
0x92: {  	v3 =	vand.u32 $0xFFFFFFFE, v4;
	[sflag:s21] =	ssyncadd.s32 $0xFFFFC000  }
0x93: {  	s23 =	simm.s32 $0x13E00;
	v1 =	vbroadcast v3, $0x0;
	v3 =	vld.idx.msk [tilespmem:v2+s4+$0x0], $0xffff  }
0x94: {  	v4 =	vld [tilespmem:s23+$0x170]  }
0x95: {  	v5 =	vld [tilespmem:s23+$0xFFFFFE00]  }
0x96: {  	v6 =	vld [tilespmem:s23+$0xFFFFFE10]  }
0x97: {  	v7 =	vld [tilespmem:s23+$0xFFFFFE20]  }
0x98: {  	v8 =	vld [tilespmem:s23+$0xFFFFFE30]  }
0x99: {  	v9 =	vld [tilespmem:s23+$0xFFFFFE40]  }
0x9a: {  	v10 =	vld [tilespmem:s23+$0xFFFFFE50]  }
0x9b: {  	s8 =	simm.s32 $0x1;
	v11 =	vld [tilespmem:s23+$0xFFFFFE60]  }
0x9c: {  	v2 =	vld.idx.msk [tilespmem:v1+s4+$0x0], $0xffff;
	v1 =	vmov s8  }
0x9d: {  	v12 =	vld [tilespmem:s23+$0xFFFFFE70];
	v1 =	vand.u32 $0xFFFFFFF9, v1  }
0x9e: {  	v13 =	vld [tilespmem:s23+$0xFFFFFE80];
	v1 =	vbroadcast v1, $0x0  }
0x9f: {  	v14 =	vld [tilespmem:s23+$0xFFFFFE90];
	v5 =	vmul.f32 v5, v3  }
0xa0: {  	v15 =	vld [tilespmem:s23+$0xFFFFFEA0];
	v8 =	vmul.f32 v8, v3  }
0xa1: {  	v16 =	vld [tilespmem:s23+$0xFFFFFEB0];
	v9 =	vmul.f32 v9, v3;
	[tilespmem:s23+$0xFFFFFE00] =	vst v5  }
0xa2: {  	s9 =	simm.s32 $0x2;
	[tilespmem:s23+$0xFFFFFE30] =	vst v8;
	v8 =	vmul.f32 v10, v3;
	v10 =	vld [tilespmem:s23+$0xFFFFFEF0]  }
0xa3: {  	v4 =	vmul.f32 v4, v2;
	v5 =	vmov s9;
	[tilespmem:s23+$0xFFFFFE40] =	vst v9;
	v9 =	vmul.f32 v11, v3;
	v11 =	vld [tilespmem:s23+$0xFFFFFF00]  }
0xa4: {  	v6 =	vmul.f32 v6, v3;
	v5 =	vand.u32 $0xFFFFFFFA, v5;
	v1 =	vld.idx.msk [tilespmem:v1+s4+$0x0], $0xffff  }
0xa5: {  	[tilespmem:s23+$0x170] =	vst v4;
	v4 =	vmul.f32 v7, v3;
	v7 =	vld [tilespmem:s23+$0xFFFFFEC0];
	v5 =	vbroadcast v5, $0x0  }
0xa6: {  	[tilespmem:s23+$0xFFFFFE10] =	vst v6;
	v3 =	vmul.f32 v12, v3;
	v12 =	vld [tilespmem:s23+$0xFFFFFF20]  }
0xa7: {  	[tilespmem:s23+$0xFFFFFE50] =	vst v8;
	v8 =	vld [tilespmem:s23+$0xFFFFFF10]  }
0xa8: {  	[tilespmem:s23+$0xFFFFFE20] =	vst v4;
	v4 =	vld [tilespmem:s23+$0xFFFFFEE0]  }
0xa9: {  	[tilespmem:s23+$0xFFFFFE60] =	vst v9;
	v6 =	vmul.f32 v13, v1;
	v13 =	vld [tilespmem:s23+$0xFFFFFED0]  }
0xaa: {  	[tilespmem:s23+$0xFFFFFE70] =	vst v3;
	v9 =	vmul.f32 v14, v1;
	v14 =	vld [tilespmem:s23+$0xFFFFFF30]  }
0xab: {  	s24 =	simm.s32 $0x3;
	v7 =	vmul.f32 v7, v1;
	v5 =	vld.idx.msk [tilespmem:v5+s4+$0x0], $0xffff;
	[tilespmem:s23+$0xFFFFFE80] =	vst v6  }
0xac: {  	v3 =	vmul.f32 v15, v1;
	v15 =	vld [tilespmem:s23+$0xFFFFFF40];
	v6 =	vmov s24;
	[tilespmem:s23+$0xFFFFFE90] =	vst v9;
	v9 =	vmul.f32 v16, v1  }
0xad: {  	[tilespmem:s23+$0xFFFFFEC0] =	vst v7;
	v7 =	vld [tilespmem:s23+$0xFFFFFF70];
	v6 =	vand.u32 $0xFFFFFFFB, v6  }
0xae: {  	v4 =	vmul.f32 v4, v1;
	v6 =	vbroadcast v6, $0x0;
	[tilespmem:s23+$0xFFFFFEB0] =	vst v9;
	v9 =	vld [tilespmem:s23+$0xFFFFFF60]  }
0xaf: {  	[tilespmem:s23+$0xFFFFFEA0] =	vst v3;
	v13 =	vmul.f32 v13, v1;
	v1 =	vmul.f32 v10, v1;
	v10 =	vld [tilespmem:s23+$0xFFFFFF80]  }
0xb0: {  	[tilespmem:s23+$0xFFFFFEE0] =	vst v4;
	v3 =	vmul.f32 v11, v5;
	v11 =	vld [tilespmem:s23+$0xFFFFFF50]  }
0xb1: {  	v4 =	vmul.f32 v8, v5;
	v8 =	vld [tilespmem:s23+$0xFFFFFF90];
	[tilespmem:s23+$0xFFFFFED0] =	vst v13  }
0xb2: {  	s8 =	simm.s32 $0x4;
	[tilespmem:s23+$0xFFFFFEF0] =	vst v1;
	v1 =	vmul.f32 v12, v5;
	v12 =	vld [tilespmem:s23+$0xFFFFFFA0]  }
0xb3: {  	v13 =	vld [tilespmem:s23+$0xFFFFFFB0];
	[tilespmem:s23+$0xFFFFFF00] =	vst v3;
	v3 =	vmov s8  }
0xb4: {  	v3 =	vand.u32 $0xFFFFFFFC, v3;
	[tilespmem:s23+$0xFFFFFF20] =	vst v1;
	v1 =	vmul.f32 v15, v5;
	v6 =	vld.idx.msk [tilespmem:v6+s4+$0x0], $0xffff  }
0xb5: {  	[tilespmem:s23+$0xFFFFFF10] =	vst v4;
	v4 =	vmul.f32 v14, v5;
	v14 =	vld [tilespmem:s23+$0xFFFFFFC0];
	v3 =	vbroadcast v3, $0x0  }
0xb6: {  	v9 =	vmul.f32 v9, v5;
	[tilespmem:s23+$0xFFFFFF40] =	vst v1;
	v1 =	vld [tilespmem:s23+$0xFFFFFFE0]  }
0xb7: {  	[tilespmem:s23+$0xFFFFFF30] =	vst v4;
	v11 =	vmul.f32 v11, v5;
	v5 =	vmul.f32 v7, v5;
	v7 =	vld [tilespmem:s23+$0xFFFFFFF0]  }
0xb8: {  	[tilespmem:s23+$0xFFFFFF60] =	vst v9;
	v9 =	vld [tilespmem:s23+$0x0]  }
0xb9: {  	[tilespmem:s23+$0xFFFFFF50] =	vst v11;
	v4 =	vmul.f32 v10, v6;
	v10 =	vld [tilespmem:s23+$0xFFFFFFD0]  }
0xba: {  	[tilespmem:s23+$0xFFFFFF70] =	vst v5;
	v11 =	vld [tilespmem:s23+$0x10];
	v8 =	vmul.f32 v8, v6  }
0xbb: {  	s9 =	simm.s32 $0x5;
	v5 =	vmul.f32 v12, v6;
	v3 =	vld.idx.msk [tilespmem:v3+s4+$0x0], $0xffff;
	[tilespmem:s23+$0xFFFFFF80] =	vst v4  }
0xbc: {  	v12 =	vld [tilespmem:s23+$0x20];
	v4 =	vmov s9;
	[tilespmem:s23+$0xFFFFFF90] =	vst v8;
	v8 =	vmul.f32 v13, v6  }
0xbd: {  	v1 =	vmul.f32 v1, v6;
	[tilespmem:s23+$0xFFFFFFA0] =	vst v5;
	v5 =	vmul.f32 v14, v6;
	v13 =	vld [tilespmem:s23+$0x30];
	v4 =	vand.u32 $0xFFFFFFFD, v4  }
0xbe: {  	v4 =	vbroadcast v4, $0x0;
	[tilespmem:s23+$0xFFFFFFB0] =	vst v8;
	v8 =	vmul.f32 v10, v6;
	v10 =	vld [tilespmem:s23+$0x40]  }
0xbf: {  	[tilespmem:s23+$0xFFFFFFE0] =	vst v1;
	v6 =	vmul.f32 v7, v6;
	v7 =	vld [tilespmem:s23+$0x80]  }
0xc0: {  	[tilespmem:s23+$0xFFFFFFC0] =	vst v5;
	v5 =	vmul.f32 v9, v3;
	v9 =	vld [tilespmem:s23+$0x50]  }
0xc1: {  	v1 =	vmul.f32 v11, v3;
	v11 =	vld [tilespmem:s23+$0x90];
	[tilespmem:s23+$0xFFFFFFD0] =	vst v8  }
0xc2: {  	v8 =	vld [tilespmem:s23+$0x60];
	[tilespmem:s23+$0xFFFFFFF0] =	vst v6  }
0xc3: {  	v6 =	vmul.f32 v12, v3;
	[tilespmem:s23+$0x0] =	vst v5;
	v5 =	vld [tilespmem:s23+$0x70]  }
0xc4: {  	[tilespmem:s23+$0x10] =	vst v1;
	v1 =	vmul.f32 v13, v3;
	v4 =	vld.idx.msk [tilespmem:v4+s4+$0x0], $0xffff  }
0xc5: {  	v13 =	vld [tilespmem:s23+$0xD0];
	[tilespmem:s23+$0x20] =	vst v6;
	v6 =	vmul.f32 v10, v3  }
0xc6: {  	v10 =	vld [tilespmem:s23+$0xA0];
	[tilespmem:s23+$0x30] =	vst v1;
	v1 =	vmul.f32 v9, v3  }
0xc7: {  	v9 =	vld [tilespmem:s23+$0xB0];
	[tilespmem:s23+$0x40] =	vst v6;
	v6 =	vmul.f32 v8, v3  }
0xc8: {  	v8 =	vld [tilespmem:s23+$0xC0];
	[tilespmem:s23+$0x50] =	vst v1;
	v3 =	vmul.f32 v5, v3  }
0xc9: {  	v5 =	vld [tilespmem:s23+$0xE0];
	[tilespmem:s23+$0x60] =	vst v6;
	v7 =	vmul.f32 v7, v4  }
0xca: {  	v6 =	vmul.f32 v11, v4;
	[tilespmem:s23+$0x70] =	vst v3;
	v11 =	vld [tilespmem:s23+$0x150]  }
0xcb: {  	s24 =	simm.s32 $0x7;
	v3 =	vmul.f32 v10, v4;
	[tilespmem:s23+$0x80] =	vst v7;
	v7 =	vld [tilespmem:s23+$0xF0]  }
0xcc: {  	v12 =	vmov s24;
	[tilespmem:s23+$0x90] =	vst v6;
	v6 =	vmul.f32 v9, v4;
	v9 =	vld [tilespmem:s23+$0x100]  }
0xcd: {  	[tilespmem:s23+$0xA0] =	vst v3;
	v3 =	vmul.f32 v8, v4;
	v8 =	vld [tilespmem:s23+$0x110]  }
0xce: {  	v10 =	vld [tilespmem:s23+$0x120];
	[tilespmem:s23+$0xB0] =	vst v6;
	v6 =	vmul.f32 v13, v4  }
0xcf: {  	[tilespmem:s23+$0xC0] =	vst v3;
	v3 =	vmul.f32 v5, v4;
	v5 =	vld [tilespmem:s23+$0x130]  }
0xd0: {  	s24 =	simm.s32 $0x9;
	[tilespmem:s23+$0xD0] =	vst v6;
	v6 =	vld [tilespmem:s23+$0x140];
	v4 =	vmul.f32 v7, v4  }
0xd1: {  	v1 =	vld.idx.msk [tilespmem:v12+s4+$0x0], $0xffff;
	v12 =	vmov s24;
	s24 =	simm.s32 $0xD;
	[tilespmem:s23+$0xE0] =	vst v3;
	v9 =	vmul.f32 v9, v2  }
0xd2: {  	s8 =	simm.s32 $0x8;
	s9 =	simm.s32 $0xF;
	v17 =	vmov s24;
	v11 =	vmul.f32 v11, v2;
	[tilespmem:s23+$0xF0] =	vst v4;
	v4 =	vmul.f32 v8, v2;
	v8 =	vld [tilespmem:s23+$0x160]  }
0xd3: {  	v14 =	vld [tilespmem:s23+$0x180];
	v3 =	vmov s9;
	s9 =	simm.s32 $0xC;
	v7 =	vmov s8;
	[tilespmem:s23+$0x100] =	vst v9;
	v9 =	vmul.f32 v10, v2  }
0xd4: {  	v16 =	vld [tilespmem:s23+$0x190];
	v12 =	vand.u32 $0xFFFFFFF9, v12;
	s8 =	simm.s32 $0xA;
	v15 =	vmov s9;
	[tilespmem:s23+$0x150] =	vst v11;
	v7 =	vand.u32 $0xFFFFFFF8, v7  }
0xd5: {  	v13 =	vmov s8;
	s8 =	simm.s32 $0xB;
	v5 =	vmul.f32 v5, v2;
	[tilespmem:s23+$0x120] =	vst v9;
	v9 =	vmul.f32 v6, v2;
	v6 =	vld [tilespmem:s23+$0x1A0]  }
0xd6: {  	v10 =	vmov s8;
	v13 =	vand.u32 $0xFFFFFFFA, v13;
	[tilespmem:s23+$0x110] =	vst v4;
	v4 =	vbroadcast v7, $0x0;
	v7 =	vld [tilespmem:s23+$0x1B0]  }
0xd7: {  	[tilespmem:s23+$0x130] =	vst v5;
	v5 =	vbroadcast v12, $0x0;
	v12 =	vand.u32 $0xFFFFFFFB, v10;
	v18 =	vmul.f32 v8, v2;
	v8 =	vld [tilespmem:s23+$0x1C0]  }
0xd8: {  	v10 =	vbroadcast v13, $0x0;
	[tilespmem:s23+$0x140] =	vst v9;
	v9 =	vld [tilespmem:s23+$0x1D0];
	v2 =	vand.u32 $0xFFFFFFFC, v15;
	v15 =	vmul.f32 v14, v1  }
0xd9: {  	s0 =	simm.s32 $0xE;
	s24 =	simm.s32 $0x10;
	v11 =	vld [tilespmem:s23+$0x1E0];
	v13 =	vmul.f32 v16, v1;
	v12 =	vbroadcast v12, $0x0;
	v14 =	vand.u32 $0xFFFFFFFD, v17;
	[tilespmem:s23+$0x160] =	vst v18  }
.LBB2_3:
0xda: {  	p1 =	slt.u32 s24, $0x78;
	v2 =	vbroadcast v2, $0x0;
	v16 =	vmov s0;
	[tilespmem:s23+$0x180] =	vst v15;
	v6 =	vmul.f32 v6, v1;
	v15 =	vld [tilespmem:s23+$0x1F0]  }
0xdb: {  	v14 =	vbroadcast v14, $0x0;
	v16 =	vand.u32 $0xFFFFFFFE, v16;
	v17 =	vld.idx.msk [tilespmem:v3+s4+$0x0], $0xffff;
	[tilespmem:s23+$0x190] =	vst v13;
	v3 =	vmul.f32 v7, v1  }
0xdc: {  	v7 =	vld.idx.msk [tilespmem:v4+s4+$0x0], $0xffff;
	v13 =	vbroadcast v16, $0x0;
	[tilespmem:s23+$0x1A0] =	vst v6;
	v4 =	vmul.f32 v8, v1  }
0xdd: {  	v6 =	vld.idx.msk [tilespmem:v5+s4+$0x0], $0xffff;
	[tilespmem:s23+$0x1B0] =	vst v3;
	v3 =	vmul.f32 v9, v1  }
0xde: {  	v8 =	vld.idx.msk [tilespmem:v10+s4+$0x0], $0xffff;
	[tilespmem:s23+$0x1C0] =	vst v4;
	v9 =	vmul.f32 v11, v1  }
0xdf: {  	v5 =	vld.idx.msk [tilespmem:v12+s4+$0x0], $0xffff;
	[tilespmem:s23+$0x1D0] =	vst v3;
	v10 =	vmul.f32 v15, v1  }
0xe0: {  	v4 =	vld.idx.msk [tilespmem:v2+s4+$0x0], $0xffff;
	[tilespmem:s23+$0x1E0] =	vst v9  }
0xe1: {  	v1 =	vmov v17;
	v3 =	vld.idx.msk [tilespmem:v14+s4+$0x0], $0xffff;
	[tilespmem:s23+$0x1F0] =	vst v10  }
0xe2: {  	s23 =	sadd.s32 $0x400, s23;
	v2 =	vld.idx.msk [tilespmem:v13+s4+$0x0], $0xffff  }
0xe3: {  	v9 =	vld [tilespmem:s23+$0x170]  }
0xe4: {  	v10 =	vld [tilespmem:s23+$0xFFFFFE00]  }
0xe5: {  	v11 =	vld [tilespmem:s23+$0xFFFFFE10]  }
0xe6: {  	v12 =	vld [tilespmem:s23+$0xFFFFFE20]  }
0xe7: {  	v13 =	vld [tilespmem:s23+$0xFFFFFE30]  }
0xe8: {  	v14 =	vld [tilespmem:s23+$0xFFFFFE40];
	v9 =	vmul.f32 v9, v2  }
0xe9: {  	v10 =	vmul.f32 v10, v7;
	v15 =	vld [tilespmem:s23+$0xFFFFFE50]  }
0xea: {  	v11 =	vmul.f32 v11, v7;
	v16 =	vld [tilespmem:s23+$0xFFFFFE60];
	[tilespmem:s23+$0x170] =	vst v9  }
0xeb: {  	[tilespmem:s23+$0xFFFFFE00] =	vst v10;
	v9 =	vmul.f32 v12, v7;
	v10 =	vld [tilespmem:s23+$0xFFFFFE70]  }
0xec: {  	[tilespmem:s23+$0xFFFFFE10] =	vst v11;
	v11 =	vmul.f32 v13, v7;
	v12 =	vld [tilespmem:s23+$0xFFFFFE80]  }
0xed: {  	[tilespmem:s23+$0xFFFFFE20] =	vst v9;
	v9 =	vmul.f32 v14, v7;
	v13 =	vld [tilespmem:s23+$0xFFFFFE90]  }
0xee: {  	[tilespmem:s23+$0xFFFFFE30] =	vst v11;
	v11 =	vmul.f32 v15, v7;
	v14 =	vld [tilespmem:s23+$0xFFFFFEA0]  }
0xef: {  	[tilespmem:s23+$0xFFFFFE40] =	vst v9;
	v9 =	vmul.f32 v16, v7;
	v15 =	vld [tilespmem:s23+$0xFFFFFEB0]  }
0xf0: {  	[tilespmem:s23+$0xFFFFFE50] =	vst v11;
	v7 =	vmul.f32 v10, v7;
	v10 =	vld [tilespmem:s23+$0xFFFFFEC0]  }
0xf1: {  	[tilespmem:s23+$0xFFFFFE60] =	vst v9;
	v9 =	vmul.f32 v12, v6;
	v11 =	vld [tilespmem:s23+$0xFFFFFED0]  }
0xf2: {  	[tilespmem:s23+$0xFFFFFE70] =	vst v7;
	v7 =	vmul.f32 v13, v6;
	v12 =	vld [tilespmem:s23+$0xFFFFFEE0]  }
0xf3: {  	[tilespmem:s23+$0xFFFFFE80] =	vst v9;
	v9 =	vmul.f32 v14, v6;
	v13 =	vld [tilespmem:s23+$0xFFFFFEF0]  }
0xf4: {  	[tilespmem:s23+$0xFFFFFE90] =	vst v7;
	v7 =	vmul.f32 v15, v6;
	v14 =	vld [tilespmem:s23+$0xFFFFFF00]  }
0xf5: {  	[tilespmem:s23+$0xFFFFFEA0] =	vst v9;
	v9 =	vmul.f32 v10, v6;
	v10 =	vld [tilespmem:s23+$0xFFFFFF10]  }
0xf6: {  	[tilespmem:s23+$0xFFFFFEB0] =	vst v7;
	v7 =	vmul.f32 v11, v6;
	v11 =	vld [tilespmem:s23+$0xFFFFFF20]  }
0xf7: {  	[tilespmem:s23+$0xFFFFFEC0] =	vst v9;
	v9 =	vmul.f32 v12, v6;
	v12 =	vld [tilespmem:s23+$0xFFFFFF30]  }
0xf8: {  	[tilespmem:s23+$0xFFFFFED0] =	vst v7;
	v6 =	vmul.f32 v13, v6;
	v7 =	vld [tilespmem:s23+$0xFFFFFF40]  }
0xf9: {  	[tilespmem:s23+$0xFFFFFEE0] =	vst v9;
	v9 =	vmul.f32 v14, v8;
	v13 =	vld [tilespmem:s23+$0xFFFFFF50]  }
0xfa: {  	[tilespmem:s23+$0xFFFFFEF0] =	vst v6;
	v6 =	vmul.f32 v10, v8;
	v10 =	vld [tilespmem:s23+$0xFFFFFF60]  }
0xfb: {  	[tilespmem:s23+$0xFFFFFF00] =	vst v9;
	v9 =	vmul.f32 v11, v8;
	v11 =	vld [tilespmem:s23+$0xFFFFFF70]  }
0xfc: {  	[tilespmem:s23+$0xFFFFFF10] =	vst v6;
	v6 =	vmul.f32 v12, v8;
	v12 =	vld [tilespmem:s23+$0xFFFFFF80]  }
0xfd: {  	[tilespmem:s23+$0xFFFFFF20] =	vst v9;
	v7 =	vmul.f32 v7, v8;
	v9 =	vld [tilespmem:s23+$0xFFFFFF90]  }
0xfe: {  	[tilespmem:s23+$0xFFFFFF30] =	vst v6;
	v6 =	vmul.f32 v13, v8;
	v13 =	vld [tilespmem:s23+$0xFFFFFFA0]  }
0xff: {  	[tilespmem:s23+$0xFFFFFF40] =	vst v7;
	v7 =	vmul.f32 v10, v8;
	v10 =	vld [tilespmem:s23+$0xFFFFFFB0]  }
0x100: {  	[tilespmem:s23+$0xFFFFFF50] =	vst v6;
	v6 =	vmul.f32 v11, v8;
	v8 =	vld [tilespmem:s23+$0xFFFFFFC0]  }
0x101: {  	[tilespmem:s23+$0xFFFFFF60] =	vst v7;
	v7 =	vmul.f32 v12, v5;
	v11 =	vld [tilespmem:s23+$0xFFFFFFD0]  }
0x102: {  	[tilespmem:s23+$0xFFFFFF70] =	vst v6;
	v6 =	vmul.f32 v9, v5;
	v9 =	vld [tilespmem:s23+$0xFFFFFFE0]  }
0x103: {  	[tilespmem:s23+$0xFFFFFF80] =	vst v7;
	v7 =	vmul.f32 v13, v5;
	v12 =	vld [tilespmem:s23+$0xFFFFFFF0]  }
0x104: {  	[tilespmem:s23+$0xFFFFFF90] =	vst v6;
	v6 =	vmul.f32 v10, v5;
	v10 =	vld [tilespmem:s23+$0x0]  }
0x105: {  	[tilespmem:s23+$0xFFFFFFA0] =	vst v7;
	v7 =	vmul.f32 v8, v5;
	v8 =	vld [tilespmem:s23+$0x10]  }
0x106: {  	[tilespmem:s23+$0xFFFFFFB0] =	vst v6;
	v6 =	vmul.f32 v11, v5;
	v11 =	vld [tilespmem:s23+$0x20]  }
0x107: {  	[tilespmem:s23+$0xFFFFFFC0] =	vst v7;
	v7 =	vmul.f32 v9, v5;
	v9 =	vld [tilespmem:s23+$0x30]  }
0x108: {  	[tilespmem:s23+$0xFFFFFFD0] =	vst v6;
	v5 =	vmul.f32 v12, v5;
	v6 =	vld [tilespmem:s23+$0x40]  }
0x109: {  	[tilespmem:s23+$0xFFFFFFE0] =	vst v7;
	v7 =	vmul.f32 v10, v4;
	v10 =	vld [tilespmem:s23+$0x50]  }
0x10a: {  	[tilespmem:s23+$0xFFFFFFF0] =	vst v5;
	v5 =	vmul.f32 v8, v4;
	v8 =	vld [tilespmem:s23+$0x60]  }
0x10b: {  	[tilespmem:s23+$0x0] =	vst v7;
	v7 =	vmul.f32 v11, v4;
	v11 =	vld [tilespmem:s23+$0x70]  }
0x10c: {  	[tilespmem:s23+$0x10] =	vst v5;
	v5 =	vmul.f32 v9, v4;
	v9 =	vld [tilespmem:s23+$0x80]  }
0x10d: {  	[tilespmem:s23+$0x20] =	vst v7;
	v6 =	vmul.f32 v6, v4;
	v7 =	vld [tilespmem:s23+$0x90]  }
0x10e: {  	[tilespmem:s23+$0x30] =	vst v5;
	v5 =	vmul.f32 v10, v4;
	v10 =	vld [tilespmem:s23+$0xA0]  }
0x10f: {  	[tilespmem:s23+$0x40] =	vst v6;
	v6 =	vmul.f32 v8, v4;
	v8 =	vld [tilespmem:s23+$0xB0]  }
0x110: {  	[tilespmem:s23+$0x50] =	vst v5;
	v4 =	vmul.f32 v11, v4;
	v5 =	vld [tilespmem:s23+$0xC0]  }
0x111: {  	[tilespmem:s23+$0x60] =	vst v6;
	v6 =	vmul.f32 v9, v3;
	v9 =	vld [tilespmem:s23+$0xD0]  }
0x112: {  	[tilespmem:s23+$0x70] =	vst v4;
	v4 =	vmul.f32 v7, v3;
	v7 =	vld [tilespmem:s23+$0xE0]  }
0x113: {  	[tilespmem:s23+$0x80] =	vst v6;
	v6 =	vmul.f32 v10, v3;
	v10 =	vld [tilespmem:s23+$0xF0]  }
0x114: {  	[tilespmem:s23+$0x90] =	vst v4;
	v4 =	vmul.f32 v8, v3;
	v8 =	vld [tilespmem:s23+$0x100]  }
0x115: {  	[tilespmem:s23+$0xA0] =	vst v6;
	v5 =	vmul.f32 v5, v3;
	v6 =	vld [tilespmem:s23+$0x110]  }
0x116: {  	[tilespmem:s23+$0xB0] =	vst v4;
	v4 =	vmul.f32 v9, v3;
	v9 =	vld [tilespmem:s23+$0x120]  }
0x117: {  	[tilespmem:s23+$0xC0] =	vst v5;
	v5 =	vmul.f32 v7, v3;
	v7 =	vld [tilespmem:s23+$0x130]  }
0x118: {  	[tilespmem:s23+$0xD0] =	vst v4;
	v4 =	vmul.f32 v10, v3;
	v10 =	vld [tilespmem:s23+$0x140]  }
0x119: {  	s0 =	sadd.s32 $0x7, s24;
	v3 =	vmov s24;
	[tilespmem:s23+$0xE0] =	vst v5;
	v5 =	vmul.f32 v8, v2;
	v8 =	vld [tilespmem:s23+$0x150]  }
0x11a: {  	s8 =	sadd.s32 $0x1, s24;
	s9 =	sadd.s32 $0x2, s24;
	v11 =	vand.u32 $0xFFFFFFF8, v3;
	v3 =	vmov s0;
	[tilespmem:s23+$0xF0] =	vst v4;
	v4 =	vmul.f32 v6, v2;
	v12 =	vld [tilespmem:s23+$0x160]  }
0x11b: {  	v14 =	vmov s9;
	v13 =	vmov s8;
	s8 =	sadd.s32 $0x4, s24;
	s0 =	sadd.s32 $0x3, s24;
	[tilespmem:s23+$0x100] =	vst v5;
	v5 =	vmul.f32 v9, v2;
	v9 =	vld [tilespmem:s23+$0x180]  }
0x11c: {  	v16 =	vmov s8;
	v15 =	vmov s0;
	s0 =	sadd.s32 $0x5, s24;
	[tilespmem:s23+$0x110] =	vst v4;
	v7 =	vmul.f32 v7, v2;
	v17 =	vld [tilespmem:s23+$0x190]  }
.Ltmp0:
0x11d: {  	v4 =	vbroadcast v11, $0x0;
	v11 =	vmov s0;
	[tilespmem:s23+$0x120] =	vst v5;
	v10 =	vmul.f32 v10, v2;
	v6 =	vld [tilespmem:s23+$0x1A0];
	(pc) =	sbr.rel @p1 .LBB2_3-.Ltmp0, $4  }
0x11e: {  	v5 =	vand.u32 $0xFFFFFFF9, v13;
	v13 =	vand.u32 $0xFFFFFFFA, v14;
	[tilespmem:s23+$0x130] =	vst v7;
	v14 =	vmul.f32 v8, v2;
	v7 =	vld [tilespmem:s23+$0x1B0]  }
0x11f: {  	v18 =	vand.u32 $0xFFFFFFFB, v15;
	v5 =	vbroadcast v5, $0x0;
	[tilespmem:s23+$0x140] =	vst v10;
	v19 =	vmul.f32 v12, v2;
	v8 =	vld [tilespmem:s23+$0x1C0]  }
0x120: {  	v10 =	vbroadcast v13, $0x0;
	v2 =	vand.u32 $0xFFFFFFFC, v16;
	[tilespmem:s23+$0x150] =	vst v14;
	v15 =	vmul.f32 v9, v1;
	v9 =	vld [tilespmem:s23+$0x1D0]  }
0x121: {  	s0 =	sadd.s32 $0x6, s24;
	s24 =	sadd.s32 $0x8, s24;
	v12 =	vbroadcast v18, $0x0;
	v14 =	vand.u32 $0xFFFFFFFD, v11;
	[tilespmem:s23+$0x160] =	vst v19;
	v13 =	vmul.f32 v17, v1;
	v11 =	vld [tilespmem:s23+$0x1E0]  }
0x122: {  	_ =	sdelay $0x2  }
0x123: {  	v16 =	vld [tilespmem:s23+$0x1F0]  }
0x124: {  	v18 =	vld.idx.msk [tilespmem:v4+s4+$0x0], $0xffff  }
0x125: {  	[tilespmem:s23+$0x180] =	vst v15;
	v15 =	vbroadcast v2, $0x0;
	v2 =	vmov s0;
	v10 =	vld.idx.msk [tilespmem:v10+s4+$0x0], $0xffff  }
0x126: {  	v17 =	vand.u32 $0xFFFFFFFE, v2;
	v2 =	vld.idx.msk [tilespmem:v3+s4+$0x0], $0xffff  }
0x127: {  	s24 =	sadd.s32 $0x400, s23;
	v12 =	vld.idx.msk [tilespmem:v12+s4+$0x0], $0xffff  }
0x128: {  	v14 =	vbroadcast v14, $0x0;
	v6 =	vmul.f32 v6, v1;
	[tilespmem:s23+$0x190] =	vst v13;
	v13 =	vld [tilespmem:s24+$0x170]  }
0x129: {  	v7 =	vmul.f32 v7, v1;
	v3 =	vbroadcast v17, $0x0;
	v17 =	vld.idx.msk [tilespmem:v5+s4+$0x0], $0xffff  }
0x12a: {  	[tilespmem:s23+$0x1A0] =	vst v6;
	v6 =	vmul.f32 v8, v1;
	v8 =	vld [tilespmem:s24+$0xFFFFFE00]  }
0x12b: {  	[tilespmem:s23+$0x1B0] =	vst v7;
	v7 =	vmul.f32 v9, v1;
	v9 =	vld [tilespmem:s24+$0xFFFFFE10]  }
0x12c: {  	[tilespmem:s23+$0x1C0] =	vst v6;
	v6 =	vmul.f32 v11, v1;
	v11 =	vld [tilespmem:s24+$0xFFFFFE20]  }
0x12d: {  	[tilespmem:s23+$0x1D0] =	vst v7;
	v7 =	vld [tilespmem:s24+$0xFFFFFE30]  }
0x12e: {  	v5 =	vld.idx.msk [tilespmem:v15+s4+$0x0], $0xffff  }
0x12f: {  	v1 =	vmul.f32 v16, v1;
	v4 =	vld.idx.msk [tilespmem:v14+s4+$0x0], $0xffff  }
0x130: {  	[tilespmem:s23+$0x1E0] =	vst v6;
	v6 =	vld [tilespmem:s24+$0xFFFFFE40]  }
0x131: {  	[tilespmem:s23+$0x1F0] =	vst v1;
	v1 =	vmul.f32 v8, v18;
	v3 =	vld.idx.msk [tilespmem:v3+s4+$0x0], $0xffff  }
0x132: {  	v8 =	vld [tilespmem:s24+$0xFFFFFE50];
	v9 =	vmul.f32 v9, v18  }
0x133: {  	v14 =	vld [tilespmem:s24+$0xFFFFFE60];
	[tilespmem:s24+$0xFFFFFE00] =	vst v1;
	v1 =	vmul.f32 v11, v18  }
0x134: {  	v11 =	vld [tilespmem:s24+$0xFFFFFE70];
	[tilespmem:s24+$0xFFFFFE10] =	vst v9;
	v7 =	vmul.f32 v7, v18  }
0x135: {  	v9 =	vld [tilespmem:s24+$0xFFFFFE80];
	[tilespmem:s24+$0xFFFFFE20] =	vst v1;
	v1 =	vmul.f32 v6, v18  }
0x136: {  	v6 =	vld [tilespmem:s24+$0xFFFFFE90];
	[tilespmem:s24+$0xFFFFFE30] =	vst v7;
	v13 =	vmul.f32 v13, v3  }
0x137: {  	v7 =	vmul.f32 v8, v18;
	v8 =	vld [tilespmem:s24+$0xFFFFFEA0];
	[tilespmem:s24+$0xFFFFFE40] =	vst v1  }
0x138: {  	v1 =	vmul.f32 v14, v18;
	[tilespmem:s24+$0x170] =	vst v13;
	v13 =	vld [tilespmem:s24+$0xFFFFFEB0]  }
0x139: {  	[tilespmem:s24+$0xFFFFFE50] =	vst v7;
	v7 =	vmul.f32 v11, v18;
	v11 =	vld [tilespmem:s24+$0xFFFFFEC0]  }
0x13a: {  	[tilespmem:s24+$0xFFFFFE60] =	vst v1;
	v1 =	vmul.f32 v9, v17;
	v9 =	vld [tilespmem:s24+$0xFFFFFED0]  }
0x13b: {  	[tilespmem:s24+$0xFFFFFE70] =	vst v7;
	v6 =	vmul.f32 v6, v17;
	v7 =	vld [tilespmem:s24+$0xFFFFFEE0]  }
0x13c: {  	[tilespmem:s24+$0xFFFFFE80] =	vst v1;
	v1 =	vmul.f32 v8, v17;
	v8 =	vld [tilespmem:s24+$0xFFFFFEF0]  }
0x13d: {  	[tilespmem:s24+$0xFFFFFE90] =	vst v6;
	v6 =	vmul.f32 v13, v17;
	v13 =	vld [tilespmem:s24+$0xFFFFFF00]  }
0x13e: {  	[tilespmem:s24+$0xFFFFFEA0] =	vst v1;
	v1 =	vmul.f32 v11, v17;
	v11 =	vld [tilespmem:s24+$0xFFFFFF10]  }
0x13f: {  	[tilespmem:s24+$0xFFFFFEB0] =	vst v6;
	v6 =	vmul.f32 v9, v17;
	v9 =	vld [tilespmem:s24+$0xFFFFFF20]  }
0x140: {  	[tilespmem:s24+$0xFFFFFEC0] =	vst v1;
	v1 =	vmul.f32 v7, v17;
	v7 =	vld [tilespmem:s24+$0xFFFFFF30]  }
0x141: {  	[tilespmem:s24+$0xFFFFFED0] =	vst v6;
	v6 =	vmul.f32 v8, v17;
	v8 =	vld [tilespmem:s24+$0xFFFFFF40]  }
0x142: {  	[tilespmem:s24+$0xFFFFFEE0] =	vst v1;
	v1 =	vmul.f32 v13, v10;
	v13 =	vld [tilespmem:s24+$0xFFFFFF50]  }
0x143: {  	[tilespmem:s24+$0xFFFFFEF0] =	vst v6;
	v6 =	vmul.f32 v11, v10;
	v11 =	vld [tilespmem:s24+$0xFFFFFF60]  }
0x144: {  	[tilespmem:s24+$0xFFFFFF00] =	vst v1;
	v1 =	vmul.f32 v9, v10;
	v9 =	vld [tilespmem:s24+$0xFFFFFF70]  }
0x145: {  	[tilespmem:s24+$0xFFFFFF10] =	vst v6;
	v6 =	vmul.f32 v7, v10;
	v7 =	vld [tilespmem:s24+$0xFFFFFF80]  }
0x146: {  	[tilespmem:s24+$0xFFFFFF20] =	vst v1;
	v1 =	vmul.f32 v8, v10;
	v8 =	vld [tilespmem:s24+$0xFFFFFF90]  }
0x147: {  	[tilespmem:s24+$0xFFFFFF30] =	vst v6;
	v6 =	vmul.f32 v13, v10;
	v13 =	vld [tilespmem:s24+$0xFFFFFFA0]  }
0x148: {  	[tilespmem:s24+$0xFFFFFF40] =	vst v1;
	v1 =	vmul.f32 v11, v10;
	v11 =	vld [tilespmem:s24+$0xFFFFFFB0]  }
0x149: {  	[tilespmem:s24+$0xFFFFFF50] =	vst v6;
	v6 =	vmul.f32 v9, v10;
	v9 =	vld [tilespmem:s24+$0xFFFFFFC0]  }
0x14a: {  	[tilespmem:s24+$0xFFFFFF60] =	vst v1;
	v1 =	vmul.f32 v7, v12;
	v7 =	vld [tilespmem:s24+$0xFFFFFFD0]  }
0x14b: {  	[tilespmem:s24+$0xFFFFFF70] =	vst v6;
	v6 =	vmul.f32 v8, v12;
	v8 =	vld [tilespmem:s24+$0xFFFFFFE0]  }
0x14c: {  	v10 =	vld [tilespmem:s24+$0xFFFFFFF0];
	[tilespmem:s24+$0xFFFFFF80] =	vst v1;
	v1 =	vmul.f32 v13, v12  }
0x14d: {  	[tilespmem:s24+$0xFFFFFF90] =	vst v6;
	v6 =	vmul.f32 v11, v12;
	v11 =	vld [tilespmem:s24+$0x0]  }
0x14e: {  	[tilespmem:s24+$0xFFFFFFA0] =	vst v1;
	v1 =	vmul.f32 v9, v12;
	v9 =	vld [tilespmem:s24+$0x10]  }
0x14f: {  	[tilespmem:s24+$0xFFFFFFB0] =	vst v6;
	v6 =	vmul.f32 v7, v12;
	v7 =	vld [tilespmem:s24+$0x20]  }
0x150: {  	[tilespmem:s24+$0xFFFFFFC0] =	vst v1;
	v1 =	vmul.f32 v8, v12;
	v8 =	vld [tilespmem:s24+$0x30]  }
0x151: {  	[tilespmem:s24+$0xFFFFFFD0] =	vst v6;
	v6 =	vmul.f32 v10, v12;
	v10 =	vld [tilespmem:s24+$0x40]  }
0x152: {  	[tilespmem:s24+$0xFFFFFFE0] =	vst v1;
	v1 =	vmul.f32 v11, v5;
	v11 =	vld [tilespmem:s24+$0x50]  }
0x153: {  	[tilespmem:s24+$0xFFFFFFF0] =	vst v6;
	v6 =	vmul.f32 v9, v5;
	v9 =	vld [tilespmem:s24+$0x60]  }
0x154: {  	[tilespmem:s24+$0x0] =	vst v1;
	v1 =	vmul.f32 v7, v5;
	v7 =	vld [tilespmem:s24+$0x70]  }
0x155: {  	[tilespmem:s24+$0x10] =	vst v6;
	v6 =	vmul.f32 v8, v5;
	v8 =	vld [tilespmem:s24+$0x80]  }
0x156: {  	[tilespmem:s24+$0x20] =	vst v1;
	v1 =	vmul.f32 v10, v5;
	v10 =	vld [tilespmem:s24+$0x90]  }
0x157: {  	[tilespmem:s24+$0x30] =	vst v6;
	v6 =	vmul.f32 v11, v5;
	v11 =	vld [tilespmem:s24+$0xA0]  }
0x158: {  	[tilespmem:s24+$0x40] =	vst v1;
	v1 =	vmul.f32 v9, v5;
	v9 =	vld [tilespmem:s24+$0xB0]  }
0x159: {  	[tilespmem:s24+$0x50] =	vst v6;
	v5 =	vmul.f32 v7, v5;
	v6 =	vld [tilespmem:s24+$0xC0]  }
0x15a: {  	v7 =	vld [tilespmem:s24+$0xD0];
	[tilespmem:s24+$0x60] =	vst v1;
	v1 =	vmul.f32 v8, v4  }
0x15b: {  	v8 =	vld [tilespmem:s24+$0xE0];
	[tilespmem:s24+$0x70] =	vst v5;
	v5 =	vmul.f32 v10, v4  }
0x15c: {  	v10 =	vld [tilespmem:s24+$0xF0];
	[tilespmem:s24+$0x80] =	vst v1;
	v1 =	vmul.f32 v11, v4  }
0x15d: {  	[tilespmem:s24+$0x90] =	vst v5;
	v5 =	vmul.f32 v9, v4;
	v9 =	vld [tilespmem:s24+$0x100]  }
0x15e: {  	[tilespmem:s24+$0xA0] =	vst v1;
	v1 =	vmul.f32 v6, v4;
	v6 =	vld [tilespmem:s24+$0x110]  }
0x15f: {  	[tilespmem:s24+$0xB0] =	vst v5;
	v5 =	vmul.f32 v7, v4;
	v7 =	vld [tilespmem:s24+$0x120]  }
0x160: {  	[tilespmem:s24+$0xC0] =	vst v1;
	v1 =	vmul.f32 v8, v4;
	v8 =	vld [tilespmem:s24+$0x130]  }
0x161: {  	v4 =	vmul.f32 v10, v4;
	[tilespmem:s24+$0xD0] =	vst v5;
	v5 =	vld [tilespmem:s24+$0x140]  }
0x162: {  	[tilespmem:s24+$0xE0] =	vst v1;
	v1 =	vmul.f32 v9, v3;
	v9 =	vld [tilespmem:s24+$0x150]  }
0x163: {  	[tilespmem:s24+$0xF0] =	vst v4;
	v4 =	vmul.f32 v6, v3;
	v6 =	vld [tilespmem:s24+$0x160]  }
0x164: {  	[tilespmem:s24+$0x100] =	vst v1;
	v1 =	vmul.f32 v7, v3;
	v7 =	vld [tilespmem:s24+$0x180]  }
0x165: {  	[tilespmem:s24+$0x110] =	vst v4;
	v4 =	vmul.f32 v8, v3;
	v8 =	vld [tilespmem:s24+$0x190]  }
0x166: {  	[tilespmem:s24+$0x120] =	vst v1;
	v1 =	vmul.f32 v5, v3;
	v5 =	vld [tilespmem:s24+$0x1A0]  }
0x167: {  	[tilespmem:s24+$0x130] =	vst v4;
	v4 =	vmul.f32 v9, v3;
	v9 =	vld [tilespmem:s24+$0x1B0]  }
0x168: {  	[tilespmem:s24+$0x140] =	vst v1;
	v1 =	vmul.f32 v6, v3;
	v3 =	vld [tilespmem:s24+$0x1C0]  }
0x169: {  	v6 =	vld [tilespmem:s24+$0x1D0];
	[tilespmem:s24+$0x150] =	vst v4;
	v4 =	vmul.f32 v7, v2  }
0x16a: {  	v7 =	vld [tilespmem:s24+$0x1E0];
	[tilespmem:s24+$0x160] =	vst v1;
	v1 =	vmul.f32 v8, v2  }
0x16b: {  	[tilespmem:s24+$0x180] =	vst v4;
	v4 =	vmul.f32 v5, v2;
	v5 =	vld [tilespmem:s24+$0x1F0]  }
0x16c: {  	[tilespmem:s24+$0x190] =	vst v1;
	v1 =	vmul.f32 v9, v2  }
0x16d: {  	[tilespmem:s24+$0x1A0] =	vst v4;
	v3 =	vmul.f32 v3, v2  }
0x16e: {  	s9 =	simm.s32 $0x0;
	[tilespmem:s24+$0x1B0] =	vst v1;
	v1 =	vmul.f32 v6, v2  }
0x16f: {  	v4 =	vmov s9;
	[tilespmem:s24+$0x1C0] =	vst v3;
	v3 =	vmul.f32 v7, v2  }
0x170: {  	[tilespmem:s24+$0x1D0] =	vst v1;
	v1 =	vmul.f32 v5, v2;
	v2 =	vand.u32 $0xFFFFFFF8, v4  }
0x171: {  	[tilespmem:s24+$0x1E0] =	vst v3;
	v2 =	vbroadcast v2, $0x0  }
0x172: {  	s8 =	simm.s32 $0x13880;
	[tilespmem:s24+$0x1F0] =	vst v1  }
0x173: {  	[spmem:s2] =	stream.indirect.scatter.add.f32 [tilespmem:s16], [sflag:$0x5], $0x80, s8, s15, $0xb8;
	[tilespmem:$0x1FD80] =	vst v63  }
0x174: {  	s23 =	simm.s32 $0x6;
	_ =	swait.ge [sflag:s25], $0x4000  }
0x175: {  	v4 =	vmov s23;
	[sflag:s25] =	ssyncset.done $0x0  }
0x176: {  	v3 =	vand.u32 $0xFFFFFFFE, v4;
	[sflag:s25] =	ssyncadd.s32 $0xFFFFC000  }
0x177: {  	s23 =	simm.s32 $0x17E00;
	v1 =	vbroadcast v3, $0x0;
	v3 =	vld.idx.msk [tilespmem:v2+s10+$0x0], $0xffff  }
0x178: {  	v4 =	vld [tilespmem:s23+$0x170]  }
0x179: {  	v5 =	vld [tilespmem:s23+$0xFFFFFE00]  }
0x17a: {  	v6 =	vld [tilespmem:s23+$0xFFFFFE10]  }
0x17b: {  	v7 =	vld [tilespmem:s23+$0xFFFFFE20]  }
0x17c: {  	v8 =	vld [tilespmem:s23+$0xFFFFFE30]  }
0x17d: {  	v9 =	vld [tilespmem:s23+$0xFFFFFE40]  }
0x17e: {  	v10 =	vld [tilespmem:s23+$0xFFFFFE50]  }
0x17f: {  	s9 =	simm.s32 $0x1;
	v11 =	vld [tilespmem:s23+$0xFFFFFE60]  }
0x180: {  	v2 =	vld.idx.msk [tilespmem:v1+s10+$0x0], $0xffff;
	v1 =	vmov s9  }
0x181: {  	v12 =	vld [tilespmem:s23+$0xFFFFFE70];
	v1 =	vand.u32 $0xFFFFFFF9, v1  }
0x182: {  	v13 =	vld [tilespmem:s23+$0xFFFFFE80];
	v1 =	vbroadcast v1, $0x0  }
0x183: {  	v14 =	vld [tilespmem:s23+$0xFFFFFE90];
	v5 =	vmul.f32 v5, v3  }
0x184: {  	v15 =	vld [tilespmem:s23+$0xFFFFFEA0];
	v8 =	vmul.f32 v8, v3  }
0x185: {  	v16 =	vld [tilespmem:s23+$0xFFFFFEB0];
	v9 =	vmul.f32 v9, v3;
	[tilespmem:s23+$0xFFFFFE00] =	vst v5  }
0x186: {  	s24 =	simm.s32 $0x2;
	[tilespmem:s23+$0xFFFFFE30] =	vst v8;
	v8 =	vmul.f32 v10, v3;
	v10 =	vld [tilespmem:s23+$0xFFFFFEF0]  }
0x187: {  	v4 =	vmul.f32 v4, v2;
	v5 =	vmov s24;
	[tilespmem:s23+$0xFFFFFE40] =	vst v9;
	v9 =	vmul.f32 v11, v3;
	v11 =	vld [tilespmem:s23+$0xFFFFFF00]  }
0x188: {  	v6 =	vmul.f32 v6, v3;
	v5 =	vand.u32 $0xFFFFFFFA, v5;
	v1 =	vld.idx.msk [tilespmem:v1+s10+$0x0], $0xffff  }
0x189: {  	[tilespmem:s23+$0x170] =	vst v4;
	v4 =	vmul.f32 v7, v3;
	v7 =	vld [tilespmem:s23+$0xFFFFFEC0];
	v5 =	vbroadcast v5, $0x0  }
0x18a: {  	[tilespmem:s23+$0xFFFFFE10] =	vst v6;
	v3 =	vmul.f32 v12, v3;
	v12 =	vld [tilespmem:s23+$0xFFFFFF20]  }
0x18b: {  	[tilespmem:s23+$0xFFFFFE50] =	vst v8;
	v8 =	vld [tilespmem:s23+$0xFFFFFF10]  }
0x18c: {  	[tilespmem:s23+$0xFFFFFE20] =	vst v4;
	v4 =	vld [tilespmem:s23+$0xFFFFFEE0]  }
0x18d: {  	[tilespmem:s23+$0xFFFFFE60] =	vst v9;
	v6 =	vmul.f32 v13, v1;
	v13 =	vld [tilespmem:s23+$0xFFFFFED0]  }
0x18e: {  	[tilespmem:s23+$0xFFFFFE70] =	vst v3;
	v9 =	vmul.f32 v14, v1;
	v14 =	vld [tilespmem:s23+$0xFFFFFF30]  }
0x18f: {  	s8 =	simm.s32 $0x3;
	v7 =	vmul.f32 v7, v1;
	v5 =	vld.idx.msk [tilespmem:v5+s10+$0x0], $0xffff;
	[tilespmem:s23+$0xFFFFFE80] =	vst v6  }
0x190: {  	v3 =	vmul.f32 v15, v1;
	v15 =	vld [tilespmem:s23+$0xFFFFFF40];
	v6 =	vmov s8;
	[tilespmem:s23+$0xFFFFFE90] =	vst v9;
	v9 =	vmul.f32 v16, v1  }
0x191: {  	[tilespmem:s23+$0xFFFFFEC0] =	vst v7;
	v7 =	vld [tilespmem:s23+$0xFFFFFF70];
	v6 =	vand.u32 $0xFFFFFFFB, v6  }
0x192: {  	v4 =	vmul.f32 v4, v1;
	v6 =	vbroadcast v6, $0x0;
	[tilespmem:s23+$0xFFFFFEB0] =	vst v9;
	v9 =	vld [tilespmem:s23+$0xFFFFFF60]  }
0x193: {  	[tilespmem:s23+$0xFFFFFEA0] =	vst v3;
	v13 =	vmul.f32 v13, v1;
	v1 =	vmul.f32 v10, v1;
	v10 =	vld [tilespmem:s23+$0xFFFFFF80]  }
0x194: {  	[tilespmem:s23+$0xFFFFFEE0] =	vst v4;
	v3 =	vmul.f32 v11, v5;
	v11 =	vld [tilespmem:s23+$0xFFFFFF50]  }
0x195: {  	v4 =	vmul.f32 v8, v5;
	v8 =	vld [tilespmem:s23+$0xFFFFFF90];
	[tilespmem:s23+$0xFFFFFED0] =	vst v13  }
0x196: {  	s9 =	simm.s32 $0x4;
	[tilespmem:s23+$0xFFFFFEF0] =	vst v1;
	v1 =	vmul.f32 v12, v5;
	v12 =	vld [tilespmem:s23+$0xFFFFFFA0]  }
0x197: {  	v13 =	vld [tilespmem:s23+$0xFFFFFFB0];
	[tilespmem:s23+$0xFFFFFF00] =	vst v3;
	v3 =	vmov s9  }
0x198: {  	v3 =	vand.u32 $0xFFFFFFFC, v3;
	[tilespmem:s23+$0xFFFFFF20] =	vst v1;
	v1 =	vmul.f32 v15, v5;
	v6 =	vld.idx.msk [tilespmem:v6+s10+$0x0], $0xffff  }
0x199: {  	[tilespmem:s23+$0xFFFFFF10] =	vst v4;
	v4 =	vmul.f32 v14, v5;
	v14 =	vld [tilespmem:s23+$0xFFFFFFC0];
	v3 =	vbroadcast v3, $0x0  }
0x19a: {  	v9 =	vmul.f32 v9, v5;
	[tilespmem:s23+$0xFFFFFF40] =	vst v1;
	v1 =	vld [tilespmem:s23+$0xFFFFFFE0]  }
0x19b: {  	[tilespmem:s23+$0xFFFFFF30] =	vst v4;
	v11 =	vmul.f32 v11, v5;
	v5 =	vmul.f32 v7, v5;
	v7 =	vld [tilespmem:s23+$0xFFFFFFF0]  }
0x19c: {  	[tilespmem:s23+$0xFFFFFF60] =	vst v9;
	v9 =	vld [tilespmem:s23+$0x0]  }
0x19d: {  	[tilespmem:s23+$0xFFFFFF50] =	vst v11;
	v4 =	vmul.f32 v10, v6;
	v10 =	vld [tilespmem:s23+$0xFFFFFFD0]  }
0x19e: {  	[tilespmem:s23+$0xFFFFFF70] =	vst v5;
	v11 =	vld [tilespmem:s23+$0x10];
	v8 =	vmul.f32 v8, v6  }
0x19f: {  	s24 =	simm.s32 $0x5;
	v5 =	vmul.f32 v12, v6;
	v3 =	vld.idx.msk [tilespmem:v3+s10+$0x0], $0xffff;
	[tilespmem:s23+$0xFFFFFF80] =	vst v4  }
0x1a0: {  	v12 =	vld [tilespmem:s23+$0x20];
	v4 =	vmov s24;
	[tilespmem:s23+$0xFFFFFF90] =	vst v8;
	v8 =	vmul.f32 v13, v6  }
0x1a1: {  	v1 =	vmul.f32 v1, v6;
	[tilespmem:s23+$0xFFFFFFA0] =	vst v5;
	v5 =	vmul.f32 v14, v6;
	v13 =	vld [tilespmem:s23+$0x30];
	v4 =	vand.u32 $0xFFFFFFFD, v4  }
0x1a2: {  	v4 =	vbroadcast v4, $0x0;
	[tilespmem:s23+$0xFFFFFFB0] =	vst v8;
	v8 =	vmul.f32 v10, v6;
	v10 =	vld [tilespmem:s23+$0x40]  }
0x1a3: {  	[tilespmem:s23+$0xFFFFFFE0] =	vst v1;
	v6 =	vmul.f32 v7, v6;
	v7 =	vld [tilespmem:s23+$0x80]  }
0x1a4: {  	[tilespmem:s23+$0xFFFFFFC0] =	vst v5;
	v5 =	vmul.f32 v9, v3;
	v9 =	vld [tilespmem:s23+$0x50]  }
0x1a5: {  	v1 =	vmul.f32 v11, v3;
	v11 =	vld [tilespmem:s23+$0x90];
	[tilespmem:s23+$0xFFFFFFD0] =	vst v8  }
0x1a6: {  	v8 =	vld [tilespmem:s23+$0x60];
	[tilespmem:s23+$0xFFFFFFF0] =	vst v6  }
0x1a7: {  	v6 =	vmul.f32 v12, v3;
	[tilespmem:s23+$0x0] =	vst v5;
	v5 =	vld [tilespmem:s23+$0x70]  }
0x1a8: {  	[tilespmem:s23+$0x10] =	vst v1;
	v1 =	vmul.f32 v13, v3;
	v4 =	vld.idx.msk [tilespmem:v4+s10+$0x0], $0xffff  }
0x1a9: {  	v13 =	vld [tilespmem:s23+$0xD0];
	[tilespmem:s23+$0x20] =	vst v6;
	v6 =	vmul.f32 v10, v3  }
0x1aa: {  	v10 =	vld [tilespmem:s23+$0xA0];
	[tilespmem:s23+$0x30] =	vst v1;
	v1 =	vmul.f32 v9, v3  }
0x1ab: {  	v9 =	vld [tilespmem:s23+$0xB0];
	[tilespmem:s23+$0x40] =	vst v6;
	v6 =	vmul.f32 v8, v3  }
0x1ac: {  	v8 =	vld [tilespmem:s23+$0xC0];
	[tilespmem:s23+$0x50] =	vst v1;
	v3 =	vmul.f32 v5, v3  }
0x1ad: {  	v5 =	vld [tilespmem:s23+$0xE0];
	[tilespmem:s23+$0x60] =	vst v6;
	v7 =	vmul.f32 v7, v4  }
0x1ae: {  	v6 =	vmul.f32 v11, v4;
	[tilespmem:s23+$0x70] =	vst v3;
	v11 =	vld [tilespmem:s23+$0x150]  }
0x1af: {  	s8 =	simm.s32 $0x7;
	v3 =	vmul.f32 v10, v4;
	[tilespmem:s23+$0x80] =	vst v7;
	v7 =	vld [tilespmem:s23+$0xF0]  }
0x1b0: {  	v12 =	vmov s8;
	[tilespmem:s23+$0x90] =	vst v6;
	v6 =	vmul.f32 v9, v4;
	v9 =	vld [tilespmem:s23+$0x100]  }
0x1b1: {  	[tilespmem:s23+$0xA0] =	vst v3;
	v3 =	vmul.f32 v8, v4;
	v8 =	vld [tilespmem:s23+$0x110]  }
0x1b2: {  	v10 =	vld [tilespmem:s23+$0x120];
	[tilespmem:s23+$0xB0] =	vst v6;
	v6 =	vmul.f32 v13, v4  }
0x1b3: {  	[tilespmem:s23+$0xC0] =	vst v3;
	v3 =	vmul.f32 v5, v4;
	v5 =	vld [tilespmem:s23+$0x130]  }
0x1b4: {  	s8 =	simm.s32 $0x9;
	[tilespmem:s23+$0xD0] =	vst v6;
	v6 =	vld [tilespmem:s23+$0x140];
	v4 =	vmul.f32 v7, v4  }
0x1b5: {  	v1 =	vld.idx.msk [tilespmem:v12+s10+$0x0], $0xffff;
	v12 =	vmov s8;
	[tilespmem:s23+$0xE0] =	vst v3;
	v9 =	vmul.f32 v9, v2  }
0x1b6: {  	s9 =	simm.s32 $0x8;
	s24 =	simm.s32 $0xF;
	v12 =	vand.u32 $0xFFFFFFF9, v12;
	v11 =	vmul.f32 v11, v2;
	[tilespmem:s23+$0xF0] =	vst v4;
	v4 =	vmul.f32 v8, v2;
	v8 =	vld [tilespmem:s23+$0x160]  }
0x1b7: {  	v14 =	vld [tilespmem:s23+$0x180];
	v3 =	vmov s24;
	s24 =	simm.s32 $0xD;
	v7 =	vmov s9;
	s9 =	simm.s32 $0xA;
	[tilespmem:s23+$0x100] =	vst v9;
	v9 =	vmul.f32 v10, v2  }
0x1b8: {  	v16 =	vld [tilespmem:s23+$0x190];
	s8 =	simm.s32 $0xB;
	v17 =	vmov s24;
	[tilespmem:s23+$0x150] =	vst v11;
	v7 =	vand.u32 $0xFFFFFFF8, v7;
	v13 =	vmov s9  }
0x1b9: {  	s9 =	simm.s32 $0xC;
	v10 =	vmov s8;
	v5 =	vmul.f32 v5, v2;
	[tilespmem:s23+$0x120] =	vst v9;
	v9 =	vmul.f32 v6, v2;
	v6 =	vld [tilespmem:s23+$0x1A0]  }
0x1ba: {  	v15 =	vmov s9;
	v13 =	vand.u32 $0xFFFFFFFA, v13;
	[tilespmem:s23+$0x110] =	vst v4;
	v4 =	vbroadcast v7, $0x0;
	v7 =	vld [tilespmem:s23+$0x1B0]  }
0x1bb: {  	[tilespmem:s23+$0x130] =	vst v5;
	v5 =	vbroadcast v12, $0x0;
	v12 =	vand.u32 $0xFFFFFFFB, v10;
	v63 =	vmul.f32 v8, v2;
	v8 =	vld [tilespmem:s23+$0x1C0]  }
0x1bc: {  	v10 =	vbroadcast v13, $0x0;
	[tilespmem:s23+$0x140] =	vst v9;
	v9 =	vld [tilespmem:s23+$0x1D0];
	v2 =	vand.u32 $0xFFFFFFFC, v15;
	v15 =	vmul.f32 v14, v1  }
0x1bd: {  	s0 =	simm.s32 $0xE;
	s24 =	simm.s32 $0x10;
	v11 =	vld [tilespmem:s23+$0x1E0];
	v13 =	vmul.f32 v16, v1;
	v12 =	vbroadcast v12, $0x0;
	v14 =	vand.u32 $0xFFFFFFFD, v17;
	[tilespmem:s23+$0x160] =	vst v63  }
.LBB2_5:
0x1be: {  	p1 =	slt.u32 s24, $0x78;
	v2 =	vbroadcast v2, $0x0;
	v16 =	vmov s0;
	[tilespmem:s23+$0x180] =	vst v15;
	v6 =	vmul.f32 v6, v1;
	v15 =	vld [tilespmem:s23+$0x1F0]  }
0x1bf: {  	v14 =	vbroadcast v14, $0x0;
	v16 =	vand.u32 $0xFFFFFFFE, v16;
	v17 =	vld.idx.msk [tilespmem:v3+s10+$0x0], $0xffff;
	[tilespmem:s23+$0x190] =	vst v13;
	v3 =	vmul.f32 v7, v1  }
0x1c0: {  	v7 =	vld.idx.msk [tilespmem:v4+s10+$0x0], $0xffff;
	v13 =	vbroadcast v16, $0x0;
	[tilespmem:s23+$0x1A0] =	vst v6;
	v4 =	vmul.f32 v8, v1  }
0x1c1: {  	v6 =	vld.idx.msk [tilespmem:v5+s10+$0x0], $0xffff;
	[tilespmem:s23+$0x1B0] =	vst v3;
	v3 =	vmul.f32 v9, v1  }
0x1c2: {  	v8 =	vld.idx.msk [tilespmem:v10+s10+$0x0], $0xffff;
	[tilespmem:s23+$0x1C0] =	vst v4;
	v9 =	vmul.f32 v11, v1  }
0x1c3: {  	v5 =	vld.idx.msk [tilespmem:v12+s10+$0x0], $0xffff;
	[tilespmem:s23+$0x1D0] =	vst v3;
	v10 =	vmul.f32 v15, v1  }
0x1c4: {  	v4 =	vld.idx.msk [tilespmem:v2+s10+$0x0], $0xffff;
	[tilespmem:s23+$0x1E0] =	vst v9  }
0x1c5: {  	v1 =	vmov v17;
	v3 =	vld.idx.msk [tilespmem:v14+s10+$0x0], $0xffff;
	[tilespmem:s23+$0x1F0] =	vst v10  }
0x1c6: {  	s23 =	sadd.s32 $0x400, s23;
	v2 =	vld.idx.msk [tilespmem:v13+s10+$0x0], $0xffff  }
0x1c7: {  	v9 =	vld [tilespmem:s23+$0x170]  }
0x1c8: {  	v10 =	vld [tilespmem:s23+$0xFFFFFE00]  }
0x1c9: {  	v11 =	vld [tilespmem:s23+$0xFFFFFE10]  }
0x1ca: {  	v12 =	vld [tilespmem:s23+$0xFFFFFE20]  }
0x1cb: {  	v13 =	vld [tilespmem:s23+$0xFFFFFE30]  }
0x1cc: {  	v14 =	vld [tilespmem:s23+$0xFFFFFE40];
	v9 =	vmul.f32 v9, v2  }
0x1cd: {  	v10 =	vmul.f32 v10, v7;
	v15 =	vld [tilespmem:s23+$0xFFFFFE50]  }
0x1ce: {  	v11 =	vmul.f32 v11, v7;
	v16 =	vld [tilespmem:s23+$0xFFFFFE60];
	[tilespmem:s23+$0x170] =	vst v9  }
0x1cf: {  	[tilespmem:s23+$0xFFFFFE00] =	vst v10;
	v9 =	vmul.f32 v12, v7;
	v10 =	vld [tilespmem:s23+$0xFFFFFE70]  }
0x1d0: {  	[tilespmem:s23+$0xFFFFFE10] =	vst v11;
	v11 =	vmul.f32 v13, v7;
	v12 =	vld [tilespmem:s23+$0xFFFFFE80]  }
0x1d1: {  	[tilespmem:s23+$0xFFFFFE20] =	vst v9;
	v9 =	vmul.f32 v14, v7;
	v13 =	vld [tilespmem:s23+$0xFFFFFE90]  }
0x1d2: {  	[tilespmem:s23+$0xFFFFFE30] =	vst v11;
	v11 =	vmul.f32 v15, v7;
	v14 =	vld [tilespmem:s23+$0xFFFFFEA0]  }
0x1d3: {  	[tilespmem:s23+$0xFFFFFE40] =	vst v9;
	v9 =	vmul.f32 v16, v7;
	v15 =	vld [tilespmem:s23+$0xFFFFFEB0]  }
0x1d4: {  	[tilespmem:s23+$0xFFFFFE50] =	vst v11;
	v7 =	vmul.f32 v10, v7;
	v10 =	vld [tilespmem:s23+$0xFFFFFEC0]  }
0x1d5: {  	[tilespmem:s23+$0xFFFFFE60] =	vst v9;
	v9 =	vmul.f32 v12, v6;
	v11 =	vld [tilespmem:s23+$0xFFFFFED0]  }
0x1d6: {  	[tilespmem:s23+$0xFFFFFE70] =	vst v7;
	v7 =	vmul.f32 v13, v6;
	v12 =	vld [tilespmem:s23+$0xFFFFFEE0]  }
0x1d7: {  	[tilespmem:s23+$0xFFFFFE80] =	vst v9;
	v9 =	vmul.f32 v14, v6;
	v13 =	vld [tilespmem:s23+$0xFFFFFEF0]  }
0x1d8: {  	[tilespmem:s23+$0xFFFFFE90] =	vst v7;
	v7 =	vmul.f32 v15, v6;
	v14 =	vld [tilespmem:s23+$0xFFFFFF00]  }
0x1d9: {  	[tilespmem:s23+$0xFFFFFEA0] =	vst v9;
	v9 =	vmul.f32 v10, v6;
	v10 =	vld [tilespmem:s23+$0xFFFFFF10]  }
0x1da: {  	[tilespmem:s23+$0xFFFFFEB0] =	vst v7;
	v7 =	vmul.f32 v11, v6;
	v11 =	vld [tilespmem:s23+$0xFFFFFF20]  }
0x1db: {  	[tilespmem:s23+$0xFFFFFEC0] =	vst v9;
	v9 =	vmul.f32 v12, v6;
	v12 =	vld [tilespmem:s23+$0xFFFFFF30]  }
0x1dc: {  	[tilespmem:s23+$0xFFFFFED0] =	vst v7;
	v6 =	vmul.f32 v13, v6;
	v7 =	vld [tilespmem:s23+$0xFFFFFF40]  }
0x1dd: {  	[tilespmem:s23+$0xFFFFFEE0] =	vst v9;
	v9 =	vmul.f32 v14, v8;
	v13 =	vld [tilespmem:s23+$0xFFFFFF50]  }
0x1de: {  	[tilespmem:s23+$0xFFFFFEF0] =	vst v6;
	v6 =	vmul.f32 v10, v8;
	v10 =	vld [tilespmem:s23+$0xFFFFFF60]  }
0x1df: {  	[tilespmem:s23+$0xFFFFFF00] =	vst v9;
	v9 =	vmul.f32 v11, v8;
	v11 =	vld [tilespmem:s23+$0xFFFFFF70]  }
0x1e0: {  	[tilespmem:s23+$0xFFFFFF10] =	vst v6;
	v6 =	vmul.f32 v12, v8;
	v12 =	vld [tilespmem:s23+$0xFFFFFF80]  }
0x1e1: {  	[tilespmem:s23+$0xFFFFFF20] =	vst v9;
	v7 =	vmul.f32 v7, v8;
	v9 =	vld [tilespmem:s23+$0xFFFFFF90]  }
0x1e2: {  	[tilespmem:s23+$0xFFFFFF30] =	vst v6;
	v6 =	vmul.f32 v13, v8;
	v13 =	vld [tilespmem:s23+$0xFFFFFFA0]  }
0x1e3: {  	[tilespmem:s23+$0xFFFFFF40] =	vst v7;
	v7 =	vmul.f32 v10, v8;
	v10 =	vld [tilespmem:s23+$0xFFFFFFB0]  }
0x1e4: {  	[tilespmem:s23+$0xFFFFFF50] =	vst v6;
	v6 =	vmul.f32 v11, v8;
	v8 =	vld [tilespmem:s23+$0xFFFFFFC0]  }
0x1e5: {  	[tilespmem:s23+$0xFFFFFF60] =	vst v7;
	v7 =	vmul.f32 v12, v5;
	v11 =	vld [tilespmem:s23+$0xFFFFFFD0]  }
0x1e6: {  	[tilespmem:s23+$0xFFFFFF70] =	vst v6;
	v6 =	vmul.f32 v9, v5;
	v9 =	vld [tilespmem:s23+$0xFFFFFFE0]  }
0x1e7: {  	[tilespmem:s23+$0xFFFFFF80] =	vst v7;
	v7 =	vmul.f32 v13, v5;
	v12 =	vld [tilespmem:s23+$0xFFFFFFF0]  }
0x1e8: {  	[tilespmem:s23+$0xFFFFFF90] =	vst v6;
	v6 =	vmul.f32 v10, v5;
	v10 =	vld [tilespmem:s23+$0x0]  }
0x1e9: {  	[tilespmem:s23+$0xFFFFFFA0] =	vst v7;
	v7 =	vmul.f32 v8, v5;
	v8 =	vld [tilespmem:s23+$0x10]  }
0x1ea: {  	[tilespmem:s23+$0xFFFFFFB0] =	vst v6;
	v6 =	vmul.f32 v11, v5;
	v11 =	vld [tilespmem:s23+$0x20]  }
0x1eb: {  	[tilespmem:s23+$0xFFFFFFC0] =	vst v7;
	v7 =	vmul.f32 v9, v5;
	v9 =	vld [tilespmem:s23+$0x30]  }
0x1ec: {  	[tilespmem:s23+$0xFFFFFFD0] =	vst v6;
	v5 =	vmul.f32 v12, v5;
	v6 =	vld [tilespmem:s23+$0x40]  }
0x1ed: {  	[tilespmem:s23+$0xFFFFFFE0] =	vst v7;
	v7 =	vmul.f32 v10, v4;
	v10 =	vld [tilespmem:s23+$0x50]  }
0x1ee: {  	[tilespmem:s23+$0xFFFFFFF0] =	vst v5;
	v5 =	vmul.f32 v8, v4;
	v8 =	vld [tilespmem:s23+$0x60]  }
0x1ef: {  	[tilespmem:s23+$0x0] =	vst v7;
	v7 =	vmul.f32 v11, v4;
	v11 =	vld [tilespmem:s23+$0x70]  }
0x1f0: {  	[tilespmem:s23+$0x10] =	vst v5;
	v5 =	vmul.f32 v9, v4;
	v9 =	vld [tilespmem:s23+$0x80]  }
0x1f1: {  	[tilespmem:s23+$0x20] =	vst v7;
	v6 =	vmul.f32 v6, v4;
	v7 =	vld [tilespmem:s23+$0x90]  }
0x1f2: {  	[tilespmem:s23+$0x30] =	vst v5;
	v5 =	vmul.f32 v10, v4;
	v10 =	vld [tilespmem:s23+$0xA0]  }
0x1f3: {  	[tilespmem:s23+$0x40] =	vst v6;
	v6 =	vmul.f32 v8, v4;
	v8 =	vld [tilespmem:s23+$0xB0]  }
0x1f4: {  	[tilespmem:s23+$0x50] =	vst v5;
	v4 =	vmul.f32 v11, v4;
	v5 =	vld [tilespmem:s23+$0xC0]  }
0x1f5: {  	[tilespmem:s23+$0x60] =	vst v6;
	v6 =	vmul.f32 v9, v3;
	v9 =	vld [tilespmem:s23+$0xD0]  }
0x1f6: {  	[tilespmem:s23+$0x70] =	vst v4;
	v4 =	vmul.f32 v7, v3;
	v7 =	vld [tilespmem:s23+$0xE0]  }
0x1f7: {  	[tilespmem:s23+$0x80] =	vst v6;
	v6 =	vmul.f32 v10, v3;
	v10 =	vld [tilespmem:s23+$0xF0]  }
0x1f8: {  	[tilespmem:s23+$0x90] =	vst v4;
	v4 =	vmul.f32 v8, v3;
	v8 =	vld [tilespmem:s23+$0x100]  }
0x1f9: {  	[tilespmem:s23+$0xA0] =	vst v6;
	v5 =	vmul.f32 v5, v3;
	v6 =	vld [tilespmem:s23+$0x110]  }
0x1fa: {  	[tilespmem:s23+$0xB0] =	vst v4;
	v4 =	vmul.f32 v9, v3;
	v9 =	vld [tilespmem:s23+$0x120]  }
0x1fb: {  	[tilespmem:s23+$0xC0] =	vst v5;
	v5 =	vmul.f32 v7, v3;
	v7 =	vld [tilespmem:s23+$0x130]  }
0x1fc: {  	[tilespmem:s23+$0xD0] =	vst v4;
	v4 =	vmul.f32 v10, v3;
	v10 =	vld [tilespmem:s23+$0x140]  }
0x1fd: {  	s0 =	sadd.s32 $0x7, s24;
	v3 =	vmov s24;
	[tilespmem:s23+$0xE0] =	vst v5;
	v5 =	vmul.f32 v8, v2;
	v8 =	vld [tilespmem:s23+$0x150]  }
0x1fe: {  	s8 =	sadd.s32 $0x1, s24;
	s9 =	sadd.s32 $0x2, s24;
	v11 =	vand.u32 $0xFFFFFFF8, v3;
	v3 =	vmov s0;
	[tilespmem:s23+$0xF0] =	vst v4;
	v4 =	vmul.f32 v6, v2;
	v12 =	vld [tilespmem:s23+$0x160]  }
0x1ff: {  	v14 =	vmov s9;
	v13 =	vmov s8;
	s8 =	sadd.s32 $0x4, s24;
	s0 =	sadd.s32 $0x3, s24;
	[tilespmem:s23+$0x100] =	vst v5;
	v5 =	vmul.f32 v9, v2;
	v9 =	vld [tilespmem:s23+$0x180]  }
0x200: {  	v16 =	vmov s8;
	v15 =	vmov s0;
	s0 =	sadd.s32 $0x5, s24;
	[tilespmem:s23+$0x110] =	vst v4;
	v7 =	vmul.f32 v7, v2;
	v17 =	vld [tilespmem:s23+$0x190]  }
.Ltmp1:
0x201: {  	v4 =	vbroadcast v11, $0x0;
	v11 =	vmov s0;
	[tilespmem:s23+$0x120] =	vst v5;
	v10 =	vmul.f32 v10, v2;
	v6 =	vld [tilespmem:s23+$0x1A0];
	(pc) =	sbr.rel @p1 .LBB2_5-.Ltmp1, $4  }
0x202: {  	v5 =	vand.u32 $0xFFFFFFF9, v13;
	v13 =	vand.u32 $0xFFFFFFFA, v14;
	[tilespmem:s23+$0x130] =	vst v7;
	v14 =	vmul.f32 v8, v2;
	v7 =	vld [tilespmem:s23+$0x1B0]  }
0x203: {  	v18 =	vand.u32 $0xFFFFFFFB, v15;
	v5 =	vbroadcast v5, $0x0;
	[tilespmem:s23+$0x140] =	vst v10;
	v19 =	vmul.f32 v12, v2;
	v8 =	vld [tilespmem:s23+$0x1C0]  }
0x204: {  	v10 =	vbroadcast v13, $0x0;
	v2 =	vand.u32 $0xFFFFFFFC, v16;
	[tilespmem:s23+$0x150] =	vst v14;
	v15 =	vmul.f32 v9, v1;
	v9 =	vld [tilespmem:s23+$0x1D0]  }
0x205: {  	s0 =	sadd.s32 $0x6, s24;
	s24 =	sadd.s32 $0x8, s24;
	v12 =	vbroadcast v18, $0x0;
	v14 =	vand.u32 $0xFFFFFFFD, v11;
	[tilespmem:s23+$0x160] =	vst v19;
	v13 =	vmul.f32 v17, v1;
	v11 =	vld [tilespmem:s23+$0x1E0]  }
0x206: {  	_ =	sdelay $0x2  }
0x207: {  	v16 =	vld [tilespmem:s23+$0x1F0]  }
0x208: {  	v18 =	vld.idx.msk [tilespmem:v4+s10+$0x0], $0xffff  }
0x209: {  	[tilespmem:s23+$0x180] =	vst v15;
	v15 =	vbroadcast v2, $0x0;
	v2 =	vmov s0;
	v10 =	vld.idx.msk [tilespmem:v10+s10+$0x0], $0xffff  }
0x20a: {  	v17 =	vand.u32 $0xFFFFFFFE, v2;
	v2 =	vld.idx.msk [tilespmem:v3+s10+$0x0], $0xffff  }
0x20b: {  	s24 =	sadd.s32 $0x400, s23;
	v12 =	vld.idx.msk [tilespmem:v12+s10+$0x0], $0xffff  }
0x20c: {  	v14 =	vbroadcast v14, $0x0;
	v6 =	vmul.f32 v6, v1;
	[tilespmem:s23+$0x190] =	vst v13;
	v13 =	vld [tilespmem:s24+$0x170]  }
0x20d: {  	v7 =	vmul.f32 v7, v1;
	v3 =	vbroadcast v17, $0x0;
	v17 =	vld.idx.msk [tilespmem:v5+s10+$0x0], $0xffff  }
0x20e: {  	[tilespmem:s23+$0x1A0] =	vst v6;
	v6 =	vmul.f32 v8, v1;
	v8 =	vld [tilespmem:s24+$0xFFFFFE00]  }
0x20f: {  	[tilespmem:s23+$0x1B0] =	vst v7;
	v7 =	vmul.f32 v9, v1;
	v9 =	vld [tilespmem:s24+$0xFFFFFE10]  }
0x210: {  	[tilespmem:s23+$0x1C0] =	vst v6;
	v6 =	vmul.f32 v11, v1;
	v11 =	vld [tilespmem:s24+$0xFFFFFE20]  }
0x211: {  	[tilespmem:s23+$0x1D0] =	vst v7;
	v7 =	vld [tilespmem:s24+$0xFFFFFE30]  }
0x212: {  	v5 =	vld.idx.msk [tilespmem:v15+s10+$0x0], $0xffff  }
0x213: {  	v1 =	vmul.f32 v16, v1;
	v4 =	vld.idx.msk [tilespmem:v14+s10+$0x0], $0xffff  }
0x214: {  	[tilespmem:s23+$0x1E0] =	vst v6;
	v6 =	vld [tilespmem:s24+$0xFFFFFE40]  }
0x215: {  	[tilespmem:s23+$0x1F0] =	vst v1;
	v1 =	vmul.f32 v8, v18;
	v3 =	vld.idx.msk [tilespmem:v3+s10+$0x0], $0xffff  }
0x216: {  	v8 =	vld [tilespmem:s24+$0xFFFFFE50];
	v9 =	vmul.f32 v9, v18  }
0x217: {  	v14 =	vld [tilespmem:s24+$0xFFFFFE60];
	[tilespmem:s24+$0xFFFFFE00] =	vst v1;
	v1 =	vmul.f32 v11, v18  }
0x218: {  	v11 =	vld [tilespmem:s24+$0xFFFFFE70];
	[tilespmem:s24+$0xFFFFFE10] =	vst v9;
	v7 =	vmul.f32 v7, v18  }
0x219: {  	v9 =	vld [tilespmem:s24+$0xFFFFFE80];
	[tilespmem:s24+$0xFFFFFE20] =	vst v1;
	v1 =	vmul.f32 v6, v18  }
0x21a: {  	v6 =	vld [tilespmem:s24+$0xFFFFFE90];
	[tilespmem:s24+$0xFFFFFE30] =	vst v7;
	v13 =	vmul.f32 v13, v3  }
0x21b: {  	v7 =	vmul.f32 v8, v18;
	v8 =	vld [tilespmem:s24+$0xFFFFFEA0];
	[tilespmem:s24+$0xFFFFFE40] =	vst v1  }
0x21c: {  	v1 =	vmul.f32 v14, v18;
	[tilespmem:s24+$0x170] =	vst v13;
	v13 =	vld [tilespmem:s24+$0xFFFFFEB0]  }
0x21d: {  	[tilespmem:s24+$0xFFFFFE50] =	vst v7;
	v7 =	vmul.f32 v11, v18;
	v11 =	vld [tilespmem:s24+$0xFFFFFEC0]  }
0x21e: {  	[tilespmem:s24+$0xFFFFFE60] =	vst v1;
	v1 =	vmul.f32 v9, v17;
	v9 =	vld [tilespmem:s24+$0xFFFFFED0]  }
0x21f: {  	[tilespmem:s24+$0xFFFFFE70] =	vst v7;
	v6 =	vmul.f32 v6, v17;
	v7 =	vld [tilespmem:s24+$0xFFFFFEE0]  }
0x220: {  	[tilespmem:s24+$0xFFFFFE80] =	vst v1;
	v1 =	vmul.f32 v8, v17;
	v8 =	vld [tilespmem:s24+$0xFFFFFEF0]  }
0x221: {  	[tilespmem:s24+$0xFFFFFE90] =	vst v6;
	v6 =	vmul.f32 v13, v17;
	v13 =	vld [tilespmem:s24+$0xFFFFFF00]  }
0x222: {  	[tilespmem:s24+$0xFFFFFEA0] =	vst v1;
	v1 =	vmul.f32 v11, v17;
	v11 =	vld [tilespmem:s24+$0xFFFFFF10]  }
0x223: {  	[tilespmem:s24+$0xFFFFFEB0] =	vst v6;
	v6 =	vmul.f32 v9, v17;
	v9 =	vld [tilespmem:s24+$0xFFFFFF20]  }
0x224: {  	[tilespmem:s24+$0xFFFFFEC0] =	vst v1;
	v1 =	vmul.f32 v7, v17;
	v7 =	vld [tilespmem:s24+$0xFFFFFF30]  }
0x225: {  	[tilespmem:s24+$0xFFFFFED0] =	vst v6;
	v6 =	vmul.f32 v8, v17;
	v8 =	vld [tilespmem:s24+$0xFFFFFF40]  }
0x226: {  	[tilespmem:s24+$0xFFFFFEE0] =	vst v1;
	v1 =	vmul.f32 v13, v10;
	v13 =	vld [tilespmem:s24+$0xFFFFFF50]  }
0x227: {  	[tilespmem:s24+$0xFFFFFEF0] =	vst v6;
	v6 =	vmul.f32 v11, v10;
	v11 =	vld [tilespmem:s24+$0xFFFFFF60]  }
0x228: {  	[tilespmem:s24+$0xFFFFFF00] =	vst v1;
	v1 =	vmul.f32 v9, v10;
	v9 =	vld [tilespmem:s24+$0xFFFFFF70]  }
0x229: {  	[tilespmem:s24+$0xFFFFFF10] =	vst v6;
	v6 =	vmul.f32 v7, v10;
	v7 =	vld [tilespmem:s24+$0xFFFFFF80]  }
0x22a: {  	[tilespmem:s24+$0xFFFFFF20] =	vst v1;
	v1 =	vmul.f32 v8, v10;
	v8 =	vld [tilespmem:s24+$0xFFFFFF90]  }
0x22b: {  	[tilespmem:s24+$0xFFFFFF30] =	vst v6;
	v6 =	vmul.f32 v13, v10;
	v13 =	vld [tilespmem:s24+$0xFFFFFFA0]  }
0x22c: {  	[tilespmem:s24+$0xFFFFFF40] =	vst v1;
	v1 =	vmul.f32 v11, v10;
	v11 =	vld [tilespmem:s24+$0xFFFFFFB0]  }
0x22d: {  	[tilespmem:s24+$0xFFFFFF50] =	vst v6;
	v6 =	vmul.f32 v9, v10;
	v9 =	vld [tilespmem:s24+$0xFFFFFFC0]  }
0x22e: {  	[tilespmem:s24+$0xFFFFFF60] =	vst v1;
	v1 =	vmul.f32 v7, v12;
	v7 =	vld [tilespmem:s24+$0xFFFFFFD0]  }
0x22f: {  	[tilespmem:s24+$0xFFFFFF70] =	vst v6;
	v6 =	vmul.f32 v8, v12;
	v8 =	vld [tilespmem:s24+$0xFFFFFFE0]  }
0x230: {  	v10 =	vld [tilespmem:s24+$0xFFFFFFF0];
	[tilespmem:s24+$0xFFFFFF80] =	vst v1;
	v1 =	vmul.f32 v13, v12  }
0x231: {  	[tilespmem:s24+$0xFFFFFF90] =	vst v6;
	v6 =	vmul.f32 v11, v12;
	v11 =	vld [tilespmem:s24+$0x0]  }
0x232: {  	[tilespmem:s24+$0xFFFFFFA0] =	vst v1;
	v1 =	vmul.f32 v9, v12;
	v9 =	vld [tilespmem:s24+$0x10]  }
0x233: {  	[tilespmem:s24+$0xFFFFFFB0] =	vst v6;
	v6 =	vmul.f32 v7, v12;
	v7 =	vld [tilespmem:s24+$0x20]  }
0x234: {  	[tilespmem:s24+$0xFFFFFFC0] =	vst v1;
	v1 =	vmul.f32 v8, v12;
	v8 =	vld [tilespmem:s24+$0x30]  }
0x235: {  	[tilespmem:s24+$0xFFFFFFD0] =	vst v6;
	v6 =	vmul.f32 v10, v12;
	v10 =	vld [tilespmem:s24+$0x40]  }
0x236: {  	[tilespmem:s24+$0xFFFFFFE0] =	vst v1;
	v1 =	vmul.f32 v11, v5;
	v11 =	vld [tilespmem:s24+$0x50]  }
0x237: {  	[tilespmem:s24+$0xFFFFFFF0] =	vst v6;
	v6 =	vmul.f32 v9, v5;
	v9 =	vld [tilespmem:s24+$0x60]  }
0x238: {  	[tilespmem:s24+$0x0] =	vst v1;
	v1 =	vmul.f32 v7, v5;
	v7 =	vld [tilespmem:s24+$0x70]  }
0x239: {  	[tilespmem:s24+$0x10] =	vst v6;
	v6 =	vmul.f32 v8, v5;
	v8 =	vld [tilespmem:s24+$0x80]  }
0x23a: {  	[tilespmem:s24+$0x20] =	vst v1;
	v1 =	vmul.f32 v10, v5;
	v10 =	vld [tilespmem:s24+$0x90]  }
0x23b: {  	[tilespmem:s24+$0x30] =	vst v6;
	v6 =	vmul.f32 v11, v5;
	v11 =	vld [tilespmem:s24+$0xA0]  }
0x23c: {  	[tilespmem:s24+$0x40] =	vst v1;
	v1 =	vmul.f32 v9, v5;
	v9 =	vld [tilespmem:s24+$0xB0]  }
0x23d: {  	[tilespmem:s24+$0x50] =	vst v6;
	v5 =	vmul.f32 v7, v5;
	v6 =	vld [tilespmem:s24+$0xC0]  }
0x23e: {  	v7 =	vld [tilespmem:s24+$0xD0];
	[tilespmem:s24+$0x60] =	vst v1;
	v1 =	vmul.f32 v8, v4  }
0x23f: {  	v8 =	vld [tilespmem:s24+$0xE0];
	[tilespmem:s24+$0x70] =	vst v5;
	v5 =	vmul.f32 v10, v4  }
0x240: {  	v10 =	vld [tilespmem:s24+$0xF0];
	[tilespmem:s24+$0x80] =	vst v1;
	v1 =	vmul.f32 v11, v4  }
0x241: {  	[tilespmem:s24+$0x90] =	vst v5;
	v5 =	vmul.f32 v9, v4;
	v9 =	vld [tilespmem:s24+$0x100]  }
0x242: {  	[tilespmem:s24+$0xA0] =	vst v1;
	v1 =	vmul.f32 v6, v4;
	v6 =	vld [tilespmem:s24+$0x110]  }
0x243: {  	[tilespmem:s24+$0xB0] =	vst v5;
	v5 =	vmul.f32 v7, v4;
	v7 =	vld [tilespmem:s24+$0x120]  }
0x244: {  	[tilespmem:s24+$0xC0] =	vst v1;
	v1 =	vmul.f32 v8, v4;
	v8 =	vld [tilespmem:s24+$0x130]  }
0x245: {  	v4 =	vmul.f32 v10, v4;
	[tilespmem:s24+$0xD0] =	vst v5;
	v5 =	vld [tilespmem:s24+$0x140]  }
0x246: {  	[tilespmem:s24+$0xE0] =	vst v1;
	v1 =	vmul.f32 v9, v3;
	v9 =	vld [tilespmem:s24+$0x150]  }
0x247: {  	[tilespmem:s24+$0xF0] =	vst v4;
	v4 =	vmul.f32 v6, v3;
	v6 =	vld [tilespmem:s24+$0x160]  }
0x248: {  	[tilespmem:s24+$0x100] =	vst v1;
	v1 =	vmul.f32 v7, v3;
	v7 =	vld [tilespmem:s24+$0x180]  }
0x249: {  	[tilespmem:s24+$0x110] =	vst v4;
	v4 =	vmul.f32 v8, v3;
	v8 =	vld [tilespmem:s24+$0x190]  }
0x24a: {  	[tilespmem:s24+$0x120] =	vst v1;
	v1 =	vmul.f32 v5, v3;
	v5 =	vld [tilespmem:s24+$0x1A0]  }
0x24b: {  	[tilespmem:s24+$0x130] =	vst v4;
	v4 =	vmul.f32 v9, v3;
	v9 =	vld [tilespmem:s24+$0x1B0]  }
0x24c: {  	[tilespmem:s24+$0x140] =	vst v1;
	v1 =	vmul.f32 v6, v3;
	v3 =	vld [tilespmem:s24+$0x1C0]  }
0x24d: {  	v6 =	vld [tilespmem:s24+$0x1D0];
	[tilespmem:s24+$0x150] =	vst v4;
	v4 =	vmul.f32 v7, v2  }
0x24e: {  	v7 =	vld [tilespmem:s24+$0x1E0];
	[tilespmem:s24+$0x160] =	vst v1;
	v1 =	vmul.f32 v8, v2  }
0x24f: {  	[tilespmem:s24+$0x180] =	vst v4;
	v4 =	vmul.f32 v5, v2;
	v5 =	vld [tilespmem:s24+$0x1F0]  }
0x250: {  	[tilespmem:s24+$0x190] =	vst v1;
	v1 =	vmul.f32 v9, v2  }
0x251: {  	[tilespmem:s24+$0x1A0] =	vst v4;
	v3 =	vmul.f32 v3, v2  }
0x252: {  	s9 =	simm.s32 $0x0;
	[tilespmem:s24+$0x1B0] =	vst v1;
	v1 =	vmul.f32 v6, v2  }
0x253: {  	v4 =	vmov s9;
	[tilespmem:s24+$0x1C0] =	vst v3;
	v3 =	vmul.f32 v7, v2  }
0x254: {  	[tilespmem:s24+$0x1D0] =	vst v1;
	v1 =	vmul.f32 v5, v2;
	v2 =	vand.u32 $0xFFFFFFF8, v4  }
0x255: {  	[tilespmem:s24+$0x1E0] =	vst v3;
	v2 =	vbroadcast v2, $0x0  }
0x256: {  	s8 =	simm.s32 $0x13900;
	[tilespmem:s24+$0x1F0] =	vst v1  }
0x257: {  	[spmem:s2] =	stream.indirect.scatter.add.f32 [tilespmem:s18], [sflag:$0x6], $0x80, s8, s15, $0xb8;
	[tilespmem:$0x1FD80] =	vst v63  }
0x258: {  	s23 =	simm.s32 $0x6;
	_ =	swait.ge [sflag:s26], $0x4000  }
0x259: {  	v4 =	vmov s23;
	[sflag:s26] =	ssyncset.done $0x0  }
0x25a: {  	v3 =	vand.u32 $0xFFFFFFFE, v4;
	[sflag:s26] =	ssyncadd.s32 $0xFFFFC000  }
0x25b: {  	s23 =	simm.s32 $0x1BE00;
	v1 =	vbroadcast v3, $0x0;
	v3 =	vld.idx.msk [tilespmem:v2+s13+$0x0], $0xffff  }
0x25c: {  	v4 =	vld [tilespmem:s23+$0x170]  }
0x25d: {  	v5 =	vld [tilespmem:s23+$0xFFFFFE00]  }
0x25e: {  	v6 =	vld [tilespmem:s23+$0xFFFFFE10]  }
0x25f: {  	v7 =	vld [tilespmem:s23+$0xFFFFFE20]  }
0x260: {  	v8 =	vld [tilespmem:s23+$0xFFFFFE30]  }
0x261: {  	v9 =	vld [tilespmem:s23+$0xFFFFFE40]  }
0x262: {  	v10 =	vld [tilespmem:s23+$0xFFFFFE50]  }
0x263: {  	s9 =	simm.s32 $0x1;
	v11 =	vld [tilespmem:s23+$0xFFFFFE60]  }
0x264: {  	v2 =	vld.idx.msk [tilespmem:v1+s13+$0x0], $0xffff;
	v1 =	vmov s9  }
0x265: {  	v12 =	vld [tilespmem:s23+$0xFFFFFE70];
	v1 =	vand.u32 $0xFFFFFFF9, v1  }
0x266: {  	v13 =	vld [tilespmem:s23+$0xFFFFFE80];
	v1 =	vbroadcast v1, $0x0  }
0x267: {  	v14 =	vld [tilespmem:s23+$0xFFFFFE90];
	v5 =	vmul.f32 v5, v3  }
0x268: {  	v15 =	vld [tilespmem:s23+$0xFFFFFEA0];
	v8 =	vmul.f32 v8, v3  }
0x269: {  	v16 =	vld [tilespmem:s23+$0xFFFFFEB0];
	v9 =	vmul.f32 v9, v3;
	[tilespmem:s23+$0xFFFFFE00] =	vst v5  }
0x26a: {  	s24 =	simm.s32 $0x2;
	[tilespmem:s23+$0xFFFFFE30] =	vst v8;
	v8 =	vmul.f32 v10, v3;
	v10 =	vld [tilespmem:s23+$0xFFFFFEF0]  }
0x26b: {  	v4 =	vmul.f32 v4, v2;
	v5 =	vmov s24;
	[tilespmem:s23+$0xFFFFFE40] =	vst v9;
	v9 =	vmul.f32 v11, v3;
	v11 =	vld [tilespmem:s23+$0xFFFFFF00]  }
0x26c: {  	v6 =	vmul.f32 v6, v3;
	v5 =	vand.u32 $0xFFFFFFFA, v5;
	v1 =	vld.idx.msk [tilespmem:v1+s13+$0x0], $0xffff  }
0x26d: {  	[tilespmem:s23+$0x170] =	vst v4;
	v4 =	vmul.f32 v7, v3;
	v7 =	vld [tilespmem:s23+$0xFFFFFEC0];
	v5 =	vbroadcast v5, $0x0  }
0x26e: {  	[tilespmem:s23+$0xFFFFFE10] =	vst v6;
	v3 =	vmul.f32 v12, v3;
	v12 =	vld [tilespmem:s23+$0xFFFFFF20]  }
0x26f: {  	[tilespmem:s23+$0xFFFFFE50] =	vst v8;
	v8 =	vld [tilespmem:s23+$0xFFFFFF10]  }
0x270: {  	[tilespmem:s23+$0xFFFFFE20] =	vst v4;
	v4 =	vld [tilespmem:s23+$0xFFFFFEE0]  }
0x271: {  	[tilespmem:s23+$0xFFFFFE60] =	vst v9;
	v6 =	vmul.f32 v13, v1;
	v13 =	vld [tilespmem:s23+$0xFFFFFED0]  }
0x272: {  	[tilespmem:s23+$0xFFFFFE70] =	vst v3;
	v9 =	vmul.f32 v14, v1;
	v14 =	vld [tilespmem:s23+$0xFFFFFF30]  }
0x273: {  	s8 =	simm.s32 $0x3;
	v7 =	vmul.f32 v7, v1;
	v5 =	vld.idx.msk [tilespmem:v5+s13+$0x0], $0xffff;
	[tilespmem:s23+$0xFFFFFE80] =	vst v6  }
0x274: {  	v3 =	vmul.f32 v15, v1;
	v15 =	vld [tilespmem:s23+$0xFFFFFF40];
	v6 =	vmov s8;
	[tilespmem:s23+$0xFFFFFE90] =	vst v9;
	v9 =	vmul.f32 v16, v1  }
0x275: {  	[tilespmem:s23+$0xFFFFFEC0] =	vst v7;
	v7 =	vld [tilespmem:s23+$0xFFFFFF70];
	v6 =	vand.u32 $0xFFFFFFFB, v6  }
0x276: {  	v4 =	vmul.f32 v4, v1;
	v6 =	vbroadcast v6, $0x0;
	[tilespmem:s23+$0xFFFFFEB0] =	vst v9;
	v9 =	vld [tilespmem:s23+$0xFFFFFF60]  }
0x277: {  	[tilespmem:s23+$0xFFFFFEA0] =	vst v3;
	v13 =	vmul.f32 v13, v1;
	v1 =	vmul.f32 v10, v1;
	v10 =	vld [tilespmem:s23+$0xFFFFFF80]  }
0x278: {  	[tilespmem:s23+$0xFFFFFEE0] =	vst v4;
	v3 =	vmul.f32 v11, v5;
	v11 =	vld [tilespmem:s23+$0xFFFFFF50]  }
0x279: {  	v4 =	vmul.f32 v8, v5;
	v8 =	vld [tilespmem:s23+$0xFFFFFF90];
	[tilespmem:s23+$0xFFFFFED0] =	vst v13  }
0x27a: {  	s9 =	simm.s32 $0x4;
	[tilespmem:s23+$0xFFFFFEF0] =	vst v1;
	v1 =	vmul.f32 v12, v5;
	v12 =	vld [tilespmem:s23+$0xFFFFFFA0]  }
0x27b: {  	v13 =	vld [tilespmem:s23+$0xFFFFFFB0];
	[tilespmem:s23+$0xFFFFFF00] =	vst v3;
	v3 =	vmov s9  }
0x27c: {  	v3 =	vand.u32 $0xFFFFFFFC, v3;
	[tilespmem:s23+$0xFFFFFF20] =	vst v1;
	v1 =	vmul.f32 v15, v5;
	v6 =	vld.idx.msk [tilespmem:v6+s13+$0x0], $0xffff  }
0x27d: {  	[tilespmem:s23+$0xFFFFFF10] =	vst v4;
	v4 =	vmul.f32 v14, v5;
	v14 =	vld [tilespmem:s23+$0xFFFFFFC0];
	v3 =	vbroadcast v3, $0x0  }
0x27e: {  	v9 =	vmul.f32 v9, v5;
	[tilespmem:s23+$0xFFFFFF40] =	vst v1;
	v1 =	vld [tilespmem:s23+$0xFFFFFFE0]  }
0x27f: {  	[tilespmem:s23+$0xFFFFFF30] =	vst v4;
	v11 =	vmul.f32 v11, v5;
	v5 =	vmul.f32 v7, v5;
	v7 =	vld [tilespmem:s23+$0xFFFFFFF0]  }
0x280: {  	[tilespmem:s23+$0xFFFFFF60] =	vst v9;
	v9 =	vld [tilespmem:s23+$0x0]  }
0x281: {  	[tilespmem:s23+$0xFFFFFF50] =	vst v11;
	v4 =	vmul.f32 v10, v6;
	v10 =	vld [tilespmem:s23+$0xFFFFFFD0]  }
0x282: {  	[tilespmem:s23+$0xFFFFFF70] =	vst v5;
	v11 =	vld [tilespmem:s23+$0x10];
	v8 =	vmul.f32 v8, v6  }
0x283: {  	s24 =	simm.s32 $0x5;
	v5 =	vmul.f32 v12, v6;
	v3 =	vld.idx.msk [tilespmem:v3+s13+$0x0], $0xffff;
	[tilespmem:s23+$0xFFFFFF80] =	vst v4  }
0x284: {  	v12 =	vld [tilespmem:s23+$0x20];
	v4 =	vmov s24;
	[tilespmem:s23+$0xFFFFFF90] =	vst v8;
	v8 =	vmul.f32 v13, v6  }
0x285: {  	v1 =	vmul.f32 v1, v6;
	[tilespmem:s23+$0xFFFFFFA0] =	vst v5;
	v5 =	vmul.f32 v14, v6;
	v13 =	vld [tilespmem:s23+$0x30];
	v4 =	vand.u32 $0xFFFFFFFD, v4  }
0x286: {  	v4 =	vbroadcast v4, $0x0;
	[tilespmem:s23+$0xFFFFFFB0] =	vst v8;
	v8 =	vmul.f32 v10, v6;
	v10 =	vld [tilespmem:s23+$0x40]  }
0x287: {  	[tilespmem:s23+$0xFFFFFFE0] =	vst v1;
	v6 =	vmul.f32 v7, v6;
	v7 =	vld [tilespmem:s23+$0x80]  }
0x288: {  	[tilespmem:s23+$0xFFFFFFC0] =	vst v5;
	v5 =	vmul.f32 v9, v3;
	v9 =	vld [tilespmem:s23+$0x50]  }
0x289: {  	v1 =	vmul.f32 v11, v3;
	v11 =	vld [tilespmem:s23+$0x90];
	[tilespmem:s23+$0xFFFFFFD0] =	vst v8  }
0x28a: {  	v8 =	vld [tilespmem:s23+$0x60];
	[tilespmem:s23+$0xFFFFFFF0] =	vst v6  }
0x28b: {  	v6 =	vmul.f32 v12, v3;
	[tilespmem:s23+$0x0] =	vst v5;
	v5 =	vld [tilespmem:s23+$0x70]  }
0x28c: {  	[tilespmem:s23+$0x10] =	vst v1;
	v1 =	vmul.f32 v13, v3;
	v4 =	vld.idx.msk [tilespmem:v4+s13+$0x0], $0xffff  }
0x28d: {  	v13 =	vld [tilespmem:s23+$0xD0];
	[tilespmem:s23+$0x20] =	vst v6;
	v6 =	vmul.f32 v10, v3  }
0x28e: {  	v10 =	vld [tilespmem:s23+$0xA0];
	[tilespmem:s23+$0x30] =	vst v1;
	v1 =	vmul.f32 v9, v3  }
0x28f: {  	v9 =	vld [tilespmem:s23+$0xB0];
	[tilespmem:s23+$0x40] =	vst v6;
	v6 =	vmul.f32 v8, v3  }
0x290: {  	v8 =	vld [tilespmem:s23+$0xC0];
	[tilespmem:s23+$0x50] =	vst v1;
	v3 =	vmul.f32 v5, v3  }
0x291: {  	v5 =	vld [tilespmem:s23+$0xE0];
	[tilespmem:s23+$0x60] =	vst v6;
	v7 =	vmul.f32 v7, v4  }
0x292: {  	v6 =	vmul.f32 v11, v4;
	[tilespmem:s23+$0x70] =	vst v3;
	v11 =	vld [tilespmem:s23+$0x150]  }
0x293: {  	s8 =	simm.s32 $0x7;
	v3 =	vmul.f32 v10, v4;
	[tilespmem:s23+$0x80] =	vst v7;
	v7 =	vld [tilespmem:s23+$0xF0]  }
0x294: {  	v12 =	vmov s8;
	[tilespmem:s23+$0x90] =	vst v6;
	v6 =	vmul.f32 v9, v4;
	v9 =	vld [tilespmem:s23+$0x100]  }
0x295: {  	[tilespmem:s23+$0xA0] =	vst v3;
	v3 =	vmul.f32 v8, v4;
	v8 =	vld [tilespmem:s23+$0x110]  }
0x296: {  	v10 =	vld [tilespmem:s23+$0x120];
	[tilespmem:s23+$0xB0] =	vst v6;
	v6 =	vmul.f32 v13, v4  }
0x297: {  	[tilespmem:s23+$0xC0] =	vst v3;
	v3 =	vmul.f32 v5, v4;
	v5 =	vld [tilespmem:s23+$0x130]  }
0x298: {  	s8 =	simm.s32 $0x9;
	[tilespmem:s23+$0xD0] =	vst v6;
	v6 =	vld [tilespmem:s23+$0x140];
	v4 =	vmul.f32 v7, v4  }
0x299: {  	v1 =	vld.idx.msk [tilespmem:v12+s13+$0x0], $0xffff;
	v12 =	vmov s8;
	[tilespmem:s23+$0xE0] =	vst v3;
	v9 =	vmul.f32 v9, v2  }
0x29a: {  	s9 =	simm.s32 $0x8;
	s24 =	simm.s32 $0xF;
	v12 =	vand.u32 $0xFFFFFFF9, v12;
	v11 =	vmul.f32 v11, v2;
	[tilespmem:s23+$0xF0] =	vst v4;
	v4 =	vmul.f32 v8, v2;
	v8 =	vld [tilespmem:s23+$0x160]  }
0x29b: {  	v14 =	vld [tilespmem:s23+$0x180];
	v3 =	vmov s24;
	s24 =	simm.s32 $0xD;
	v7 =	vmov s9;
	s9 =	simm.s32 $0xA;
	[tilespmem:s23+$0x100] =	vst v9;
	v9 =	vmul.f32 v10, v2  }
0x29c: {  	v16 =	vld [tilespmem:s23+$0x190];
	s8 =	simm.s32 $0xB;
	v17 =	vmov s24;
	[tilespmem:s23+$0x150] =	vst v11;
	v7 =	vand.u32 $0xFFFFFFF8, v7;
	v13 =	vmov s9  }
0x29d: {  	s9 =	simm.s32 $0xC;
	v10 =	vmov s8;
	v5 =	vmul.f32 v5, v2;
	[tilespmem:s23+$0x120] =	vst v9;
	v9 =	vmul.f32 v6, v2;
	v6 =	vld [tilespmem:s23+$0x1A0]  }
0x29e: {  	v15 =	vmov s9;
	v13 =	vand.u32 $0xFFFFFFFA, v13;
	[tilespmem:s23+$0x110] =	vst v4;
	v4 =	vbroadcast v7, $0x0;
	v7 =	vld [tilespmem:s23+$0x1B0]  }
0x29f: {  	[tilespmem:s23+$0x130] =	vst v5;
	v5 =	vbroadcast v12, $0x0;
	v12 =	vand.u32 $0xFFFFFFFB, v10;
	v63 =	vmul.f32 v8, v2;
	v8 =	vld [tilespmem:s23+$0x1C0]  }
0x2a0: {  	v10 =	vbroadcast v13, $0x0;
	[tilespmem:s23+$0x140] =	vst v9;
	v9 =	vld [tilespmem:s23+$0x1D0];
	v2 =	vand.u32 $0xFFFFFFFC, v15;
	v15 =	vmul.f32 v14, v1  }
0x2a1: {  	s0 =	simm.s32 $0xE;
	s24 =	simm.s32 $0x10;
	v11 =	vld [tilespmem:s23+$0x1E0];
	v13 =	vmul.f32 v16, v1;
	v12 =	vbroadcast v12, $0x0;
	v14 =	vand.u32 $0xFFFFFFFD, v17;
	[tilespmem:s23+$0x160] =	vst v63  }
.LBB2_7:
0x2a2: {  	p1 =	slt.u32 s24, $0x78;
	v2 =	vbroadcast v2, $0x0;
	v16 =	vmov s0;
	[tilespmem:s23+$0x180] =	vst v15;
	v6 =	vmul.f32 v6, v1;
	v15 =	vld [tilespmem:s23+$0x1F0]  }
0x2a3: {  	v14 =	vbroadcast v14, $0x0;
	v16 =	vand.u32 $0xFFFFFFFE, v16;
	v17 =	vld.idx.msk [tilespmem:v3+s13+$0x0], $0xffff;
	[tilespmem:s23+$0x190] =	vst v13;
	v3 =	vmul.f32 v7, v1  }
0x2a4: {  	v7 =	vld.idx.msk [tilespmem:v4+s13+$0x0], $0xffff;
	v13 =	vbroadcast v16, $0x0;
	[tilespmem:s23+$0x1A0] =	vst v6;
	v4 =	vmul.f32 v8, v1  }
0x2a5: {  	v6 =	vld.idx.msk [tilespmem:v5+s13+$0x0], $0xffff;
	[tilespmem:s23+$0x1B0] =	vst v3;
	v3 =	vmul.f32 v9, v1  }
0x2a6: {  	v8 =	vld.idx.msk [tilespmem:v10+s13+$0x0], $0xffff;
	[tilespmem:s23+$0x1C0] =	vst v4;
	v9 =	vmul.f32 v11, v1  }
0x2a7: {  	v5 =	vld.idx.msk [tilespmem:v12+s13+$0x0], $0xffff;
	[tilespmem:s23+$0x1D0] =	vst v3;
	v10 =	vmul.f32 v15, v1  }
0x2a8: {  	v4 =	vld.idx.msk [tilespmem:v2+s13+$0x0], $0xffff;
	[tilespmem:s23+$0x1E0] =	vst v9  }
0x2a9: {  	v1 =	vmov v17;
	v3 =	vld.idx.msk [tilespmem:v14+s13+$0x0], $0xffff;
	[tilespmem:s23+$0x1F0] =	vst v10  }
0x2aa: {  	s23 =	sadd.s32 $0x400, s23;
	v2 =	vld.idx.msk [tilespmem:v13+s13+$0x0], $0xffff  }
0x2ab: {  	v9 =	vld [tilespmem:s23+$0x170]  }
0x2ac: {  	v10 =	vld [tilespmem:s23+$0xFFFFFE00]  }
0x2ad: {  	v11 =	vld [tilespmem:s23+$0xFFFFFE10]  }
0x2ae: {  	v12 =	vld [tilespmem:s23+$0xFFFFFE20]  }
0x2af: {  	v13 =	vld [tilespmem:s23+$0xFFFFFE30]  }
0x2b0: {  	v14 =	vld [tilespmem:s23+$0xFFFFFE40];
	v9 =	vmul.f32 v9, v2  }
0x2b1: {  	v10 =	vmul.f32 v10, v7;
	v15 =	vld [tilespmem:s23+$0xFFFFFE50]  }
0x2b2: {  	v11 =	vmul.f32 v11, v7;
	v16 =	vld [tilespmem:s23+$0xFFFFFE60];
	[tilespmem:s23+$0x170] =	vst v9  }
0x2b3: {  	[tilespmem:s23+$0xFFFFFE00] =	vst v10;
	v9 =	vmul.f32 v12, v7;
	v10 =	vld [tilespmem:s23+$0xFFFFFE70]  }
0x2b4: {  	[tilespmem:s23+$0xFFFFFE10] =	vst v11;
	v11 =	vmul.f32 v13, v7;
	v12 =	vld [tilespmem:s23+$0xFFFFFE80]  }
0x2b5: {  	[tilespmem:s23+$0xFFFFFE20] =	vst v9;
	v9 =	vmul.f32 v14, v7;
	v13 =	vld [tilespmem:s23+$0xFFFFFE90]  }
0x2b6: {  	[tilespmem:s23+$0xFFFFFE30] =	vst v11;
	v11 =	vmul.f32 v15, v7;
	v14 =	vld [tilespmem:s23+$0xFFFFFEA0]  }
0x2b7: {  	[tilespmem:s23+$0xFFFFFE40] =	vst v9;
	v9 =	vmul.f32 v16, v7;
	v15 =	vld [tilespmem:s23+$0xFFFFFEB0]  }
0x2b8: {  	[tilespmem:s23+$0xFFFFFE50] =	vst v11;
	v7 =	vmul.f32 v10, v7;
	v10 =	vld [tilespmem:s23+$0xFFFFFEC0]  }
0x2b9: {  	[tilespmem:s23+$0xFFFFFE60] =	vst v9;
	v9 =	vmul.f32 v12, v6;
	v11 =	vld [tilespmem:s23+$0xFFFFFED0]  }
0x2ba: {  	[tilespmem:s23+$0xFFFFFE70] =	vst v7;
	v7 =	vmul.f32 v13, v6;
	v12 =	vld [tilespmem:s23+$0xFFFFFEE0]  }
0x2bb: {  	[tilespmem:s23+$0xFFFFFE80] =	vst v9;
	v9 =	vmul.f32 v14, v6;
	v13 =	vld [tilespmem:s23+$0xFFFFFEF0]  }
0x2bc: {  	[tilespmem:s23+$0xFFFFFE90] =	vst v7;
	v7 =	vmul.f32 v15, v6;
	v14 =	vld [tilespmem:s23+$0xFFFFFF00]  }
0x2bd: {  	[tilespmem:s23+$0xFFFFFEA0] =	vst v9;
	v9 =	vmul.f32 v10, v6;
	v10 =	vld [tilespmem:s23+$0xFFFFFF10]  }
0x2be: {  	[tilespmem:s23+$0xFFFFFEB0] =	vst v7;
	v7 =	vmul.f32 v11, v6;
	v11 =	vld [tilespmem:s23+$0xFFFFFF20]  }
0x2bf: {  	[tilespmem:s23+$0xFFFFFEC0] =	vst v9;
	v9 =	vmul.f32 v12, v6;
	v12 =	vld [tilespmem:s23+$0xFFFFFF30]  }
0x2c0: {  	[tilespmem:s23+$0xFFFFFED0] =	vst v7;
	v6 =	vmul.f32 v13, v6;
	v7 =	vld [tilespmem:s23+$0xFFFFFF40]  }
0x2c1: {  	[tilespmem:s23+$0xFFFFFEE0] =	vst v9;
	v9 =	vmul.f32 v14, v8;
	v13 =	vld [tilespmem:s23+$0xFFFFFF50]  }
0x2c2: {  	[tilespmem:s23+$0xFFFFFEF0] =	vst v6;
	v6 =	vmul.f32 v10, v8;
	v10 =	vld [tilespmem:s23+$0xFFFFFF60]  }
0x2c3: {  	[tilespmem:s23+$0xFFFFFF00] =	vst v9;
	v9 =	vmul.f32 v11, v8;
	v11 =	vld [tilespmem:s23+$0xFFFFFF70]  }
0x2c4: {  	[tilespmem:s23+$0xFFFFFF10] =	vst v6;
	v6 =	vmul.f32 v12, v8;
	v12 =	vld [tilespmem:s23+$0xFFFFFF80]  }
0x2c5: {  	[tilespmem:s23+$0xFFFFFF20] =	vst v9;
	v7 =	vmul.f32 v7, v8;
	v9 =	vld [tilespmem:s23+$0xFFFFFF90]  }
0x2c6: {  	[tilespmem:s23+$0xFFFFFF30] =	vst v6;
	v6 =	vmul.f32 v13, v8;
	v13 =	vld [tilespmem:s23+$0xFFFFFFA0]  }
0x2c7: {  	[tilespmem:s23+$0xFFFFFF40] =	vst v7;
	v7 =	vmul.f32 v10, v8;
	v10 =	vld [tilespmem:s23+$0xFFFFFFB0]  }
0x2c8: {  	[tilespmem:s23+$0xFFFFFF50] =	vst v6;
	v6 =	vmul.f32 v11, v8;
	v8 =	vld [tilespmem:s23+$0xFFFFFFC0]  }
0x2c9: {  	[tilespmem:s23+$0xFFFFFF60] =	vst v7;
	v7 =	vmul.f32 v12, v5;
	v11 =	vld [tilespmem:s23+$0xFFFFFFD0]  }
0x2ca: {  	[tilespmem:s23+$0xFFFFFF70] =	vst v6;
	v6 =	vmul.f32 v9, v5;
	v9 =	vld [tilespmem:s23+$0xFFFFFFE0]  }
0x2cb: {  	[tilespmem:s23+$0xFFFFFF80] =	vst v7;
	v7 =	vmul.f32 v13, v5;
	v12 =	vld [tilespmem:s23+$0xFFFFFFF0]  }
0x2cc: {  	[tilespmem:s23+$0xFFFFFF90] =	vst v6;
	v6 =	vmul.f32 v10, v5;
	v10 =	vld [tilespmem:s23+$0x0]  }
0x2cd: {  	[tilespmem:s23+$0xFFFFFFA0] =	vst v7;
	v7 =	vmul.f32 v8, v5;
	v8 =	vld [tilespmem:s23+$0x10]  }
0x2ce: {  	[tilespmem:s23+$0xFFFFFFB0] =	vst v6;
	v6 =	vmul.f32 v11, v5;
	v11 =	vld [tilespmem:s23+$0x20]  }
0x2cf: {  	[tilespmem:s23+$0xFFFFFFC0] =	vst v7;
	v7 =	vmul.f32 v9, v5;
	v9 =	vld [tilespmem:s23+$0x30]  }
0x2d0: {  	[tilespmem:s23+$0xFFFFFFD0] =	vst v6;
	v5 =	vmul.f32 v12, v5;
	v6 =	vld [tilespmem:s23+$0x40]  }
0x2d1: {  	[tilespmem:s23+$0xFFFFFFE0] =	vst v7;
	v7 =	vmul.f32 v10, v4;
	v10 =	vld [tilespmem:s23+$0x50]  }
0x2d2: {  	[tilespmem:s23+$0xFFFFFFF0] =	vst v5;
	v5 =	vmul.f32 v8, v4;
	v8 =	vld [tilespmem:s23+$0x60]  }
0x2d3: {  	[tilespmem:s23+$0x0] =	vst v7;
	v7 =	vmul.f32 v11, v4;
	v11 =	vld [tilespmem:s23+$0x70]  }
0x2d4: {  	[tilespmem:s23+$0x10] =	vst v5;
	v5 =	vmul.f32 v9, v4;
	v9 =	vld [tilespmem:s23+$0x80]  }
0x2d5: {  	[tilespmem:s23+$0x20] =	vst v7;
	v6 =	vmul.f32 v6, v4;
	v7 =	vld [tilespmem:s23+$0x90]  }
0x2d6: {  	[tilespmem:s23+$0x30] =	vst v5;
	v5 =	vmul.f32 v10, v4;
	v10 =	vld [tilespmem:s23+$0xA0]  }
0x2d7: {  	[tilespmem:s23+$0x40] =	vst v6;
	v6 =	vmul.f32 v8, v4;
	v8 =	vld [tilespmem:s23+$0xB0]  }
0x2d8: {  	[tilespmem:s23+$0x50] =	vst v5;
	v4 =	vmul.f32 v11, v4;
	v5 =	vld [tilespmem:s23+$0xC0]  }
0x2d9: {  	[tilespmem:s23+$0x60] =	vst v6;
	v6 =	vmul.f32 v9, v3;
	v9 =	vld [tilespmem:s23+$0xD0]  }
0x2da: {  	[tilespmem:s23+$0x70] =	vst v4;
	v4 =	vmul.f32 v7, v3;
	v7 =	vld [tilespmem:s23+$0xE0]  }
0x2db: {  	[tilespmem:s23+$0x80] =	vst v6;
	v6 =	vmul.f32 v10, v3;
	v10 =	vld [tilespmem:s23+$0xF0]  }
0x2dc: {  	[tilespmem:s23+$0x90] =	vst v4;
	v4 =	vmul.f32 v8, v3;
	v8 =	vld [tilespmem:s23+$0x100]  }
0x2dd: {  	[tilespmem:s23+$0xA0] =	vst v6;
	v5 =	vmul.f32 v5, v3;
	v6 =	vld [tilespmem:s23+$0x110]  }
0x2de: {  	[tilespmem:s23+$0xB0] =	vst v4;
	v4 =	vmul.f32 v9, v3;
	v9 =	vld [tilespmem:s23+$0x120]  }
0x2df: {  	[tilespmem:s23+$0xC0] =	vst v5;
	v5 =	vmul.f32 v7, v3;
	v7 =	vld [tilespmem:s23+$0x130]  }
0x2e0: {  	[tilespmem:s23+$0xD0] =	vst v4;
	v4 =	vmul.f32 v10, v3;
	v10 =	vld [tilespmem:s23+$0x140]  }
0x2e1: {  	s0 =	sadd.s32 $0x7, s24;
	v3 =	vmov s24;
	[tilespmem:s23+$0xE0] =	vst v5;
	v5 =	vmul.f32 v8, v2;
	v8 =	vld [tilespmem:s23+$0x150]  }
0x2e2: {  	s8 =	sadd.s32 $0x1, s24;
	s9 =	sadd.s32 $0x2, s24;
	v11 =	vand.u32 $0xFFFFFFF8, v3;
	v3 =	vmov s0;
	[tilespmem:s23+$0xF0] =	vst v4;
	v4 =	vmul.f32 v6, v2;
	v12 =	vld [tilespmem:s23+$0x160]  }
0x2e3: {  	v14 =	vmov s9;
	v13 =	vmov s8;
	s8 =	sadd.s32 $0x4, s24;
	s0 =	sadd.s32 $0x3, s24;
	[tilespmem:s23+$0x100] =	vst v5;
	v5 =	vmul.f32 v9, v2;
	v9 =	vld [tilespmem:s23+$0x180]  }
0x2e4: {  	v16 =	vmov s8;
	v15 =	vmov s0;
	s0 =	sadd.s32 $0x5, s24;
	[tilespmem:s23+$0x110] =	vst v4;
	v7 =	vmul.f32 v7, v2;
	v17 =	vld [tilespmem:s23+$0x190]  }
.Ltmp2:
0x2e5: {  	v4 =	vbroadcast v11, $0x0;
	v11 =	vmov s0;
	[tilespmem:s23+$0x120] =	vst v5;
	v10 =	vmul.f32 v10, v2;
	v6 =	vld [tilespmem:s23+$0x1A0];
	(pc) =	sbr.rel @p1 .LBB2_7-.Ltmp2, $4  }
0x2e6: {  	v5 =	vand.u32 $0xFFFFFFF9, v13;
	v13 =	vand.u32 $0xFFFFFFFA, v14;
	[tilespmem:s23+$0x130] =	vst v7;
	v14 =	vmul.f32 v8, v2;
	v7 =	vld [tilespmem:s23+$0x1B0]  }
0x2e7: {  	v18 =	vand.u32 $0xFFFFFFFB, v15;
	v5 =	vbroadcast v5, $0x0;
	[tilespmem:s23+$0x140] =	vst v10;
	v19 =	vmul.f32 v12, v2;
	v8 =	vld [tilespmem:s23+$0x1C0]  }
0x2e8: {  	v10 =	vbroadcast v13, $0x0;
	v2 =	vand.u32 $0xFFFFFFFC, v16;
	[tilespmem:s23+$0x150] =	vst v14;
	v15 =	vmul.f32 v9, v1;
	v9 =	vld [tilespmem:s23+$0x1D0]  }
0x2e9: {  	s0 =	sadd.s32 $0x6, s24;
	s24 =	sadd.s32 $0x8, s24;
	v12 =	vbroadcast v18, $0x0;
	v14 =	vand.u32 $0xFFFFFFFD, v11;
	[tilespmem:s23+$0x160] =	vst v19;
	v13 =	vmul.f32 v17, v1;
	v11 =	vld [tilespmem:s23+$0x1E0]  }
0x2ea: {  	_ =	sdelay $0x2  }
0x2eb: {  	v16 =	vld [tilespmem:s23+$0x1F0]  }
0x2ec: {  	v18 =	vld.idx.msk [tilespmem:v4+s13+$0x0], $0xffff  }
0x2ed: {  	v23 =	vld.idx.msk [tilespmem:v5+s13+$0x0], $0xffff  }
0x2ee: {  	v22 =	vbroadcast v2, $0x0;
	v2 =	vmov s0;
	v10 =	vld.idx.msk [tilespmem:v10+s13+$0x0], $0xffff  }
0x2ef: {  	v17 =	vand.u32 $0xFFFFFFFE, v2;
	v2 =	vld.idx.msk [tilespmem:v3+s13+$0x0], $0xffff  }
0x2f0: {  	s24 =	sadd.s32 $0x400, s23;
	v12 =	vld.idx.msk [tilespmem:v12+s13+$0x0], $0xffff  }
0x2f1: {  	v24 =	vld [tilespmem:s24+$0x170]  }
0x2f2: {  	v26 =	vld [tilespmem:s24+$0xFFFFFE00]  }
0x2f3: {  	v28 =	vld [tilespmem:s24+$0xFFFFFE10]  }
0x2f4: {  	[tilespmem:s23+$0x180] =	vst v15;
	v6 =	vmul.f32 v6, v1;
	v30 =	vld [tilespmem:s24+$0xFFFFFE20]  }
0x2f5: {  	[tilespmem:s23+$0x190] =	vst v13;
	v7 =	vmul.f32 v7, v1;
	v31 =	vld [tilespmem:s24+$0xFFFFFE30]  }
0x2f6: {  	v32 =	vld [tilespmem:s24+$0xFFFFFE40];
	[tilespmem:s23+$0x1A0] =	vst v6;
	v25 =	vmul.f32 v8, v1  }
0x2f7: {  	v33 =	vld [tilespmem:s24+$0xFFFFFE50];
	[tilespmem:s23+$0x1B0] =	vst v7;
	v27 =	vmul.f32 v9, v1  }
0x2f8: {  	v34 =	vld [tilespmem:s24+$0xFFFFFE60];
	[tilespmem:s23+$0x1C0] =	vst v25;
	v29 =	vmul.f32 v11, v1  }
0x2f9: {  	v35 =	vld [tilespmem:s24+$0xFFFFFE70];
	[tilespmem:s23+$0x1D0] =	vst v27;
	v1 =	vmul.f32 v16, v1  }
0x2fa: {  	v36 =	vld [tilespmem:s24+$0xFFFFFE80];
	[tilespmem:s23+$0x1E0] =	vst v29;
	v9 =	vmul.f32 v28, v18  }
0x2fb: {  	v37 =	vld [tilespmem:s24+$0xFFFFFE90];
	[tilespmem:s23+$0x1F0] =	vst v1;
	v1 =	vmul.f32 v26, v18  }
0x2fc: {  	v39 =	vld [tilespmem:s24+$0xFFFFFEA0];
	v7 =	vmul.f32 v31, v18;
	[tilespmem:s24+$0xFFFFFE10] =	vst v9  }
0x2fd: {  	v40 =	vld [tilespmem:s24+$0xFFFFFEB0];
	[tilespmem:s24+$0xFFFFFE00] =	vst v1;
	v1 =	vmul.f32 v30, v18  }
0x2fe: {  	v42 =	vld [tilespmem:s24+$0xFFFFFEC0];
	v38 =	vmul.f32 v33, v18;
	[tilespmem:s24+$0xFFFFFE30] =	vst v7  }
0x2ff: {  	v43 =	vld [tilespmem:s24+$0xFFFFFED0];
	[tilespmem:s24+$0xFFFFFE20] =	vst v1;
	v1 =	vmul.f32 v32, v18  }
0x300: {  	v44 =	vld [tilespmem:s24+$0xFFFFFEE0];
	v41 =	vmul.f32 v35, v18;
	[tilespmem:s24+$0xFFFFFE50] =	vst v38  }
0x301: {  	v45 =	vld [tilespmem:s24+$0xFFFFFEF0];
	[tilespmem:s24+$0xFFFFFE40] =	vst v1;
	v1 =	vmul.f32 v34, v18  }
0x302: {  	v47 =	vld [tilespmem:s24+$0xFFFFFF00];
	v6 =	vmul.f32 v37, v23;
	[tilespmem:s24+$0xFFFFFE70] =	vst v41  }
0x303: {  	v48 =	vld [tilespmem:s24+$0xFFFFFF10];
	[tilespmem:s24+$0xFFFFFE60] =	vst v1;
	v1 =	vmul.f32 v36, v23  }
0x304: {  	v50 =	vld [tilespmem:s24+$0xFFFFFF20];
	v46 =	vmul.f32 v40, v23;
	[tilespmem:s24+$0xFFFFFE90] =	vst v6  }
0x305: {  	v51 =	vld [tilespmem:s24+$0xFFFFFF30];
	[tilespmem:s24+$0xFFFFFE80] =	vst v1;
	v1 =	vmul.f32 v39, v23  }
0x306: {  	v53 =	vld [tilespmem:s24+$0xFFFFFF40];
	v49 =	vmul.f32 v43, v23;
	[tilespmem:s24+$0xFFFFFEB0] =	vst v46  }
0x307: {  	v54 =	vld [tilespmem:s24+$0xFFFFFF50];
	[tilespmem:s24+$0xFFFFFEA0] =	vst v1;
	v1 =	vmul.f32 v42, v23  }
0x308: {  	v56 =	vld [tilespmem:s24+$0xFFFFFF60];
	v52 =	vmul.f32 v45, v23;
	[tilespmem:s24+$0xFFFFFED0] =	vst v49  }
0x309: {  	v57 =	vld [tilespmem:s24+$0xFFFFFF70];
	[tilespmem:s24+$0xFFFFFEC0] =	vst v1;
	v1 =	vmul.f32 v44, v23  }
0x30a: {  	v14 =	vbroadcast v14, $0x0;
	v59 =	vld [tilespmem:s24+$0xFFFFFF80];
	v55 =	vmul.f32 v48, v10;
	[tilespmem:s24+$0xFFFFFEF0] =	vst v52  }
0x30b: {  	v60 =	vld [tilespmem:s24+$0xFFFFFF90];
	[tilespmem:s24+$0xFFFFFEE0] =	vst v1;
	v1 =	vmul.f32 v47, v10  }
0x30c: {  	v62 =	vld [tilespmem:s24+$0xFFFFFFA0];
	v58 =	vmul.f32 v51, v10;
	[tilespmem:s24+$0xFFFFFF10] =	vst v55  }
0x30d: {  	v63 =	vld [tilespmem:s24+$0xFFFFFFB0];
	v3 =	vbroadcast v17, $0x0;
	[tilespmem:s24+$0xFFFFFF00] =	vst v1;
	v1 =	vmul.f32 v50, v10  }
0x30e: {  	v15 =	vld [tilespmem:s24+$0xFFFFFFC0];
	v61 =	vmul.f32 v54, v10;
	[tilespmem:s24+$0xFFFFFF30] =	vst v58  }
0x30f: {  	v19 =	vld [tilespmem:s24+$0xFFFFFFF0];
	[tilespmem:s24+$0xFFFFFF20] =	vst v1;
	v1 =	vmul.f32 v53, v10  }
0x310: {  	v4 =	vld.idx.msk [tilespmem:v14+s13+$0x0], $0xffff;
	v14 =	vmul.f32 v57, v10;
	[tilespmem:s24+$0xFFFFFF50] =	vst v61  }
0x311: {  	v5 =	vld.idx.msk [tilespmem:v22+s13+$0x0], $0xffff;
	[tilespmem:s24+$0xFFFFFF40] =	vst v1;
	v1 =	vmul.f32 v56, v10  }
0x312: {  	v17 =	vmul.f32 v60, v12;
	v22 =	vld [tilespmem:s24+$0x10];
	[tilespmem:s24+$0xFFFFFF70] =	vst v14  }
0x313: {  	v3 =	vld.idx.msk [tilespmem:v3+s13+$0x0], $0xffff;
	[tilespmem:s24+$0xFFFFFF60] =	vst v1;
	v1 =	vmul.f32 v59, v12  }
0x314: {  	v20 =	vmul.f32 v63, v12;
	[tilespmem:s24+$0xFFFFFF90] =	vst v17;
	v18 =	vld [tilespmem:s24+$0xFFFFFFE0]  }
0x315: {  	v25 =	vld [tilespmem:s24+$0x30];
	[tilespmem:s24+$0xFFFFFF80] =	vst v1;
	v1 =	vmul.f32 v62, v12  }
0x316: {  	v21 =	vld [tilespmem:s24+$0x0];
	v26 =	vmul.f32 v19, v12;
	[tilespmem:s24+$0xFFFFFFB0] =	vst v20  }
0x317: {  	v28 =	vld [tilespmem:s24+$0x50];
	[tilespmem:s24+$0xFFFFFFA0] =	vst v1;
	v1 =	vmul.f32 v15, v12  }
0x318: {  	[tilespmem:s24+$0xFFFFFFF0] =	vst v26;
	v29 =	vmul.f32 v22, v5;
	v13 =	vmul.f32 v24, v3;
	v24 =	vld [tilespmem:s24+$0x20]  }
0x319: {  	v37 =	vld [tilespmem:s24+$0xB0];
	[tilespmem:s24+$0xFFFFFFC0] =	vst v1;
	v1 =	vmul.f32 v18, v12  }
0x31a: {  	v27 =	vld [tilespmem:s24+$0x40];
	v32 =	vmul.f32 v25, v5;
	[tilespmem:s24+$0x10] =	vst v29  }
0x31b: {  	[tilespmem:s24+$0xFFFFFFE0] =	vst v1;
	v1 =	vmul.f32 v21, v5  }
0x31c: {  	v30 =	vld [tilespmem:s24+$0x60];
	v35 =	vmul.f32 v28, v5;
	[tilespmem:s24+$0x30] =	vst v32  }
0x31d: {  	v45 =	vld [tilespmem:s24+$0x110];
	[tilespmem:s24+$0x0] =	vst v1;
	v1 =	vmul.f32 v24, v5  }
0x31e: {  	v33 =	vld [tilespmem:s24+$0x80];
	v43 =	vmul.f32 v37, v4;
	[tilespmem:s24+$0x50] =	vst v35  }
0x31f: {  	v48 =	vld [tilespmem:s24+$0x130];
	[tilespmem:s24+$0x20] =	vst v1;
	v1 =	vmul.f32 v27, v5  }
0x320: {  	[tilespmem:s24+$0xB0] =	vst v43;
	v36 =	vld [tilespmem:s24+$0xA0]  }
0x321: {  	v34 =	vld [tilespmem:s24+$0x90];
	[tilespmem:s24+$0x40] =	vst v1;
	v1 =	vmul.f32 v30, v5  }
0x322: {  	v38 =	vld [tilespmem:s24+$0xC0];
	v51 =	vmul.f32 v45, v3;
	[tilespmem:s24+$0x170] =	vst v13  }
0x323: {  	v16 =	vld [tilespmem:s24+$0xFFFFFFD0];
	[tilespmem:s24+$0x60] =	vst v1;
	v1 =	vmul.f32 v33, v4  }
0x324: {  	v41 =	vld [tilespmem:s24+$0xE0];
	v54 =	vmul.f32 v48, v3;
	[tilespmem:s24+$0x110] =	vst v51  }
0x325: {  	v39 =	vld [tilespmem:s24+$0xD0];
	[tilespmem:s24+$0x80] =	vst v1;
	v1 =	vmul.f32 v36, v4  }
0x326: {  	[tilespmem:s24+$0x130] =	vst v54;
	v40 =	vmul.f32 v34, v4;
	v44 =	vld [tilespmem:s24+$0x100]  }
0x327: {  	v50 =	vld [tilespmem:s24+$0x150];
	[tilespmem:s24+$0xA0] =	vst v1;
	v1 =	vmul.f32 v38, v4  }
0x328: {  	[tilespmem:s24+$0x90] =	vst v40;
	v23 =	vmul.f32 v16, v12;
	v47 =	vld [tilespmem:s24+$0x120]  }
0x329: {  	v53 =	vld [tilespmem:s24+$0x180];
	[tilespmem:s24+$0xC0] =	vst v1;
	v1 =	vmul.f32 v41, v4  }
0x32a: {  	v49 =	vld [tilespmem:s24+$0x140];
	v46 =	vmul.f32 v39, v4;
	[tilespmem:s24+$0xFFFFFFD0] =	vst v23  }
0x32b: {  	v56 =	vld [tilespmem:s24+$0x1A0];
	[tilespmem:s24+$0xE0] =	vst v1;
	v1 =	vmul.f32 v44, v3  }
0x32c: {  	v52 =	vld [tilespmem:s24+$0x160];
	[tilespmem:s24+$0xD0] =	vst v46;
	v57 =	vmul.f32 v50, v3  }
0x32d: {  	v31 =	vld [tilespmem:s24+$0x70];
	[tilespmem:s24+$0x100] =	vst v1;
	v1 =	vmul.f32 v47, v3  }
0x32e: {  	v55 =	vld [tilespmem:s24+$0x190];
	[tilespmem:s24+$0x150] =	vst v57;
	v59 =	vmul.f32 v53, v2  }
0x32f: {  	v42 =	vld [tilespmem:s24+$0xF0];
	[tilespmem:s24+$0x120] =	vst v1;
	v1 =	vmul.f32 v49, v3  }
0x330: {  	v58 =	vld [tilespmem:s24+$0x1B0];
	[tilespmem:s24+$0x180] =	vst v59;
	v62 =	vmul.f32 v56, v2  }
0x331: {  	[tilespmem:s24+$0x140] =	vst v1;
	v1 =	vmul.f32 v52, v3;
	v3 =	vld [tilespmem:s24+$0x1C0]  }
0x332: {  	v60 =	vld [tilespmem:s24+$0x1D0];
	[tilespmem:s24+$0x1A0] =	vst v62;
	v5 =	vmul.f32 v31, v5  }
0x333: {  	v61 =	vld [tilespmem:s24+$0x1E0];
	[tilespmem:s24+$0x160] =	vst v1;
	v1 =	vmul.f32 v55, v2  }
0x334: {  	v63 =	vld [tilespmem:s24+$0x1F0];
	[tilespmem:s24+$0x70] =	vst v5;
	v4 =	vmul.f32 v42, v4  }
0x335: {  	[tilespmem:s24+$0x190] =	vst v1;
	v1 =	vmul.f32 v58, v2  }
0x336: {  	[tilespmem:s24+$0xF0] =	vst v4;
	v3 =	vmul.f32 v3, v2  }
0x337: {  	[tilespmem:s24+$0x1B0] =	vst v1;
	v1 =	vmul.f32 v60, v2  }
0x338: {  	[tilespmem:s24+$0x1C0] =	vst v3;
	v3 =	vmul.f32 v61, v2  }
0x339: {  	[tilespmem:s24+$0x1D0] =	vst v1;
	v1 =	vmul.f32 v63, v2  }
0x33a: {  	p1 =	seq.s32 s22, $0x19;
	[tilespmem:s24+$0x1E0] =	vst v3  }
.Ltmp3:
0x33b: {  	[tilespmem:s24+$0x1F0] =	vst v1;
	(pc) =	sbr.rel @p1 .LBB2_10-.Ltmp3, $4  }
0x33c: {  	[spmem:s2] =	stream.indirect.scatter.add.f32 [tilespmem:s20], [sflag:$0x7], $0x80, s12, s15, $0xb8;
	[tilespmem:$0x1FD80] =	vst v63  }
0x33d: {  	_ =	swait.ge [sflag:s28], $0x4000  }
0x33e: {  	[sflag:s28] =	ssyncset.done $0x0  }
0x33f: {  	[sflag:s28] =	ssyncadd.s32 $0xFFFFC000  }
0x340: {  	s0 =	smul.u32 $0x180, s22  }
0x341: {  	s8 =	rddreg [dreg:$0x12]  }
0x342: {  	s8 =	sadd.s32 s0, s8  }
0x343: {  	s8 =	sshrl.u32 s8, $0x3  }
0x344: {  	s9 =	sadd.s32 s6, s8  }
0x345: {  	[tilespmem:s31], [sflag:$0x8] =	stream.linear.gather [hbm4b:s9+s3], $0x80, $0x38;
	[tilespmem:$0x1FD80] =	vst v63  }
0x346: {  	s23 =	simm.s32 $0x13880;
	s24 =	sadd.s32 s7, s8  }
0x347: {  	[tilespmem:s23], [sflag:$0x8] =	stream.linear.gather [hbm4b:s24+s3], $0x80, $0x38;
	[tilespmem:$0x1FD80] =	vst v63  }
0x348: {  	s8 =	sadd.s32 s1, s8  }
0x349: {  	[tilespmem:s4], [sflag:$0x8] =	stream.linear.gather [hbm4b:s8+s3], $0x80, $0x38;
	[tilespmem:$0x1FD80] =	vst v63  }
0x34a: {  	_ =	swait.ge [sflag:s30], $0x4000  }
0x34b: {  	s23 =	rddreg [dreg:$0x13]  }
0x34c: {  	s8 =	sadd.s32 s0, s23  }
0x34d: {  	[sflag:s30] =	ssyncset.done $0x0;
	s8 =	sshrl.u32 s8, $0x3  }
0x34e: {  	[sflag:s30] =	ssyncadd.s32 $0xFFFFC000;
	s23 =	simm.s32 $0x1FC80;
	s24 =	sadd.s32 s6, s8  }
0x34f: {  	[tilespmem:s23], [sflag:$0x9] =	stream.linear.gather [hbm4b:s24+s3], $0x80, $0x38;
	[tilespmem:$0x1FD80] =	vst v63  }
0x350: {  	s9 =	sadd.s32 s7, s8;
	s24 =	simm.s32 $0x13900  }
0x351: {  	[tilespmem:s24], [sflag:$0x9] =	stream.linear.gather [hbm4b:s9+s3], $0x80, $0x38;
	[tilespmem:$0x1FD80] =	vst v63  }
0x352: {  	s8 =	sadd.s32 s1, s8  }
0x353: {  	[tilespmem:s10], [sflag:$0x9] =	stream.linear.gather [hbm4b:s8+s3], $0x80, $0x38;
	[tilespmem:$0x1FD80] =	vst v63  }
0x354: {  	_ =	swait.ge [sflag:s29], $0x4000  }
0x355: {  	s24 =	rddreg [dreg:$0x14]  }
0x356: {  	s0 =	sadd.s32 s0, s24  }
0x357: {  	[sflag:s29] =	ssyncset.done $0x0;
	s0 =	sshrl.u32 s0, $0x3  }
0x358: {  	[sflag:s29] =	ssyncadd.s32 $0xFFFFC000;
	s9 =	sadd.s32 s6, s0  }
0x359: {  	[tilespmem:s11], [sflag:$0xA] =	stream.linear.gather [hbm4b:s9+s3], $0x80, $0x38;
	[tilespmem:$0x1FD80] =	vst v63  }
.Ltmp4:
0x35a: {  	_ = 	snop;
	(pc) =	sbr.rel .LBB2_2-.Ltmp4, $4  }
0x35b: {  	s24 =	sadd.s32 s7, s0  }
0x35c: {  	[tilespmem:s12], [sflag:$0xA] =	stream.linear.gather [hbm4b:s24+s3], $0x80, $0x38;
	[tilespmem:$0x1FD80] =	vst v63  }
0x35d: {  	s22 =	sadd.s32 $0x1, s22;
	s0 =	sadd.s32 s1, s0  }
0x35e: {  	[tilespmem:s13], [sflag:$0xA] =	stream.linear.gather [hbm4b:s0+s3], $0x80, $0x38;
	[tilespmem:$0x1FD80] =	vst v63  }
.LBB2_10:
0x35f: {  	s22 =	simm.s32 $0x0;
	s0 =	rddreg [dreg:$0x15];
	s9 =	simm.s32 $0xB  }
0x360: {  	[tilespmem:s31], [sflag:$0xB] =	stream.linear.gather [hbm4b:s0+s22], $0x10, $0x38;
	[tilespmem:$0x1FD80] =	vst v63  }
0x361: {  	_ =	swait.ge [sflag:s9], $0x10  }
0x362: {  	[sflag:s9] =	ssyncset.done $0x0  }
0x363: {  	s23 =	simm.s32 $0x13A00;
	s8 =	rddreg [dreg:$0x16];
	[sflag:s9] =	ssyncadd.s32 $0xFFFFFFF0  }
0x364: {  	[tilespmem:s23], [sflag:$0xB] =	stream.linear.gather [hbm4b:s8+s22], $0x10, $0x38;
	[tilespmem:$0x1FD80] =	vst v63  }
0x365: {  	_ =	swait.ge [sflag:s9], $0x10  }
0x366: {  	[sflag:s9] =	ssyncset.done $0x0  }
0x367: {  	s24 =	rddreg [dreg:$0x17];
	[sflag:s9] =	ssyncadd.s32 $0xFFFFFFF0  }
0x368: {  	[tilespmem:s4], [sflag:$0xB] =	stream.linear.gather [hbm4b:s24+s22], $0x10, $0x38;
	[tilespmem:$0x1FD80] =	vst v63  }
0x369: {  	_ =	swait.ge [sflag:s9], $0x10  }
0x36a: {  	[sflag:s9] =	ssyncset.done $0x0  }
0x36b: {  	[sflag:s9] =	ssyncadd.s32 $0xFFFFFFF0  }
0x36c: {  	v1 =	vld [tilespmem:$0x1FC00];
	_ =	sdelay $0x4  }
0x36d: {  	v1 =	vadd.s32 v0, v1  }
0x36e: {  	s24 =	simm.s32 $0x10;
	[tilespmem:$0x1FC00] =	vst v1  }
0x36f: {  	[tilespmem:s16], [sflag:$0xB] =	stream.indirect.gather [hbm4b:s5+s24], $0x80, s31, s24, $0xb8;
	[tilespmem:$0x1FD80] =	vst v63  }
0x370: {  	_ =	swait.ge [sflag:s9], $0x800  }
0x371: {  	[sflag:s9] =	ssyncset.done $0x0  }
0x372: {  	p1 =	por $0x1, $0x1;
	[sflag:s9] =	ssyncadd.s32 $0xFFFFF800  }
.LBB2_11:
0x373: {  	v1 =	vmov s22  }
0x374: {  	v1 =	vand.u32 $0xFFFFFFF8, v1  }
0x375: {  	v1 =	vbroadcast v1, $0x0;
	_ =	sdelay $0x2  }
0x376: {  	s0 =	sshll.u32 s22, $0x7  }
0x377: {  	s0 =	sand.u32 $0x3FFFFF80, s0  }
0x378: {  	v2 =	vld [tilespmem:s0+$0x13C00]  }
0x379: {  	v1 =	vld.idx.msk [tilespmem:v1+s4+$0x0], $0xffff  }
0x37a: {  	v3 =	vld [tilespmem:s0+$0x13C10]  }
0x37b: {  	v4 =	vld [tilespmem:s0+$0x13C20]  }
0x37c: {  	v5 =	vld [tilespmem:s0+$0x13C30]  }
0x37d: {  	v6 =	vld [tilespmem:s0+$0x13C40]  }
0x37e: {  	v7 =	vld [tilespmem:s0+$0x13C50];
	v2 =	vmul.f32 v2, v1  }
0x37f: {  	s8 =	sor.u32 $0x1, s22;
	v8 =	vld [tilespmem:s0+$0x13C60];
	v3 =	vmul.f32 v3, v1  }
0x380: {  	v9 =	vmov s8;
	v61 =	vld [tilespmem:s0+$0x13C70];
	[tilespmem:s0+$0x13C00] =	vst v2;
	v2 =	vmul.f32 v4, v1  }
0x381: {  	v62 =	vand.u32 $0xFFFFFFF9, v9;
	[tilespmem:s0+$0x13C10] =	vst v3;
	v3 =	vmul.f32 v5, v1  }
0x382: {  	v5 =	vbroadcast v62, $0x0;
	[tilespmem:s0+$0x13C20] =	vst v2;
	v2 =	vmul.f32 v6, v1  }
0x383: {  	[tilespmem:s0+$0x13C30] =	vst v3;
	v3 =	vmul.f32 v7, v1  }
0x384: {  	[tilespmem:s0+$0x13C40] =	vst v2;
	v2 =	vmul.f32 v8, v1  }
0x385: {  	[tilespmem:s0+$0x13C50] =	vst v3;
	v1 =	vmul.f32 v61, v1  }
0x386: {  	[tilespmem:s0+$0x13C60] =	vst v2  }
0x387: {  	s8 =	sshll.u32 s8, $0x7;
	[tilespmem:s0+$0x13C70] =	vst v1  }
0x388: {  	s0 =	sand.u32 $0x3FFFFF80, s8;
	v1 =	vld.idx.msk [tilespmem:v5+s4+$0x0], $0xffff  }
0x389: {  	v2 =	vld [tilespmem:s0+$0x13C00]  }
0x38a: {  	v3 =	vld [tilespmem:s0+$0x13C10]  }
0x38b: {  	v63 =	vld [tilespmem:s0+$0x13C20]  }
0x38c: {  	v12 =	vld [tilespmem:s0+$0x13C30]  }
0x38d: {  	v13 =	vld [tilespmem:s0+$0x13C40]  }
0x38e: {  	v14 =	vld [tilespmem:s0+$0x13C50];
	v2 =	vmul.f32 v2, v1  }
0x38f: {  	s8 =	sor.u32 $0x2, s22;
	v15 =	vld [tilespmem:s0+$0x13C60];
	v3 =	vmul.f32 v3, v1  }
0x390: {  	v16 =	vld [tilespmem:s0+$0x13C70];
	v17 =	vmov s8;
	[tilespmem:s0+$0x13C00] =	vst v2;
	v2 =	vmul.f32 v63, v1  }
0x391: {  	v18 =	vand.u32 $0xFFFFFFFA, v17;
	[tilespmem:s0+$0x13C10] =	vst v3;
	v3 =	vmul.f32 v12, v1  }
0x392: {  	v5 =	vbroadcast v18, $0x0;
	[tilespmem:s0+$0x13C20] =	vst v2;
	v2 =	vmul.f32 v13, v1  }
0x393: {  	[tilespmem:s0+$0x13C30] =	vst v3;
	v3 =	vmul.f32 v14, v1  }
0x394: {  	[tilespmem:s0+$0x13C40] =	vst v2;
	v2 =	vmul.f32 v15, v1  }
0x395: {  	[tilespmem:s0+$0x13C50] =	vst v3;
	v1 =	vmul.f32 v16, v1  }
0x396: {  	[tilespmem:s0+$0x13C60] =	vst v2  }
0x397: {  	s8 =	sshll.u32 s8, $0x7;
	[tilespmem:s0+$0x13C70] =	vst v1  }
0x398: {  	s0 =	sand.u32 $0x3FFFFF80, s8;
	v1 =	vld.idx.msk [tilespmem:v5+s4+$0x0], $0xffff  }
0x399: {  	v2 =	vld [tilespmem:s0+$0x13C00]  }
0x39a: {  	v3 =	vld [tilespmem:s0+$0x13C10]  }
0x39b: {  	v19 =	vld [tilespmem:s0+$0x13C20]  }
0x39c: {  	v20 =	vld [tilespmem:s0+$0x13C30]  }
0x39d: {  	v21 =	vld [tilespmem:s0+$0x13C40]  }
0x39e: {  	v22 =	vld [tilespmem:s0+$0x13C50];
	v2 =	vmul.f32 v2, v1  }
0x39f: {  	s8 =	sor.u32 $0x3, s22;
	v23 =	vld [tilespmem:s0+$0x13C60];
	v3 =	vmul.f32 v3, v1  }
0x3a0: {  	v24 =	vld [tilespmem:s0+$0x13C70];
	v25 =	vmov s8;
	[tilespmem:s0+$0x13C00] =	vst v2;
	v2 =	vmul.f32 v19, v1  }
0x3a1: {  	v26 =	vand.u32 $0xFFFFFFFB, v25;
	[tilespmem:s0+$0x13C10] =	vst v3;
	v3 =	vmul.f32 v20, v1  }
0x3a2: {  	v5 =	vbroadcast v26, $0x0;
	[tilespmem:s0+$0x13C20] =	vst v2;
	v2 =	vmul.f32 v21, v1  }
0x3a3: {  	[tilespmem:s0+$0x13C30] =	vst v3;
	v3 =	vmul.f32 v22, v1  }
0x3a4: {  	[tilespmem:s0+$0x13C40] =	vst v2;
	v2 =	vmul.f32 v23, v1  }
0x3a5: {  	[tilespmem:s0+$0x13C50] =	vst v3;
	v1 =	vmul.f32 v24, v1  }
0x3a6: {  	[tilespmem:s0+$0x13C60] =	vst v2  }
0x3a7: {  	s8 =	sshll.u32 s8, $0x7;
	[tilespmem:s0+$0x13C70] =	vst v1  }
0x3a8: {  	s0 =	sand.u32 $0x3FFFFF80, s8;
	v1 =	vld.idx.msk [tilespmem:v5+s4+$0x0], $0xffff  }
0x3a9: {  	v2 =	vld [tilespmem:s0+$0x13C00]  }
0x3aa: {  	v3 =	vld [tilespmem:s0+$0x13C10]  }
0x3ab: {  	v27 =	vld [tilespmem:s0+$0x13C20]  }
0x3ac: {  	v28 =	vld [tilespmem:s0+$0x13C30]  }
0x3ad: {  	v29 =	vld [tilespmem:s0+$0x13C40]  }
0x3ae: {  	v30 =	vld [tilespmem:s0+$0x13C50];
	v2 =	vmul.f32 v2, v1  }
0x3af: {  	s8 =	sor.u32 $0x4, s22;
	v31 =	vld [tilespmem:s0+$0x13C60];
	v3 =	vmul.f32 v3, v1  }
0x3b0: {  	v32 =	vld [tilespmem:s0+$0x13C70];
	v33 =	vmov s8;
	[tilespmem:s0+$0x13C00] =	vst v2;
	v2 =	vmul.f32 v27, v1  }
0x3b1: {  	v34 =	vand.u32 $0xFFFFFFFC, v33;
	[tilespmem:s0+$0x13C10] =	vst v3;
	v3 =	vmul.f32 v28, v1  }
0x3b2: {  	v5 =	vbroadcast v34, $0x0;
	[tilespmem:s0+$0x13C20] =	vst v2;
	v2 =	vmul.f32 v29, v1  }
0x3b3: {  	[tilespmem:s0+$0x13C30] =	vst v3;
	v3 =	vmul.f32 v30, v1  }
0x3b4: {  	[tilespmem:s0+$0x13C40] =	vst v2;
	v2 =	vmul.f32 v31, v1  }
0x3b5: {  	[tilespmem:s0+$0x13C50] =	vst v3;
	v1 =	vmul.f32 v32, v1  }
0x3b6: {  	[tilespmem:s0+$0x13C60] =	vst v2  }
0x3b7: {  	s8 =	sshll.u32 s8, $0x7;
	[tilespmem:s0+$0x13C70] =	vst v1  }
0x3b8: {  	s0 =	sand.u32 $0x3FFFFF80, s8;
	v1 =	vld.idx.msk [tilespmem:v5+s4+$0x0], $0xffff  }
0x3b9: {  	v2 =	vld [tilespmem:s0+$0x13C00]  }
0x3ba: {  	v3 =	vld [tilespmem:s0+$0x13C10]  }
0x3bb: {  	v35 =	vld [tilespmem:s0+$0x13C20]  }
0x3bc: {  	v36 =	vld [tilespmem:s0+$0x13C30]  }
0x3bd: {  	v37 =	vld [tilespmem:s0+$0x13C40]  }
0x3be: {  	v38 =	vld [tilespmem:s0+$0x13C50];
	v2 =	vmul.f32 v2, v1  }
0x3bf: {  	s8 =	sor.u32 $0x5, s22;
	v39 =	vld [tilespmem:s0+$0x13C60];
	v3 =	vmul.f32 v3, v1  }
0x3c0: {  	v40 =	vld [tilespmem:s0+$0x13C70];
	v41 =	vmov s8;
	[tilespmem:s0+$0x13C00] =	vst v2;
	v2 =	vmul.f32 v35, v1  }
0x3c1: {  	v42 =	vand.u32 $0xFFFFFFFD, v41;
	[tilespmem:s0+$0x13C10] =	vst v3;
	v3 =	vmul.f32 v36, v1  }
0x3c2: {  	v5 =	vbroadcast v42, $0x0;
	[tilespmem:s0+$0x13C20] =	vst v2;
	v2 =	vmul.f32 v37, v1  }
0x3c3: {  	[tilespmem:s0+$0x13C30] =	vst v3;
	v3 =	vmul.f32 v38, v1  }
0x3c4: {  	[tilespmem:s0+$0x13C40] =	vst v2;
	v2 =	vmul.f32 v39, v1  }
0x3c5: {  	[tilespmem:s0+$0x13C50] =	vst v3;
	v1 =	vmul.f32 v40, v1  }
0x3c6: {  	[tilespmem:s0+$0x13C60] =	vst v2  }
0x3c7: {  	s8 =	sshll.u32 s8, $0x7;
	[tilespmem:s0+$0x13C70] =	vst v1  }
0x3c8: {  	s0 =	sand.u32 $0x3FFFFF80, s8;
	v1 =	vld.idx.msk [tilespmem:v5+s4+$0x0], $0xffff  }
0x3c9: {  	v2 =	vld [tilespmem:s0+$0x13C00]  }
0x3ca: {  	v3 =	vld [tilespmem:s0+$0x13C10]  }
0x3cb: {  	v43 =	vld [tilespmem:s0+$0x13C20]  }
0x3cc: {  	v44 =	vld [tilespmem:s0+$0x13C30]  }
0x3cd: {  	v45 =	vld [tilespmem:s0+$0x13C40]  }
0x3ce: {  	v46 =	vld [tilespmem:s0+$0x13C50];
	v2 =	vmul.f32 v2, v1  }
0x3cf: {  	s8 =	sor.u32 $0x6, s22;
	v47 =	vld [tilespmem:s0+$0x13C60];
	v3 =	vmul.f32 v3, v1  }
0x3d0: {  	v48 =	vld [tilespmem:s0+$0x13C70];
	v49 =	vmov s8;
	[tilespmem:s0+$0x13C00] =	vst v2;
	v2 =	vmul.f32 v43, v1  }
0x3d1: {  	v50 =	vand.u32 $0xFFFFFFFE, v49;
	[tilespmem:s0+$0x13C10] =	vst v3;
	v3 =	vmul.f32 v44, v1  }
0x3d2: {  	v5 =	vbroadcast v50, $0x0;
	[tilespmem:s0+$0x13C20] =	vst v2;
	v2 =	vmul.f32 v45, v1  }
0x3d3: {  	[tilespmem:s0+$0x13C30] =	vst v3;
	v3 =	vmul.f32 v46, v1  }
0x3d4: {  	[tilespmem:s0+$0x13C40] =	vst v2;
	v2 =	vmul.f32 v47, v1  }
0x3d5: {  	[tilespmem:s0+$0x13C50] =	vst v3;
	v1 =	vmul.f32 v48, v1  }
0x3d6: {  	[tilespmem:s0+$0x13C60] =	vst v2  }
0x3d7: {  	s8 =	sshll.u32 s8, $0x7;
	[tilespmem:s0+$0x13C70] =	vst v1  }
0x3d8: {  	s0 =	sand.u32 $0x3FFFFF80, s8;
	v1 =	vld.idx.msk [tilespmem:v5+s4+$0x0], $0xffff  }
0x3d9: {  	v2 =	vld [tilespmem:s0+$0x13C00]  }
0x3da: {  	v3 =	vld [tilespmem:s0+$0x13C10]  }
0x3db: {  	v51 =	vld [tilespmem:s0+$0x13C20]  }
0x3dc: {  	v52 =	vld [tilespmem:s0+$0x13C30]  }
0x3dd: {  	v53 =	vld [tilespmem:s0+$0x13C40]  }
0x3de: {  	v54 =	vld [tilespmem:s0+$0x13C50];
	v2 =	vmul.f32 v2, v1  }
0x3df: {  	v55 =	vld [tilespmem:s0+$0x13C60];
	v3 =	vmul.f32 v3, v1  }
0x3e0: {  	v56 =	vld [tilespmem:s0+$0x13C70];
	[tilespmem:s0+$0x13C00] =	vst v2;
	v2 =	vmul.f32 v51, v1  }
0x3e1: {  	[tilespmem:s0+$0x13C10] =	vst v3;
	v3 =	vmul.f32 v52, v1  }
0x3e2: {  	s22 =	sor.u32 $0x7, s22;
	[tilespmem:s0+$0x13C20] =	vst v2;
	v2 =	vmul.f32 v53, v1  }
0x3e3: {  	v57 =	vmov s22;
	[tilespmem:s0+$0x13C30] =	vst v3;
	v3 =	vmul.f32 v54, v1  }
0x3e4: {  	[tilespmem:s0+$0x13C40] =	vst v2;
	v2 =	vmul.f32 v55, v1  }
0x3e5: {  	[tilespmem:s0+$0x13C50] =	vst v3;
	v1 =	vmul.f32 v56, v1  }
0x3e6: {  	[tilespmem:s0+$0x13C60] =	vst v2  }
0x3e7: {  	s22 =	sshll.u32 s22, $0x7;
	[tilespmem:s0+$0x13C70] =	vst v1  }
0x3e8: {  	s0 =	sand.u32 $0x3FFFFF80, s22;
	v1 =	vld.idx.msk [tilespmem:v57+s4+$0x0], $0xffff  }
0x3e9: {  	v2 =	vld [tilespmem:s0+$0x13C00]  }
0x3ea: {  	v3 =	vld [tilespmem:s0+$0x13C10]  }
0x3eb: {  	v58 =	vld [tilespmem:s0+$0x13C20]  }
0x3ec: {  	v59 =	vld [tilespmem:s0+$0x13C30]  }
0x3ed: {  	v60 =	vld [tilespmem:s0+$0x13C40]  }
0x3ee: {  	v61 =	vld [tilespmem:s0+$0x13C50];
	v2 =	vmul.f32 v2, v1  }
0x3ef: {  	v62 =	vld [tilespmem:s0+$0x13C60];
	v3 =	vmul.f32 v3, v1  }
0x3f0: {  	v63 =	vld [tilespmem:s0+$0x13C70];
	[tilespmem:s0+$0x13C00] =	vst v2;
	v2 =	vmul.f32 v58, v1  }
0x3f1: {  	[tilespmem:s0+$0x13C10] =	vst v3;
	v3 =	vmul.f32 v59, v1  }
0x3f2: {  	p2 =	por p1, p1;
	[tilespmem:s0+$0x13C20] =	vst v2;
	v2 =	vmul.f32 v60, v1  }
.Ltmp5:
0x3f3: {  	[tilespmem:s0+$0x13C30] =	vst v3;
	v3 =	vmul.f32 v61, v1;
	(pc) =	sbr.rel @p2 .LBB2_11-.Ltmp5, $4  }
0x3f4: {  	[tilespmem:s0+$0x13C40] =	vst v2;
	v2 =	vmul.f32 v62, v1  }
0x3f5: {  	[tilespmem:s0+$0x13C50] =	vst v3;
	v1 =	vmul.f32 v63, v1  }
0x3f6: {  	[tilespmem:s0+$0x13C60] =	vst v2  }
0x3f7: {  	p1 =	por $0x0, $0x0;
	s22 =	simm.s32 $0x8;
	[tilespmem:s0+$0x13C70] =	vst v1  }
0x3f8: {  	[spmem:s2] =	stream.indirect.scatter.add.f32 [tilespmem:s16], [sflag:$0xB], $0x80, s23, s24, $0xb8;
	[tilespmem:$0x1FD80] =	vst v63  }
0x3f9: {  	_ =	swait.ge [sflag:s9], $0x800  }
0x3fa: {  	[sflag:s9] =	ssyncset.done $0x0  }
0x3fb: {  	[sflag:s9] =	ssyncadd.s32 $0xFFFFF800  }
0x3fc: {  	_ =	swait.ge [sflag:s30], $0x4000  }
0x3fd: {  	[sflag:s30] =	ssyncset.done $0x0  }
0x3fe: {  	[sflag:s30] =	ssyncadd.s32 $0xFFFFC000  }
0x3ff: {  	_ =	swait.ge [sflag:s29], $0x4000  }
0x400: {  	[sflag:s29] =	ssyncset.done $0x0  }
0x401: {  	[sflag:s29] =	ssyncadd.s32 $0xFFFFC000  }
0x402: {  	[bflag:$0x0] =	sbarrier.arrive $0xFFFF  }
0x403: {  	s8 =	rddreg [dreg:$0xf]  }
0x404: {  	s0 =	simm.s32 @p0 $0x1FCB;
	s9 =	rddreg [dreg:$0x1d]  }
0x405: {  	[hbm:s8], [sflag:s0] =	dma.local @p0 [spmem:s9], $0x1900  }
0x406: {  	s0 =	simm.s32 @p0 $0xB  }
0x407: {  	_ =	swait.ge @p0 [sflag:s0], $0x1900  }
0x408: {  	[sflag:s0] =	ssyncset.done @p0 $0x0;
	s8 =	rddreg [dreg:$0xe]  }
0x409: {  	[sflag:s0] =	ssyncadd.s32 @p0 $0xFFFFE700;
	s0 =	rddreg [dreg:$0x1b]  }
0x40a: {  	s9 =	rddreg [dreg:$0x1c];
	s0 =	sor.u32 @!p0 $0x1C0B, s0  }
0x40b: {  	[hbm:s8], [sflag:s0] =	dma.local @!p0 [spmem:s9], $0x2800  }
0x40c: {  	s0 =	simm.s32 @!p0 $0xB  }
0x40d: {  	_ =	swait.ge @!p0 [sflag:s0], $0x2800  }
0x40e: {  	s23 =	rddreg [dreg:$0x1a]  }
0x40f: {  	s24 =	rddreg [dreg:$0x18];
	s9 =	sadd.s32 $0x1, s23  }
0x410: {  	p1 =	sne.s32 s9, s24  }
.Ltmp6:
0x411: {  	_ = 	snop;
	(pc) =	sbr.rel @p1 .LBB2_1-.Ltmp6, $3  }
0x412: {  	_ =	sdelay $0x1  }
0x413: {  	[sflag:s0] =	ssyncset.done @!p0 $0x0  }
0x414: {  	[sflag:s0] =	ssyncadd.s32 @!p0 $0xFFFFD800;
	s23 =	simm.s32 $0x1FC80  }
0x415: {  	_ =	sfence.sel $0x180000  }
0x416: {  	[bflag:$0x0] =	sbarrier.arrive $0xFFFF  }
0x417: {  	_ =	strace $0x9000004A  }
0x418: {  	s0 =	stileid.u32;
	[bflag:$0x2] =	sbarrier.arrive $0xFFFF  }
0x419: {  	p0 =	sne.s32 s0, $0x0;
	s0 =	rddreg [dreg:$0x3]  }
0x41a: {  	s0 =	sadd.s32 @!p0 $0x100000, s0  }
0x41b: {  	[sflag:s0] =	ssyncadd.tile.s32 @!p0 $0x1;
	_ =	shalt  }
.Lfunc_end2:
_tile_overlayer_lowered:
.L_overlay_start_2:
0x41c: {  	(tag) =	ssettag $0x2  }
0x41d: {  	s0 =	rddreg [dreg:$0x0];
	s2 =	stileid.u32  }
0x41e: {  	s1 =	rddreg [dreg:$0x1];
	p0 =	sne.s32 s2, $0x0  }
0x41f: {  	s3 =	rddreg [dreg:$0x2];
	[bflag:$0x3] =	sbarrier.arrive $0xFFFF;
	s2 =	simm.s32 @!p0 $0x1C0B  }
0x420: {  	[timem:s3], [sflag:s2] =	dma.local @!p0 [hbm:s0], s1  }
0x421: {  	s0 =	simm.s32 @!p0 $0xB  }
0x422: {  	_ =	swait.ge @!p0 [sflag:s0], s1  }
0x423: {  	s1 =	ssub.s32 @!p0 $0x0, s1;
	[sflag:s0] =	ssyncset.done @!p0 $0x0  }
0x424: {  	[sflag:s0] =	ssyncadd.s32 @!p0 s1  }
0x425: {  	[bflag:$0x3] =	sbarrier.arrive $0xFFFF  }
0x426: {  	_ =	shalt  }

</sc_bundles>
